<compile_context>
chip_gen: v7x
topology: tpu7x:2x2x1
jax: 0.10.2.dev20260603
libtpu: 0.0.44.dev20260713+nightly
codegen_flags: <defaults>
</compile_context>

<pallas_src>
import functools

import jax
import jax.numpy as jnp
from jax import lax
from jax.experimental import pallas as pl
from jax.experimental.pallas import tpu as pltpu
from jax.experimental.pallas import tpu_sc as plsc

_N = 100000
_H = 256
_HO = 128
_ZD = 32
_NSEG = 1000

_R = 10240
_NB = 10
_NPAD = _NB * _R
_RROW = _R // 128

_NW = 32
_KW = _NPAD // _NW // 128
_ROWS = _NPAD // 128
_ACC = 1024


def _tc_body(h_ref, z_ref, w1_ref, b1_ref, wz1_ref, bz1_ref, wz2_ref,
             bz2_ref, wh_ref, wzv_ref, v_ref):
    hb = h_ref[...]
    hhT = lax.dot_general(w1_ref[...], hb, (((1,), (1,)), ((), ())),
                          preferred_element_type=jnp.float32,
                          precision=lax.Precision.DEFAULT)
    hhT = hhT + b1_ref[...]
    hhT = hhT * jax.nn.sigmoid(hhT)
    vh = jnp.dot(wh_ref[...], hhT, preferred_element_type=jnp.float32,
                 precision=lax.Precision.DEFAULT)

    zr = z_ref[...].reshape(1, _R)
    t = jnp.dot(wz1_ref[...], zr, preferred_element_type=jnp.float32)
    t = t + bz1_ref[...]
    t = t * jax.nn.sigmoid(t)
    u = jnp.dot(wz2_ref[...], t, preferred_element_type=jnp.float32)
    u = u + bz2_ref[...]
    u = u * jax.nn.sigmoid(u)
    vz = jnp.dot(wzv_ref[...], u, preferred_element_type=jnp.float32)

    v_ref[...] = (vh + vz).reshape(1, _RROW, 128)


def _compute_v(h, z2, w1, b1c, wz1c, bz1c, wz2, bz2c, whr, wzvr):
    return pl.pallas_call(
        _tc_body,
        grid=(_NB,),
        in_specs=[
            pl.BlockSpec((_R, _H), lambda i: (i, 0)),
            pl.BlockSpec((_RROW, 128), lambda i: (i, 0)),
            pl.BlockSpec((_HO, _H), lambda i: (0, 0)),
            pl.BlockSpec((_HO, 1), lambda i: (0, 0)),
            pl.BlockSpec((16, 1), lambda i: (0, 0)),
            pl.BlockSpec((16, 1), lambda i: (0, 0)),
            pl.BlockSpec((_ZD, 16), lambda i: (0, 0)),
            pl.BlockSpec((_ZD, 1), lambda i: (0, 0)),
            pl.BlockSpec((1, _HO), lambda i: (0, 0)),
            pl.BlockSpec((1, _ZD), lambda i: (0, 0)),
        ],
        out_specs=pl.BlockSpec((1, _RROW, 128), lambda i: (i, 0, 0)),
        out_shape=jax.ShapeDtypeStruct((_NB, _RROW, 128), jnp.float32),
    )(h, z2, w1, b1c, wz1c, bz1c, wz2, bz2c, whr, wzvr)


def _sc_segment_sum(idx3, val3):
    mesh = plsc.VectorSubcoreMesh(core_axis_name="c", subcore_axis_name="s")

    @functools.partial(
        pl.kernel,
        out_type=jax.ShapeDtypeStruct((2, _ACC), jnp.float32),
        mesh=mesh,
        scratch_types=[
            pltpu.VMEM((_KW, 128), jnp.int32),
            pltpu.VMEM((_KW, 128), jnp.float32),
            pltpu.VMEM((_ACC,), jnp.float32),
            pltpu.VMEM((16, 128), jnp.float32),
            pltpu.VMEM((128,), jnp.float32),
            pltpu.VMEM_SHARED((16 * _ACC,), jnp.float32),
        ],
        compiler_params=pltpu.CompilerParams(needs_layout_passes=False),
    )
    def k(idx_hbm, val_hbm, out_hbm, idx_v, val_v, acc, rbuf, obuf, stage):
        c = lax.axis_index("c")
        s = lax.axis_index("s")
        w = s * 2 + c

        for kk in range(_ACC // 16):
            acc[pl.ds(kk * 16, 16)] = jnp.zeros((16,), jnp.float32)

        pltpu.sync_copy(idx_hbm.at[w], idx_v)
        pltpu.sync_copy(val_hbm.at[w], val_v)
        for j in range(_KW):
            for t in range(8):
                sl = pl.ds(t * 16, 16)
                plsc.addupdate_scatter(acc, [idx_v[j, sl]], val_v[j, sl])

        pltpu.sync_copy(acc, stage.at[pl.ds(s * _ACC, _ACC)])
        plsc.subcore_barrier()

        @pl.when(s < 8)
        def _reduce():
            for r in range(16):
                pltpu.sync_copy(stage.at[pl.ds(r * _ACC + s * 128, 128)],
                                rbuf.at[r])
            for c8 in range(8):
                a = rbuf[0, pl.ds(c8 * 16, 16)]
                for r in range(1, 16):
                    a = a + rbuf[r, pl.ds(c8 * 16, 16)]
                obuf[pl.ds(c8 * 16, 16)] = a
            pltpu.sync_copy(obuf, out_hbm.at[c, pl.ds(s * 128, 128)])

    return k(idx3, val3)


def kernel(h, z_coords, batch, W1, b1, Wz1, bz1, Wz2, bz2, W2, b2):
    pad = _NPAD - _N
    b1c = b1.reshape(_HO, 1)
    wz1c = Wz1.reshape(16, 1)
    bz1c = bz1.reshape(16, 1)
    bz2c = bz2.reshape(_ZD, 1)
    whr = W2[:, :_HO].reshape(1, _HO)
    wzvr = W2[:, _HO:].reshape(1, _ZD)

    z2 = jnp.concatenate(
        [z_coords.reshape(_N), jnp.zeros((pad,), jnp.float32)]
    ).reshape(_ROWS, 128)

    v = _compute_v(h, z2, W1, b1c, wz1c, bz1c, Wz2, bz2c, whr, wzvr)

    idx = batch.astype(jnp.int32)
    idx_pad = _NSEG + (jnp.arange(pad, dtype=jnp.int32) % (_ACC - _NSEG))
    idx3 = jnp.concatenate([idx, idx_pad]).reshape(_NW, _KW, 128)

    parts = _sc_segment_sum(idx3, v.reshape(_NW, _KW, 128))
    seg = parts[0, :_NSEG] + parts[1, :_NSEG]
    return (seg + b2[0]).reshape(_NSEG, 1)

# --- scband reference (transcript-rebuilt; emitter-appended) ---
"""Pipeline reference for scband-output-block-with-z-7653631722032 (READ-ONLY COPY).

The authoritative reference and input builder live on the scoring server;
editing this copy changes nothing except your own understanding.
"""

import jax, jax.numpy as jnp
import numpy as np

N = 100000
H = 256
Z_DIM = 32
NUM_SEG = 1000

def _xavier(key, shape):
    fan_in, fan_out = shape[1], shape[0]
    a = float(np.sqrt(6.0 / (fan_in + fan_out)))
    return jax.random.uniform(key, shape, dtype=jnp.float32, minval=-a, maxval=a)

def setup_inputs(seed: int = 0) -> dict:
    key = jax.random.key(seed)
    ks = jax.random.split(key, 10)
    h = jax.random.normal(ks[0], (N, H), dtype=jnp.float32)
    z_coords = jax.random.normal(ks[1], (N, 1), dtype=jnp.float32)
    batch = jnp.sort(jax.random.randint(ks[2], (N,), 0, NUM_SEG)).astype(jnp.int64)
    # lin1: H -> H//2 (torch Linear weight shape [out, in])
    W1 = _xavier(ks[3], (H // 2, H))
    b1 = jnp.zeros((H // 2,), dtype=jnp.float32)
    # z_emb: Linear(1,16), SiLU, Linear(16, z_dim), SiLU
    Wz1 = _xavier(ks[4], (16, 1))
    bz1 = jnp.zeros((16,), dtype=jnp.float32)
    Wz2 = _xavier(ks[5], (Z_DIM, 16))
    bz2 = jnp.zeros((Z_DIM,), dtype=jnp.float32)
    # lin2: H//2 + z_dim -> 1
    W2 = _xavier(ks[6], (1, H // 2 + Z_DIM))
    b2 = jnp.zeros((1,), dtype=jnp.float32)
    return {"h": h, "z_coords": z_coords, "batch": batch,
            "W1": W1, "b1": b1, "Wz1": Wz1, "bz1": bz1,
            "Wz2": Wz2, "bz2": bz2, "W2": W2, "b2": b2}

def reference(h, z_coords, batch, W1, b1, Wz1, bz1, Wz2, bz2, W2, b2):
    # dropout=0.0 / eval mode -> no dropout
    hh = h @ W1.T + b1
    hh = jax.nn.silu(hh)  # act = silu
    h_pooled = jax.ops.segment_sum(hh, batch, num_segments=NUM_SEG)
    z = z_coords @ Wz1.T + bz1
    z = jax.nn.silu(z)
    z = z @ Wz2.T + bz2
    z_emb = jax.nn.silu(z)
    z_pooled = jax.ops.segment_sum(z_emb, batch, num_segments=NUM_SEG)
    combined = jnp.concatenate([h_pooled, z_pooled], axis=1)
    out = combined @ W2.T + b2
    return out

if __name__ == "__main__":
    import jax
    _d = setup_inputs()
    print(jax.jit(kernel)(*tuple(_d.values())))

</pallas_src>

<mosaic_0001>
#map = affine_map<(d0, d1) -> (0, 0, 0)>
#map1 = affine_map<(d0, d1) -> (0, 0)>
module attributes {stable_mosaic.version = 14 : i64} {
  func.func @k(%arg0: i32, %arg1: i32, %arg2: memref<32x25x128xi32, #tpu.memory_space<hbm>>, %arg3: memref<32x25x128xf32, #tpu.memory_space<hbm>>, %arg4: memref<2x1024xf32, #tpu.memory_space<hbm>>, %arg5: memref<25x128xi32, #tpu.memory_space<vmem>>, %arg6: memref<25x128xf32, #tpu.memory_space<vmem>>, %arg7: memref<1024xf32, #tpu.memory_space<vmem>>, %arg8: memref<16x128xf32, #tpu.memory_space<vmem>>, %arg9: memref<128xf32, #tpu.memory_space<vmem>>, %arg10: memref<16384xf32, #tpu.memory_space<vmem_shared>>) attributes {dimension_semantics = [#tpu.dimension_semantics<core_parallel>, #tpu.dimension_semantics<subcore_parallel>], iteration_bounds = array<i64: 2, 16>, scalar_prefetch = 0 : i64, scratch_operands = 6 : i64, tpu.core_type = #tpu.core_type<sc_vector_subcore>, window_params = [{transform_indices = #map}, {transform_indices = #map}, {transform_indices = #map1}]} {
    %mul3A = arith.constant 2 : i32
    %mul3A_0 = arith.muli %arg1, %mul3A : i32
    %add3A = arith.addi %mul3A_0, %arg0 : i32
    %broadcast_in_dim3A = arith.constant 0.000000e+00 : f32
    %broadcast_in_dim3A_1 = vector.broadcast %broadcast_in_dim3A : f32 to vector<16xf32>
    %swap3A = arith.constant 0 : index
    %swap3A_2 = tpu.vector_load %arg7[%swap3A] {strides = array<i32>} : memref<1024xf32, #tpu.memory_space<vmem>>, vector<16xf32>,
    tpu.vector_store %arg7[%swap3A], %broadcast_in_dim3A_1 {strides = array<i32>} : memref<1024xf32, #tpu.memory_space<vmem>>, vector<16xf32>,
    %broadcast_in_dim3A_3 = arith.constant 0.000000e+00 : f32
    %broadcast_in_dim3A_4 = vector.broadcast %broadcast_in_dim3A_3 : f32 to vector<16xf32>
    %swap3A_5 = arith.constant 16 : index
    %swap3A_6 = tpu.vector_load %arg7[%swap3A_5] {strides = array<i32>} : memref<1024xf32, #tpu.memory_space<vmem>>, vector<16xf32>,
    tpu.vector_store %arg7[%swap3A_5], %broadcast_in_dim3A_4 {strides = array<i32>} : memref<1024xf32, #tpu.memory_space<vmem>>, vector<16xf32>,
    %broadcast_in_dim3A_7 = arith.constant 0.000000e+00 : f32
    %broadcast_in_dim3A_8 = vector.broadcast %broadcast_in_dim3A_7 : f32 to vector<16xf32>
    %swap3A_9 = arith.constant 32 : index
    %swap3A_10 = tpu.vector_load %arg7[%swap3A_9] {strides = array<i32>} : memref<1024xf32, #tpu.memory_space<vmem>>, vector<16xf32>,
    tpu.vector_store %arg7[%swap3A_9], %broadcast_in_dim3A_8 {strides = array<i32>} : memref<1024xf32, #tpu.memory_space<vmem>>, vector<16xf32>,
    %broadcast_in_dim3A_11 = arith.constant 0.000000e+00 : f32
    %broadcast_in_dim3A_12 = vector.broadcast %broadcast_in_dim3A_11 : f32 to vector<16xf32>
    %swap3A_13 = arith.constant 48 : index
    %swap3A_14 = tpu.vector_load %arg7[%swap3A_13] {strides = array<i32>} : memref<1024xf32, #tpu.memory_space<vmem>>, vector<16xf32>,
    tpu.vector_store %arg7[%swap3A_13], %broadcast_in_dim3A_12 {strides = array<i32>} : memref<1024xf32, #tpu.memory_space<vmem>>, vector<16xf32>,
    %broadcast_in_dim3A_15 = arith.constant 0.000000e+00 : f32
    %broadcast_in_dim3A_16 = vector.broadcast %broadcast_in_dim3A_15 : f32 to vector<16xf32>
    %swap3A_17 = arith.constant 64 : index
    %swap3A_18 = tpu.vector_load %arg7[%swap3A_17] {strides = array<i32>} : memref<1024xf32, #tpu.memory_space<vmem>>, vector<16xf32>,
    tpu.vector_store %arg7[%swap3A_17], %broadcast_in_dim3A_16 {strides = array<i32>} : memref<1024xf32, #tpu.memory_space<vmem>>, vector<16xf32>,
    %broadcast_in_dim3A_19 = arith.constant 0.000000e+00 : f32
    %broadcast_in_dim3A_20 = vector.broadcast %broadcast_in_dim3A_19 : f32 to vector<16xf32>
    %swap3A_21 = arith.constant 80 : index
    %swap3A_22 = tpu.vector_load %arg7[%swap3A_21] {strides = array<i32>} : memref<1024xf32, #tpu.memory_space<vmem>>, vector<16xf32>,
    tpu.vector_store %arg7[%swap3A_21], %broadcast_in_dim3A_20 {strides = array<i32>} : memref<1024xf32, #tpu.memory_space<vmem>>, vector<16xf32>,
    %broadcast_in_dim3A_23 = arith.constant 0.000000e+00 : f32
    %broadcast_in_dim3A_24 = vector.broadcast %broadcast_in_dim3A_23 : f32 to vector<16xf32>
    %swap3A_25 = arith.constant 96 : index
    %swap3A_26 = tpu.vector_load %arg7[%swap3A_25] {strides = array<i32>} : memref<1024xf32, #tpu.memory_space<vmem>>, vector<16xf32>,
    tpu.vector_store %arg7[%swap3A_25], %broadcast_in_dim3A_24 {strides = array<i32>} : memref<1024xf32, #tpu.memory_space<vmem>>, vector<16xf32>,
    %broadcast_in_dim3A_27 = arith.constant 0.000000e+00 : f32
    %broadcast_in_dim3A_28 = vector.broadcast %broadcast_in_dim3A_27 : f32 to vector<16xf32>
    %swap3A_29 = arith.constant 112 : index
    %swap3A_30 = tpu.vector_load %arg7[%swap3A_29] {strides = array<i32>} : memref<1024xf32, #tpu.memory_space<vmem>>, vector<16xf32>,
    tpu.vector_store %arg7[%swap3A_29], %broadcast_in_dim3A_28 {strides = array<i32>} : memref<1024xf32, #tpu.memory_space<vmem>>, vector<16xf32>,
    %broadcast_in_dim3A_31 = arith.constant 0.000000e+00 : f32
    %broadcast_in_dim3A_32 = vector.broadcast %broadcast_in_dim3A_31 : f32 to vector<16xf32>
    %swap3A_33 = arith.constant 128 : index
    %swap3A_34 = tpu.vector_load %arg7[%swap3A_33] {strides = array<i32>} : memref<1024xf32, #tpu.memory_space<vmem>>, vector<16xf32>,
    tpu.vector_store %arg7[%swap3A_33], %broadcast_in_dim3A_32 {strides = array<i32>} : memref<1024xf32, #tpu.memory_space<vmem>>, vector<16xf32>,
    %broadcast_in_dim3A_35 = arith.constant 0.000000e+00 : f32
    %broadcast_in_dim3A_36 = vector.broadcast %broadcast_in_dim3A_35 : f32 to vector<16xf32>
    %swap3A_37 = arith.constant 144 : index
    %swap3A_38 = tpu.vector_load %arg7[%swap3A_37] {strides = array<i32>} : memref<1024xf32, #tpu.memory_space<vmem>>, vector<16xf32>,
    tpu.vector_store %arg7[%swap3A_37], %broadcast_in_dim3A_36 {strides = array<i32>} : memref<1024xf32, #tpu.memory_space<vmem>>, vector<16xf32>,
    %broadcast_in_dim3A_39 = arith.constant 0.000000e+00 : f32
    %broadcast_in_dim3A_40 = vector.broadcast %broadcast_in_dim3A_39 : f32 to vector<16xf32>
    %swap3A_41 = arith.constant 160 : index
    %swap3A_42 = tpu.vector_load %arg7[%swap3A_41] {strides = array<i32>} : memref<1024xf32, #tpu.memory_space<vmem>>, vector<16xf32>,
    tpu.vector_store %arg7[%swap3A_41], %broadcast_in_dim3A_40 {strides = array<i32>} : memref<1024xf32, #tpu.memory_space<vmem>>, vector<16xf32>,
    %broadcast_in_dim3A_43 = arith.constant 0.000000e+00 : f32
    %broadcast_in_dim3A_44 = vector.broadcast %broadcast_in_dim3A_43 : f32 to vector<16xf32>
    %swap3A_45 = arith.constant 176 : index
    %swap3A_46 = tpu.vector_load %arg7[%swap3A_45] {strides = array<i32>} : memref<1024xf32, #tpu.memory_space<vmem>>, vector<16xf32>,
    tpu.vector_store %arg7[%swap3A_45], %broadcast_in_dim3A_44 {strides = array<i32>} : memref<1024xf32, #tpu.memory_space<vmem>>, vector<16xf32>,
    %broadcast_in_dim3A_47 = arith.constant 0.000000e+00 : f32
    %broadcast_in_dim3A_48 = vector.broadcast %broadcast_in_dim3A_47 : f32 to vector<16xf32>
    %swap3A_49 = arith.constant 192 : index
    %swap3A_50 = tpu.vector_load %arg7[%swap3A_49] {strides = array<i32>} : memref<1024xf32, #tpu.memory_space<vmem>>, vector<16xf32>,
    tpu.vector_store %arg7[%swap3A_49], %broadcast_in_dim3A_48 {strides = array<i32>} : memref<1024xf32, #tpu.memory_space<vmem>>, vector<16xf32>,
    %broadcast_in_dim3A_51 = arith.constant 0.000000e+00 : f32
    %broadcast_in_dim3A_52 = vector.broadcast %broadcast_in_dim3A_51 : f32 to vector<16xf32>
    %swap3A_53 = arith.constant 208 : index
    %swap3A_54 = tpu.vector_load %arg7[%swap3A_53] {strides = array<i32>} : memref<1024xf32, #tpu.memory_space<vmem>>, vector<16xf32>,
    tpu.vector_store %arg7[%swap3A_53], %broadcast_in_dim3A_52 {strides = array<i32>} : memref<1024xf32, #tpu.memory_space<vmem>>, vector<16xf32>,
    %broadcast_in_dim3A_55 = arith.constant 0.000000e+00 : f32
    %broadcast_in_dim3A_56 = vector.broadcast %broadcast_in_dim3A_55 : f32 to vector<16xf32>
    %swap3A_57 = arith.constant 224 : index
    %swap3A_58 = tpu.vector_load %arg7[%swap3A_57] {strides = array<i32>} : memref<1024xf32, #tpu.memory_space<vmem>>, vector<16xf32>,
    tpu.vector_store %arg7[%swap3A_57], %broadcast_in_dim3A_56 {strides = array<i32>} : memref<1024xf32, #tpu.memory_space<vmem>>, vector<16xf32>,
    %broadcast_in_dim3A_59 = arith.constant 0.000000e+00 : f32
    %broadcast_in_dim3A_60 = vector.broadcast %broadcast_in_dim3A_59 : f32 to vector<16xf32>
    %swap3A_61 = arith.constant 240 : index
    %swap3A_62 = tpu.vector_load %arg7[%swap3A_61] {strides = array<i32>} : memref<1024xf32, #tpu.memory_space<vmem>>, vector<16xf32>,
    tpu.vector_store %arg7[%swap3A_61], %broadcast_in_dim3A_60 {strides = array<i32>} : memref<1024xf32, #tpu.memory_space<vmem>>, vector<16xf32>,
    %broadcast_in_dim3A_63 = arith.constant 0.000000e+00 : f32
    %broadcast_in_dim3A_64 = vector.broadcast %broadcast_in_dim3A_63 : f32 to vector<16xf32>
    %swap3A_65 = arith.constant 256 : index
    %swap3A_66 = tpu.vector_load %arg7[%swap3A_65] {strides = array<i32>} : memref<1024xf32, #tpu.memory_space<vmem>>, vector<16xf32>,
    tpu.vector_store %arg7[%swap3A_65], %broadcast_in_dim3A_64 {strides = array<i32>} : memref<1024xf32, #tpu.memory_space<vmem>>, vector<16xf32>,
    %broadcast_in_dim3A_67 = arith.constant 0.000000e+00 : f32
    %broadcast_in_dim3A_68 = vector.broadcast %broadcast_in_dim3A_67 : f32 to vector<16xf32>
    %swap3A_69 = arith.constant 272 : index
    %swap3A_70 = tpu.vector_load %arg7[%swap3A_69] {strides = array<i32>} : memref<1024xf32, #tpu.memory_space<vmem>>, vector<16xf32>,
    tpu.vector_store %arg7[%swap3A_69], %broadcast_in_dim3A_68 {strides = array<i32>} : memref<1024xf32, #tpu.memory_space<vmem>>, vector<16xf32>,
    %broadcast_in_dim3A_71 = arith.constant 0.000000e+00 : f32
    %broadcast_in_dim3A_72 = vector.broadcast %broadcast_in_dim3A_71 : f32 to vector<16xf32>
    %swap3A_73 = arith.constant 288 : index
    %swap3A_74 = tpu.vector_load %arg7[%swap3A_73] {strides = array<i32>} : memref<1024xf32, #tpu.memory_space<vmem>>, vector<16xf32>,
    tpu.vector_store %arg7[%swap3A_73], %broadcast_in_dim3A_72 {strides = array<i32>} : memref<1024xf32, #tpu.memory_space<vmem>>, vector<16xf32>,
    %broadcast_in_dim3A_75 = arith.constant 0.000000e+00 : f32
    %broadcast_in_dim3A_76 = vector.broadcast %broadcast_in_dim3A_75 : f32 to vector<16xf32>
    %swap3A_77 = arith.constant 304 : index
    %swap3A_78 = tpu.vector_load %arg7[%swap3A_77] {strides = array<i32>} : memref<1024xf32, #tpu.memory_space<vmem>>, vector<16xf32>,
    tpu.vector_store %arg7[%swap3A_77], %broadcast_in_dim3A_76 {strides = array<i32>} : memref<1024xf32, #tpu.memory_space<vmem>>, vector<16xf32>,
    %broadcast_in_dim3A_79 = arith.constant 0.000000e+00 : f32
    %broadcast_in_dim3A_80 = vector.broadcast %broadcast_in_dim3A_79 : f32 to vector<16xf32>
    %swap3A_81 = arith.constant 320 : index
    %swap3A_82 = tpu.vector_load %arg7[%swap3A_81] {strides = array<i32>} : memref<1024xf32, #tpu.memory_space<vmem>>, vector<16xf32>,
    tpu.vector_store %arg7[%swap3A_81], %broadcast_in_dim3A_80 {strides = array<i32>} : memref<1024xf32, #tpu.memory_space<vmem>>, vector<16xf32>,
    %broadcast_in_dim3A_83 = arith.constant 0.000000e+00 : f32
    %broadcast_in_dim3A_84 = vector.broadcast %broadcast_in_dim3A_83 : f32 to vector<16xf32>
    %swap3A_85 = arith.constant 336 : index
    %swap3A_86 = tpu.vector_load %arg7[%swap3A_85] {strides = array<i32>} : memref<1024xf32, #tpu.memory_space<vmem>>, vector<16xf32>,
    tpu.vector_store %arg7[%swap3A_85], %broadcast_in_dim3A_84 {strides = array<i32>} : memref<1024xf32, #tpu.memory_space<vmem>>, vector<16xf32>,
    %broadcast_in_dim3A_87 = arith.constant 0.000000e+00 : f32
    %broadcast_in_dim3A_88 = vector.broadcast %broadcast_in_dim3A_87 : f32 to vector<16xf32>
    %swap3A_89 = arith.constant 352 : index
    %swap3A_90 = tpu.vector_load %arg7[%swap3A_89] {strides = array<i32>} : memref<1024xf32, #tpu.memory_space<vmem>>, vector<16xf32>,
    tpu.vector_store %arg7[%swap3A_89], %broadcast_in_dim3A_88 {strides = array<i32>} : memref<1024xf32, #tpu.memory_space<vmem>>, vector<16xf32>,
    %broadcast_in_dim3A_91 = arith.constant 0.000000e+00 : f32
    %broadcast_in_dim3A_92 = vector.broadcast %broadcast_in_dim3A_91 : f32 to vector<16xf32>
    %swap3A_93 = arith.constant 368 : index
    %swap3A_94 = tpu.vector_load %arg7[%swap3A_93] {strides = array<i32>} : memref<1024xf32, #tpu.memory_space<vmem>>, vector<16xf32>,
    tpu.vector_store %arg7[%swap3A_93], %broadcast_in_dim3A_92 {strides = array<i32>} : memref<1024xf32, #tpu.memory_space<vmem>>, vector<16xf32>,
    %broadcast_in_dim3A_95 = arith.constant 0.000000e+00 : f32
    %broadcast_in_dim3A_96 = vector.broadcast %broadcast_in_dim3A_95 : f32 to vector<16xf32>
    %swap3A_97 = arith.constant 384 : index
    %swap3A_98 = tpu.vector_load %arg7[%swap3A_97] {strides = array<i32>} : memref<1024xf32, #tpu.memory_space<vmem>>, vector<16xf32>,
    tpu.vector_store %arg7[%swap3A_97], %broadcast_in_dim3A_96 {strides = array<i32>} : memref<1024xf32, #tpu.memory_space<vmem>>, vector<16xf32>,
    %broadcast_in_dim3A_99 = arith.constant 0.000000e+00 : f32
    %broadcast_in_dim3A_100 = vector.broadcast %broadcast_in_dim3A_99 : f32 to vector<16xf32>
    %swap3A_101 = arith.constant 400 : index
    %swap3A_102 = tpu.vector_load %arg7[%swap3A_101] {strides = array<i32>} : memref<1024xf32, #tpu.memory_space<vmem>>, vector<16xf32>,
    tpu.vector_store %arg7[%swap3A_101], %broadcast_in_dim3A_100 {strides = array<i32>} : memref<1024xf32, #tpu.memory_space<vmem>>, vector<16xf32>,
    %broadcast_in_dim3A_103 = arith.constant 0.000000e+00 : f32
    %broadcast_in_dim3A_104 = vector.broadcast %broadcast_in_dim3A_103 : f32 to vector<16xf32>
    %swap3A_105 = arith.constant 416 : index
    %swap3A_106 = tpu.vector_load %arg7[%swap3A_105] {strides = array<i32>} : memref<1024xf32, #tpu.memory_space<vmem>>, vector<16xf32>,
    tpu.vector_store %arg7[%swap3A_105], %broadcast_in_dim3A_104 {strides = array<i32>} : memref<1024xf32, #tpu.memory_space<vmem>>, vector<16xf32>,
    %broadcast_in_dim3A_107 = arith.constant 0.000000e+00 : f32
    %broadcast_in_dim3A_108 = vector.broadcast %broadcast_in_dim3A_107 : f32 to vector<16xf32>
    %swap3A_109 = arith.constant 432 : index
    %swap3A_110 = tpu.vector_load %arg7[%swap3A_109] {strides = array<i32>} : memref<1024xf32, #tpu.memory_space<vmem>>, vector<16xf32>,
    tpu.vector_store %arg7[%swap3A_109], %broadcast_in_dim3A_108 {strides = array<i32>} : memref<1024xf32, #tpu.memory_space<vmem>>, vector<16xf32>,
    %broadcast_in_dim3A_111 = arith.constant 0.000000e+00 : f32
    %broadcast_in_dim3A_112 = vector.broadcast %broadcast_in_dim3A_111 : f32 to vector<16xf32>
    %swap3A_113 = arith.constant 448 : index
    %swap3A_114 = tpu.vector_load %arg7[%swap3A_113] {strides = array<i32>} : memref<1024xf32, #tpu.memory_space<vmem>>, vector<16xf32>,
    tpu.vector_store %arg7[%swap3A_113], %broadcast_in_dim3A_112 {strides = array<i32>} : memref<1024xf32, #tpu.memory_space<vmem>>, vector<16xf32>,
    %broadcast_in_dim3A_115 = arith.constant 0.000000e+00 : f32
    %broadcast_in_dim3A_116 = vector.broadcast %broadcast_in_dim3A_115 : f32 to vector<16xf32>
    %swap3A_117 = arith.constant 464 : index
    %swap3A_118 = tpu.vector_load %arg7[%swap3A_117] {strides = array<i32>} : memref<1024xf32, #tpu.memory_space<vmem>>, vector<16xf32>,
    tpu.vector_store %arg7[%swap3A_117], %broadcast_in_dim3A_116 {strides = array<i32>} : memref<1024xf32, #tpu.memory_space<vmem>>, vector<16xf32>,
    %broadcast_in_dim3A_119 = arith.constant 0.000000e+00 : f32
    %broadcast_in_dim3A_120 = vector.broadcast %broadcast_in_dim3A_119 : f32 to vector<16xf32>
    %swap3A_121 = arith.constant 480 : index
    %swap3A_122 = tpu.vector_load %arg7[%swap3A_121] {strides = array<i32>} : memref<1024xf32, #tpu.memory_space<vmem>>, vector<16xf32>,
    tpu.vector_store %arg7[%swap3A_121], %broadcast_in_dim3A_120 {strides = array<i32>} : memref<1024xf32, #tpu.memory_space<vmem>>, vector<16xf32>,
    %broadcast_in_dim3A_123 = arith.constant 0.000000e+00 : f32
    %broadcast_in_dim3A_124 = vector.broadcast %broadcast_in_dim3A_123 : f32 to vector<16xf32>
    %swap3A_125 = arith.constant 496 : index
    %swap3A_126 = tpu.vector_load %arg7[%swap3A_125] {strides = array<i32>} : memref<1024xf32, #tpu.memory_space<vmem>>, vector<16xf32>,
    tpu.vector_store %arg7[%swap3A_125], %broadcast_in_dim3A_124 {strides = array<i32>} : memref<1024xf32, #tpu.memory_space<vmem>>, vector<16xf32>,
    %broadcast_in_dim3A_127 = arith.constant 0.000000e+00 : f32
    %broadcast_in_dim3A_128 = vector.broadcast %broadcast_in_dim3A_127 : f32 to vector<16xf32>
    %swap3A_129 = arith.constant 512 : index
    %swap3A_130 = tpu.vector_load %arg7[%swap3A_129] {strides = array<i32>} : memref<1024xf32, #tpu.memory_space<vmem>>, vector<16xf32>,
    tpu.vector_store %arg7[%swap3A_129], %broadcast_in_dim3A_128 {strides = array<i32>} : memref<1024xf32, #tpu.memory_space<vmem>>, vector<16xf32>,
    %broadcast_in_dim3A_131 = arith.constant 0.000000e+00 : f32
    %broadcast_in_dim3A_132 = vector.broadcast %broadcast_in_dim3A_131 : f32 to vector<16xf32>
    %swap3A_133 = arith.constant 528 : index
    %swap3A_134 = tpu.vector_load %arg7[%swap3A_133] {strides = array<i32>} : memref<1024xf32, #tpu.memory_space<vmem>>, vector<16xf32>,
    tpu.vector_store %arg7[%swap3A_133], %broadcast_in_dim3A_132 {strides = array<i32>} : memref<1024xf32, #tpu.memory_space<vmem>>, vector<16xf32>,
    %broadcast_in_dim3A_135 = arith.constant 0.000000e+00 : f32
    %broadcast_in_dim3A_136 = vector.broadcast %broadcast_in_dim3A_135 : f32 to vector<16xf32>
    %swap3A_137 = arith.constant 544 : index
    %swap3A_138 = tpu.vector_load %arg7[%swap3A_137] {strides = array<i32>} : memref<1024xf32, #tpu.memory_space<vmem>>, vector<16xf32>,
    tpu.vector_store %arg7[%swap3A_137], %broadcast_in_dim3A_136 {strides = array<i32>} : memref<1024xf32, #tpu.memory_space<vmem>>, vector<16xf32>,
    %broadcast_in_dim3A_139 = arith.constant 0.000000e+00 : f32
    %broadcast_in_dim3A_140 = vector.broadcast %broadcast_in_dim3A_139 : f32 to vector<16xf32>
    %swap3A_141 = arith.constant 560 : index
    %swap3A_142 = tpu.vector_load %arg7[%swap3A_141] {strides = array<i32>} : memref<1024xf32, #tpu.memory_space<vmem>>, vector<16xf32>,
    tpu.vector_store %arg7[%swap3A_141], %broadcast_in_dim3A_140 {strides = array<i32>} : memref<1024xf32, #tpu.memory_space<vmem>>, vector<16xf32>,
    %broadcast_in_dim3A_143 = arith.constant 0.000000e+00 : f32
    %broadcast_in_dim3A_144 = vector.broadcast %broadcast_in_dim3A_143 : f32 to vector<16xf32>
    %swap3A_145 = arith.constant 576 : index
    %swap3A_146 = tpu.vector_load %arg7[%swap3A_145] {strides = array<i32>} : memref<1024xf32, #tpu.memory_space<vmem>>, vector<16xf32>,
    tpu.vector_store %arg7[%swap3A_145], %broadcast_in_dim3A_144 {strides = array<i32>} : memref<1024xf32, #tpu.memory_space<vmem>>, vector<16xf32>,
    %broadcast_in_dim3A_147 = arith.constant 0.000000e+00 : f32
    %broadcast_in_dim3A_148 = vector.broadcast %broadcast_in_dim3A_147 : f32 to vector<16xf32>
    %swap3A_149 = arith.constant 592 : index
    %swap3A_150 = tpu.vector_load %arg7[%swap3A_149] {strides = array<i32>} : memref<1024xf32, #tpu.memory_space<vmem>>, vector<16xf32>,
    tpu.vector_store %arg7[%swap3A_149], %broadcast_in_dim3A_148 {strides = array<i32>} : memref<1024xf32, #tpu.memory_space<vmem>>, vector<16xf32>,
    %broadcast_in_dim3A_151 = arith.constant 0.000000e+00 : f32
    %broadcast_in_dim3A_152 = vector.broadcast %broadcast_in_dim3A_151 : f32 to vector<16xf32>
    %swap3A_153 = arith.constant 608 : index
    %swap3A_154 = tpu.vector_load %arg7[%swap3A_153] {strides = array<i32>} : memref<1024xf32, #tpu.memory_space<vmem>>, vector<16xf32>,
    tpu.vector_store %arg7[%swap3A_153], %broadcast_in_dim3A_152 {strides = array<i32>} : memref<1024xf32, #tpu.memory_space<vmem>>, vector<16xf32>,
    %broadcast_in_dim3A_155 = arith.constant 0.000000e+00 : f32
    %broadcast_in_dim3A_156 = vector.broadcast %broadcast_in_dim3A_155 : f32 to vector<16xf32>
    %swap3A_157 = arith.constant 624 : index
    %swap3A_158 = tpu.vector_load %arg7[%swap3A_157] {strides = array<i32>} : memref<1024xf32, #tpu.memory_space<vmem>>, vector<16xf32>,
    tpu.vector_store %arg7[%swap3A_157], %broadcast_in_dim3A_156 {strides = array<i32>} : memref<1024xf32, #tpu.memory_space<vmem>>, vector<16xf32>,
    %broadcast_in_dim3A_159 = arith.constant 0.000000e+00 : f32
    %broadcast_in_dim3A_160 = vector.broadcast %broadcast_in_dim3A_159 : f32 to vector<16xf32>
    %swap3A_161 = arith.constant 640 : index
    %swap3A_162 = tpu.vector_load %arg7[%swap3A_161] {strides = array<i32>} : memref<1024xf32, #tpu.memory_space<vmem>>, vector<16xf32>,
    tpu.vector_store %arg7[%swap3A_161], %broadcast_in_dim3A_160 {strides = array<i32>} : memref<1024xf32, #tpu.memory_space<vmem>>, vector<16xf32>,
    %broadcast_in_dim3A_163 = arith.constant 0.000000e+00 : f32
    %broadcast_in_dim3A_164 = vector.broadcast %broadcast_in_dim3A_163 : f32 to vector<16xf32>
    %swap3A_165 = arith.constant 656 : index
    %swap3A_166 = tpu.vector_load %arg7[%swap3A_165] {strides = array<i32>} : memref<1024xf32, #tpu.memory_space<vmem>>, vector<16xf32>,
    tpu.vector_store %arg7[%swap3A_165], %broadcast_in_dim3A_164 {strides = array<i32>} : memref<1024xf32, #tpu.memory_space<vmem>>, vector<16xf32>,
    %broadcast_in_dim3A_167 = arith.constant 0.000000e+00 : f32
    %broadcast_in_dim3A_168 = vector.broadcast %broadcast_in_dim3A_167 : f32 to vector<16xf32>
    %swap3A_169 = arith.constant 672 : index
    %swap3A_170 = tpu.vector_load %arg7[%swap3A_169] {strides = array<i32>} : memref<1024xf32, #tpu.memory_space<vmem>>, vector<16xf32>,
    tpu.vector_store %arg7[%swap3A_169], %broadcast_in_dim3A_168 {strides = array<i32>} : memref<1024xf32, #tpu.memory_space<vmem>>, vector<16xf32>,
    %broadcast_in_dim3A_171 = arith.constant 0.000000e+00 : f32
    %broadcast_in_dim3A_172 = vector.broadcast %broadcast_in_dim3A_171 : f32 to vector<16xf32>
    %swap3A_173 = arith.constant 688 : index
    %swap3A_174 = tpu.vector_load %arg7[%swap3A_173] {strides = array<i32>} : memref<1024xf32, #tpu.memory_space<vmem>>, vector<16xf32>,
    tpu.vector_store %arg7[%swap3A_173], %broadcast_in_dim3A_172 {strides = array<i32>} : memref<1024xf32, #tpu.memory_space<vmem>>, vector<16xf32>,
    %broadcast_in_dim3A_175 = arith.constant 0.000000e+00 : f32
    %broadcast_in_dim3A_176 = vector.broadcast %broadcast_in_dim3A_175 : f32 to vector<16xf32>
    %swap3A_177 = arith.constant 704 : index
    %swap3A_178 = tpu.vector_load %arg7[%swap3A_177] {strides = array<i32>} : memref<1024xf32, #tpu.memory_space<vmem>>, vector<16xf32>,
    tpu.vector_store %arg7[%swap3A_177], %broadcast_in_dim3A_176 {strides = array<i32>} : memref<1024xf32, #tpu.memory_space<vmem>>, vector<16xf32>,
    %broadcast_in_dim3A_179 = arith.constant 0.000000e+00 : f32
    %broadcast_in_dim3A_180 = vector.broadcast %broadcast_in_dim3A_179 : f32 to vector<16xf32>
    %swap3A_181 = arith.constant 720 : index
    %swap3A_182 = tpu.vector_load %arg7[%swap3A_181] {strides = array<i32>} : memref<1024xf32, #tpu.memory_space<vmem>>, vector<16xf32>,
    tpu.vector_store %arg7[%swap3A_181], %broadcast_in_dim3A_180 {strides = array<i32>} : memref<1024xf32, #tpu.memory_space<vmem>>, vector<16xf32>,
    %broadcast_in_dim3A_183 = arith.constant 0.000000e+00 : f32
    %broadcast_in_dim3A_184 = vector.broadcast %broadcast_in_dim3A_183 : f32 to vector<16xf32>
    %swap3A_185 = arith.constant 736 : index
    %swap3A_186 = tpu.vector_load %arg7[%swap3A_185] {strides = array<i32>} : memref<1024xf32, #tpu.memory_space<vmem>>, vector<16xf32>,
    tpu.vector_store %arg7[%swap3A_185], %broadcast_in_dim3A_184 {strides = array<i32>} : memref<1024xf32, #tpu.memory_space<vmem>>, vector<16xf32>,
    %broadcast_in_dim3A_187 = arith.constant 0.000000e+00 : f32
    %broadcast_in_dim3A_188 = vector.broadcast %broadcast_in_dim3A_187 : f32 to vector<16xf32>
    %swap3A_189 = arith.constant 752 : index
    %swap3A_190 = tpu.vector_load %arg7[%swap3A_189] {strides = array<i32>} : memref<1024xf32, #tpu.memory_space<vmem>>, vector<16xf32>,
    tpu.vector_store %arg7[%swap3A_189], %broadcast_in_dim3A_188 {strides = array<i32>} : memref<1024xf32, #tpu.memory_space<vmem>>, vector<16xf32>,
    %broadcast_in_dim3A_191 = arith.constant 0.000000e+00 : f32
    %broadcast_in_dim3A_192 = vector.broadcast %broadcast_in_dim3A_191 : f32 to vector<16xf32>
    %swap3A_193 = arith.constant 768 : index
    %swap3A_194 = tpu.vector_load %arg7[%swap3A_193] {strides = array<i32>} : memref<1024xf32, #tpu.memory_space<vmem>>, vector<16xf32>,
    tpu.vector_store %arg7[%swap3A_193], %broadcast_in_dim3A_192 {strides = array<i32>} : memref<1024xf32, #tpu.memory_space<vmem>>, vector<16xf32>,
    %broadcast_in_dim3A_195 = arith.constant 0.000000e+00 : f32
    %broadcast_in_dim3A_196 = vector.broadcast %broadcast_in_dim3A_195 : f32 to vector<16xf32>
    %swap3A_197 = arith.constant 784 : index
    %swap3A_198 = tpu.vector_load %arg7[%swap3A_197] {strides = array<i32>} : memref<1024xf32, #tpu.memory_space<vmem>>, vector<16xf32>,
    tpu.vector_store %arg7[%swap3A_197], %broadcast_in_dim3A_196 {strides = array<i32>} : memref<1024xf32, #tpu.memory_space<vmem>>, vector<16xf32>,
    %broadcast_in_dim3A_199 = arith.constant 0.000000e+00 : f32
    %broadcast_in_dim3A_200 = vector.broadcast %broadcast_in_dim3A_199 : f32 to vector<16xf32>
    %swap3A_201 = arith.constant 800 : index
    %swap3A_202 = tpu.vector_load %arg7[%swap3A_201] {strides = array<i32>} : memref<1024xf32, #tpu.memory_space<vmem>>, vector<16xf32>,
    tpu.vector_store %arg7[%swap3A_201], %broadcast_in_dim3A_200 {strides = array<i32>} : memref<1024xf32, #tpu.memory_space<vmem>>, vector<16xf32>,
    %broadcast_in_dim3A_203 = arith.constant 0.000000e+00 : f32
    %broadcast_in_dim3A_204 = vector.broadcast %broadcast_in_dim3A_203 : f32 to vector<16xf32>
    %swap3A_205 = arith.constant 816 : index
    %swap3A_206 = tpu.vector_load %arg7[%swap3A_205] {strides = array<i32>} : memref<1024xf32, #tpu.memory_space<vmem>>, vector<16xf32>,
    tpu.vector_store %arg7[%swap3A_205], %broadcast_in_dim3A_204 {strides = array<i32>} : memref<1024xf32, #tpu.memory_space<vmem>>, vector<16xf32>,
    %broadcast_in_dim3A_207 = arith.constant 0.000000e+00 : f32
    %broadcast_in_dim3A_208 = vector.broadcast %broadcast_in_dim3A_207 : f32 to vector<16xf32>
    %swap3A_209 = arith.constant 832 : index
    %swap3A_210 = tpu.vector_load %arg7[%swap3A_209] {strides = array<i32>} : memref<1024xf32, #tpu.memory_space<vmem>>, vector<16xf32>,
    tpu.vector_store %arg7[%swap3A_209], %broadcast_in_dim3A_208 {strides = array<i32>} : memref<1024xf32, #tpu.memory_space<vmem>>, vector<16xf32>,
    %broadcast_in_dim3A_211 = arith.constant 0.000000e+00 : f32
    %broadcast_in_dim3A_212 = vector.broadcast %broadcast_in_dim3A_211 : f32 to vector<16xf32>
    %swap3A_213 = arith.constant 848 : index
    %swap3A_214 = tpu.vector_load %arg7[%swap3A_213] {strides = array<i32>} : memref<1024xf32, #tpu.memory_space<vmem>>, vector<16xf32>,
    tpu.vector_store %arg7[%swap3A_213], %broadcast_in_dim3A_212 {strides = array<i32>} : memref<1024xf32, #tpu.memory_space<vmem>>, vector<16xf32>,
    %broadcast_in_dim3A_215 = arith.constant 0.000000e+00 : f32
    %broadcast_in_dim3A_216 = vector.broadcast %broadcast_in_dim3A_215 : f32 to vector<16xf32>
    %swap3A_217 = arith.constant 864 : index
    %swap3A_218 = tpu.vector_load %arg7[%swap3A_217] {strides = array<i32>} : memref<1024xf32, #tpu.memory_space<vmem>>, vector<16xf32>,
    tpu.vector_store %arg7[%swap3A_217], %broadcast_in_dim3A_216 {strides = array<i32>} : memref<1024xf32, #tpu.memory_space<vmem>>, vector<16xf32>,
    %broadcast_in_dim3A_219 = arith.constant 0.000000e+00 : f32
    %broadcast_in_dim3A_220 = vector.broadcast %broadcast_in_dim3A_219 : f32 to vector<16xf32>
    %swap3A_221 = arith.constant 880 : index
    %swap3A_222 = tpu.vector_load %arg7[%swap3A_221] {strides = array<i32>} : memref<1024xf32, #tpu.memory_space<vmem>>, vector<16xf32>,
    tpu.vector_store %arg7[%swap3A_221], %broadcast_in_dim3A_220 {strides = array<i32>} : memref<1024xf32, #tpu.memory_space<vmem>>, vector<16xf32>,
    %broadcast_in_dim3A_223 = arith.constant 0.000000e+00 : f32
    %broadcast_in_dim3A_224 = vector.broadcast %broadcast_in_dim3A_223 : f32 to vector<16xf32>
    %swap3A_225 = arith.constant 896 : index
    %swap3A_226 = tpu.vector_load %arg7[%swap3A_225] {strides = array<i32>} : memref<1024xf32, #tpu.memory_space<vmem>>, vector<16xf32>,
    tpu.vector_store %arg7[%swap3A_225], %broadcast_in_dim3A_224 {strides = array<i32>} : memref<1024xf32, #tpu.memory_space<vmem>>, vector<16xf32>,
    %broadcast_in_dim3A_227 = arith.constant 0.000000e+00 : f32
    %broadcast_in_dim3A_228 = vector.broadcast %broadcast_in_dim3A_227 : f32 to vector<16xf32>
    %swap3A_229 = arith.constant 912 : index
    %swap3A_230 = tpu.vector_load %arg7[%swap3A_229] {strides = array<i32>} : memref<1024xf32, #tpu.memory_space<vmem>>, vector<16xf32>,
    tpu.vector_store %arg7[%swap3A_229], %broadcast_in_dim3A_228 {strides = array<i32>} : memref<1024xf32, #tpu.memory_space<vmem>>, vector<16xf32>,
    %broadcast_in_dim3A_231 = arith.constant 0.000000e+00 : f32
    %broadcast_in_dim3A_232 = vector.broadcast %broadcast_in_dim3A_231 : f32 to vector<16xf32>
    %swap3A_233 = arith.constant 928 : index
    %swap3A_234 = tpu.vector_load %arg7[%swap3A_233] {strides = array<i32>} : memref<1024xf32, #tpu.memory_space<vmem>>, vector<16xf32>,
    tpu.vector_store %arg7[%swap3A_233], %broadcast_in_dim3A_232 {strides = array<i32>} : memref<1024xf32, #tpu.memory_space<vmem>>, vector<16xf32>,
    %broadcast_in_dim3A_235 = arith.constant 0.000000e+00 : f32
    %broadcast_in_dim3A_236 = vector.broadcast %broadcast_in_dim3A_235 : f32 to vector<16xf32>
    %swap3A_237 = arith.constant 944 : index
    %swap3A_238 = tpu.vector_load %arg7[%swap3A_237] {strides = array<i32>} : memref<1024xf32, #tpu.memory_space<vmem>>, vector<16xf32>,
    tpu.vector_store %arg7[%swap3A_237], %broadcast_in_dim3A_236 {strides = array<i32>} : memref<1024xf32, #tpu.memory_space<vmem>>, vector<16xf32>,
    %broadcast_in_dim3A_239 = arith.constant 0.000000e+00 : f32
    %broadcast_in_dim3A_240 = vector.broadcast %broadcast_in_dim3A_239 : f32 to vector<16xf32>
    %swap3A_241 = arith.constant 960 : index
    %swap3A_242 = tpu.vector_load %arg7[%swap3A_241] {strides = array<i32>} : memref<1024xf32, #tpu.memory_space<vmem>>, vector<16xf32>,
    tpu.vector_store %arg7[%swap3A_241], %broadcast_in_dim3A_240 {strides = array<i32>} : memref<1024xf32, #tpu.memory_space<vmem>>, vector<16xf32>,
    %broadcast_in_dim3A_243 = arith.constant 0.000000e+00 : f32
    %broadcast_in_dim3A_244 = vector.broadcast %broadcast_in_dim3A_243 : f32 to vector<16xf32>
    %swap3A_245 = arith.constant 976 : index
    %swap3A_246 = tpu.vector_load %arg7[%swap3A_245] {strides = array<i32>} : memref<1024xf32, #tpu.memory_space<vmem>>, vector<16xf32>,
    tpu.vector_store %arg7[%swap3A_245], %broadcast_in_dim3A_244 {strides = array<i32>} : memref<1024xf32, #tpu.memory_space<vmem>>, vector<16xf32>,
    %broadcast_in_dim3A_247 = arith.constant 0.000000e+00 : f32
    %broadcast_in_dim3A_248 = vector.broadcast %broadcast_in_dim3A_247 : f32 to vector<16xf32>
    %swap3A_249 = arith.constant 992 : index
    %swap3A_250 = tpu.vector_load %arg7[%swap3A_249] {strides = array<i32>} : memref<1024xf32, #tpu.memory_space<vmem>>, vector<16xf32>,
    tpu.vector_store %arg7[%swap3A_249], %broadcast_in_dim3A_248 {strides = array<i32>} : memref<1024xf32, #tpu.memory_space<vmem>>, vector<16xf32>,
    %broadcast_in_dim3A_251 = arith.constant 0.000000e+00 : f32
    %broadcast_in_dim3A_252 = vector.broadcast %broadcast_in_dim3A_251 : f32 to vector<16xf32>
    %swap3A_253 = arith.constant 1008 : index
    %swap3A_254 = tpu.vector_load %arg7[%swap3A_253] {strides = array<i32>} : memref<1024xf32, #tpu.memory_space<vmem>>, vector<16xf32>,
    tpu.vector_store %arg7[%swap3A_253], %broadcast_in_dim3A_252 {strides = array<i32>} : memref<1024xf32, #tpu.memory_space<vmem>>, vector<16xf32>,
    "tpu.region"() ({
      %run_scoped3A = tpu.sem_alloc : memref<!tpu.dma_semaphore, #tpu.memory_space<semaphore_mem>>
      %dma_start3A = arith.constant 0 : i32
      %dma_start3A_1858 = arith.constant 0 : i32
      %dma_start3A_1859 = tpu.memref_slice %arg2[%add3A, %dma_start3A, %dma_start3A_1858] : memref<32x25x128xi32, #tpu.memory_space<hbm>> -> memref<1x25x128xi32, #tpu.memory_space<hbm>>
      %dma_start3A_1860 = tpu.memref_squeeze %dma_start3A_1859 : memref<1x25x128xi32, #tpu.memory_space<hbm>> -> memref<25x128xi32, #tpu.memory_space<hbm>>
      %dma_start3A_1861 = arith.constant 0 : i32
      %dma_start3A_1862 = arith.constant 0 : i32
      %dma_start3A_1863 = tpu.memref_slice %arg2[%add3A, %dma_start3A_1861, %dma_start3A_1862] : memref<32x25x128xi32, #tpu.memory_space<hbm>> -> memref<1x25x128xi32, #tpu.memory_space<hbm>>
      %dma_start3A_1864 = tpu.memref_squeeze %dma_start3A_1863 : memref<1x25x128xi32, #tpu.memory_space<hbm>> -> memref<25x128xi32, #tpu.memory_space<hbm>>
      tpu.enqueue_dma source(%dma_start3A_1864 : memref<25x128xi32, #tpu.memory_space<hbm>>) target(%arg5 : memref<25x128xi32, #tpu.memory_space<vmem>>) target_semaphore(%run_scoped3A : memref<!tpu.dma_semaphore, #tpu.memory_space<semaphore_mem>>)
      %dma_wait3A = arith.constant 0 : i32
      %dma_wait3A_1865 = arith.constant 0 : i32
      %dma_wait3A_1866 = tpu.memref_slice %arg2[%add3A, %dma_wait3A, %dma_wait3A_1865] : memref<32x25x128xi32, #tpu.memory_space<hbm>> -> memref<1x25x128xi32, #tpu.memory_space<hbm>>
      %dma_wait3A_1867 = tpu.memref_squeeze %dma_wait3A_1866 : memref<1x25x128xi32, #tpu.memory_space<hbm>> -> memref<25x128xi32, #tpu.memory_space<hbm>>
      %dma_wait3A_1868 = arith.constant 0 : i32
      %dma_wait3A_1869 = arith.constant 0 : i32
      %dma_wait3A_1870 = tpu.memref_slice %arg2[%add3A, %dma_wait3A_1868, %dma_wait3A_1869] : memref<32x25x128xi32, #tpu.memory_space<hbm>> -> memref<1x25x128xi32, #tpu.memory_space<hbm>>
      %dma_wait3A_1871 = tpu.memref_squeeze %dma_wait3A_1870 : memref<1x25x128xi32, #tpu.memory_space<hbm>> -> memref<25x128xi32, #tpu.memory_space<hbm>>
      tpu.wait_dma2 semaphore(%run_scoped3A : memref<!tpu.dma_semaphore, #tpu.memory_space<semaphore_mem>>) src(%dma_wait3A_1871 : memref<25x128xi32, #tpu.memory_space<hbm>>) dst(%arg5 : memref<25x128xi32, #tpu.memory_space<vmem>>)
      tpu.yield
    }) : () -> ()
    "tpu.region"() ({
      %run_scoped3A = tpu.sem_alloc : memref<!tpu.dma_semaphore, #tpu.memory_space<semaphore_mem>>
      %dma_start3A = arith.constant 0 : i32
      %dma_start3A_1858 = arith.constant 0 : i32
      %dma_start3A_1859 = tpu.memref_slice %arg3[%add3A, %dma_start3A, %dma_start3A_1858] : memref<32x25x128xf32, #tpu.memory_space<hbm>> -> memref<1x25x128xf32, #tpu.memory_space<hbm>>
      %dma_start3A_1860 = tpu.memref_squeeze %dma_start3A_1859 : memref<1x25x128xf32, #tpu.memory_space<hbm>> -> memref<25x128xf32, #tpu.memory_space<hbm>>
      %dma_start3A_1861 = arith.constant 0 : i32
      %dma_start3A_1862 = arith.constant 0 : i32
      %dma_start3A_1863 = tpu.memref_slice %arg3[%add3A, %dma_start3A_1861, %dma_start3A_1862] : memref<32x25x128xf32, #tpu.memory_space<hbm>> -> memref<1x25x128xf32, #tpu.memory_space<hbm>>
      %dma_start3A_1864 = tpu.memref_squeeze %dma_start3A_1863 : memref<1x25x128xf32, #tpu.memory_space<hbm>> -> memref<25x128xf32, #tpu.memory_space<hbm>>
      tpu.enqueue_dma source(%dma_start3A_1864 : memref<25x128xf32, #tpu.memory_space<hbm>>) target(%arg6 : memref<25x128xf32, #tpu.memory_space<vmem>>) target_semaphore(%run_scoped3A : memref<!tpu.dma_semaphore, #tpu.memory_space<semaphore_mem>>)
      %dma_wait3A = arith.constant 0 : i32
      %dma_wait3A_1865 = arith.constant 0 : i32
      %dma_wait3A_1866 = tpu.memref_slice %arg3[%add3A, %dma_wait3A, %dma_wait3A_1865] : memref<32x25x128xf32, #tpu.memory_space<hbm>> -> memref<1x25x128xf32, #tpu.memory_space<hbm>>
      %dma_wait3A_1867 = tpu.memref_squeeze %dma_wait3A_1866 : memref<1x25x128xf32, #tpu.memory_space<hbm>> -> memref<25x128xf32, #tpu.memory_space<hbm>>
      %dma_wait3A_1868 = arith.constant 0 : i32
      %dma_wait3A_1869 = arith.constant 0 : i32
      %dma_wait3A_1870 = tpu.memref_slice %arg3[%add3A, %dma_wait3A_1868, %dma_wait3A_1869] : memref<32x25x128xf32, #tpu.memory_space<hbm>> -> memref<1x25x128xf32, #tpu.memory_space<hbm>>
      %dma_wait3A_1871 = tpu.memref_squeeze %dma_wait3A_1870 : memref<1x25x128xf32, #tpu.memory_space<hbm>> -> memref<25x128xf32, #tpu.memory_space<hbm>>
      tpu.wait_dma2 semaphore(%run_scoped3A : memref<!tpu.dma_semaphore, #tpu.memory_space<semaphore_mem>>) src(%dma_wait3A_1871 : memref<25x128xf32, #tpu.memory_space<hbm>>) dst(%arg6 : memref<25x128xf32, #tpu.memory_space<vmem>>)
      tpu.yield
    }) : () -> ()
    %get3A = arith.constant 0 : i32
    %get3A_255 = arith.index_cast %get3A : i32 to index
    %get3A_256 = arith.constant 0 : index
    %get3A_257 = tpu.vector_load %arg5[%get3A_255, %get3A_256] {strides = array<i32>} : memref<25x128xi32, #tpu.memory_space<vmem>>, vector<16xi32>,
    %get3A_258 = arith.constant 0 : i32
    %get3A_259 = arith.index_cast %get3A_258 : i32 to index
    %get3A_260 = arith.constant 0 : index
    %get3A_261 = tpu.vector_load %arg6[%get3A_259, %get3A_260] {strides = array<i32>} : memref<25x128xf32, #tpu.memory_space<vmem>>, vector<16xf32>,
    tpu.vector_store_idx %arg7[%get3A_257], %get3A_261 {add = true} : memref<1024xf32, #tpu.memory_space<vmem>>[vector<16xi32>], vector<16xf32>,
    %get3A_262 = arith.constant 0 : i32
    %get3A_263 = arith.index_cast %get3A_262 : i32 to index
    %get3A_264 = arith.constant 16 : index
    %get3A_265 = tpu.vector_load %arg5[%get3A_263, %get3A_264] {strides = array<i32>} : memref<25x128xi32, #tpu.memory_space<vmem>>, vector<16xi32>,
    %get3A_266 = arith.constant 0 : i32
    %get3A_267 = arith.index_cast %get3A_266 : i32 to index
    %get3A_268 = arith.constant 16 : index
    %get3A_269 = tpu.vector_load %arg6[%get3A_267, %get3A_268] {strides = array<i32>} : memref<25x128xf32, #tpu.memory_space<vmem>>, vector<16xf32>,
    tpu.vector_store_idx %arg7[%get3A_265], %get3A_269 {add = true} : memref<1024xf32, #tpu.memory_space<vmem>>[vector<16xi32>], vector<16xf32>,
    %get3A_270 = arith.constant 0 : i32
    %get3A_271 = arith.index_cast %get3A_270 : i32 to index
    %get3A_272 = arith.constant 32 : index
    %get3A_273 = tpu.vector_load %arg5[%get3A_271, %get3A_272] {strides = array<i32>} : memref<25x128xi32, #tpu.memory_space<vmem>>, vector<16xi32>,
    %get3A_274 = arith.constant 0 : i32
    %get3A_275 = arith.index_cast %get3A_274 : i32 to index
    %get3A_276 = arith.constant 32 : index
    %get3A_277 = tpu.vector_load %arg6[%get3A_275, %get3A_276] {strides = array<i32>} : memref<25x128xf32, #tpu.memory_space<vmem>>, vector<16xf32>,
    tpu.vector_store_idx %arg7[%get3A_273], %get3A_277 {add = true} : memref<1024xf32, #tpu.memory_space<vmem>>[vector<16xi32>], vector<16xf32>,
    %get3A_278 = arith.constant 0 : i32
    %get3A_279 = arith.index_cast %get3A_278 : i32 to index
    %get3A_280 = arith.constant 48 : index
    %get3A_281 = tpu.vector_load %arg5[%get3A_279, %get3A_280] {strides = array<i32>} : memref<25x128xi32, #tpu.memory_space<vmem>>, vector<16xi32>,
    %get3A_282 = arith.constant 0 : i32
    %get3A_283 = arith.index_cast %get3A_282 : i32 to index
    %get3A_284 = arith.constant 48 : index
    %get3A_285 = tpu.vector_load %arg6[%get3A_283, %get3A_284] {strides = array<i32>} : memref<25x128xf32, #tpu.memory_space<vmem>>, vector<16xf32>,
    tpu.vector_store_idx %arg7[%get3A_281], %get3A_285 {add = true} : memref<1024xf32, #tpu.memory_space<vmem>>[vector<16xi32>], vector<16xf32>,
    %get3A_286 = arith.constant 0 : i32
    %get3A_287 = arith.index_cast %get3A_286 : i32 to index
    %get3A_288 = arith.constant 64 : index
    %get3A_289 = tpu.vector_load %arg5[%get3A_287, %get3A_288] {strides = array<i32>} : memref<25x128xi32, #tpu.memory_space<vmem>>, vector<16xi32>,
    %get3A_290 = arith.constant 0 : i32
    %get3A_291 = arith.index_cast %get3A_290 : i32 to index
    %get3A_292 = arith.constant 64 : index
    %get3A_293 = tpu.vector_load %arg6[%get3A_291, %get3A_292] {strides = array<i32>} : memref<25x128xf32, #tpu.memory_space<vmem>>, vector<16xf32>,
    tpu.vector_store_idx %arg7[%get3A_289], %get3A_293 {add = true} : memref<1024xf32, #tpu.memory_space<vmem>>[vector<16xi32>], vector<16xf32>,
    %get3A_294 = arith.constant 0 : i32
    %get3A_295 = arith.index_cast %get3A_294 : i32 to index
    %get3A_296 = arith.constant 80 : index
    %get3A_297 = tpu.vector_load %arg5[%get3A_295, %get3A_296] {strides = array<i32>} : memref<25x128xi32, #tpu.memory_space<vmem>>, vector<16xi32>,
    %get3A_298 = arith.constant 0 : i32
    %get3A_299 = arith.index_cast %get3A_298 : i32 to index
    %get3A_300 = arith.constant 80 : index
    %get3A_301 = tpu.vector_load %arg6[%get3A_299, %get3A_300] {strides = array<i32>} : memref<25x128xf32, #tpu.memory_space<vmem>>, vector<16xf32>,
    tpu.vector_store_idx %arg7[%get3A_297], %get3A_301 {add = true} : memref<1024xf32, #tpu.memory_space<vmem>>[vector<16xi32>], vector<16xf32>,
    %get3A_302 = arith.constant 0 : i32
    %get3A_303 = arith.index_cast %get3A_302 : i32 to index
    %get3A_304 = arith.constant 96 : index
    %get3A_305 = tpu.vector_load %arg5[%get3A_303, %get3A_304] {strides = array<i32>} : memref<25x128xi32, #tpu.memory_space<vmem>>, vector<16xi32>,
    %get3A_306 = arith.constant 0 : i32
    %get3A_307 = arith.index_cast %get3A_306 : i32 to index
    %get3A_308 = arith.constant 96 : index
    %get3A_309 = tpu.vector_load %arg6[%get3A_307, %get3A_308] {strides = array<i32>} : memref<25x128xf32, #tpu.memory_space<vmem>>, vector<16xf32>,
    tpu.vector_store_idx %arg7[%get3A_305], %get3A_309 {add = true} : memref<1024xf32, #tpu.memory_space<vmem>>[vector<16xi32>], vector<16xf32>,
    %get3A_310 = arith.constant 0 : i32
    %get3A_311 = arith.index_cast %get3A_310 : i32 to index
    %get3A_312 = arith.constant 112 : index
    %get3A_313 = tpu.vector_load %arg5[%get3A_311, %get3A_312] {strides = array<i32>} : memref<25x128xi32, #tpu.memory_space<vmem>>, vector<16xi32>,
    %get3A_314 = arith.constant 0 : i32
    %get3A_315 = arith.index_cast %get3A_314 : i32 to index
    %get3A_316 = arith.constant 112 : index
    %get3A_317 = tpu.vector_load %arg6[%get3A_315, %get3A_316] {strides = array<i32>} : memref<25x128xf32, #tpu.memory_space<vmem>>, vector<16xf32>,
    tpu.vector_store_idx %arg7[%get3A_313], %get3A_317 {add = true} : memref<1024xf32, #tpu.memory_space<vmem>>[vector<16xi32>], vector<16xf32>,
    %get3A_318 = arith.constant 1 : i32
    %get3A_319 = arith.index_cast %get3A_318 : i32 to index
    %get3A_320 = arith.constant 0 : index
    %get3A_321 = tpu.vector_load %arg5[%get3A_319, %get3A_320] {strides = array<i32>} : memref<25x128xi32, #tpu.memory_space<vmem>>, vector<16xi32>,
    %get3A_322 = arith.constant 1 : i32
    %get3A_323 = arith.index_cast %get3A_322 : i32 to index
    %get3A_324 = arith.constant 0 : index
    %get3A_325 = tpu.vector_load %arg6[%get3A_323, %get3A_324] {strides = array<i32>} : memref<25x128xf32, #tpu.memory_space<vmem>>, vector<16xf32>,
    tpu.vector_store_idx %arg7[%get3A_321], %get3A_325 {add = true} : memref<1024xf32, #tpu.memory_space<vmem>>[vector<16xi32>], vector<16xf32>,
    %get3A_326 = arith.constant 1 : i32
    %get3A_327 = arith.index_cast %get3A_326 : i32 to index
    %get3A_328 = arith.constant 16 : index
    %get3A_329 = tpu.vector_load %arg5[%get3A_327, %get3A_328] {strides = array<i32>} : memref<25x128xi32, #tpu.memory_space<vmem>>, vector<16xi32>,
    %get3A_330 = arith.constant 1 : i32
    %get3A_331 = arith.index_cast %get3A_330 : i32 to index
    %get3A_332 = arith.constant 16 : index
    %get3A_333 = tpu.vector_load %arg6[%get3A_331, %get3A_332] {strides = array<i32>} : memref<25x128xf32, #tpu.memory_space<vmem>>, vector<16xf32>,
    tpu.vector_store_idx %arg7[%get3A_329], %get3A_333 {add = true} : memref<1024xf32, #tpu.memory_space<vmem>>[vector<16xi32>], vector<16xf32>,
    %get3A_334 = arith.constant 1 : i32
    %get3A_335 = arith.index_cast %get3A_334 : i32 to index
    %get3A_336 = arith.constant 32 : index
    %get3A_337 = tpu.vector_load %arg5[%get3A_335, %get3A_336] {strides = array<i32>} : memref<25x128xi32, #tpu.memory_space<vmem>>, vector<16xi32>,
    %get3A_338 = arith.constant 1 : i32
    %get3A_339 = arith.index_cast %get3A_338 : i32 to index
    %get3A_340 = arith.constant 32 : index
    %get3A_341 = tpu.vector_load %arg6[%get3A_339, %get3A_340] {strides = array<i32>} : memref<25x128xf32, #tpu.memory_space<vmem>>, vector<16xf32>,
    tpu.vector_store_idx %arg7[%get3A_337], %get3A_341 {add = true} : memref<1024xf32, #tpu.memory_space<vmem>>[vector<16xi32>], vector<16xf32>,
    %get3A_342 = arith.constant 1 : i32
    %get3A_343 = arith.index_cast %get3A_342 : i32 to index
    %get3A_344 = arith.constant 48 : index
    %get3A_345 = tpu.vector_load %arg5[%get3A_343, %get3A_344] {strides = array<i32>} : memref<25x128xi32, #tpu.memory_space<vmem>>, vector<16xi32>,
    %get3A_346 = arith.constant 1 : i32
    %get3A_347 = arith.index_cast %get3A_346 : i32 to index
    %get3A_348 = arith.constant 48 : index
    %get3A_349 = tpu.vector_load %arg6[%get3A_347, %get3A_348] {strides = array<i32>} : memref<25x128xf32, #tpu.memory_space<vmem>>, vector<16xf32>,
    tpu.vector_store_idx %arg7[%get3A_345], %get3A_349 {add = true} : memref<1024xf32, #tpu.memory_space<vmem>>[vector<16xi32>], vector<16xf32>,
    %get3A_350 = arith.constant 1 : i32
    %get3A_351 = arith.index_cast %get3A_350 : i32 to index
    %get3A_352 = arith.constant 64 : index
    %get3A_353 = tpu.vector_load %arg5[%get3A_351, %get3A_352] {strides = array<i32>} : memref<25x128xi32, #tpu.memory_space<vmem>>, vector<16xi32>,
    %get3A_354 = arith.constant 1 : i32
    %get3A_355 = arith.index_cast %get3A_354 : i32 to index
    %get3A_356 = arith.constant 64 : index
    %get3A_357 = tpu.vector_load %arg6[%get3A_355, %get3A_356] {strides = array<i32>} : memref<25x128xf32, #tpu.memory_space<vmem>>, vector<16xf32>,
    tpu.vector_store_idx %arg7[%get3A_353], %get3A_357 {add = true} : memref<1024xf32, #tpu.memory_space<vmem>>[vector<16xi32>], vector<16xf32>,
    %get3A_358 = arith.constant 1 : i32
    %get3A_359 = arith.index_cast %get3A_358 : i32 to index
    %get3A_360 = arith.constant 80 : index
    %get3A_361 = tpu.vector_load %arg5[%get3A_359, %get3A_360] {strides = array<i32>} : memref<25x128xi32, #tpu.memory_space<vmem>>, vector<16xi32>,
    %get3A_362 = arith.constant 1 : i32
    %get3A_363 = arith.index_cast %get3A_362 : i32 to index
    %get3A_364 = arith.constant 80 : index
    %get3A_365 = tpu.vector_load %arg6[%get3A_363, %get3A_364] {strides = array<i32>} : memref<25x128xf32, #tpu.memory_space<vmem>>, vector<16xf32>,
    tpu.vector_store_idx %arg7[%get3A_361], %get3A_365 {add = true} : memref<1024xf32, #tpu.memory_space<vmem>>[vector<16xi32>], vector<16xf32>,
    %get3A_366 = arith.constant 1 : i32
    %get3A_367 = arith.index_cast %get3A_366 : i32 to index
    %get3A_368 = arith.constant 96 : index
    %get3A_369 = tpu.vector_load %arg5[%get3A_367, %get3A_368] {strides = array<i32>} : memref<25x128xi32, #tpu.memory_space<vmem>>, vector<16xi32>,
    %get3A_370 = arith.constant 1 : i32
    %get3A_371 = arith.index_cast %get3A_370 : i32 to index
    %get3A_372 = arith.constant 96 : index
    %get3A_373 = tpu.vector_load %arg6[%get3A_371, %get3A_372] {strides = array<i32>} : memref<25x128xf32, #tpu.memory_space<vmem>>, vector<16xf32>,
    tpu.vector_store_idx %arg7[%get3A_369], %get3A_373 {add = true} : memref<1024xf32, #tpu.memory_space<vmem>>[vector<16xi32>], vector<16xf32>,
    %get3A_374 = arith.constant 1 : i32
    %get3A_375 = arith.index_cast %get3A_374 : i32 to index
    %get3A_376 = arith.constant 112 : index
    %get3A_377 = tpu.vector_load %arg5[%get3A_375, %get3A_376] {strides = array<i32>} : memref<25x128xi32, #tpu.memory_space<vmem>>, vector<16xi32>,
    %get3A_378 = arith.constant 1 : i32
    %get3A_379 = arith.index_cast %get3A_378 : i32 to index
    %get3A_380 = arith.constant 112 : index
    %get3A_381 = tpu.vector_load %arg6[%get3A_379, %get3A_380] {strides = array<i32>} : memref<25x128xf32, #tpu.memory_space<vmem>>, vector<16xf32>,
    tpu.vector_store_idx %arg7[%get3A_377], %get3A_381 {add = true} : memref<1024xf32, #tpu.memory_space<vmem>>[vector<16xi32>], vector<16xf32>,
    %get3A_382 = arith.constant 2 : i32
    %get3A_383 = arith.index_cast %get3A_382 : i32 to index
    %get3A_384 = arith.constant 0 : index
    %get3A_385 = tpu.vector_load %arg5[%get3A_383, %get3A_384] {strides = array<i32>} : memref<25x128xi32, #tpu.memory_space<vmem>>, vector<16xi32>,
    %get3A_386 = arith.constant 2 : i32
    %get3A_387 = arith.index_cast %get3A_386 : i32 to index
    %get3A_388 = arith.constant 0 : index
    %get3A_389 = tpu.vector_load %arg6[%get3A_387, %get3A_388] {strides = array<i32>} : memref<25x128xf32, #tpu.memory_space<vmem>>, vector<16xf32>,
    tpu.vector_store_idx %arg7[%get3A_385], %get3A_389 {add = true} : memref<1024xf32, #tpu.memory_space<vmem>>[vector<16xi32>], vector<16xf32>,
    %get3A_390 = arith.constant 2 : i32
    %get3A_391 = arith.index_cast %get3A_390 : i32 to index
    %get3A_392 = arith.constant 16 : index
    %get3A_393 = tpu.vector_load %arg5[%get3A_391, %get3A_392] {strides = array<i32>} : memref<25x128xi32, #tpu.memory_space<vmem>>, vector<16xi32>,
    %get3A_394 = arith.constant 2 : i32
    %get3A_395 = arith.index_cast %get3A_394 : i32 to index
    %get3A_396 = arith.constant 16 : index
    %get3A_397 = tpu.vector_load %arg6[%get3A_395, %get3A_396] {strides = array<i32>} : memref<25x128xf32, #tpu.memory_space<vmem>>, vector<16xf32>,
    tpu.vector_store_idx %arg7[%get3A_393], %get3A_397 {add = true} : memref<1024xf32, #tpu.memory_space<vmem>>[vector<16xi32>], vector<16xf32>,
    %get3A_398 = arith.constant 2 : i32
    %get3A_399 = arith.index_cast %get3A_398 : i32 to index
    %get3A_400 = arith.constant 32 : index
    %get3A_401 = tpu.vector_load %arg5[%get3A_399, %get3A_400] {strides = array<i32>} : memref<25x128xi32, #tpu.memory_space<vmem>>, vector<16xi32>,
    %get3A_402 = arith.constant 2 : i32
    %get3A_403 = arith.index_cast %get3A_402 : i32 to index
    %get3A_404 = arith.constant 32 : index
    %get3A_405 = tpu.vector_load %arg6[%get3A_403, %get3A_404] {strides = array<i32>} : memref<25x128xf32, #tpu.memory_space<vmem>>, vector<16xf32>,
    tpu.vector_store_idx %arg7[%get3A_401], %get3A_405 {add = true} : memref<1024xf32, #tpu.memory_space<vmem>>[vector<16xi32>], vector<16xf32>,
    %get3A_406 = arith.constant 2 : i32
    %get3A_407 = arith.index_cast %get3A_406 : i32 to index
    %get3A_408 = arith.constant 48 : index
    %get3A_409 = tpu.vector_load %arg5[%get3A_407, %get3A_408] {strides = array<i32>} : memref<25x128xi32, #tpu.memory_space<vmem>>, vector<16xi32>,
    %get3A_410 = arith.constant 2 : i32
    %get3A_411 = arith.index_cast %get3A_410 : i32 to index
    %get3A_412 = arith.constant 48 : index
    %get3A_413 = tpu.vector_load %arg6[%get3A_411, %get3A_412] {strides = array<i32>} : memref<25x128xf32, #tpu.memory_space<vmem>>, vector<16xf32>,
    tpu.vector_store_idx %arg7[%get3A_409], %get3A_413 {add = true} : memref<1024xf32, #tpu.memory_space<vmem>>[vector<16xi32>], vector<16xf32>,
    %get3A_414 = arith.constant 2 : i32
    %get3A_415 = arith.index_cast %get3A_414 : i32 to index
    %get3A_416 = arith.constant 64 : index
    %get3A_417 = tpu.vector_load %arg5[%get3A_415, %get3A_416] {strides = array<i32>} : memref<25x128xi32, #tpu.memory_space<vmem>>, vector<16xi32>,
    %get3A_418 = arith.constant 2 : i32
    %get3A_419 = arith.index_cast %get3A_418 : i32 to index
    %get3A_420 = arith.constant 64 : index
    %get3A_421 = tpu.vector_load %arg6[%get3A_419, %get3A_420] {strides = array<i32>} : memref<25x128xf32, #tpu.memory_space<vmem>>, vector<16xf32>,
    tpu.vector_store_idx %arg7[%get3A_417], %get3A_421 {add = true} : memref<1024xf32, #tpu.memory_space<vmem>>[vector<16xi32>], vector<16xf32>,
    %get3A_422 = arith.constant 2 : i32
    %get3A_423 = arith.index_cast %get3A_422 : i32 to index
    %get3A_424 = arith.constant 80 : index
    %get3A_425 = tpu.vector_load %arg5[%get3A_423, %get3A_424] {strides = array<i32>} : memref<25x128xi32, #tpu.memory_space<vmem>>, vector<16xi32>,
    %get3A_426 = arith.constant 2 : i32
    %get3A_427 = arith.index_cast %get3A_426 : i32 to index
    %get3A_428 = arith.constant 80 : index
    %get3A_429 = tpu.vector_load %arg6[%get3A_427, %get3A_428] {strides = array<i32>} : memref<25x128xf32, #tpu.memory_space<vmem>>, vector<16xf32>,
    tpu.vector_store_idx %arg7[%get3A_425], %get3A_429 {add = true} : memref<1024xf32, #tpu.memory_space<vmem>>[vector<16xi32>], vector<16xf32>,
    %get3A_430 = arith.constant 2 : i32
    %get3A_431 = arith.index_cast %get3A_430 : i32 to index
    %get3A_432 = arith.constant 96 : index
    %get3A_433 = tpu.vector_load %arg5[%get3A_431, %get3A_432] {strides = array<i32>} : memref<25x128xi32, #tpu.memory_space<vmem>>, vector<16xi32>,
    %get3A_434 = arith.constant 2 : i32
    %get3A_435 = arith.index_cast %get3A_434 : i32 to index
    %get3A_436 = arith.constant 96 : index
    %get3A_437 = tpu.vector_load %arg6[%get3A_435, %get3A_436] {strides = array<i32>} : memref<25x128xf32, #tpu.memory_space<vmem>>, vector<16xf32>,
    tpu.vector_store_idx %arg7[%get3A_433], %get3A_437 {add = true} : memref<1024xf32, #tpu.memory_space<vmem>>[vector<16xi32>], vector<16xf32>,
    %get3A_438 = arith.constant 2 : i32
    %get3A_439 = arith.index_cast %get3A_438 : i32 to index
    %get3A_440 = arith.constant 112 : index
    %get3A_441 = tpu.vector_load %arg5[%get3A_439, %get3A_440] {strides = array<i32>} : memref<25x128xi32, #tpu.memory_space<vmem>>, vector<16xi32>,
    %get3A_442 = arith.constant 2 : i32
    %get3A_443 = arith.index_cast %get3A_442 : i32 to index
    %get3A_444 = arith.constant 112 : index
    %get3A_445 = tpu.vector_load %arg6[%get3A_443, %get3A_444] {strides = array<i32>} : memref<25x128xf32, #tpu.memory_space<vmem>>, vector<16xf32>,
    tpu.vector_store_idx %arg7[%get3A_441], %get3A_445 {add = true} : memref<1024xf32, #tpu.memory_space<vmem>>[vector<16xi32>], vector<16xf32>,
    %get3A_446 = arith.constant 3 : i32
    %get3A_447 = arith.index_cast %get3A_446 : i32 to index
    %get3A_448 = arith.constant 0 : index
    %get3A_449 = tpu.vector_load %arg5[%get3A_447, %get3A_448] {strides = array<i32>} : memref<25x128xi32, #tpu.memory_space<vmem>>, vector<16xi32>,
    %get3A_450 = arith.constant 3 : i32
    %get3A_451 = arith.index_cast %get3A_450 : i32 to index
    %get3A_452 = arith.constant 0 : index
    %get3A_453 = tpu.vector_load %arg6[%get3A_451, %get3A_452] {strides = array<i32>} : memref<25x128xf32, #tpu.memory_space<vmem>>, vector<16xf32>,
    tpu.vector_store_idx %arg7[%get3A_449], %get3A_453 {add = true} : memref<1024xf32, #tpu.memory_space<vmem>>[vector<16xi32>], vector<16xf32>,
    %get3A_454 = arith.constant 3 : i32
    %get3A_455 = arith.index_cast %get3A_454 : i32 to index
    %get3A_456 = arith.constant 16 : index
    %get3A_457 = tpu.vector_load %arg5[%get3A_455, %get3A_456] {strides = array<i32>} : memref<25x128xi32, #tpu.memory_space<vmem>>, vector<16xi32>,
    %get3A_458 = arith.constant 3 : i32
    %get3A_459 = arith.index_cast %get3A_458 : i32 to index
    %get3A_460 = arith.constant 16 : index
    %get3A_461 = tpu.vector_load %arg6[%get3A_459, %get3A_460] {strides = array<i32>} : memref<25x128xf32, #tpu.memory_space<vmem>>, vector<16xf32>,
    tpu.vector_store_idx %arg7[%get3A_457], %get3A_461 {add = true} : memref<1024xf32, #tpu.memory_space<vmem>>[vector<16xi32>], vector<16xf32>,
    %get3A_462 = arith.constant 3 : i32
    %get3A_463 = arith.index_cast %get3A_462 : i32 to index
    %get3A_464 = arith.constant 32 : index
    %get3A_465 = tpu.vector_load %arg5[%get3A_463, %get3A_464] {strides = array<i32>} : memref<25x128xi32, #tpu.memory_space<vmem>>, vector<16xi32>,
    %get3A_466 = arith.constant 3 : i32
    %get3A_467 = arith.index_cast %get3A_466 : i32 to index
    %get3A_468 = arith.constant 32 : index
    %get3A_469 = tpu.vector_load %arg6[%get3A_467, %get3A_468] {strides = array<i32>} : memref<25x128xf32, #tpu.memory_space<vmem>>, vector<16xf32>,
    tpu.vector_store_idx %arg7[%get3A_465], %get3A_469 {add = true} : memref<1024xf32, #tpu.memory_space<vmem>>[vector<16xi32>], vector<16xf32>,
    %get3A_470 = arith.constant 3 : i32
    %get3A_471 = arith.index_cast %get3A_470 : i32 to index
    %get3A_472 = arith.constant 48 : index
    %get3A_473 = tpu.vector_load %arg5[%get3A_471, %get3A_472] {strides = array<i32>} : memref<25x128xi32, #tpu.memory_space<vmem>>, vector<16xi32>,
    %get3A_474 = arith.constant 3 : i32
    %get3A_475 = arith.index_cast %get3A_474 : i32 to index
    %get3A_476 = arith.constant 48 : index
    %get3A_477 = tpu.vector_load %arg6[%get3A_475, %get3A_476] {strides = array<i32>} : memref<25x128xf32, #tpu.memory_space<vmem>>, vector<16xf32>,
    tpu.vector_store_idx %arg7[%get3A_473], %get3A_477 {add = true} : memref<1024xf32, #tpu.memory_space<vmem>>[vector<16xi32>], vector<16xf32>,
    %get3A_478 = arith.constant 3 : i32
    %get3A_479 = arith.index_cast %get3A_478 : i32 to index
    %get3A_480 = arith.constant 64 : index
    %get3A_481 = tpu.vector_load %arg5[%get3A_479, %get3A_480] {strides = array<i32>} : memref<25x128xi32, #tpu.memory_space<vmem>>, vector<16xi32>,
    %get3A_482 = arith.constant 3 : i32
    %get3A_483 = arith.index_cast %get3A_482 : i32 to index
    %get3A_484 = arith.constant 64 : index
    %get3A_485 = tpu.vector_load %arg6[%get3A_483, %get3A_484] {strides = array<i32>} : memref<25x128xf32, #tpu.memory_space<vmem>>, vector<16xf32>,
    tpu.vector_store_idx %arg7[%get3A_481], %get3A_485 {add = true} : memref<1024xf32, #tpu.memory_space<vmem>>[vector<16xi32>], vector<16xf32>,
    %get3A_486 = arith.constant 3 : i32
    %get3A_487 = arith.index_cast %get3A_486 : i32 to index
    %get3A_488 = arith.constant 80 : index
    %get3A_489 = tpu.vector_load %arg5[%get3A_487, %get3A_488] {strides = array<i32>} : memref<25x128xi32, #tpu.memory_space<vmem>>, vector<16xi32>,
    %get3A_490 = arith.constant 3 : i32
    %get3A_491 = arith.index_cast %get3A_490 : i32 to index
    %get3A_492 = arith.constant 80 : index
    %get3A_493 = tpu.vector_load %arg6[%get3A_491, %get3A_492] {strides = array<i32>} : memref<25x128xf32, #tpu.memory_space<vmem>>, vector<16xf32>,
    tpu.vector_store_idx %arg7[%get3A_489], %get3A_493 {add = true} : memref<1024xf32, #tpu.memory_space<vmem>>[vector<16xi32>], vector<16xf32>,
    %get3A_494 = arith.constant 3 : i32
    %get3A_495 = arith.index_cast %get3A_494 : i32 to index
    %get3A_496 = arith.constant 96 : index
    %get3A_497 = tpu.vector_load %arg5[%get3A_495, %get3A_496] {strides = array<i32>} : memref<25x128xi32, #tpu.memory_space<vmem>>, vector<16xi32>,
    %get3A_498 = arith.constant 3 : i32
    %get3A_499 = arith.index_cast %get3A_498 : i32 to index
    %get3A_500 = arith.constant 96 : index
    %get3A_501 = tpu.vector_load %arg6[%get3A_499, %get3A_500] {strides = array<i32>} : memref<25x128xf32, #tpu.memory_space<vmem>>, vector<16xf32>,
    tpu.vector_store_idx %arg7[%get3A_497], %get3A_501 {add = true} : memref<1024xf32, #tpu.memory_space<vmem>>[vector<16xi32>], vector<16xf32>,
    %get3A_502 = arith.constant 3 : i32
    %get3A_503 = arith.index_cast %get3A_502 : i32 to index
    %get3A_504 = arith.constant 112 : index
    %get3A_505 = tpu.vector_load %arg5[%get3A_503, %get3A_504] {strides = array<i32>} : memref<25x128xi32, #tpu.memory_space<vmem>>, vector<16xi32>,
    %get3A_506 = arith.constant 3 : i32
    %get3A_507 = arith.index_cast %get3A_506 : i32 to index
    %get3A_508 = arith.constant 112 : index
    %get3A_509 = tpu.vector_load %arg6[%get3A_507, %get3A_508] {strides = array<i32>} : memref<25x128xf32, #tpu.memory_space<vmem>>, vector<16xf32>,
    tpu.vector_store_idx %arg7[%get3A_505], %get3A_509 {add = true} : memref<1024xf32, #tpu.memory_space<vmem>>[vector<16xi32>], vector<16xf32>,
    %get3A_510 = arith.constant 4 : i32
    %get3A_511 = arith.index_cast %get3A_510 : i32 to index
    %get3A_512 = arith.constant 0 : index
    %get3A_513 = tpu.vector_load %arg5[%get3A_511, %get3A_512] {strides = array<i32>} : memref<25x128xi32, #tpu.memory_space<vmem>>, vector<16xi32>,
    %get3A_514 = arith.constant 4 : i32
    %get3A_515 = arith.index_cast %get3A_514 : i32 to index
    %get3A_516 = arith.constant 0 : index
    %get3A_517 = tpu.vector_load %arg6[%get3A_515, %get3A_516] {strides = array<i32>} : memref<25x128xf32, #tpu.memory_space<vmem>>, vector<16xf32>,
    tpu.vector_store_idx %arg7[%get3A_513], %get3A_517 {add = true} : memref<1024xf32, #tpu.memory_space<vmem>>[vector<16xi32>], vector<16xf32>,
    %get3A_518 = arith.constant 4 : i32
    %get3A_519 = arith.index_cast %get3A_518 : i32 to index
    %get3A_520 = arith.constant 16 : index
    %get3A_521 = tpu.vector_load %arg5[%get3A_519, %get3A_520] {strides = array<i32>} : memref<25x128xi32, #tpu.memory_space<vmem>>, vector<16xi32>,
    %get3A_522 = arith.constant 4 : i32
    %get3A_523 = arith.index_cast %get3A_522 : i32 to index
    %get3A_524 = arith.constant 16 : index
    %get3A_525 = tpu.vector_load %arg6[%get3A_523, %get3A_524] {strides = array<i32>} : memref<25x128xf32, #tpu.memory_space<vmem>>, vector<16xf32>,
    tpu.vector_store_idx %arg7[%get3A_521], %get3A_525 {add = true} : memref<1024xf32, #tpu.memory_space<vmem>>[vector<16xi32>], vector<16xf32>,
    %get3A_526 = arith.constant 4 : i32
    %get3A_527 = arith.index_cast %get3A_526 : i32 to index
    %get3A_528 = arith.constant 32 : index
    %get3A_529 = tpu.vector_load %arg5[%get3A_527, %get3A_528] {strides = array<i32>} : memref<25x128xi32, #tpu.memory_space<vmem>>, vector<16xi32>,
    %get3A_530 = arith.constant 4 : i32
    %get3A_531 = arith.index_cast %get3A_530 : i32 to index
    %get3A_532 = arith.constant 32 : index
    %get3A_533 = tpu.vector_load %arg6[%get3A_531, %get3A_532] {strides = array<i32>} : memref<25x128xf32, #tpu.memory_space<vmem>>, vector<16xf32>,
    tpu.vector_store_idx %arg7[%get3A_529], %get3A_533 {add = true} : memref<1024xf32, #tpu.memory_space<vmem>>[vector<16xi32>], vector<16xf32>,
    %get3A_534 = arith.constant 4 : i32
    %get3A_535 = arith.index_cast %get3A_534 : i32 to index
    %get3A_536 = arith.constant 48 : index
    %get3A_537 = tpu.vector_load %arg5[%get3A_535, %get3A_536] {strides = array<i32>} : memref<25x128xi32, #tpu.memory_space<vmem>>, vector<16xi32>,
    %get3A_538 = arith.constant 4 : i32
    %get3A_539 = arith.index_cast %get3A_538 : i32 to index
    %get3A_540 = arith.constant 48 : index
    %get3A_541 = tpu.vector_load %arg6[%get3A_539, %get3A_540] {strides = array<i32>} : memref<25x128xf32, #tpu.memory_space<vmem>>, vector<16xf32>,
    tpu.vector_store_idx %arg7[%get3A_537], %get3A_541 {add = true} : memref<1024xf32, #tpu.memory_space<vmem>>[vector<16xi32>], vector<16xf32>,
    %get3A_542 = arith.constant 4 : i32
    %get3A_543 = arith.index_cast %get3A_542 : i32 to index
    %get3A_544 = arith.constant 64 : index
    %get3A_545 = tpu.vector_load %arg5[%get3A_543, %get3A_544] {strides = array<i32>} : memref<25x128xi32, #tpu.memory_space<vmem>>, vector<16xi32>,
    %get3A_546 = arith.constant 4 : i32
    %get3A_547 = arith.index_cast %get3A_546 : i32 to index
    %get3A_548 = arith.constant 64 : index
    %get3A_549 = tpu.vector_load %arg6[%get3A_547, %get3A_548] {strides = array<i32>} : memref<25x128xf32, #tpu.memory_space<vmem>>, vector<16xf32>,
    tpu.vector_store_idx %arg7[%get3A_545], %get3A_549 {add = true} : memref<1024xf32, #tpu.memory_space<vmem>>[vector<16xi32>], vector<16xf32>,
    %get3A_550 = arith.constant 4 : i32
    %get3A_551 = arith.index_cast %get3A_550 : i32 to index
    %get3A_552 = arith.constant 80 : index
    %get3A_553 = tpu.vector_load %arg5[%get3A_551, %get3A_552] {strides = array<i32>} : memref<25x128xi32, #tpu.memory_space<vmem>>, vector<16xi32>,
    %get3A_554 = arith.constant 4 : i32
    %get3A_555 = arith.index_cast %get3A_554 : i32 to index
    %get3A_556 = arith.constant 80 : index
    %get3A_557 = tpu.vector_load %arg6[%get3A_555, %get3A_556] {strides = array<i32>} : memref<25x128xf32, #tpu.memory_space<vmem>>, vector<16xf32>,
    tpu.vector_store_idx %arg7[%get3A_553], %get3A_557 {add = true} : memref<1024xf32, #tpu.memory_space<vmem>>[vector<16xi32>], vector<16xf32>,
    %get3A_558 = arith.constant 4 : i32
    %get3A_559 = arith.index_cast %get3A_558 : i32 to index
    %get3A_560 = arith.constant 96 : index
    %get3A_561 = tpu.vector_load %arg5[%get3A_559, %get3A_560] {strides = array<i32>} : memref<25x128xi32, #tpu.memory_space<vmem>>, vector<16xi32>,
    %get3A_562 = arith.constant 4 : i32
    %get3A_563 = arith.index_cast %get3A_562 : i32 to index
    %get3A_564 = arith.constant 96 : index
    %get3A_565 = tpu.vector_load %arg6[%get3A_563, %get3A_564] {strides = array<i32>} : memref<25x128xf32, #tpu.memory_space<vmem>>, vector<16xf32>,
    tpu.vector_store_idx %arg7[%get3A_561], %get3A_565 {add = true} : memref<1024xf32, #tpu.memory_space<vmem>>[vector<16xi32>], vector<16xf32>,
    %get3A_566 = arith.constant 4 : i32
    %get3A_567 = arith.index_cast %get3A_566 : i32 to index
    %get3A_568 = arith.constant 112 : index
    %get3A_569 = tpu.vector_load %arg5[%get3A_567, %get3A_568] {strides = array<i32>} : memref<25x128xi32, #tpu.memory_space<vmem>>, vector<16xi32>,
    %get3A_570 = arith.constant 4 : i32
    %get3A_571 = arith.index_cast %get3A_570 : i32 to index
    %get3A_572 = arith.constant 112 : index
    %get3A_573 = tpu.vector_load %arg6[%get3A_571, %get3A_572] {strides = array<i32>} : memref<25x128xf32, #tpu.memory_space<vmem>>, vector<16xf32>,
    tpu.vector_store_idx %arg7[%get3A_569], %get3A_573 {add = true} : memref<1024xf32, #tpu.memory_space<vmem>>[vector<16xi32>], vector<16xf32>,
    %get3A_574 = arith.constant 5 : i32
    %get3A_575 = arith.index_cast %get3A_574 : i32 to index
    %get3A_576 = arith.constant 0 : index
    %get3A_577 = tpu.vector_load %arg5[%get3A_575, %get3A_576] {strides = array<i32>} : memref<25x128xi32, #tpu.memory_space<vmem>>, vector<16xi32>,
    %get3A_578 = arith.constant 5 : i32
    %get3A_579 = arith.index_cast %get3A_578 : i32 to index
    %get3A_580 = arith.constant 0 : index
    %get3A_581 = tpu.vector_load %arg6[%get3A_579, %get3A_580] {strides = array<i32>} : memref<25x128xf32, #tpu.memory_space<vmem>>, vector<16xf32>,
    tpu.vector_store_idx %arg7[%get3A_577], %get3A_581 {add = true} : memref<1024xf32, #tpu.memory_space<vmem>>[vector<16xi32>], vector<16xf32>,
    %get3A_582 = arith.constant 5 : i32
    %get3A_583 = arith.index_cast %get3A_582 : i32 to index
    %get3A_584 = arith.constant 16 : index
    %get3A_585 = tpu.vector_load %arg5[%get3A_583, %get3A_584] {strides = array<i32>} : memref<25x128xi32, #tpu.memory_space<vmem>>, vector<16xi32>,
    %get3A_586 = arith.constant 5 : i32
    %get3A_587 = arith.index_cast %get3A_586 : i32 to index
    %get3A_588 = arith.constant 16 : index
    %get3A_589 = tpu.vector_load %arg6[%get3A_587, %get3A_588] {strides = array<i32>} : memref<25x128xf32, #tpu.memory_space<vmem>>, vector<16xf32>,
    tpu.vector_store_idx %arg7[%get3A_585], %get3A_589 {add = true} : memref<1024xf32, #tpu.memory_space<vmem>>[vector<16xi32>], vector<16xf32>,
    %get3A_590 = arith.constant 5 : i32
    %get3A_591 = arith.index_cast %get3A_590 : i32 to index
    %get3A_592 = arith.constant 32 : index
    %get3A_593 = tpu.vector_load %arg5[%get3A_591, %get3A_592] {strides = array<i32>} : memref<25x128xi32, #tpu.memory_space<vmem>>, vector<16xi32>,
    %get3A_594 = arith.constant 5 : i32
    %get3A_595 = arith.index_cast %get3A_594 : i32 to index
    %get3A_596 = arith.constant 32 : index
    %get3A_597 = tpu.vector_load %arg6[%get3A_595, %get3A_596] {strides = array<i32>} : memref<25x128xf32, #tpu.memory_space<vmem>>, vector<16xf32>,
    tpu.vector_store_idx %arg7[%get3A_593], %get3A_597 {add = true} : memref<1024xf32, #tpu.memory_space<vmem>>[vector<16xi32>], vector<16xf32>,
    %get3A_598 = arith.constant 5 : i32
    %get3A_599 = arith.index_cast %get3A_598 : i32 to index
    %get3A_600 = arith.constant 48 : index
    %get3A_601 = tpu.vector_load %arg5[%get3A_599, %get3A_600] {strides = array<i32>} : memref<25x128xi32, #tpu.memory_space<vmem>>, vector<16xi32>,
    %get3A_602 = arith.constant 5 : i32
    %get3A_603 = arith.index_cast %get3A_602 : i32 to index
    %get3A_604 = arith.constant 48 : index
    %get3A_605 = tpu.vector_load %arg6[%get3A_603, %get3A_604] {strides = array<i32>} : memref<25x128xf32, #tpu.memory_space<vmem>>, vector<16xf32>,
    tpu.vector_store_idx %arg7[%get3A_601], %get3A_605 {add = true} : memref<1024xf32, #tpu.memory_space<vmem>>[vector<16xi32>], vector<16xf32>,
    %get3A_606 = arith.constant 5 : i32
    %get3A_607 = arith.index_cast %get3A_606 : i32 to index
    %get3A_608 = arith.constant 64 : index
    %get3A_609 = tpu.vector_load %arg5[%get3A_607, %get3A_608] {strides = array<i32>} : memref<25x128xi32, #tpu.memory_space<vmem>>, vector<16xi32>,
    %get3A_610 = arith.constant 5 : i32
    %get3A_611 = arith.index_cast %get3A_610 : i32 to index
    %get3A_612 = arith.constant 64 : index
    %get3A_613 = tpu.vector_load %arg6[%get3A_611, %get3A_612] {strides = array<i32>} : memref<25x128xf32, #tpu.memory_space<vmem>>, vector<16xf32>,
    tpu.vector_store_idx %arg7[%get3A_609], %get3A_613 {add = true} : memref<1024xf32, #tpu.memory_space<vmem>>[vector<16xi32>], vector<16xf32>,
    %get3A_614 = arith.constant 5 : i32
    %get3A_615 = arith.index_cast %get3A_614 : i32 to index
    %get3A_616 = arith.constant 80 : index
    %get3A_617 = tpu.vector_load %arg5[%get3A_615, %get3A_616] {strides = array<i32>} : memref<25x128xi32, #tpu.memory_space<vmem>>, vector<16xi32>,
    %get3A_618 = arith.constant 5 : i32
    %get3A_619 = arith.index_cast %get3A_618 : i32 to index
    %get3A_620 = arith.constant 80 : index
    %get3A_621 = tpu.vector_load %arg6[%get3A_619, %get3A_620] {strides = array<i32>} : memref<25x128xf32, #tpu.memory_space<vmem>>, vector<16xf32>,
    tpu.vector_store_idx %arg7[%get3A_617], %get3A_621 {add = true} : memref<1024xf32, #tpu.memory_space<vmem>>[vector<16xi32>], vector<16xf32>,
    %get3A_622 = arith.constant 5 : i32
    %get3A_623 = arith.index_cast %get3A_622 : i32 to index
    %get3A_624 = arith.constant 96 : index
    %get3A_625 = tpu.vector_load %arg5[%get3A_623, %get3A_624] {strides = array<i32>} : memref<25x128xi32, #tpu.memory_space<vmem>>, vector<16xi32>,
    %get3A_626 = arith.constant 5 : i32
    %get3A_627 = arith.index_cast %get3A_626 : i32 to index
    %get3A_628 = arith.constant 96 : index
    %get3A_629 = tpu.vector_load %arg6[%get3A_627, %get3A_628] {strides = array<i32>} : memref<25x128xf32, #tpu.memory_space<vmem>>, vector<16xf32>,
    tpu.vector_store_idx %arg7[%get3A_625], %get3A_629 {add = true} : memref<1024xf32, #tpu.memory_space<vmem>>[vector<16xi32>], vector<16xf32>,
    %get3A_630 = arith.constant 5 : i32
    %get3A_631 = arith.index_cast %get3A_630 : i32 to index
    %get3A_632 = arith.constant 112 : index
    %get3A_633 = tpu.vector_load %arg5[%get3A_631, %get3A_632] {strides = array<i32>} : memref<25x128xi32, #tpu.memory_space<vmem>>, vector<16xi32>,
    %get3A_634 = arith.constant 5 : i32
    %get3A_635 = arith.index_cast %get3A_634 : i32 to index
    %get3A_636 = arith.constant 112 : index
    %get3A_637 = tpu.vector_load %arg6[%get3A_635, %get3A_636] {strides = array<i32>} : memref<25x128xf32, #tpu.memory_space<vmem>>, vector<16xf32>,
    tpu.vector_store_idx %arg7[%get3A_633], %get3A_637 {add = true} : memref<1024xf32, #tpu.memory_space<vmem>>[vector<16xi32>], vector<16xf32>,
    %get3A_638 = arith.constant 6 : i32
    %get3A_639 = arith.index_cast %get3A_638 : i32 to index
    %get3A_640 = arith.constant 0 : index
    %get3A_641 = tpu.vector_load %arg5[%get3A_639, %get3A_640] {strides = array<i32>} : memref<25x128xi32, #tpu.memory_space<vmem>>, vector<16xi32>,
    %get3A_642 = arith.constant 6 : i32
    %get3A_643 = arith.index_cast %get3A_642 : i32 to index
    %get3A_644 = arith.constant 0 : index
    %get3A_645 = tpu.vector_load %arg6[%get3A_643, %get3A_644] {strides = array<i32>} : memref<25x128xf32, #tpu.memory_space<vmem>>, vector<16xf32>,
    tpu.vector_store_idx %arg7[%get3A_641], %get3A_645 {add = true} : memref<1024xf32, #tpu.memory_space<vmem>>[vector<16xi32>], vector<16xf32>,
    %get3A_646 = arith.constant 6 : i32
    %get3A_647 = arith.index_cast %get3A_646 : i32 to index
    %get3A_648 = arith.constant 16 : index
    %get3A_649 = tpu.vector_load %arg5[%get3A_647, %get3A_648] {strides = array<i32>} : memref<25x128xi32, #tpu.memory_space<vmem>>, vector<16xi32>,
    %get3A_650 = arith.constant 6 : i32
    %get3A_651 = arith.index_cast %get3A_650 : i32 to index
    %get3A_652 = arith.constant 16 : index
    %get3A_653 = tpu.vector_load %arg6[%get3A_651, %get3A_652] {strides = array<i32>} : memref<25x128xf32, #tpu.memory_space<vmem>>, vector<16xf32>,
    tpu.vector_store_idx %arg7[%get3A_649], %get3A_653 {add = true} : memref<1024xf32, #tpu.memory_space<vmem>>[vector<16xi32>], vector<16xf32>,
    %get3A_654 = arith.constant 6 : i32
    %get3A_655 = arith.index_cast %get3A_654 : i32 to index
    %get3A_656 = arith.constant 32 : index
    %get3A_657 = tpu.vector_load %arg5[%get3A_655, %get3A_656] {strides = array<i32>} : memref<25x128xi32, #tpu.memory_space<vmem>>, vector<16xi32>,
    %get3A_658 = arith.constant 6 : i32
    %get3A_659 = arith.index_cast %get3A_658 : i32 to index
    %get3A_660 = arith.constant 32 : index
    %get3A_661 = tpu.vector_load %arg6[%get3A_659, %get3A_660] {strides = array<i32>} : memref<25x128xf32, #tpu.memory_space<vmem>>, vector<16xf32>,
    tpu.vector_store_idx %arg7[%get3A_657], %get3A_661 {add = true} : memref<1024xf32, #tpu.memory_space<vmem>>[vector<16xi32>], vector<16xf32>,
    %get3A_662 = arith.constant 6 : i32
    %get3A_663 = arith.index_cast %get3A_662 : i32 to index
    %get3A_664 = arith.constant 48 : index
    %get3A_665 = tpu.vector_load %arg5[%get3A_663, %get3A_664] {strides = array<i32>} : memref<25x128xi32, #tpu.memory_space<vmem>>, vector<16xi32>,
    %get3A_666 = arith.constant 6 : i32
    %get3A_667 = arith.index_cast %get3A_666 : i32 to index
    %get3A_668 = arith.constant 48 : index
    %get3A_669 = tpu.vector_load %arg6[%get3A_667, %get3A_668] {strides = array<i32>} : memref<25x128xf32, #tpu.memory_space<vmem>>, vector<16xf32>,
    tpu.vector_store_idx %arg7[%get3A_665], %get3A_669 {add = true} : memref<1024xf32, #tpu.memory_space<vmem>>[vector<16xi32>], vector<16xf32>,
    %get3A_670 = arith.constant 6 : i32
    %get3A_671 = arith.index_cast %get3A_670 : i32 to index
    %get3A_672 = arith.constant 64 : index
    %get3A_673 = tpu.vector_load %arg5[%get3A_671, %get3A_672] {strides = array<i32>} : memref<25x128xi32, #tpu.memory_space<vmem>>, vector<16xi32>,
    %get3A_674 = arith.constant 6 : i32
    %get3A_675 = arith.index_cast %get3A_674 : i32 to index
    %get3A_676 = arith.constant 64 : index
    %get3A_677 = tpu.vector_load %arg6[%get3A_675, %get3A_676] {strides = array<i32>} : memref<25x128xf32, #tpu.memory_space<vmem>>, vector<16xf32>,
    tpu.vector_store_idx %arg7[%get3A_673], %get3A_677 {add = true} : memref<1024xf32, #tpu.memory_space<vmem>>[vector<16xi32>], vector<16xf32>,
    %get3A_678 = arith.constant 6 : i32
    %get3A_679 = arith.index_cast %get3A_678 : i32 to index
    %get3A_680 = arith.constant 80 : index
    %get3A_681 = tpu.vector_load %arg5[%get3A_679, %get3A_680] {strides = array<i32>} : memref<25x128xi32, #tpu.memory_space<vmem>>, vector<16xi32>,
    %get3A_682 = arith.constant 6 : i32
    %get3A_683 = arith.index_cast %get3A_682 : i32 to index
    %get3A_684 = arith.constant 80 : index
    %get3A_685 = tpu.vector_load %arg6[%get3A_683, %get3A_684] {strides = array<i32>} : memref<25x128xf32, #tpu.memory_space<vmem>>, vector<16xf32>,
    tpu.vector_store_idx %arg7[%get3A_681], %get3A_685 {add = true} : memref<1024xf32, #tpu.memory_space<vmem>>[vector<16xi32>], vector<16xf32>,
    %get3A_686 = arith.constant 6 : i32
    %get3A_687 = arith.index_cast %get3A_686 : i32 to index
    %get3A_688 = arith.constant 96 : index
    %get3A_689 = tpu.vector_load %arg5[%get3A_687, %get3A_688] {strides = array<i32>} : memref<25x128xi32, #tpu.memory_space<vmem>>, vector<16xi32>,
    %get3A_690 = arith.constant 6 : i32
    %get3A_691 = arith.index_cast %get3A_690 : i32 to index
    %get3A_692 = arith.constant 96 : index
    %get3A_693 = tpu.vector_load %arg6[%get3A_691, %get3A_692] {strides = array<i32>} : memref<25x128xf32, #tpu.memory_space<vmem>>, vector<16xf32>,
    tpu.vector_store_idx %arg7[%get3A_689], %get3A_693 {add = true} : memref<1024xf32, #tpu.memory_space<vmem>>[vector<16xi32>], vector<16xf32>,
    %get3A_694 = arith.constant 6 : i32
    %get3A_695 = arith.index_cast %get3A_694 : i32 to index
    %get3A_696 = arith.constant 112 : index
    %get3A_697 = tpu.vector_load %arg5[%get3A_695, %get3A_696] {strides = array<i32>} : memref<25x128xi32, #tpu.memory_space<vmem>>, vector<16xi32>,
    %get3A_698 = arith.constant 6 : i32
    %get3A_699 = arith.index_cast %get3A_698 : i32 to index
    %get3A_700 = arith.constant 112 : index
    %get3A_701 = tpu.vector_load %arg6[%get3A_699, %get3A_700] {strides = array<i32>} : memref<25x128xf32, #tpu.memory_space<vmem>>, vector<16xf32>,
    tpu.vector_store_idx %arg7[%get3A_697], %get3A_701 {add = true} : memref<1024xf32, #tpu.memory_space<vmem>>[vector<16xi32>], vector<16xf32>,
    %get3A_702 = arith.constant 7 : i32
    %get3A_703 = arith.index_cast %get3A_702 : i32 to index
    %get3A_704 = arith.constant 0 : index
    %get3A_705 = tpu.vector_load %arg5[%get3A_703, %get3A_704] {strides = array<i32>} : memref<25x128xi32, #tpu.memory_space<vmem>>, vector<16xi32>,
    %get3A_706 = arith.constant 7 : i32
    %get3A_707 = arith.index_cast %get3A_706 : i32 to index
    %get3A_708 = arith.constant 0 : index
    %get3A_709 = tpu.vector_load %arg6[%get3A_707, %get3A_708] {strides = array<i32>} : memref<25x128xf32, #tpu.memory_space<vmem>>, vector<16xf32>,
    tpu.vector_store_idx %arg7[%get3A_705], %get3A_709 {add = true} : memref<1024xf32, #tpu.memory_space<vmem>>[vector<16xi32>], vector<16xf32>,
    %get3A_710 = arith.constant 7 : i32
    %get3A_711 = arith.index_cast %get3A_710 : i32 to index
    %get3A_712 = arith.constant 16 : index
    %get3A_713 = tpu.vector_load %arg5[%get3A_711, %get3A_712] {strides = array<i32>} : memref<25x128xi32, #tpu.memory_space<vmem>>, vector<16xi32>,
    %get3A_714 = arith.constant 7 : i32
    %get3A_715 = arith.index_cast %get3A_714 : i32 to index
    %get3A_716 = arith.constant 16 : index
    %get3A_717 = tpu.vector_load %arg6[%get3A_715, %get3A_716] {strides = array<i32>} : memref<25x128xf32, #tpu.memory_space<vmem>>, vector<16xf32>,
    tpu.vector_store_idx %arg7[%get3A_713], %get3A_717 {add = true} : memref<1024xf32, #tpu.memory_space<vmem>>[vector<16xi32>], vector<16xf32>,
    %get3A_718 = arith.constant 7 : i32
    %get3A_719 = arith.index_cast %get3A_718 : i32 to index
    %get3A_720 = arith.constant 32 : index
    %get3A_721 = tpu.vector_load %arg5[%get3A_719, %get3A_720] {strides = array<i32>} : memref<25x128xi32, #tpu.memory_space<vmem>>, vector<16xi32>,
    %get3A_722 = arith.constant 7 : i32
    %get3A_723 = arith.index_cast %get3A_722 : i32 to index
    %get3A_724 = arith.constant 32 : index
    %get3A_725 = tpu.vector_load %arg6[%get3A_723, %get3A_724] {strides = array<i32>} : memref<25x128xf32, #tpu.memory_space<vmem>>, vector<16xf32>,
    tpu.vector_store_idx %arg7[%get3A_721], %get3A_725 {add = true} : memref<1024xf32, #tpu.memory_space<vmem>>[vector<16xi32>], vector<16xf32>,
    %get3A_726 = arith.constant 7 : i32
    %get3A_727 = arith.index_cast %get3A_726 : i32 to index
    %get3A_728 = arith.constant 48 : index
    %get3A_729 = tpu.vector_load %arg5[%get3A_727, %get3A_728] {strides = array<i32>} : memref<25x128xi32, #tpu.memory_space<vmem>>, vector<16xi32>,
    %get3A_730 = arith.constant 7 : i32
    %get3A_731 = arith.index_cast %get3A_730 : i32 to index
    %get3A_732 = arith.constant 48 : index
    %get3A_733 = tpu.vector_load %arg6[%get3A_731, %get3A_732] {strides = array<i32>} : memref<25x128xf32, #tpu.memory_space<vmem>>, vector<16xf32>,
    tpu.vector_store_idx %arg7[%get3A_729], %get3A_733 {add = true} : memref<1024xf32, #tpu.memory_space<vmem>>[vector<16xi32>], vector<16xf32>,
    %get3A_734 = arith.constant 7 : i32
    %get3A_735 = arith.index_cast %get3A_734 : i32 to index
    %get3A_736 = arith.constant 64 : index
    %get3A_737 = tpu.vector_load %arg5[%get3A_735, %get3A_736] {strides = array<i32>} : memref<25x128xi32, #tpu.memory_space<vmem>>, vector<16xi32>,
    %get3A_738 = arith.constant 7 : i32
    %get3A_739 = arith.index_cast %get3A_738 : i32 to index
    %get3A_740 = arith.constant 64 : index
    %get3A_741 = tpu.vector_load %arg6[%get3A_739, %get3A_740] {strides = array<i32>} : memref<25x128xf32, #tpu.memory_space<vmem>>, vector<16xf32>,
    tpu.vector_store_idx %arg7[%get3A_737], %get3A_741 {add = true} : memref<1024xf32, #tpu.memory_space<vmem>>[vector<16xi32>], vector<16xf32>,
    %get3A_742 = arith.constant 7 : i32
    %get3A_743 = arith.index_cast %get3A_742 : i32 to index
    %get3A_744 = arith.constant 80 : index
    %get3A_745 = tpu.vector_load %arg5[%get3A_743, %get3A_744] {strides = array<i32>} : memref<25x128xi32, #tpu.memory_space<vmem>>, vector<16xi32>,
    %get3A_746 = arith.constant 7 : i32
    %get3A_747 = arith.index_cast %get3A_746 : i32 to index
    %get3A_748 = arith.constant 80 : index
    %get3A_749 = tpu.vector_load %arg6[%get3A_747, %get3A_748] {strides = array<i32>} : memref<25x128xf32, #tpu.memory_space<vmem>>, vector<16xf32>,
    tpu.vector_store_idx %arg7[%get3A_745], %get3A_749 {add = true} : memref<1024xf32, #tpu.memory_space<vmem>>[vector<16xi32>], vector<16xf32>,
    %get3A_750 = arith.constant 7 : i32
    %get3A_751 = arith.index_cast %get3A_750 : i32 to index
    %get3A_752 = arith.constant 96 : index
    %get3A_753 = tpu.vector_load %arg5[%get3A_751, %get3A_752] {strides = array<i32>} : memref<25x128xi32, #tpu.memory_space<vmem>>, vector<16xi32>,
    %get3A_754 = arith.constant 7 : i32
    %get3A_755 = arith.index_cast %get3A_754 : i32 to index
    %get3A_756 = arith.constant 96 : index
    %get3A_757 = tpu.vector_load %arg6[%get3A_755, %get3A_756] {strides = array<i32>} : memref<25x128xf32, #tpu.memory_space<vmem>>, vector<16xf32>,
    tpu.vector_store_idx %arg7[%get3A_753], %get3A_757 {add = true} : memref<1024xf32, #tpu.memory_space<vmem>>[vector<16xi32>], vector<16xf32>,
    %get3A_758 = arith.constant 7 : i32
    %get3A_759 = arith.index_cast %get3A_758 : i32 to index
    %get3A_760 = arith.constant 112 : index
    %get3A_761 = tpu.vector_load %arg5[%get3A_759, %get3A_760] {strides = array<i32>} : memref<25x128xi32, #tpu.memory_space<vmem>>, vector<16xi32>,
    %get3A_762 = arith.constant 7 : i32
    %get3A_763 = arith.index_cast %get3A_762 : i32 to index
    %get3A_764 = arith.constant 112 : index
    %get3A_765 = tpu.vector_load %arg6[%get3A_763, %get3A_764] {strides = array<i32>} : memref<25x128xf32, #tpu.memory_space<vmem>>, vector<16xf32>,
    tpu.vector_store_idx %arg7[%get3A_761], %get3A_765 {add = true} : memref<1024xf32, #tpu.memory_space<vmem>>[vector<16xi32>], vector<16xf32>,
    %get3A_766 = arith.constant 8 : i32
    %get3A_767 = arith.index_cast %get3A_766 : i32 to index
    %get3A_768 = arith.constant 0 : index
    %get3A_769 = tpu.vector_load %arg5[%get3A_767, %get3A_768] {strides = array<i32>} : memref<25x128xi32, #tpu.memory_space<vmem>>, vector<16xi32>,
    %get3A_770 = arith.constant 8 : i32
    %get3A_771 = arith.index_cast %get3A_770 : i32 to index
    %get3A_772 = arith.constant 0 : index
    %get3A_773 = tpu.vector_load %arg6[%get3A_771, %get3A_772] {strides = array<i32>} : memref<25x128xf32, #tpu.memory_space<vmem>>, vector<16xf32>,
    tpu.vector_store_idx %arg7[%get3A_769], %get3A_773 {add = true} : memref<1024xf32, #tpu.memory_space<vmem>>[vector<16xi32>], vector<16xf32>,
    %get3A_774 = arith.constant 8 : i32
    %get3A_775 = arith.index_cast %get3A_774 : i32 to index
    %get3A_776 = arith.constant 16 : index
    %get3A_777 = tpu.vector_load %arg5[%get3A_775, %get3A_776] {strides = array<i32>} : memref<25x128xi32, #tpu.memory_space<vmem>>, vector<16xi32>,
    %get3A_778 = arith.constant 8 : i32
    %get3A_779 = arith.index_cast %get3A_778 : i32 to index
    %get3A_780 = arith.constant 16 : index
    %get3A_781 = tpu.vector_load %arg6[%get3A_779, %get3A_780] {strides = array<i32>} : memref<25x128xf32, #tpu.memory_space<vmem>>, vector<16xf32>,
    tpu.vector_store_idx %arg7[%get3A_777], %get3A_781 {add = true} : memref<1024xf32, #tpu.memory_space<vmem>>[vector<16xi32>], vector<16xf32>,
    %get3A_782 = arith.constant 8 : i32
    %get3A_783 = arith.index_cast %get3A_782 : i32 to index
    %get3A_784 = arith.constant 32 : index
    %get3A_785 = tpu.vector_load %arg5[%get3A_783, %get3A_784] {strides = array<i32>} : memref<25x128xi32, #tpu.memory_space<vmem>>, vector<16xi32>,
    %get3A_786 = arith.constant 8 : i32
    %get3A_787 = arith.index_cast %get3A_786 : i32 to index
    %get3A_788 = arith.constant 32 : index
    %get3A_789 = tpu.vector_load %arg6[%get3A_787, %get3A_788] {strides = array<i32>} : memref<25x128xf32, #tpu.memory_space<vmem>>, vector<16xf32>,
    tpu.vector_store_idx %arg7[%get3A_785], %get3A_789 {add = true} : memref<1024xf32, #tpu.memory_space<vmem>>[vector<16xi32>], vector<16xf32>,
    %get3A_790 = arith.constant 8 : i32
    %get3A_791 = arith.index_cast %get3A_790 : i32 to index
    %get3A_792 = arith.constant 48 : index
    %get3A_793 = tpu.vector_load %arg5[%get3A_791, %get3A_792] {strides = array<i32>} : memref<25x128xi32, #tpu.memory_space<vmem>>, vector<16xi32>,
    %get3A_794 = arith.constant 8 : i32
    %get3A_795 = arith.index_cast %get3A_794 : i32 to index
    %get3A_796 = arith.constant 48 : index
    %get3A_797 = tpu.vector_load %arg6[%get3A_795, %get3A_796] {strides = array<i32>} : memref<25x128xf32, #tpu.memory_space<vmem>>, vector<16xf32>,
    tpu.vector_store_idx %arg7[%get3A_793], %get3A_797 {add = true} : memref<1024xf32, #tpu.memory_space<vmem>>[vector<16xi32>], vector<16xf32>,
    %get3A_798 = arith.constant 8 : i32
    %get3A_799 = arith.index_cast %get3A_798 : i32 to index
    %get3A_800 = arith.constant 64 : index
    %get3A_801 = tpu.vector_load %arg5[%get3A_799, %get3A_800] {strides = array<i32>} : memref<25x128xi32, #tpu.memory_space<vmem>>, vector<16xi32>,
    %get3A_802 = arith.constant 8 : i32
    %get3A_803 = arith.index_cast %get3A_802 : i32 to index
    %get3A_804 = arith.constant 64 : index
    %get3A_805 = tpu.vector_load %arg6[%get3A_803, %get3A_804] {strides = array<i32>} : memref<25x128xf32, #tpu.memory_space<vmem>>, vector<16xf32>,
    tpu.vector_store_idx %arg7[%get3A_801], %get3A_805 {add = true} : memref<1024xf32, #tpu.memory_space<vmem>>[vector<16xi32>], vector<16xf32>,
    %get3A_806 = arith.constant 8 : i32
    %get3A_807 = arith.index_cast %get3A_806 : i32 to index
    %get3A_808 = arith.constant 80 : index
    %get3A_809 = tpu.vector_load %arg5[%get3A_807, %get3A_808] {strides = array<i32>} : memref<25x128xi32, #tpu.memory_space<vmem>>, vector<16xi32>,
    %get3A_810 = arith.constant 8 : i32
    %get3A_811 = arith.index_cast %get3A_810 : i32 to index
    %get3A_812 = arith.constant 80 : index
    %get3A_813 = tpu.vector_load %arg6[%get3A_811, %get3A_812] {strides = array<i32>} : memref<25x128xf32, #tpu.memory_space<vmem>>, vector<16xf32>,
    tpu.vector_store_idx %arg7[%get3A_809], %get3A_813 {add = true} : memref<1024xf32, #tpu.memory_space<vmem>>[vector<16xi32>], vector<16xf32>,
    %get3A_814 = arith.constant 8 : i32
    %get3A_815 = arith.index_cast %get3A_814 : i32 to index
    %get3A_816 = arith.constant 96 : index
    %get3A_817 = tpu.vector_load %arg5[%get3A_815, %get3A_816] {strides = array<i32>} : memref<25x128xi32, #tpu.memory_space<vmem>>, vector<16xi32>,
    %get3A_818 = arith.constant 8 : i32
    %get3A_819 = arith.index_cast %get3A_818 : i32 to index
    %get3A_820 = arith.constant 96 : index
    %get3A_821 = tpu.vector_load %arg6[%get3A_819, %get3A_820] {strides = array<i32>} : memref<25x128xf32, #tpu.memory_space<vmem>>, vector<16xf32>,
    tpu.vector_store_idx %arg7[%get3A_817], %get3A_821 {add = true} : memref<1024xf32, #tpu.memory_space<vmem>>[vector<16xi32>], vector<16xf32>,
    %get3A_822 = arith.constant 8 : i32
    %get3A_823 = arith.index_cast %get3A_822 : i32 to index
    %get3A_824 = arith.constant 112 : index
    %get3A_825 = tpu.vector_load %arg5[%get3A_823, %get3A_824] {strides = array<i32>} : memref<25x128xi32, #tpu.memory_space<vmem>>, vector<16xi32>,
    %get3A_826 = arith.constant 8 : i32
    %get3A_827 = arith.index_cast %get3A_826 : i32 to index
    %get3A_828 = arith.constant 112 : index
    %get3A_829 = tpu.vector_load %arg6[%get3A_827, %get3A_828] {strides = array<i32>} : memref<25x128xf32, #tpu.memory_space<vmem>>, vector<16xf32>,
    tpu.vector_store_idx %arg7[%get3A_825], %get3A_829 {add = true} : memref<1024xf32, #tpu.memory_space<vmem>>[vector<16xi32>], vector<16xf32>,
    %get3A_830 = arith.constant 9 : i32
    %get3A_831 = arith.index_cast %get3A_830 : i32 to index
    %get3A_832 = arith.constant 0 : index
    %get3A_833 = tpu.vector_load %arg5[%get3A_831, %get3A_832] {strides = array<i32>} : memref<25x128xi32, #tpu.memory_space<vmem>>, vector<16xi32>,
    %get3A_834 = arith.constant 9 : i32
    %get3A_835 = arith.index_cast %get3A_834 : i32 to index
    %get3A_836 = arith.constant 0 : index
    %get3A_837 = tpu.vector_load %arg6[%get3A_835, %get3A_836] {strides = array<i32>} : memref<25x128xf32, #tpu.memory_space<vmem>>, vector<16xf32>,
    tpu.vector_store_idx %arg7[%get3A_833], %get3A_837 {add = true} : memref<1024xf32, #tpu.memory_space<vmem>>[vector<16xi32>], vector<16xf32>,
    %get3A_838 = arith.constant 9 : i32
    %get3A_839 = arith.index_cast %get3A_838 : i32 to index
    %get3A_840 = arith.constant 16 : index
    %get3A_841 = tpu.vector_load %arg5[%get3A_839, %get3A_840] {strides = array<i32>} : memref<25x128xi32, #tpu.memory_space<vmem>>, vector<16xi32>,
    %get3A_842 = arith.constant 9 : i32
    %get3A_843 = arith.index_cast %get3A_842 : i32 to index
    %get3A_844 = arith.constant 16 : index
    %get3A_845 = tpu.vector_load %arg6[%get3A_843, %get3A_844] {strides = array<i32>} : memref<25x128xf32, #tpu.memory_space<vmem>>, vector<16xf32>,
    tpu.vector_store_idx %arg7[%get3A_841], %get3A_845 {add = true} : memref<1024xf32, #tpu.memory_space<vmem>>[vector<16xi32>], vector<16xf32>,
    %get3A_846 = arith.constant 9 : i32
    %get3A_847 = arith.index_cast %get3A_846 : i32 to index
    %get3A_848 = arith.constant 32 : index
    %get3A_849 = tpu.vector_load %arg5[%get3A_847, %get3A_848] {strides = array<i32>} : memref<25x128xi32, #tpu.memory_space<vmem>>, vector<16xi32>,
    %get3A_850 = arith.constant 9 : i32
    %get3A_851 = arith.index_cast %get3A_850 : i32 to index
    %get3A_852 = arith.constant 32 : index
    %get3A_853 = tpu.vector_load %arg6[%get3A_851, %get3A_852] {strides = array<i32>} : memref<25x128xf32, #tpu.memory_space<vmem>>, vector<16xf32>,
    tpu.vector_store_idx %arg7[%get3A_849], %get3A_853 {add = true} : memref<1024xf32, #tpu.memory_space<vmem>>[vector<16xi32>], vector<16xf32>,
    %get3A_854 = arith.constant 9 : i32
    %get3A_855 = arith.index_cast %get3A_854 : i32 to index
    %get3A_856 = arith.constant 48 : index
    %get3A_857 = tpu.vector_load %arg5[%get3A_855, %get3A_856] {strides = array<i32>} : memref<25x128xi32, #tpu.memory_space<vmem>>, vector<16xi32>,
    %get3A_858 = arith.constant 9 : i32
    %get3A_859 = arith.index_cast %get3A_858 : i32 to index
    %get3A_860 = arith.constant 48 : index
    %get3A_861 = tpu.vector_load %arg6[%get3A_859, %get3A_860] {strides = array<i32>} : memref<25x128xf32, #tpu.memory_space<vmem>>, vector<16xf32>,
    tpu.vector_store_idx %arg7[%get3A_857], %get3A_861 {add = true} : memref<1024xf32, #tpu.memory_space<vmem>>[vector<16xi32>], vector<16xf32>,
    %get3A_862 = arith.constant 9 : i32
    %get3A_863 = arith.index_cast %get3A_862 : i32 to index
    %get3A_864 = arith.constant 64 : index
    %get3A_865 = tpu.vector_load %arg5[%get3A_863, %get3A_864] {strides = array<i32>} : memref<25x128xi32, #tpu.memory_space<vmem>>, vector<16xi32>,
    %get3A_866 = arith.constant 9 : i32
    %get3A_867 = arith.index_cast %get3A_866 : i32 to index
    %get3A_868 = arith.constant 64 : index
    %get3A_869 = tpu.vector_load %arg6[%get3A_867, %get3A_868] {strides = array<i32>} : memref<25x128xf32, #tpu.memory_space<vmem>>, vector<16xf32>,
    tpu.vector_store_idx %arg7[%get3A_865], %get3A_869 {add = true} : memref<1024xf32, #tpu.memory_space<vmem>>[vector<16xi32>], vector<16xf32>,
    %get3A_870 = arith.constant 9 : i32
    %get3A_871 = arith.index_cast %get3A_870 : i32 to index
    %get3A_872 = arith.constant 80 : index
    %get3A_873 = tpu.vector_load %arg5[%get3A_871, %get3A_872] {strides = array<i32>} : memref<25x128xi32, #tpu.memory_space<vmem>>, vector<16xi32>,
    %get3A_874 = arith.constant 9 : i32
    %get3A_875 = arith.index_cast %get3A_874 : i32 to index
    %get3A_876 = arith.constant 80 : index
    %get3A_877 = tpu.vector_load %arg6[%get3A_875, %get3A_876] {strides = array<i32>} : memref<25x128xf32, #tpu.memory_space<vmem>>, vector<16xf32>,
    tpu.vector_store_idx %arg7[%get3A_873], %get3A_877 {add = true} : memref<1024xf32, #tpu.memory_space<vmem>>[vector<16xi32>], vector<16xf32>,
    %get3A_878 = arith.constant 9 : i32
    %get3A_879 = arith.index_cast %get3A_878 : i32 to index
    %get3A_880 = arith.constant 96 : index
    %get3A_881 = tpu.vector_load %arg5[%get3A_879, %get3A_880] {strides = array<i32>} : memref<25x128xi32, #tpu.memory_space<vmem>>, vector<16xi32>,
    %get3A_882 = arith.constant 9 : i32
    %get3A_883 = arith.index_cast %get3A_882 : i32 to index
    %get3A_884 = arith.constant 96 : index
    %get3A_885 = tpu.vector_load %arg6[%get3A_883, %get3A_884] {strides = array<i32>} : memref<25x128xf32, #tpu.memory_space<vmem>>, vector<16xf32>,
    tpu.vector_store_idx %arg7[%get3A_881], %get3A_885 {add = true} : memref<1024xf32, #tpu.memory_space<vmem>>[vector<16xi32>], vector<16xf32>,
    %get3A_886 = arith.constant 9 : i32
    %get3A_887 = arith.index_cast %get3A_886 : i32 to index
    %get3A_888 = arith.constant 112 : index
    %get3A_889 = tpu.vector_load %arg5[%get3A_887, %get3A_888] {strides = array<i32>} : memref<25x128xi32, #tpu.memory_space<vmem>>, vector<16xi32>,
    %get3A_890 = arith.constant 9 : i32
    %get3A_891 = arith.index_cast %get3A_890 : i32 to index
    %get3A_892 = arith.constant 112 : index
    %get3A_893 = tpu.vector_load %arg6[%get3A_891, %get3A_892] {strides = array<i32>} : memref<25x128xf32, #tpu.memory_space<vmem>>, vector<16xf32>,
    tpu.vector_store_idx %arg7[%get3A_889], %get3A_893 {add = true} : memref<1024xf32, #tpu.memory_space<vmem>>[vector<16xi32>], vector<16xf32>,
    %get3A_894 = arith.constant 10 : i32
    %get3A_895 = arith.index_cast %get3A_894 : i32 to index
    %get3A_896 = arith.constant 0 : index
    %get3A_897 = tpu.vector_load %arg5[%get3A_895, %get3A_896] {strides = array<i32>} : memref<25x128xi32, #tpu.memory_space<vmem>>, vector<16xi32>,
    %get3A_898 = arith.constant 10 : i32
    %get3A_899 = arith.index_cast %get3A_898 : i32 to index
    %get3A_900 = arith.constant 0 : index
    %get3A_901 = tpu.vector_load %arg6[%get3A_899, %get3A_900] {strides = array<i32>} : memref<25x128xf32, #tpu.memory_space<vmem>>, vector<16xf32>,
    tpu.vector_store_idx %arg7[%get3A_897], %get3A_901 {add = true} : memref<1024xf32, #tpu.memory_space<vmem>>[vector<16xi32>], vector<16xf32>,
    %get3A_902 = arith.constant 10 : i32
    %get3A_903 = arith.index_cast %get3A_902 : i32 to index
    %get3A_904 = arith.constant 16 : index
    %get3A_905 = tpu.vector_load %arg5[%get3A_903, %get3A_904] {strides = array<i32>} : memref<25x128xi32, #tpu.memory_space<vmem>>, vector<16xi32>,
    %get3A_906 = arith.constant 10 : i32
    %get3A_907 = arith.index_cast %get3A_906 : i32 to index
    %get3A_908 = arith.constant 16 : index
    %get3A_909 = tpu.vector_load %arg6[%get3A_907, %get3A_908] {strides = array<i32>} : memref<25x128xf32, #tpu.memory_space<vmem>>, vector<16xf32>,
    tpu.vector_store_idx %arg7[%get3A_905], %get3A_909 {add = true} : memref<1024xf32, #tpu.memory_space<vmem>>[vector<16xi32>], vector<16xf32>,
    %get3A_910 = arith.constant 10 : i32
    %get3A_911 = arith.index_cast %get3A_910 : i32 to index
    %get3A_912 = arith.constant 32 : index
    %get3A_913 = tpu.vector_load %arg5[%get3A_911, %get3A_912] {strides = array<i32>} : memref<25x128xi32, #tpu.memory_space<vmem>>, vector<16xi32>,
    %get3A_914 = arith.constant 10 : i32
    %get3A_915 = arith.index_cast %get3A_914 : i32 to index
    %get3A_916 = arith.constant 32 : index
    %get3A_917 = tpu.vector_load %arg6[%get3A_915, %get3A_916] {strides = array<i32>} : memref<25x128xf32, #tpu.memory_space<vmem>>, vector<16xf32>,
    tpu.vector_store_idx %arg7[%get3A_913], %get3A_917 {add = true} : memref<1024xf32, #tpu.memory_space<vmem>>[vector<16xi32>], vector<16xf32>,
    %get3A_918 = arith.constant 10 : i32
    %get3A_919 = arith.index_cast %get3A_918 : i32 to index
    %get3A_920 = arith.constant 48 : index
    %get3A_921 = tpu.vector_load %arg5[%get3A_919, %get3A_920] {strides = array<i32>} : memref<25x128xi32, #tpu.memory_space<vmem>>, vector<16xi32>,
    %get3A_922 = arith.constant 10 : i32
    %get3A_923 = arith.index_cast %get3A_922 : i32 to index
    %get3A_924 = arith.constant 48 : index
    %get3A_925 = tpu.vector_load %arg6[%get3A_923, %get3A_924] {strides = array<i32>} : memref<25x128xf32, #tpu.memory_space<vmem>>, vector<16xf32>,
    tpu.vector_store_idx %arg7[%get3A_921], %get3A_925 {add = true} : memref<1024xf32, #tpu.memory_space<vmem>>[vector<16xi32>], vector<16xf32>,
    %get3A_926 = arith.constant 10 : i32
    %get3A_927 = arith.index_cast %get3A_926 : i32 to index
    %get3A_928 = arith.constant 64 : index
    %get3A_929 = tpu.vector_load %arg5[%get3A_927, %get3A_928] {strides = array<i32>} : memref<25x128xi32, #tpu.memory_space<vmem>>, vector<16xi32>,
    %get3A_930 = arith.constant 10 : i32
    %get3A_931 = arith.index_cast %get3A_930 : i32 to index
    %get3A_932 = arith.constant 64 : index
    %get3A_933 = tpu.vector_load %arg6[%get3A_931, %get3A_932] {strides = array<i32>} : memref<25x128xf32, #tpu.memory_space<vmem>>, vector<16xf32>,
    tpu.vector_store_idx %arg7[%get3A_929], %get3A_933 {add = true} : memref<1024xf32, #tpu.memory_space<vmem>>[vector<16xi32>], vector<16xf32>,
    %get3A_934 = arith.constant 10 : i32
    %get3A_935 = arith.index_cast %get3A_934 : i32 to index
    %get3A_936 = arith.constant 80 : index
    %get3A_937 = tpu.vector_load %arg5[%get3A_935, %get3A_936] {strides = array<i32>} : memref<25x128xi32, #tpu.memory_space<vmem>>, vector<16xi32>,
    %get3A_938 = arith.constant 10 : i32
    %get3A_939 = arith.index_cast %get3A_938 : i32 to index
    %get3A_940 = arith.constant 80 : index
    %get3A_941 = tpu.vector_load %arg6[%get3A_939, %get3A_940] {strides = array<i32>} : memref<25x128xf32, #tpu.memory_space<vmem>>, vector<16xf32>,
    tpu.vector_store_idx %arg7[%get3A_937], %get3A_941 {add = true} : memref<1024xf32, #tpu.memory_space<vmem>>[vector<16xi32>], vector<16xf32>,
    %get3A_942 = arith.constant 10 : i32
    %get3A_943 = arith.index_cast %get3A_942 : i32 to index
    %get3A_944 = arith.constant 96 : index
    %get3A_945 = tpu.vector_load %arg5[%get3A_943, %get3A_944] {strides = array<i32>} : memref<25x128xi32, #tpu.memory_space<vmem>>, vector<16xi32>,
    %get3A_946 = arith.constant 10 : i32
    %get3A_947 = arith.index_cast %get3A_946 : i32 to index
    %get3A_948 = arith.constant 96 : index
    %get3A_949 = tpu.vector_load %arg6[%get3A_947, %get3A_948] {strides = array<i32>} : memref<25x128xf32, #tpu.memory_space<vmem>>, vector<16xf32>,
    tpu.vector_store_idx %arg7[%get3A_945], %get3A_949 {add = true} : memref<1024xf32, #tpu.memory_space<vmem>>[vector<16xi32>], vector<16xf32>,
    %get3A_950 = arith.constant 10 : i32
    %get3A_951 = arith.index_cast %get3A_950 : i32 to index
    %get3A_952 = arith.constant 112 : index
    %get3A_953 = tpu.vector_load %arg5[%get3A_951, %get3A_952] {strides = array<i32>} : memref<25x128xi32, #tpu.memory_space<vmem>>, vector<16xi32>,
    %get3A_954 = arith.constant 10 : i32
    %get3A_955 = arith.index_cast %get3A_954 : i32 to index
    %get3A_956 = arith.constant 112 : index
    %get3A_957 = tpu.vector_load %arg6[%get3A_955, %get3A_956] {strides = array<i32>} : memref<25x128xf32, #tpu.memory_space<vmem>>, vector<16xf32>,
    tpu.vector_store_idx %arg7[%get3A_953], %get3A_957 {add = true} : memref<1024xf32, #tpu.memory_space<vmem>>[vector<16xi32>], vector<16xf32>,
    %get3A_958 = arith.constant 11 : i32
    %get3A_959 = arith.index_cast %get3A_958 : i32 to index
    %get3A_960 = arith.constant 0 : index
    %get3A_961 = tpu.vector_load %arg5[%get3A_959, %get3A_960] {strides = array<i32>} : memref<25x128xi32, #tpu.memory_space<vmem>>, vector<16xi32>,
    %get3A_962 = arith.constant 11 : i32
    %get3A_963 = arith.index_cast %get3A_962 : i32 to index
    %get3A_964 = arith.constant 0 : index
    %get3A_965 = tpu.vector_load %arg6[%get3A_963, %get3A_964] {strides = array<i32>} : memref<25x128xf32, #tpu.memory_space<vmem>>, vector<16xf32>,
    tpu.vector_store_idx %arg7[%get3A_961], %get3A_965 {add = true} : memref<1024xf32, #tpu.memory_space<vmem>>[vector<16xi32>], vector<16xf32>,
    %get3A_966 = arith.constant 11 : i32
    %get3A_967 = arith.index_cast %get3A_966 : i32 to index
    %get3A_968 = arith.constant 16 : index
    %get3A_969 = tpu.vector_load %arg5[%get3A_967, %get3A_968] {strides = array<i32>} : memref<25x128xi32, #tpu.memory_space<vmem>>, vector<16xi32>,
    %get3A_970 = arith.constant 11 : i32
    %get3A_971 = arith.index_cast %get3A_970 : i32 to index
    %get3A_972 = arith.constant 16 : index
    %get3A_973 = tpu.vector_load %arg6[%get3A_971, %get3A_972] {strides = array<i32>} : memref<25x128xf32, #tpu.memory_space<vmem>>, vector<16xf32>,
    tpu.vector_store_idx %arg7[%get3A_969], %get3A_973 {add = true} : memref<1024xf32, #tpu.memory_space<vmem>>[vector<16xi32>], vector<16xf32>,
    %get3A_974 = arith.constant 11 : i32
    %get3A_975 = arith.index_cast %get3A_974 : i32 to index
    %get3A_976 = arith.constant 32 : index
    %get3A_977 = tpu.vector_load %arg5[%get3A_975, %get3A_976] {strides = array<i32>} : memref<25x128xi32, #tpu.memory_space<vmem>>, vector<16xi32>,
    %get3A_978 = arith.constant 11 : i32
    %get3A_979 = arith.index_cast %get3A_978 : i32 to index
    %get3A_980 = arith.constant 32 : index
    %get3A_981 = tpu.vector_load %arg6[%get3A_979, %get3A_980] {strides = array<i32>} : memref<25x128xf32, #tpu.memory_space<vmem>>, vector<16xf32>,
    tpu.vector_store_idx %arg7[%get3A_977], %get3A_981 {add = true} : memref<1024xf32, #tpu.memory_space<vmem>>[vector<16xi32>], vector<16xf32>,
    %get3A_982 = arith.constant 11 : i32
    %get3A_983 = arith.index_cast %get3A_982 : i32 to index
    %get3A_984 = arith.constant 48 : index
    %get3A_985 = tpu.vector_load %arg5[%get3A_983, %get3A_984] {strides = array<i32>} : memref<25x128xi32, #tpu.memory_space<vmem>>, vector<16xi32>,
    %get3A_986 = arith.constant 11 : i32
    %get3A_987 = arith.index_cast %get3A_986 : i32 to index
    %get3A_988 = arith.constant 48 : index
    %get3A_989 = tpu.vector_load %arg6[%get3A_987, %get3A_988] {strides = array<i32>} : memref<25x128xf32, #tpu.memory_space<vmem>>, vector<16xf32>,
    tpu.vector_store_idx %arg7[%get3A_985], %get3A_989 {add = true} : memref<1024xf32, #tpu.memory_space<vmem>>[vector<16xi32>], vector<16xf32>,
    %get3A_990 = arith.constant 11 : i32
    %get3A_991 = arith.index_cast %get3A_990 : i32 to index
    %get3A_992 = arith.constant 64 : index
    %get3A_993 = tpu.vector_load %arg5[%get3A_991, %get3A_992] {strides = array<i32>} : memref<25x128xi32, #tpu.memory_space<vmem>>, vector<16xi32>,
    %get3A_994 = arith.constant 11 : i32
    %get3A_995 = arith.index_cast %get3A_994 : i32 to index
    %get3A_996 = arith.constant 64 : index
    %get3A_997 = tpu.vector_load %arg6[%get3A_995, %get3A_996] {strides = array<i32>} : memref<25x128xf32, #tpu.memory_space<vmem>>, vector<16xf32>,
    tpu.vector_store_idx %arg7[%get3A_993], %get3A_997 {add = true} : memref<1024xf32, #tpu.memory_space<vmem>>[vector<16xi32>], vector<16xf32>,
    %get3A_998 = arith.constant 11 : i32
    %get3A_999 = arith.index_cast %get3A_998 : i32 to index
    %get3A_1000 = arith.constant 80 : index
    %get3A_1001 = tpu.vector_load %arg5[%get3A_999, %get3A_1000] {strides = array<i32>} : memref<25x128xi32, #tpu.memory_space<vmem>>, vector<16xi32>,
    %get3A_1002 = arith.constant 11 : i32
    %get3A_1003 = arith.index_cast %get3A_1002 : i32 to index
    %get3A_1004 = arith.constant 80 : index
    %get3A_1005 = tpu.vector_load %arg6[%get3A_1003, %get3A_1004] {strides = array<i32>} : memref<25x128xf32, #tpu.memory_space<vmem>>, vector<16xf32>,
    tpu.vector_store_idx %arg7[%get3A_1001], %get3A_1005 {add = true} : memref<1024xf32, #tpu.memory_space<vmem>>[vector<16xi32>], vector<16xf32>,
    %get3A_1006 = arith.constant 11 : i32
    %get3A_1007 = arith.index_cast %get3A_1006 : i32 to index
    %get3A_1008 = arith.constant 96 : index
    %get3A_1009 = tpu.vector_load %arg5[%get3A_1007, %get3A_1008] {strides = array<i32>} : memref<25x128xi32, #tpu.memory_space<vmem>>, vector<16xi32>,
    %get3A_1010 = arith.constant 11 : i32
    %get3A_1011 = arith.index_cast %get3A_1010 : i32 to index
    %get3A_1012 = arith.constant 96 : index
    %get3A_1013 = tpu.vector_load %arg6[%get3A_1011, %get3A_1012] {strides = array<i32>} : memref<25x128xf32, #tpu.memory_space<vmem>>, vector<16xf32>,
    tpu.vector_store_idx %arg7[%get3A_1009], %get3A_1013 {add = true} : memref<1024xf32, #tpu.memory_space<vmem>>[vector<16xi32>], vector<16xf32>,
    %get3A_1014 = arith.constant 11 : i32
    %get3A_1015 = arith.index_cast %get3A_1014 : i32 to index
    %get3A_1016 = arith.constant 112 : index
    %get3A_1017 = tpu.vector_load %arg5[%get3A_1015, %get3A_1016] {strides = array<i32>} : memref<25x128xi32, #tpu.memory_space<vmem>>, vector<16xi32>,
    %get3A_1018 = arith.constant 11 : i32
    %get3A_1019 = arith.index_cast %get3A_1018 : i32 to index
    %get3A_1020 = arith.constant 112 : index
    %get3A_1021 = tpu.vector_load %arg6[%get3A_1019, %get3A_1020] {strides = array<i32>} : memref<25x128xf32, #tpu.memory_space<vmem>>, vector<16xf32>,
    tpu.vector_store_idx %arg7[%get3A_1017], %get3A_1021 {add = true} : memref<1024xf32, #tpu.memory_space<vmem>>[vector<16xi32>], vector<16xf32>,
    %get3A_1022 = arith.constant 12 : i32
    %get3A_1023 = arith.index_cast %get3A_1022 : i32 to index
    %get3A_1024 = arith.constant 0 : index
    %get3A_1025 = tpu.vector_load %arg5[%get3A_1023, %get3A_1024] {strides = array<i32>} : memref<25x128xi32, #tpu.memory_space<vmem>>, vector<16xi32>,
    %get3A_1026 = arith.constant 12 : i32
    %get3A_1027 = arith.index_cast %get3A_1026 : i32 to index
    %get3A_1028 = arith.constant 0 : index
    %get3A_1029 = tpu.vector_load %arg6[%get3A_1027, %get3A_1028] {strides = array<i32>} : memref<25x128xf32, #tpu.memory_space<vmem>>, vector<16xf32>,
    tpu.vector_store_idx %arg7[%get3A_1025], %get3A_1029 {add = true} : memref<1024xf32, #tpu.memory_space<vmem>>[vector<16xi32>], vector<16xf32>,
    %get3A_1030 = arith.constant 12 : i32
    %get3A_1031 = arith.index_cast %get3A_1030 : i32 to index
    %get3A_1032 = arith.constant 16 : index
    %get3A_1033 = tpu.vector_load %arg5[%get3A_1031, %get3A_1032] {strides = array<i32>} : memref<25x128xi32, #tpu.memory_space<vmem>>, vector<16xi32>,
    %get3A_1034 = arith.constant 12 : i32
    %get3A_1035 = arith.index_cast %get3A_1034 : i32 to index
    %get3A_1036 = arith.constant 16 : index
    %get3A_1037 = tpu.vector_load %arg6[%get3A_1035, %get3A_1036] {strides = array<i32>} : memref<25x128xf32, #tpu.memory_space<vmem>>, vector<16xf32>,
    tpu.vector_store_idx %arg7[%get3A_1033], %get3A_1037 {add = true} : memref<1024xf32, #tpu.memory_space<vmem>>[vector<16xi32>], vector<16xf32>,
    %get3A_1038 = arith.constant 12 : i32
    %get3A_1039 = arith.index_cast %get3A_1038 : i32 to index
    %get3A_1040 = arith.constant 32 : index
    %get3A_1041 = tpu.vector_load %arg5[%get3A_1039, %get3A_1040] {strides = array<i32>} : memref<25x128xi32, #tpu.memory_space<vmem>>, vector<16xi32>,
    %get3A_1042 = arith.constant 12 : i32
    %get3A_1043 = arith.index_cast %get3A_1042 : i32 to index
    %get3A_1044 = arith.constant 32 : index
    %get3A_1045 = tpu.vector_load %arg6[%get3A_1043, %get3A_1044] {strides = array<i32>} : memref<25x128xf32, #tpu.memory_space<vmem>>, vector<16xf32>,
    tpu.vector_store_idx %arg7[%get3A_1041], %get3A_1045 {add = true} : memref<1024xf32, #tpu.memory_space<vmem>>[vector<16xi32>], vector<16xf32>,
    %get3A_1046 = arith.constant 12 : i32
    %get3A_1047 = arith.index_cast %get3A_1046 : i32 to index
    %get3A_1048 = arith.constant 48 : index
    %get3A_1049 = tpu.vector_load %arg5[%get3A_1047, %get3A_1048] {strides = array<i32>} : memref<25x128xi32, #tpu.memory_space<vmem>>, vector<16xi32>,
    %get3A_1050 = arith.constant 12 : i32
    %get3A_1051 = arith.index_cast %get3A_1050 : i32 to index
    %get3A_1052 = arith.constant 48 : index
    %get3A_1053 = tpu.vector_load %arg6[%get3A_1051, %get3A_1052] {strides = array<i32>} : memref<25x128xf32, #tpu.memory_space<vmem>>, vector<16xf32>,
    tpu.vector_store_idx %arg7[%get3A_1049], %get3A_1053 {add = true} : memref<1024xf32, #tpu.memory_space<vmem>>[vector<16xi32>], vector<16xf32>,
    %get3A_1054 = arith.constant 12 : i32
    %get3A_1055 = arith.index_cast %get3A_1054 : i32 to index
    %get3A_1056 = arith.constant 64 : index
    %get3A_1057 = tpu.vector_load %arg5[%get3A_1055, %get3A_1056] {strides = array<i32>} : memref<25x128xi32, #tpu.memory_space<vmem>>, vector<16xi32>,
    %get3A_1058 = arith.constant 12 : i32
    %get3A_1059 = arith.index_cast %get3A_1058 : i32 to index
    %get3A_1060 = arith.constant 64 : index
    %get3A_1061 = tpu.vector_load %arg6[%get3A_1059, %get3A_1060] {strides = array<i32>} : memref<25x128xf32, #tpu.memory_space<vmem>>, vector<16xf32>,
    tpu.vector_store_idx %arg7[%get3A_1057], %get3A_1061 {add = true} : memref<1024xf32, #tpu.memory_space<vmem>>[vector<16xi32>], vector<16xf32>,
    %get3A_1062 = arith.constant 12 : i32
    %get3A_1063 = arith.index_cast %get3A_1062 : i32 to index
    %get3A_1064 = arith.constant 80 : index
    %get3A_1065 = tpu.vector_load %arg5[%get3A_1063, %get3A_1064] {strides = array<i32>} : memref<25x128xi32, #tpu.memory_space<vmem>>, vector<16xi32>,
    %get3A_1066 = arith.constant 12 : i32
    %get3A_1067 = arith.index_cast %get3A_1066 : i32 to index
    %get3A_1068 = arith.constant 80 : index
    %get3A_1069 = tpu.vector_load %arg6[%get3A_1067, %get3A_1068] {strides = array<i32>} : memref<25x128xf32, #tpu.memory_space<vmem>>, vector<16xf32>,
    tpu.vector_store_idx %arg7[%get3A_1065], %get3A_1069 {add = true} : memref<1024xf32, #tpu.memory_space<vmem>>[vector<16xi32>], vector<16xf32>,
    %get3A_1070 = arith.constant 12 : i32
    %get3A_1071 = arith.index_cast %get3A_1070 : i32 to index
    %get3A_1072 = arith.constant 96 : index
    %get3A_1073 = tpu.vector_load %arg5[%get3A_1071, %get3A_1072] {strides = array<i32>} : memref<25x128xi32, #tpu.memory_space<vmem>>, vector<16xi32>,
    %get3A_1074 = arith.constant 12 : i32
    %get3A_1075 = arith.index_cast %get3A_1074 : i32 to index
    %get3A_1076 = arith.constant 96 : index
    %get3A_1077 = tpu.vector_load %arg6[%get3A_1075, %get3A_1076] {strides = array<i32>} : memref<25x128xf32, #tpu.memory_space<vmem>>, vector<16xf32>,
    tpu.vector_store_idx %arg7[%get3A_1073], %get3A_1077 {add = true} : memref<1024xf32, #tpu.memory_space<vmem>>[vector<16xi32>], vector<16xf32>,
    %get3A_1078 = arith.constant 12 : i32
    %get3A_1079 = arith.index_cast %get3A_1078 : i32 to index
    %get3A_1080 = arith.constant 112 : index
    %get3A_1081 = tpu.vector_load %arg5[%get3A_1079, %get3A_1080] {strides = array<i32>} : memref<25x128xi32, #tpu.memory_space<vmem>>, vector<16xi32>,
    %get3A_1082 = arith.constant 12 : i32
    %get3A_1083 = arith.index_cast %get3A_1082 : i32 to index
    %get3A_1084 = arith.constant 112 : index
    %get3A_1085 = tpu.vector_load %arg6[%get3A_1083, %get3A_1084] {strides = array<i32>} : memref<25x128xf32, #tpu.memory_space<vmem>>, vector<16xf32>,
    tpu.vector_store_idx %arg7[%get3A_1081], %get3A_1085 {add = true} : memref<1024xf32, #tpu.memory_space<vmem>>[vector<16xi32>], vector<16xf32>,
    %get3A_1086 = arith.constant 13 : i32
    %get3A_1087 = arith.index_cast %get3A_1086 : i32 to index
    %get3A_1088 = arith.constant 0 : index
    %get3A_1089 = tpu.vector_load %arg5[%get3A_1087, %get3A_1088] {strides = array<i32>} : memref<25x128xi32, #tpu.memory_space<vmem>>, vector<16xi32>,
    %get3A_1090 = arith.constant 13 : i32
    %get3A_1091 = arith.index_cast %get3A_1090 : i32 to index
    %get3A_1092 = arith.constant 0 : index
    %get3A_1093 = tpu.vector_load %arg6[%get3A_1091, %get3A_1092] {strides = array<i32>} : memref<25x128xf32, #tpu.memory_space<vmem>>, vector<16xf32>,
    tpu.vector_store_idx %arg7[%get3A_1089], %get3A_1093 {add = true} : memref<1024xf32, #tpu.memory_space<vmem>>[vector<16xi32>], vector<16xf32>,
    %get3A_1094 = arith.constant 13 : i32
    %get3A_1095 = arith.index_cast %get3A_1094 : i32 to index
    %get3A_1096 = arith.constant 16 : index
    %get3A_1097 = tpu.vector_load %arg5[%get3A_1095, %get3A_1096] {strides = array<i32>} : memref<25x128xi32, #tpu.memory_space<vmem>>, vector<16xi32>,
    %get3A_1098 = arith.constant 13 : i32
    %get3A_1099 = arith.index_cast %get3A_1098 : i32 to index
    %get3A_1100 = arith.constant 16 : index
    %get3A_1101 = tpu.vector_load %arg6[%get3A_1099, %get3A_1100] {strides = array<i32>} : memref<25x128xf32, #tpu.memory_space<vmem>>, vector<16xf32>,
    tpu.vector_store_idx %arg7[%get3A_1097], %get3A_1101 {add = true} : memref<1024xf32, #tpu.memory_space<vmem>>[vector<16xi32>], vector<16xf32>,
    %get3A_1102 = arith.constant 13 : i32
    %get3A_1103 = arith.index_cast %get3A_1102 : i32 to index
    %get3A_1104 = arith.constant 32 : index
    %get3A_1105 = tpu.vector_load %arg5[%get3A_1103, %get3A_1104] {strides = array<i32>} : memref<25x128xi32, #tpu.memory_space<vmem>>, vector<16xi32>,
    %get3A_1106 = arith.constant 13 : i32
    %get3A_1107 = arith.index_cast %get3A_1106 : i32 to index
    %get3A_1108 = arith.constant 32 : index
    %get3A_1109 = tpu.vector_load %arg6[%get3A_1107, %get3A_1108] {strides = array<i32>} : memref<25x128xf32, #tpu.memory_space<vmem>>, vector<16xf32>,
    tpu.vector_store_idx %arg7[%get3A_1105], %get3A_1109 {add = true} : memref<1024xf32, #tpu.memory_space<vmem>>[vector<16xi32>], vector<16xf32>,
    %get3A_1110 = arith.constant 13 : i32
    %get3A_1111 = arith.index_cast %get3A_1110 : i32 to index
    %get3A_1112 = arith.constant 48 : index
    %get3A_1113 = tpu.vector_load %arg5[%get3A_1111, %get3A_1112] {strides = array<i32>} : memref<25x128xi32, #tpu.memory_space<vmem>>, vector<16xi32>,
    %get3A_1114 = arith.constant 13 : i32
    %get3A_1115 = arith.index_cast %get3A_1114 : i32 to index
    %get3A_1116 = arith.constant 48 : index
    %get3A_1117 = tpu.vector_load %arg6[%get3A_1115, %get3A_1116] {strides = array<i32>} : memref<25x128xf32, #tpu.memory_space<vmem>>, vector<16xf32>,
    tpu.vector_store_idx %arg7[%get3A_1113], %get3A_1117 {add = true} : memref<1024xf32, #tpu.memory_space<vmem>>[vector<16xi32>], vector<16xf32>,
    %get3A_1118 = arith.constant 13 : i32
    %get3A_1119 = arith.index_cast %get3A_1118 : i32 to index
    %get3A_1120 = arith.constant 64 : index
    %get3A_1121 = tpu.vector_load %arg5[%get3A_1119, %get3A_1120] {strides = array<i32>} : memref<25x128xi32, #tpu.memory_space<vmem>>, vector<16xi32>,
    %get3A_1122 = arith.constant 13 : i32
    %get3A_1123 = arith.index_cast %get3A_1122 : i32 to index
    %get3A_1124 = arith.constant 64 : index
    %get3A_1125 = tpu.vector_load %arg6[%get3A_1123, %get3A_1124] {strides = array<i32>} : memref<25x128xf32, #tpu.memory_space<vmem>>, vector<16xf32>,
    tpu.vector_store_idx %arg7[%get3A_1121], %get3A_1125 {add = true} : memref<1024xf32, #tpu.memory_space<vmem>>[vector<16xi32>], vector<16xf32>,
    %get3A_1126 = arith.constant 13 : i32
    %get3A_1127 = arith.index_cast %get3A_1126 : i32 to index
    %get3A_1128 = arith.constant 80 : index
    %get3A_1129 = tpu.vector_load %arg5[%get3A_1127, %get3A_1128] {strides = array<i32>} : memref<25x128xi32, #tpu.memory_space<vmem>>, vector<16xi32>,
    %get3A_1130 = arith.constant 13 : i32
    %get3A_1131 = arith.index_cast %get3A_1130 : i32 to index
    %get3A_1132 = arith.constant 80 : index
    %get3A_1133 = tpu.vector_load %arg6[%get3A_1131, %get3A_1132] {strides = array<i32>} : memref<25x128xf32, #tpu.memory_space<vmem>>, vector<16xf32>,
    tpu.vector_store_idx %arg7[%get3A_1129], %get3A_1133 {add = true} : memref<1024xf32, #tpu.memory_space<vmem>>[vector<16xi32>], vector<16xf32>,
    %get3A_1134 = arith.constant 13 : i32
    %get3A_1135 = arith.index_cast %get3A_1134 : i32 to index
    %get3A_1136 = arith.constant 96 : index
    %get3A_1137 = tpu.vector_load %arg5[%get3A_1135, %get3A_1136] {strides = array<i32>} : memref<25x128xi32, #tpu.memory_space<vmem>>, vector<16xi32>,
    %get3A_1138 = arith.constant 13 : i32
    %get3A_1139 = arith.index_cast %get3A_1138 : i32 to index
    %get3A_1140 = arith.constant 96 : index
    %get3A_1141 = tpu.vector_load %arg6[%get3A_1139, %get3A_1140] {strides = array<i32>} : memref<25x128xf32, #tpu.memory_space<vmem>>, vector<16xf32>,
    tpu.vector_store_idx %arg7[%get3A_1137], %get3A_1141 {add = true} : memref<1024xf32, #tpu.memory_space<vmem>>[vector<16xi32>], vector<16xf32>,
    %get3A_1142 = arith.constant 13 : i32
    %get3A_1143 = arith.index_cast %get3A_1142 : i32 to index
    %get3A_1144 = arith.constant 112 : index
    %get3A_1145 = tpu.vector_load %arg5[%get3A_1143, %get3A_1144] {strides = array<i32>} : memref<25x128xi32, #tpu.memory_space<vmem>>, vector<16xi32>,
    %get3A_1146 = arith.constant 13 : i32
    %get3A_1147 = arith.index_cast %get3A_1146 : i32 to index
    %get3A_1148 = arith.constant 112 : index
    %get3A_1149 = tpu.vector_load %arg6[%get3A_1147, %get3A_1148] {strides = array<i32>} : memref<25x128xf32, #tpu.memory_space<vmem>>, vector<16xf32>,
    tpu.vector_store_idx %arg7[%get3A_1145], %get3A_1149 {add = true} : memref<1024xf32, #tpu.memory_space<vmem>>[vector<16xi32>], vector<16xf32>,
    %get3A_1150 = arith.constant 14 : i32
    %get3A_1151 = arith.index_cast %get3A_1150 : i32 to index
    %get3A_1152 = arith.constant 0 : index
    %get3A_1153 = tpu.vector_load %arg5[%get3A_1151, %get3A_1152] {strides = array<i32>} : memref<25x128xi32, #tpu.memory_space<vmem>>, vector<16xi32>,
    %get3A_1154 = arith.constant 14 : i32
    %get3A_1155 = arith.index_cast %get3A_1154 : i32 to index
    %get3A_1156 = arith.constant 0 : index
    %get3A_1157 = tpu.vector_load %arg6[%get3A_1155, %get3A_1156] {strides = array<i32>} : memref<25x128xf32, #tpu.memory_space<vmem>>, vector<16xf32>,
    tpu.vector_store_idx %arg7[%get3A_1153], %get3A_1157 {add = true} : memref<1024xf32, #tpu.memory_space<vmem>>[vector<16xi32>], vector<16xf32>,
    %get3A_1158 = arith.constant 14 : i32
    %get3A_1159 = arith.index_cast %get3A_1158 : i32 to index
    %get3A_1160 = arith.constant 16 : index
    %get3A_1161 = tpu.vector_load %arg5[%get3A_1159, %get3A_1160] {strides = array<i32>} : memref<25x128xi32, #tpu.memory_space<vmem>>, vector<16xi32>,
    %get3A_1162 = arith.constant 14 : i32
    %get3A_1163 = arith.index_cast %get3A_1162 : i32 to index
    %get3A_1164 = arith.constant 16 : index
    %get3A_1165 = tpu.vector_load %arg6[%get3A_1163, %get3A_1164] {strides = array<i32>} : memref<25x128xf32, #tpu.memory_space<vmem>>, vector<16xf32>,
    tpu.vector_store_idx %arg7[%get3A_1161], %get3A_1165 {add = true} : memref<1024xf32, #tpu.memory_space<vmem>>[vector<16xi32>], vector<16xf32>,
    %get3A_1166 = arith.constant 14 : i32
    %get3A_1167 = arith.index_cast %get3A_1166 : i32 to index
    %get3A_1168 = arith.constant 32 : index
    %get3A_1169 = tpu.vector_load %arg5[%get3A_1167, %get3A_1168] {strides = array<i32>} : memref<25x128xi32, #tpu.memory_space<vmem>>, vector<16xi32>,
    %get3A_1170 = arith.constant 14 : i32
    %get3A_1171 = arith.index_cast %get3A_1170 : i32 to index
    %get3A_1172 = arith.constant 32 : index
    %get3A_1173 = tpu.vector_load %arg6[%get3A_1171, %get3A_1172] {strides = array<i32>} : memref<25x128xf32, #tpu.memory_space<vmem>>, vector<16xf32>,
    tpu.vector_store_idx %arg7[%get3A_1169], %get3A_1173 {add = true} : memref<1024xf32, #tpu.memory_space<vmem>>[vector<16xi32>], vector<16xf32>,
    %get3A_1174 = arith.constant 14 : i32
    %get3A_1175 = arith.index_cast %get3A_1174 : i32 to index
    %get3A_1176 = arith.constant 48 : index
    %get3A_1177 = tpu.vector_load %arg5[%get3A_1175, %get3A_1176] {strides = array<i32>} : memref<25x128xi32, #tpu.memory_space<vmem>>, vector<16xi32>,
    %get3A_1178 = arith.constant 14 : i32
    %get3A_1179 = arith.index_cast %get3A_1178 : i32 to index
    %get3A_1180 = arith.constant 48 : index
    %get3A_1181 = tpu.vector_load %arg6[%get3A_1179, %get3A_1180] {strides = array<i32>} : memref<25x128xf32, #tpu.memory_space<vmem>>, vector<16xf32>,
    tpu.vector_store_idx %arg7[%get3A_1177], %get3A_1181 {add = true} : memref<1024xf32, #tpu.memory_space<vmem>>[vector<16xi32>], vector<16xf32>,
    %get3A_1182 = arith.constant 14 : i32
    %get3A_1183 = arith.index_cast %get3A_1182 : i32 to index
    %get3A_1184 = arith.constant 64 : index
    %get3A_1185 = tpu.vector_load %arg5[%get3A_1183, %get3A_1184] {strides = array<i32>} : memref<25x128xi32, #tpu.memory_space<vmem>>, vector<16xi32>,
    %get3A_1186 = arith.constant 14 : i32
    %get3A_1187 = arith.index_cast %get3A_1186 : i32 to index
    %get3A_1188 = arith.constant 64 : index
    %get3A_1189 = tpu.vector_load %arg6[%get3A_1187, %get3A_1188] {strides = array<i32>} : memref<25x128xf32, #tpu.memory_space<vmem>>, vector<16xf32>,
    tpu.vector_store_idx %arg7[%get3A_1185], %get3A_1189 {add = true} : memref<1024xf32, #tpu.memory_space<vmem>>[vector<16xi32>], vector<16xf32>,
    %get3A_1190 = arith.constant 14 : i32
    %get3A_1191 = arith.index_cast %get3A_1190 : i32 to index
    %get3A_1192 = arith.constant 80 : index
    %get3A_1193 = tpu.vector_load %arg5[%get3A_1191, %get3A_1192] {strides = array<i32>} : memref<25x128xi32, #tpu.memory_space<vmem>>, vector<16xi32>,
    %get3A_1194 = arith.constant 14 : i32
    %get3A_1195 = arith.index_cast %get3A_1194 : i32 to index
    %get3A_1196 = arith.constant 80 : index
    %get3A_1197 = tpu.vector_load %arg6[%get3A_1195, %get3A_1196] {strides = array<i32>} : memref<25x128xf32, #tpu.memory_space<vmem>>, vector<16xf32>,
    tpu.vector_store_idx %arg7[%get3A_1193], %get3A_1197 {add = true} : memref<1024xf32, #tpu.memory_space<vmem>>[vector<16xi32>], vector<16xf32>,
    %get3A_1198 = arith.constant 14 : i32
    %get3A_1199 = arith.index_cast %get3A_1198 : i32 to index
    %get3A_1200 = arith.constant 96 : index
    %get3A_1201 = tpu.vector_load %arg5[%get3A_1199, %get3A_1200] {strides = array<i32>} : memref<25x128xi32, #tpu.memory_space<vmem>>, vector<16xi32>,
    %get3A_1202 = arith.constant 14 : i32
    %get3A_1203 = arith.index_cast %get3A_1202 : i32 to index
    %get3A_1204 = arith.constant 96 : index
    %get3A_1205 = tpu.vector_load %arg6[%get3A_1203, %get3A_1204] {strides = array<i32>} : memref<25x128xf32, #tpu.memory_space<vmem>>, vector<16xf32>,
    tpu.vector_store_idx %arg7[%get3A_1201], %get3A_1205 {add = true} : memref<1024xf32, #tpu.memory_space<vmem>>[vector<16xi32>], vector<16xf32>,
    %get3A_1206 = arith.constant 14 : i32
    %get3A_1207 = arith.index_cast %get3A_1206 : i32 to index
    %get3A_1208 = arith.constant 112 : index
    %get3A_1209 = tpu.vector_load %arg5[%get3A_1207, %get3A_1208] {strides = array<i32>} : memref<25x128xi32, #tpu.memory_space<vmem>>, vector<16xi32>,
    %get3A_1210 = arith.constant 14 : i32
    %get3A_1211 = arith.index_cast %get3A_1210 : i32 to index
    %get3A_1212 = arith.constant 112 : index
    %get3A_1213 = tpu.vector_load %arg6[%get3A_1211, %get3A_1212] {strides = array<i32>} : memref<25x128xf32, #tpu.memory_space<vmem>>, vector<16xf32>,
    tpu.vector_store_idx %arg7[%get3A_1209], %get3A_1213 {add = true} : memref<1024xf32, #tpu.memory_space<vmem>>[vector<16xi32>], vector<16xf32>,
    %get3A_1214 = arith.constant 15 : i32
    %get3A_1215 = arith.index_cast %get3A_1214 : i32 to index
    %get3A_1216 = arith.constant 0 : index
    %get3A_1217 = tpu.vector_load %arg5[%get3A_1215, %get3A_1216] {strides = array<i32>} : memref<25x128xi32, #tpu.memory_space<vmem>>, vector<16xi32>,
    %get3A_1218 = arith.constant 15 : i32
    %get3A_1219 = arith.index_cast %get3A_1218 : i32 to index
    %get3A_1220 = arith.constant 0 : index
    %get3A_1221 = tpu.vector_load %arg6[%get3A_1219, %get3A_1220] {strides = array<i32>} : memref<25x128xf32, #tpu.memory_space<vmem>>, vector<16xf32>,
    tpu.vector_store_idx %arg7[%get3A_1217], %get3A_1221 {add = true} : memref<1024xf32, #tpu.memory_space<vmem>>[vector<16xi32>], vector<16xf32>,
    %get3A_1222 = arith.constant 15 : i32
    %get3A_1223 = arith.index_cast %get3A_1222 : i32 to index
    %get3A_1224 = arith.constant 16 : index
    %get3A_1225 = tpu.vector_load %arg5[%get3A_1223, %get3A_1224] {strides = array<i32>} : memref<25x128xi32, #tpu.memory_space<vmem>>, vector<16xi32>,
    %get3A_1226 = arith.constant 15 : i32
    %get3A_1227 = arith.index_cast %get3A_1226 : i32 to index
    %get3A_1228 = arith.constant 16 : index
    %get3A_1229 = tpu.vector_load %arg6[%get3A_1227, %get3A_1228] {strides = array<i32>} : memref<25x128xf32, #tpu.memory_space<vmem>>, vector<16xf32>,
    tpu.vector_store_idx %arg7[%get3A_1225], %get3A_1229 {add = true} : memref<1024xf32, #tpu.memory_space<vmem>>[vector<16xi32>], vector<16xf32>,
    %get3A_1230 = arith.constant 15 : i32
    %get3A_1231 = arith.index_cast %get3A_1230 : i32 to index
    %get3A_1232 = arith.constant 32 : index
    %get3A_1233 = tpu.vector_load %arg5[%get3A_1231, %get3A_1232] {strides = array<i32>} : memref<25x128xi32, #tpu.memory_space<vmem>>, vector<16xi32>,
    %get3A_1234 = arith.constant 15 : i32
    %get3A_1235 = arith.index_cast %get3A_1234 : i32 to index
    %get3A_1236 = arith.constant 32 : index
    %get3A_1237 = tpu.vector_load %arg6[%get3A_1235, %get3A_1236] {strides = array<i32>} : memref<25x128xf32, #tpu.memory_space<vmem>>, vector<16xf32>,
    tpu.vector_store_idx %arg7[%get3A_1233], %get3A_1237 {add = true} : memref<1024xf32, #tpu.memory_space<vmem>>[vector<16xi32>], vector<16xf32>,
    %get3A_1238 = arith.constant 15 : i32
    %get3A_1239 = arith.index_cast %get3A_1238 : i32 to index
    %get3A_1240 = arith.constant 48 : index
    %get3A_1241 = tpu.vector_load %arg5[%get3A_1239, %get3A_1240] {strides = array<i32>} : memref<25x128xi32, #tpu.memory_space<vmem>>, vector<16xi32>,
    %get3A_1242 = arith.constant 15 : i32
    %get3A_1243 = arith.index_cast %get3A_1242 : i32 to index
    %get3A_1244 = arith.constant 48 : index
    %get3A_1245 = tpu.vector_load %arg6[%get3A_1243, %get3A_1244] {strides = array<i32>} : memref<25x128xf32, #tpu.memory_space<vmem>>, vector<16xf32>,
    tpu.vector_store_idx %arg7[%get3A_1241], %get3A_1245 {add = true} : memref<1024xf32, #tpu.memory_space<vmem>>[vector<16xi32>], vector<16xf32>,
    %get3A_1246 = arith.constant 15 : i32
    %get3A_1247 = arith.index_cast %get3A_1246 : i32 to index
    %get3A_1248 = arith.constant 64 : index
    %get3A_1249 = tpu.vector_load %arg5[%get3A_1247, %get3A_1248] {strides = array<i32>} : memref<25x128xi32, #tpu.memory_space<vmem>>, vector<16xi32>,
    %get3A_1250 = arith.constant 15 : i32
    %get3A_1251 = arith.index_cast %get3A_1250 : i32 to index
    %get3A_1252 = arith.constant 64 : index
    %get3A_1253 = tpu.vector_load %arg6[%get3A_1251, %get3A_1252] {strides = array<i32>} : memref<25x128xf32, #tpu.memory_space<vmem>>, vector<16xf32>,
    tpu.vector_store_idx %arg7[%get3A_1249], %get3A_1253 {add = true} : memref<1024xf32, #tpu.memory_space<vmem>>[vector<16xi32>], vector<16xf32>,
    %get3A_1254 = arith.constant 15 : i32
    %get3A_1255 = arith.index_cast %get3A_1254 : i32 to index
    %get3A_1256 = arith.constant 80 : index
    %get3A_1257 = tpu.vector_load %arg5[%get3A_1255, %get3A_1256] {strides = array<i32>} : memref<25x128xi32, #tpu.memory_space<vmem>>, vector<16xi32>,
    %get3A_1258 = arith.constant 15 : i32
    %get3A_1259 = arith.index_cast %get3A_1258 : i32 to index
    %get3A_1260 = arith.constant 80 : index
    %get3A_1261 = tpu.vector_load %arg6[%get3A_1259, %get3A_1260] {strides = array<i32>} : memref<25x128xf32, #tpu.memory_space<vmem>>, vector<16xf32>,
    tpu.vector_store_idx %arg7[%get3A_1257], %get3A_1261 {add = true} : memref<1024xf32, #tpu.memory_space<vmem>>[vector<16xi32>], vector<16xf32>,
    %get3A_1262 = arith.constant 15 : i32
    %get3A_1263 = arith.index_cast %get3A_1262 : i32 to index
    %get3A_1264 = arith.constant 96 : index
    %get3A_1265 = tpu.vector_load %arg5[%get3A_1263, %get3A_1264] {strides = array<i32>} : memref<25x128xi32, #tpu.memory_space<vmem>>, vector<16xi32>,
    %get3A_1266 = arith.constant 15 : i32
    %get3A_1267 = arith.index_cast %get3A_1266 : i32 to index
    %get3A_1268 = arith.constant 96 : index
    %get3A_1269 = tpu.vector_load %arg6[%get3A_1267, %get3A_1268] {strides = array<i32>} : memref<25x128xf32, #tpu.memory_space<vmem>>, vector<16xf32>,
    tpu.vector_store_idx %arg7[%get3A_1265], %get3A_1269 {add = true} : memref<1024xf32, #tpu.memory_space<vmem>>[vector<16xi32>], vector<16xf32>,
    %get3A_1270 = arith.constant 15 : i32
    %get3A_1271 = arith.index_cast %get3A_1270 : i32 to index
    %get3A_1272 = arith.constant 112 : index
    %get3A_1273 = tpu.vector_load %arg5[%get3A_1271, %get3A_1272] {strides = array<i32>} : memref<25x128xi32, #tpu.memory_space<vmem>>, vector<16xi32>,
    %get3A_1274 = arith.constant 15 : i32
    %get3A_1275 = arith.index_cast %get3A_1274 : i32 to index
    %get3A_1276 = arith.constant 112 : index
    %get3A_1277 = tpu.vector_load %arg6[%get3A_1275, %get3A_1276] {strides = array<i32>} : memref<25x128xf32, #tpu.memory_space<vmem>>, vector<16xf32>,
    tpu.vector_store_idx %arg7[%get3A_1273], %get3A_1277 {add = true} : memref<1024xf32, #tpu.memory_space<vmem>>[vector<16xi32>], vector<16xf32>,
    %get3A_1278 = arith.constant 16 : i32
    %get3A_1279 = arith.index_cast %get3A_1278 : i32 to index
    %get3A_1280 = arith.constant 0 : index
    %get3A_1281 = tpu.vector_load %arg5[%get3A_1279, %get3A_1280] {strides = array<i32>} : memref<25x128xi32, #tpu.memory_space<vmem>>, vector<16xi32>,
    %get3A_1282 = arith.constant 16 : i32
    %get3A_1283 = arith.index_cast %get3A_1282 : i32 to index
    %get3A_1284 = arith.constant 0 : index
    %get3A_1285 = tpu.vector_load %arg6[%get3A_1283, %get3A_1284] {strides = array<i32>} : memref<25x128xf32, #tpu.memory_space<vmem>>, vector<16xf32>,
    tpu.vector_store_idx %arg7[%get3A_1281], %get3A_1285 {add = true} : memref<1024xf32, #tpu.memory_space<vmem>>[vector<16xi32>], vector<16xf32>,
    %get3A_1286 = arith.constant 16 : i32
    %get3A_1287 = arith.index_cast %get3A_1286 : i32 to index
    %get3A_1288 = arith.constant 16 : index
    %get3A_1289 = tpu.vector_load %arg5[%get3A_1287, %get3A_1288] {strides = array<i32>} : memref<25x128xi32, #tpu.memory_space<vmem>>, vector<16xi32>,
    %get3A_1290 = arith.constant 16 : i32
    %get3A_1291 = arith.index_cast %get3A_1290 : i32 to index
    %get3A_1292 = arith.constant 16 : index
    %get3A_1293 = tpu.vector_load %arg6[%get3A_1291, %get3A_1292] {strides = array<i32>} : memref<25x128xf32, #tpu.memory_space<vmem>>, vector<16xf32>,
    tpu.vector_store_idx %arg7[%get3A_1289], %get3A_1293 {add = true} : memref<1024xf32, #tpu.memory_space<vmem>>[vector<16xi32>], vector<16xf32>,
    %get3A_1294 = arith.constant 16 : i32
    %get3A_1295 = arith.index_cast %get3A_1294 : i32 to index
    %get3A_1296 = arith.constant 32 : index
    %get3A_1297 = tpu.vector_load %arg5[%get3A_1295, %get3A_1296] {strides = array<i32>} : memref<25x128xi32, #tpu.memory_space<vmem>>, vector<16xi32>,
    %get3A_1298 = arith.constant 16 : i32
    %get3A_1299 = arith.index_cast %get3A_1298 : i32 to index
    %get3A_1300 = arith.constant 32 : index
    %get3A_1301 = tpu.vector_load %arg6[%get3A_1299, %get3A_1300] {strides = array<i32>} : memref<25x128xf32, #tpu.memory_space<vmem>>, vector<16xf32>,
    tpu.vector_store_idx %arg7[%get3A_1297], %get3A_1301 {add = true} : memref<1024xf32, #tpu.memory_space<vmem>>[vector<16xi32>], vector<16xf32>,
    %get3A_1302 = arith.constant 16 : i32
    %get3A_1303 = arith.index_cast %get3A_1302 : i32 to index
    %get3A_1304 = arith.constant 48 : index
    %get3A_1305 = tpu.vector_load %arg5[%get3A_1303, %get3A_1304] {strides = array<i32>} : memref<25x128xi32, #tpu.memory_space<vmem>>, vector<16xi32>,
    %get3A_1306 = arith.constant 16 : i32
    %get3A_1307 = arith.index_cast %get3A_1306 : i32 to index
    %get3A_1308 = arith.constant 48 : index
    %get3A_1309 = tpu.vector_load %arg6[%get3A_1307, %get3A_1308] {strides = array<i32>} : memref<25x128xf32, #tpu.memory_space<vmem>>, vector<16xf32>,
    tpu.vector_store_idx %arg7[%get3A_1305], %get3A_1309 {add = true} : memref<1024xf32, #tpu.memory_space<vmem>>[vector<16xi32>], vector<16xf32>,
    %get3A_1310 = arith.constant 16 : i32
    %get3A_1311 = arith.index_cast %get3A_1310 : i32 to index
    %get3A_1312 = arith.constant 64 : index
    %get3A_1313 = tpu.vector_load %arg5[%get3A_1311, %get3A_1312] {strides = array<i32>} : memref<25x128xi32, #tpu.memory_space<vmem>>, vector<16xi32>,
    %get3A_1314 = arith.constant 16 : i32
    %get3A_1315 = arith.index_cast %get3A_1314 : i32 to index
    %get3A_1316 = arith.constant 64 : index
    %get3A_1317 = tpu.vector_load %arg6[%get3A_1315, %get3A_1316] {strides = array<i32>} : memref<25x128xf32, #tpu.memory_space<vmem>>, vector<16xf32>,
    tpu.vector_store_idx %arg7[%get3A_1313], %get3A_1317 {add = true} : memref<1024xf32, #tpu.memory_space<vmem>>[vector<16xi32>], vector<16xf32>,
    %get3A_1318 = arith.constant 16 : i32
    %get3A_1319 = arith.index_cast %get3A_1318 : i32 to index
    %get3A_1320 = arith.constant 80 : index
    %get3A_1321 = tpu.vector_load %arg5[%get3A_1319, %get3A_1320] {strides = array<i32>} : memref<25x128xi32, #tpu.memory_space<vmem>>, vector<16xi32>,
    %get3A_1322 = arith.constant 16 : i32
    %get3A_1323 = arith.index_cast %get3A_1322 : i32 to index
    %get3A_1324 = arith.constant 80 : index
    %get3A_1325 = tpu.vector_load %arg6[%get3A_1323, %get3A_1324] {strides = array<i32>} : memref<25x128xf32, #tpu.memory_space<vmem>>, vector<16xf32>,
    tpu.vector_store_idx %arg7[%get3A_1321], %get3A_1325 {add = true} : memref<1024xf32, #tpu.memory_space<vmem>>[vector<16xi32>], vector<16xf32>,
    %get3A_1326 = arith.constant 16 : i32
    %get3A_1327 = arith.index_cast %get3A_1326 : i32 to index
    %get3A_1328 = arith.constant 96 : index
    %get3A_1329 = tpu.vector_load %arg5[%get3A_1327, %get3A_1328] {strides = array<i32>} : memref<25x128xi32, #tpu.memory_space<vmem>>, vector<16xi32>,
    %get3A_1330 = arith.constant 16 : i32
    %get3A_1331 = arith.index_cast %get3A_1330 : i32 to index
    %get3A_1332 = arith.constant 96 : index
    %get3A_1333 = tpu.vector_load %arg6[%get3A_1331, %get3A_1332] {strides = array<i32>} : memref<25x128xf32, #tpu.memory_space<vmem>>, vector<16xf32>,
    tpu.vector_store_idx %arg7[%get3A_1329], %get3A_1333 {add = true} : memref<1024xf32, #tpu.memory_space<vmem>>[vector<16xi32>], vector<16xf32>,
    %get3A_1334 = arith.constant 16 : i32
    %get3A_1335 = arith.index_cast %get3A_1334 : i32 to index
    %get3A_1336 = arith.constant 112 : index
    %get3A_1337 = tpu.vector_load %arg5[%get3A_1335, %get3A_1336] {strides = array<i32>} : memref<25x128xi32, #tpu.memory_space<vmem>>, vector<16xi32>,
    %get3A_1338 = arith.constant 16 : i32
    %get3A_1339 = arith.index_cast %get3A_1338 : i32 to index
    %get3A_1340 = arith.constant 112 : index
    %get3A_1341 = tpu.vector_load %arg6[%get3A_1339, %get3A_1340] {strides = array<i32>} : memref<25x128xf32, #tpu.memory_space<vmem>>, vector<16xf32>,
    tpu.vector_store_idx %arg7[%get3A_1337], %get3A_1341 {add = true} : memref<1024xf32, #tpu.memory_space<vmem>>[vector<16xi32>], vector<16xf32>,
    %get3A_1342 = arith.constant 17 : i32
    %get3A_1343 = arith.index_cast %get3A_1342 : i32 to index
    %get3A_1344 = arith.constant 0 : index
    %get3A_1345 = tpu.vector_load %arg5[%get3A_1343, %get3A_1344] {strides = array<i32>} : memref<25x128xi32, #tpu.memory_space<vmem>>, vector<16xi32>,
    %get3A_1346 = arith.constant 17 : i32
    %get3A_1347 = arith.index_cast %get3A_1346 : i32 to index
    %get3A_1348 = arith.constant 0 : index
    %get3A_1349 = tpu.vector_load %arg6[%get3A_1347, %get3A_1348] {strides = array<i32>} : memref<25x128xf32, #tpu.memory_space<vmem>>, vector<16xf32>,
    tpu.vector_store_idx %arg7[%get3A_1345], %get3A_1349 {add = true} : memref<1024xf32, #tpu.memory_space<vmem>>[vector<16xi32>], vector<16xf32>,
    %get3A_1350 = arith.constant 17 : i32
    %get3A_1351 = arith.index_cast %get3A_1350 : i32 to index
    %get3A_1352 = arith.constant 16 : index
    %get3A_1353 = tpu.vector_load %arg5[%get3A_1351, %get3A_1352] {strides = array<i32>} : memref<25x128xi32, #tpu.memory_space<vmem>>, vector<16xi32>,
    %get3A_1354 = arith.constant 17 : i32
    %get3A_1355 = arith.index_cast %get3A_1354 : i32 to index
    %get3A_1356 = arith.constant 16 : index
    %get3A_1357 = tpu.vector_load %arg6[%get3A_1355, %get3A_1356] {strides = array<i32>} : memref<25x128xf32, #tpu.memory_space<vmem>>, vector<16xf32>,
    tpu.vector_store_idx %arg7[%get3A_1353], %get3A_1357 {add = true} : memref<1024xf32, #tpu.memory_space<vmem>>[vector<16xi32>], vector<16xf32>,
    %get3A_1358 = arith.constant 17 : i32
    %get3A_1359 = arith.index_cast %get3A_1358 : i32 to index
    %get3A_1360 = arith.constant 32 : index
    %get3A_1361 = tpu.vector_load %arg5[%get3A_1359, %get3A_1360] {strides = array<i32>} : memref<25x128xi32, #tpu.memory_space<vmem>>, vector<16xi32>,
    %get3A_1362 = arith.constant 17 : i32
    %get3A_1363 = arith.index_cast %get3A_1362 : i32 to index
    %get3A_1364 = arith.constant 32 : index
    %get3A_1365 = tpu.vector_load %arg6[%get3A_1363, %get3A_1364] {strides = array<i32>} : memref<25x128xf32, #tpu.memory_space<vmem>>, vector<16xf32>,
    tpu.vector_store_idx %arg7[%get3A_1361], %get3A_1365 {add = true} : memref<1024xf32, #tpu.memory_space<vmem>>[vector<16xi32>], vector<16xf32>,
    %get3A_1366 = arith.constant 17 : i32
    %get3A_1367 = arith.index_cast %get3A_1366 : i32 to index
    %get3A_1368 = arith.constant 48 : index
    %get3A_1369 = tpu.vector_load %arg5[%get3A_1367, %get3A_1368] {strides = array<i32>} : memref<25x128xi32, #tpu.memory_space<vmem>>, vector<16xi32>,
    %get3A_1370 = arith.constant 17 : i32
    %get3A_1371 = arith.index_cast %get3A_1370 : i32 to index
    %get3A_1372 = arith.constant 48 : index
    %get3A_1373 = tpu.vector_load %arg6[%get3A_1371, %get3A_1372] {strides = array<i32>} : memref<25x128xf32, #tpu.memory_space<vmem>>, vector<16xf32>,
    tpu.vector_store_idx %arg7[%get3A_1369], %get3A_1373 {add = true} : memref<1024xf32, #tpu.memory_space<vmem>>[vector<16xi32>], vector<16xf32>,
    %get3A_1374 = arith.constant 17 : i32
    %get3A_1375 = arith.index_cast %get3A_1374 : i32 to index
    %get3A_1376 = arith.constant 64 : index
    %get3A_1377 = tpu.vector_load %arg5[%get3A_1375, %get3A_1376] {strides = array<i32>} : memref<25x128xi32, #tpu.memory_space<vmem>>, vector<16xi32>,
    %get3A_1378 = arith.constant 17 : i32
    %get3A_1379 = arith.index_cast %get3A_1378 : i32 to index
    %get3A_1380 = arith.constant 64 : index
    %get3A_1381 = tpu.vector_load %arg6[%get3A_1379, %get3A_1380] {strides = array<i32>} : memref<25x128xf32, #tpu.memory_space<vmem>>, vector<16xf32>,
    tpu.vector_store_idx %arg7[%get3A_1377], %get3A_1381 {add = true} : memref<1024xf32, #tpu.memory_space<vmem>>[vector<16xi32>], vector<16xf32>,
    %get3A_1382 = arith.constant 17 : i32
    %get3A_1383 = arith.index_cast %get3A_1382 : i32 to index
    %get3A_1384 = arith.constant 80 : index
    %get3A_1385 = tpu.vector_load %arg5[%get3A_1383, %get3A_1384] {strides = array<i32>} : memref<25x128xi32, #tpu.memory_space<vmem>>, vector<16xi32>,
    %get3A_1386 = arith.constant 17 : i32
    %get3A_1387 = arith.index_cast %get3A_1386 : i32 to index
    %get3A_1388 = arith.constant 80 : index
    %get3A_1389 = tpu.vector_load %arg6[%get3A_1387, %get3A_1388] {strides = array<i32>} : memref<25x128xf32, #tpu.memory_space<vmem>>, vector<16xf32>,
    tpu.vector_store_idx %arg7[%get3A_1385], %get3A_1389 {add = true} : memref<1024xf32, #tpu.memory_space<vmem>>[vector<16xi32>], vector<16xf32>,
    %get3A_1390 = arith.constant 17 : i32
    %get3A_1391 = arith.index_cast %get3A_1390 : i32 to index
    %get3A_1392 = arith.constant 96 : index
    %get3A_1393 = tpu.vector_load %arg5[%get3A_1391, %get3A_1392] {strides = array<i32>} : memref<25x128xi32, #tpu.memory_space<vmem>>, vector<16xi32>,
    %get3A_1394 = arith.constant 17 : i32
    %get3A_1395 = arith.index_cast %get3A_1394 : i32 to index
    %get3A_1396 = arith.constant 96 : index
    %get3A_1397 = tpu.vector_load %arg6[%get3A_1395, %get3A_1396] {strides = array<i32>} : memref<25x128xf32, #tpu.memory_space<vmem>>, vector<16xf32>,
    tpu.vector_store_idx %arg7[%get3A_1393], %get3A_1397 {add = true} : memref<1024xf32, #tpu.memory_space<vmem>>[vector<16xi32>], vector<16xf32>,
    %get3A_1398 = arith.constant 17 : i32
    %get3A_1399 = arith.index_cast %get3A_1398 : i32 to index
    %get3A_1400 = arith.constant 112 : index
    %get3A_1401 = tpu.vector_load %arg5[%get3A_1399, %get3A_1400] {strides = array<i32>} : memref<25x128xi32, #tpu.memory_space<vmem>>, vector<16xi32>,
    %get3A_1402 = arith.constant 17 : i32
    %get3A_1403 = arith.index_cast %get3A_1402 : i32 to index
    %get3A_1404 = arith.constant 112 : index
    %get3A_1405 = tpu.vector_load %arg6[%get3A_1403, %get3A_1404] {strides = array<i32>} : memref<25x128xf32, #tpu.memory_space<vmem>>, vector<16xf32>,
    tpu.vector_store_idx %arg7[%get3A_1401], %get3A_1405 {add = true} : memref<1024xf32, #tpu.memory_space<vmem>>[vector<16xi32>], vector<16xf32>,
    %get3A_1406 = arith.constant 18 : i32
    %get3A_1407 = arith.index_cast %get3A_1406 : i32 to index
    %get3A_1408 = arith.constant 0 : index
    %get3A_1409 = tpu.vector_load %arg5[%get3A_1407, %get3A_1408] {strides = array<i32>} : memref<25x128xi32, #tpu.memory_space<vmem>>, vector<16xi32>,
    %get3A_1410 = arith.constant 18 : i32
    %get3A_1411 = arith.index_cast %get3A_1410 : i32 to index
    %get3A_1412 = arith.constant 0 : index
    %get3A_1413 = tpu.vector_load %arg6[%get3A_1411, %get3A_1412] {strides = array<i32>} : memref<25x128xf32, #tpu.memory_space<vmem>>, vector<16xf32>,
    tpu.vector_store_idx %arg7[%get3A_1409], %get3A_1413 {add = true} : memref<1024xf32, #tpu.memory_space<vmem>>[vector<16xi32>], vector<16xf32>,
    %get3A_1414 = arith.constant 18 : i32
    %get3A_1415 = arith.index_cast %get3A_1414 : i32 to index
    %get3A_1416 = arith.constant 16 : index
    %get3A_1417 = tpu.vector_load %arg5[%get3A_1415, %get3A_1416] {strides = array<i32>} : memref<25x128xi32, #tpu.memory_space<vmem>>, vector<16xi32>,
    %get3A_1418 = arith.constant 18 : i32
    %get3A_1419 = arith.index_cast %get3A_1418 : i32 to index
    %get3A_1420 = arith.constant 16 : index
    %get3A_1421 = tpu.vector_load %arg6[%get3A_1419, %get3A_1420] {strides = array<i32>} : memref<25x128xf32, #tpu.memory_space<vmem>>, vector<16xf32>,
    tpu.vector_store_idx %arg7[%get3A_1417], %get3A_1421 {add = true} : memref<1024xf32, #tpu.memory_space<vmem>>[vector<16xi32>], vector<16xf32>,
    %get3A_1422 = arith.constant 18 : i32
    %get3A_1423 = arith.index_cast %get3A_1422 : i32 to index
    %get3A_1424 = arith.constant 32 : index
    %get3A_1425 = tpu.vector_load %arg5[%get3A_1423, %get3A_1424] {strides = array<i32>} : memref<25x128xi32, #tpu.memory_space<vmem>>, vector<16xi32>,
    %get3A_1426 = arith.constant 18 : i32
    %get3A_1427 = arith.index_cast %get3A_1426 : i32 to index
    %get3A_1428 = arith.constant 32 : index
    %get3A_1429 = tpu.vector_load %arg6[%get3A_1427, %get3A_1428] {strides = array<i32>} : memref<25x128xf32, #tpu.memory_space<vmem>>, vector<16xf32>,
    tpu.vector_store_idx %arg7[%get3A_1425], %get3A_1429 {add = true} : memref<1024xf32, #tpu.memory_space<vmem>>[vector<16xi32>], vector<16xf32>,
    %get3A_1430 = arith.constant 18 : i32
    %get3A_1431 = arith.index_cast %get3A_1430 : i32 to index
    %get3A_1432 = arith.constant 48 : index
    %get3A_1433 = tpu.vector_load %arg5[%get3A_1431, %get3A_1432] {strides = array<i32>} : memref<25x128xi32, #tpu.memory_space<vmem>>, vector<16xi32>,
    %get3A_1434 = arith.constant 18 : i32
    %get3A_1435 = arith.index_cast %get3A_1434 : i32 to index
    %get3A_1436 = arith.constant 48 : index
    %get3A_1437 = tpu.vector_load %arg6[%get3A_1435, %get3A_1436] {strides = array<i32>} : memref<25x128xf32, #tpu.memory_space<vmem>>, vector<16xf32>,
    tpu.vector_store_idx %arg7[%get3A_1433], %get3A_1437 {add = true} : memref<1024xf32, #tpu.memory_space<vmem>>[vector<16xi32>], vector<16xf32>,
    %get3A_1438 = arith.constant 18 : i32
    %get3A_1439 = arith.index_cast %get3A_1438 : i32 to index
    %get3A_1440 = arith.constant 64 : index
    %get3A_1441 = tpu.vector_load %arg5[%get3A_1439, %get3A_1440] {strides = array<i32>} : memref<25x128xi32, #tpu.memory_space<vmem>>, vector<16xi32>,
    %get3A_1442 = arith.constant 18 : i32
    %get3A_1443 = arith.index_cast %get3A_1442 : i32 to index
    %get3A_1444 = arith.constant 64 : index
    %get3A_1445 = tpu.vector_load %arg6[%get3A_1443, %get3A_1444] {strides = array<i32>} : memref<25x128xf32, #tpu.memory_space<vmem>>, vector<16xf32>,
    tpu.vector_store_idx %arg7[%get3A_1441], %get3A_1445 {add = true} : memref<1024xf32, #tpu.memory_space<vmem>>[vector<16xi32>], vector<16xf32>,
    %get3A_1446 = arith.constant 18 : i32
    %get3A_1447 = arith.index_cast %get3A_1446 : i32 to index
    %get3A_1448 = arith.constant 80 : index
    %get3A_1449 = tpu.vector_load %arg5[%get3A_1447, %get3A_1448] {strides = array<i32>} : memref<25x128xi32, #tpu.memory_space<vmem>>, vector<16xi32>,
    %get3A_1450 = arith.constant 18 : i32
    %get3A_1451 = arith.index_cast %get3A_1450 : i32 to index
    %get3A_1452 = arith.constant 80 : index
    %get3A_1453 = tpu.vector_load %arg6[%get3A_1451, %get3A_1452] {strides = array<i32>} : memref<25x128xf32, #tpu.memory_space<vmem>>, vector<16xf32>,
    tpu.vector_store_idx %arg7[%get3A_1449], %get3A_1453 {add = true} : memref<1024xf32, #tpu.memory_space<vmem>>[vector<16xi32>], vector<16xf32>,
    %get3A_1454 = arith.constant 18 : i32
    %get3A_1455 = arith.index_cast %get3A_1454 : i32 to index
    %get3A_1456 = arith.constant 96 : index
    %get3A_1457 = tpu.vector_load %arg5[%get3A_1455, %get3A_1456] {strides = array<i32>} : memref<25x128xi32, #tpu.memory_space<vmem>>, vector<16xi32>,
    %get3A_1458 = arith.constant 18 : i32
    %get3A_1459 = arith.index_cast %get3A_1458 : i32 to index
    %get3A_1460 = arith.constant 96 : index
    %get3A_1461 = tpu.vector_load %arg6[%get3A_1459, %get3A_1460] {strides = array<i32>} : memref<25x128xf32, #tpu.memory_space<vmem>>, vector<16xf32>,
    tpu.vector_store_idx %arg7[%get3A_1457], %get3A_1461 {add = true} : memref<1024xf32, #tpu.memory_space<vmem>>[vector<16xi32>], vector<16xf32>,
    %get3A_1462 = arith.constant 18 : i32
    %get3A_1463 = arith.index_cast %get3A_1462 : i32 to index
    %get3A_1464 = arith.constant 112 : index
    %get3A_1465 = tpu.vector_load %arg5[%get3A_1463, %get3A_1464] {strides = array<i32>} : memref<25x128xi32, #tpu.memory_space<vmem>>, vector<16xi32>,
    %get3A_1466 = arith.constant 18 : i32
    %get3A_1467 = arith.index_cast %get3A_1466 : i32 to index
    %get3A_1468 = arith.constant 112 : index
    %get3A_1469 = tpu.vector_load %arg6[%get3A_1467, %get3A_1468] {strides = array<i32>} : memref<25x128xf32, #tpu.memory_space<vmem>>, vector<16xf32>,
    tpu.vector_store_idx %arg7[%get3A_1465], %get3A_1469 {add = true} : memref<1024xf32, #tpu.memory_space<vmem>>[vector<16xi32>], vector<16xf32>,
    %get3A_1470 = arith.constant 19 : i32
    %get3A_1471 = arith.index_cast %get3A_1470 : i32 to index
    %get3A_1472 = arith.constant 0 : index
    %get3A_1473 = tpu.vector_load %arg5[%get3A_1471, %get3A_1472] {strides = array<i32>} : memref<25x128xi32, #tpu.memory_space<vmem>>, vector<16xi32>,
    %get3A_1474 = arith.constant 19 : i32
    %get3A_1475 = arith.index_cast %get3A_1474 : i32 to index
    %get3A_1476 = arith.constant 0 : index
    %get3A_1477 = tpu.vector_load %arg6[%get3A_1475, %get3A_1476] {strides = array<i32>} : memref<25x128xf32, #tpu.memory_space<vmem>>, vector<16xf32>,
    tpu.vector_store_idx %arg7[%get3A_1473], %get3A_1477 {add = true} : memref<1024xf32, #tpu.memory_space<vmem>>[vector<16xi32>], vector<16xf32>,
    %get3A_1478 = arith.constant 19 : i32
    %get3A_1479 = arith.index_cast %get3A_1478 : i32 to index
    %get3A_1480 = arith.constant 16 : index
    %get3A_1481 = tpu.vector_load %arg5[%get3A_1479, %get3A_1480] {strides = array<i32>} : memref<25x128xi32, #tpu.memory_space<vmem>>, vector<16xi32>,
    %get3A_1482 = arith.constant 19 : i32
    %get3A_1483 = arith.index_cast %get3A_1482 : i32 to index
    %get3A_1484 = arith.constant 16 : index
    %get3A_1485 = tpu.vector_load %arg6[%get3A_1483, %get3A_1484] {strides = array<i32>} : memref<25x128xf32, #tpu.memory_space<vmem>>, vector<16xf32>,
    tpu.vector_store_idx %arg7[%get3A_1481], %get3A_1485 {add = true} : memref<1024xf32, #tpu.memory_space<vmem>>[vector<16xi32>], vector<16xf32>,
    %get3A_1486 = arith.constant 19 : i32
    %get3A_1487 = arith.index_cast %get3A_1486 : i32 to index
    %get3A_1488 = arith.constant 32 : index
    %get3A_1489 = tpu.vector_load %arg5[%get3A_1487, %get3A_1488] {strides = array<i32>} : memref<25x128xi32, #tpu.memory_space<vmem>>, vector<16xi32>,
    %get3A_1490 = arith.constant 19 : i32
    %get3A_1491 = arith.index_cast %get3A_1490 : i32 to index
    %get3A_1492 = arith.constant 32 : index
    %get3A_1493 = tpu.vector_load %arg6[%get3A_1491, %get3A_1492] {strides = array<i32>} : memref<25x128xf32, #tpu.memory_space<vmem>>, vector<16xf32>,
    tpu.vector_store_idx %arg7[%get3A_1489], %get3A_1493 {add = true} : memref<1024xf32, #tpu.memory_space<vmem>>[vector<16xi32>], vector<16xf32>,
    %get3A_1494 = arith.constant 19 : i32
    %get3A_1495 = arith.index_cast %get3A_1494 : i32 to index
    %get3A_1496 = arith.constant 48 : index
    %get3A_1497 = tpu.vector_load %arg5[%get3A_1495, %get3A_1496] {strides = array<i32>} : memref<25x128xi32, #tpu.memory_space<vmem>>, vector<16xi32>,
    %get3A_1498 = arith.constant 19 : i32
    %get3A_1499 = arith.index_cast %get3A_1498 : i32 to index
    %get3A_1500 = arith.constant 48 : index
    %get3A_1501 = tpu.vector_load %arg6[%get3A_1499, %get3A_1500] {strides = array<i32>} : memref<25x128xf32, #tpu.memory_space<vmem>>, vector<16xf32>,
    tpu.vector_store_idx %arg7[%get3A_1497], %get3A_1501 {add = true} : memref<1024xf32, #tpu.memory_space<vmem>>[vector<16xi32>], vector<16xf32>,
    %get3A_1502 = arith.constant 19 : i32
    %get3A_1503 = arith.index_cast %get3A_1502 : i32 to index
    %get3A_1504 = arith.constant 64 : index
    %get3A_1505 = tpu.vector_load %arg5[%get3A_1503, %get3A_1504] {strides = array<i32>} : memref<25x128xi32, #tpu.memory_space<vmem>>, vector<16xi32>,
    %get3A_1506 = arith.constant 19 : i32
    %get3A_1507 = arith.index_cast %get3A_1506 : i32 to index
    %get3A_1508 = arith.constant 64 : index
    %get3A_1509 = tpu.vector_load %arg6[%get3A_1507, %get3A_1508] {strides = array<i32>} : memref<25x128xf32, #tpu.memory_space<vmem>>, vector<16xf32>,
    tpu.vector_store_idx %arg7[%get3A_1505], %get3A_1509 {add = true} : memref<1024xf32, #tpu.memory_space<vmem>>[vector<16xi32>], vector<16xf32>,
    %get3A_1510 = arith.constant 19 : i32
    %get3A_1511 = arith.index_cast %get3A_1510 : i32 to index
    %get3A_1512 = arith.constant 80 : index
    %get3A_1513 = tpu.vector_load %arg5[%get3A_1511, %get3A_1512] {strides = array<i32>} : memref<25x128xi32, #tpu.memory_space<vmem>>, vector<16xi32>,
    %get3A_1514 = arith.constant 19 : i32
    %get3A_1515 = arith.index_cast %get3A_1514 : i32 to index
    %get3A_1516 = arith.constant 80 : index
    %get3A_1517 = tpu.vector_load %arg6[%get3A_1515, %get3A_1516] {strides = array<i32>} : memref<25x128xf32, #tpu.memory_space<vmem>>, vector<16xf32>,
    tpu.vector_store_idx %arg7[%get3A_1513], %get3A_1517 {add = true} : memref<1024xf32, #tpu.memory_space<vmem>>[vector<16xi32>], vector<16xf32>,
    %get3A_1518 = arith.constant 19 : i32
    %get3A_1519 = arith.index_cast %get3A_1518 : i32 to index
    %get3A_1520 = arith.constant 96 : index
    %get3A_1521 = tpu.vector_load %arg5[%get3A_1519, %get3A_1520] {strides = array<i32>} : memref<25x128xi32, #tpu.memory_space<vmem>>, vector<16xi32>,
    %get3A_1522 = arith.constant 19 : i32
    %get3A_1523 = arith.index_cast %get3A_1522 : i32 to index
    %get3A_1524 = arith.constant 96 : index
    %get3A_1525 = tpu.vector_load %arg6[%get3A_1523, %get3A_1524] {strides = array<i32>} : memref<25x128xf32, #tpu.memory_space<vmem>>, vector<16xf32>,
    tpu.vector_store_idx %arg7[%get3A_1521], %get3A_1525 {add = true} : memref<1024xf32, #tpu.memory_space<vmem>>[vector<16xi32>], vector<16xf32>,
    %get3A_1526 = arith.constant 19 : i32
    %get3A_1527 = arith.index_cast %get3A_1526 : i32 to index
    %get3A_1528 = arith.constant 112 : index
    %get3A_1529 = tpu.vector_load %arg5[%get3A_1527, %get3A_1528] {strides = array<i32>} : memref<25x128xi32, #tpu.memory_space<vmem>>, vector<16xi32>,
    %get3A_1530 = arith.constant 19 : i32
    %get3A_1531 = arith.index_cast %get3A_1530 : i32 to index
    %get3A_1532 = arith.constant 112 : index
    %get3A_1533 = tpu.vector_load %arg6[%get3A_1531, %get3A_1532] {strides = array<i32>} : memref<25x128xf32, #tpu.memory_space<vmem>>, vector<16xf32>,
    tpu.vector_store_idx %arg7[%get3A_1529], %get3A_1533 {add = true} : memref<1024xf32, #tpu.memory_space<vmem>>[vector<16xi32>], vector<16xf32>,
    %get3A_1534 = arith.constant 20 : i32
    %get3A_1535 = arith.index_cast %get3A_1534 : i32 to index
    %get3A_1536 = arith.constant 0 : index
    %get3A_1537 = tpu.vector_load %arg5[%get3A_1535, %get3A_1536] {strides = array<i32>} : memref<25x128xi32, #tpu.memory_space<vmem>>, vector<16xi32>,
    %get3A_1538 = arith.constant 20 : i32
    %get3A_1539 = arith.index_cast %get3A_1538 : i32 to index
    %get3A_1540 = arith.constant 0 : index
    %get3A_1541 = tpu.vector_load %arg6[%get3A_1539, %get3A_1540] {strides = array<i32>} : memref<25x128xf32, #tpu.memory_space<vmem>>, vector<16xf32>,
    tpu.vector_store_idx %arg7[%get3A_1537], %get3A_1541 {add = true} : memref<1024xf32, #tpu.memory_space<vmem>>[vector<16xi32>], vector<16xf32>,
    %get3A_1542 = arith.constant 20 : i32
    %get3A_1543 = arith.index_cast %get3A_1542 : i32 to index
    %get3A_1544 = arith.constant 16 : index
    %get3A_1545 = tpu.vector_load %arg5[%get3A_1543, %get3A_1544] {strides = array<i32>} : memref<25x128xi32, #tpu.memory_space<vmem>>, vector<16xi32>,
    %get3A_1546 = arith.constant 20 : i32
    %get3A_1547 = arith.index_cast %get3A_1546 : i32 to index
    %get3A_1548 = arith.constant 16 : index
    %get3A_1549 = tpu.vector_load %arg6[%get3A_1547, %get3A_1548] {strides = array<i32>} : memref<25x128xf32, #tpu.memory_space<vmem>>, vector<16xf32>,
    tpu.vector_store_idx %arg7[%get3A_1545], %get3A_1549 {add = true} : memref<1024xf32, #tpu.memory_space<vmem>>[vector<16xi32>], vector<16xf32>,
    %get3A_1550 = arith.constant 20 : i32
    %get3A_1551 = arith.index_cast %get3A_1550 : i32 to index
    %get3A_1552 = arith.constant 32 : index
    %get3A_1553 = tpu.vector_load %arg5[%get3A_1551, %get3A_1552] {strides = array<i32>} : memref<25x128xi32, #tpu.memory_space<vmem>>, vector<16xi32>,
    %get3A_1554 = arith.constant 20 : i32
    %get3A_1555 = arith.index_cast %get3A_1554 : i32 to index
    %get3A_1556 = arith.constant 32 : index
    %get3A_1557 = tpu.vector_load %arg6[%get3A_1555, %get3A_1556] {strides = array<i32>} : memref<25x128xf32, #tpu.memory_space<vmem>>, vector<16xf32>,
    tpu.vector_store_idx %arg7[%get3A_1553], %get3A_1557 {add = true} : memref<1024xf32, #tpu.memory_space<vmem>>[vector<16xi32>], vector<16xf32>,
    %get3A_1558 = arith.constant 20 : i32
    %get3A_1559 = arith.index_cast %get3A_1558 : i32 to index
    %get3A_1560 = arith.constant 48 : index
    %get3A_1561 = tpu.vector_load %arg5[%get3A_1559, %get3A_1560] {strides = array<i32>} : memref<25x128xi32, #tpu.memory_space<vmem>>, vector<16xi32>,
    %get3A_1562 = arith.constant 20 : i32
    %get3A_1563 = arith.index_cast %get3A_1562 : i32 to index
    %get3A_1564 = arith.constant 48 : index
    %get3A_1565 = tpu.vector_load %arg6[%get3A_1563, %get3A_1564] {strides = array<i32>} : memref<25x128xf32, #tpu.memory_space<vmem>>, vector<16xf32>,
    tpu.vector_store_idx %arg7[%get3A_1561], %get3A_1565 {add = true} : memref<1024xf32, #tpu.memory_space<vmem>>[vector<16xi32>], vector<16xf32>,
    %get3A_1566 = arith.constant 20 : i32
    %get3A_1567 = arith.index_cast %get3A_1566 : i32 to index
    %get3A_1568 = arith.constant 64 : index
    %get3A_1569 = tpu.vector_load %arg5[%get3A_1567, %get3A_1568] {strides = array<i32>} : memref<25x128xi32, #tpu.memory_space<vmem>>, vector<16xi32>,
    %get3A_1570 = arith.constant 20 : i32
    %get3A_1571 = arith.index_cast %get3A_1570 : i32 to index
    %get3A_1572 = arith.constant 64 : index
    %get3A_1573 = tpu.vector_load %arg6[%get3A_1571, %get3A_1572] {strides = array<i32>} : memref<25x128xf32, #tpu.memory_space<vmem>>, vector<16xf32>,
    tpu.vector_store_idx %arg7[%get3A_1569], %get3A_1573 {add = true} : memref<1024xf32, #tpu.memory_space<vmem>>[vector<16xi32>], vector<16xf32>,
    %get3A_1574 = arith.constant 20 : i32
    %get3A_1575 = arith.index_cast %get3A_1574 : i32 to index
    %get3A_1576 = arith.constant 80 : index
    %get3A_1577 = tpu.vector_load %arg5[%get3A_1575, %get3A_1576] {strides = array<i32>} : memref<25x128xi32, #tpu.memory_space<vmem>>, vector<16xi32>,
    %get3A_1578 = arith.constant 20 : i32
    %get3A_1579 = arith.index_cast %get3A_1578 : i32 to index
    %get3A_1580 = arith.constant 80 : index
    %get3A_1581 = tpu.vector_load %arg6[%get3A_1579, %get3A_1580] {strides = array<i32>} : memref<25x128xf32, #tpu.memory_space<vmem>>, vector<16xf32>,
    tpu.vector_store_idx %arg7[%get3A_1577], %get3A_1581 {add = true} : memref<1024xf32, #tpu.memory_space<vmem>>[vector<16xi32>], vector<16xf32>,
    %get3A_1582 = arith.constant 20 : i32
    %get3A_1583 = arith.index_cast %get3A_1582 : i32 to index
    %get3A_1584 = arith.constant 96 : index
    %get3A_1585 = tpu.vector_load %arg5[%get3A_1583, %get3A_1584] {strides = array<i32>} : memref<25x128xi32, #tpu.memory_space<vmem>>, vector<16xi32>,
    %get3A_1586 = arith.constant 20 : i32
    %get3A_1587 = arith.index_cast %get3A_1586 : i32 to index
    %get3A_1588 = arith.constant 96 : index
    %get3A_1589 = tpu.vector_load %arg6[%get3A_1587, %get3A_1588] {strides = array<i32>} : memref<25x128xf32, #tpu.memory_space<vmem>>, vector<16xf32>,
    tpu.vector_store_idx %arg7[%get3A_1585], %get3A_1589 {add = true} : memref<1024xf32, #tpu.memory_space<vmem>>[vector<16xi32>], vector<16xf32>,
    %get3A_1590 = arith.constant 20 : i32
    %get3A_1591 = arith.index_cast %get3A_1590 : i32 to index
    %get3A_1592 = arith.constant 112 : index
    %get3A_1593 = tpu.vector_load %arg5[%get3A_1591, %get3A_1592] {strides = array<i32>} : memref<25x128xi32, #tpu.memory_space<vmem>>, vector<16xi32>,
    %get3A_1594 = arith.constant 20 : i32
    %get3A_1595 = arith.index_cast %get3A_1594 : i32 to index
    %get3A_1596 = arith.constant 112 : index
    %get3A_1597 = tpu.vector_load %arg6[%get3A_1595, %get3A_1596] {strides = array<i32>} : memref<25x128xf32, #tpu.memory_space<vmem>>, vector<16xf32>,
    tpu.vector_store_idx %arg7[%get3A_1593], %get3A_1597 {add = true} : memref<1024xf32, #tpu.memory_space<vmem>>[vector<16xi32>], vector<16xf32>,
    %get3A_1598 = arith.constant 21 : i32
    %get3A_1599 = arith.index_cast %get3A_1598 : i32 to index
    %get3A_1600 = arith.constant 0 : index
    %get3A_1601 = tpu.vector_load %arg5[%get3A_1599, %get3A_1600] {strides = array<i32>} : memref<25x128xi32, #tpu.memory_space<vmem>>, vector<16xi32>,
    %get3A_1602 = arith.constant 21 : i32
    %get3A_1603 = arith.index_cast %get3A_1602 : i32 to index
    %get3A_1604 = arith.constant 0 : index
    %get3A_1605 = tpu.vector_load %arg6[%get3A_1603, %get3A_1604] {strides = array<i32>} : memref<25x128xf32, #tpu.memory_space<vmem>>, vector<16xf32>,
    tpu.vector_store_idx %arg7[%get3A_1601], %get3A_1605 {add = true} : memref<1024xf32, #tpu.memory_space<vmem>>[vector<16xi32>], vector<16xf32>,
    %get3A_1606 = arith.constant 21 : i32
    %get3A_1607 = arith.index_cast %get3A_1606 : i32 to index
    %get3A_1608 = arith.constant 16 : index
    %get3A_1609 = tpu.vector_load %arg5[%get3A_1607, %get3A_1608] {strides = array<i32>} : memref<25x128xi32, #tpu.memory_space<vmem>>, vector<16xi32>,
    %get3A_1610 = arith.constant 21 : i32
    %get3A_1611 = arith.index_cast %get3A_1610 : i32 to index
    %get3A_1612 = arith.constant 16 : index
    %get3A_1613 = tpu.vector_load %arg6[%get3A_1611, %get3A_1612] {strides = array<i32>} : memref<25x128xf32, #tpu.memory_space<vmem>>, vector<16xf32>,
    tpu.vector_store_idx %arg7[%get3A_1609], %get3A_1613 {add = true} : memref<1024xf32, #tpu.memory_space<vmem>>[vector<16xi32>], vector<16xf32>,
    %get3A_1614 = arith.constant 21 : i32
    %get3A_1615 = arith.index_cast %get3A_1614 : i32 to index
    %get3A_1616 = arith.constant 32 : index
    %get3A_1617 = tpu.vector_load %arg5[%get3A_1615, %get3A_1616] {strides = array<i32>} : memref<25x128xi32, #tpu.memory_space<vmem>>, vector<16xi32>,
    %get3A_1618 = arith.constant 21 : i32
    %get3A_1619 = arith.index_cast %get3A_1618 : i32 to index
    %get3A_1620 = arith.constant 32 : index
    %get3A_1621 = tpu.vector_load %arg6[%get3A_1619, %get3A_1620] {strides = array<i32>} : memref<25x128xf32, #tpu.memory_space<vmem>>, vector<16xf32>,
    tpu.vector_store_idx %arg7[%get3A_1617], %get3A_1621 {add = true} : memref<1024xf32, #tpu.memory_space<vmem>>[vector<16xi32>], vector<16xf32>,
    %get3A_1622 = arith.constant 21 : i32
    %get3A_1623 = arith.index_cast %get3A_1622 : i32 to index
    %get3A_1624 = arith.constant 48 : index
    %get3A_1625 = tpu.vector_load %arg5[%get3A_1623, %get3A_1624] {strides = array<i32>} : memref<25x128xi32, #tpu.memory_space<vmem>>, vector<16xi32>,
    %get3A_1626 = arith.constant 21 : i32
    %get3A_1627 = arith.index_cast %get3A_1626 : i32 to index
    %get3A_1628 = arith.constant 48 : index
    %get3A_1629 = tpu.vector_load %arg6[%get3A_1627, %get3A_1628] {strides = array<i32>} : memref<25x128xf32, #tpu.memory_space<vmem>>, vector<16xf32>,
    tpu.vector_store_idx %arg7[%get3A_1625], %get3A_1629 {add = true} : memref<1024xf32, #tpu.memory_space<vmem>>[vector<16xi32>], vector<16xf32>,
    %get3A_1630 = arith.constant 21 : i32
    %get3A_1631 = arith.index_cast %get3A_1630 : i32 to index
    %get3A_1632 = arith.constant 64 : index
    %get3A_1633 = tpu.vector_load %arg5[%get3A_1631, %get3A_1632] {strides = array<i32>} : memref<25x128xi32, #tpu.memory_space<vmem>>, vector<16xi32>,
    %get3A_1634 = arith.constant 21 : i32
    %get3A_1635 = arith.index_cast %get3A_1634 : i32 to index
    %get3A_1636 = arith.constant 64 : index
    %get3A_1637 = tpu.vector_load %arg6[%get3A_1635, %get3A_1636] {strides = array<i32>} : memref<25x128xf32, #tpu.memory_space<vmem>>, vector<16xf32>,
    tpu.vector_store_idx %arg7[%get3A_1633], %get3A_1637 {add = true} : memref<1024xf32, #tpu.memory_space<vmem>>[vector<16xi32>], vector<16xf32>,
    %get3A_1638 = arith.constant 21 : i32
    %get3A_1639 = arith.index_cast %get3A_1638 : i32 to index
    %get3A_1640 = arith.constant 80 : index
    %get3A_1641 = tpu.vector_load %arg5[%get3A_1639, %get3A_1640] {strides = array<i32>} : memref<25x128xi32, #tpu.memory_space<vmem>>, vector<16xi32>,
    %get3A_1642 = arith.constant 21 : i32
    %get3A_1643 = arith.index_cast %get3A_1642 : i32 to index
    %get3A_1644 = arith.constant 80 : index
    %get3A_1645 = tpu.vector_load %arg6[%get3A_1643, %get3A_1644] {strides = array<i32>} : memref<25x128xf32, #tpu.memory_space<vmem>>, vector<16xf32>,
    tpu.vector_store_idx %arg7[%get3A_1641], %get3A_1645 {add = true} : memref<1024xf32, #tpu.memory_space<vmem>>[vector<16xi32>], vector<16xf32>,
    %get3A_1646 = arith.constant 21 : i32
    %get3A_1647 = arith.index_cast %get3A_1646 : i32 to index
    %get3A_1648 = arith.constant 96 : index
    %get3A_1649 = tpu.vector_load %arg5[%get3A_1647, %get3A_1648] {strides = array<i32>} : memref<25x128xi32, #tpu.memory_space<vmem>>, vector<16xi32>,
    %get3A_1650 = arith.constant 21 : i32
    %get3A_1651 = arith.index_cast %get3A_1650 : i32 to index
    %get3A_1652 = arith.constant 96 : index
    %get3A_1653 = tpu.vector_load %arg6[%get3A_1651, %get3A_1652] {strides = array<i32>} : memref<25x128xf32, #tpu.memory_space<vmem>>, vector<16xf32>,
    tpu.vector_store_idx %arg7[%get3A_1649], %get3A_1653 {add = true} : memref<1024xf32, #tpu.memory_space<vmem>>[vector<16xi32>], vector<16xf32>,
    %get3A_1654 = arith.constant 21 : i32
    %get3A_1655 = arith.index_cast %get3A_1654 : i32 to index
    %get3A_1656 = arith.constant 112 : index
    %get3A_1657 = tpu.vector_load %arg5[%get3A_1655, %get3A_1656] {strides = array<i32>} : memref<25x128xi32, #tpu.memory_space<vmem>>, vector<16xi32>,
    %get3A_1658 = arith.constant 21 : i32
    %get3A_1659 = arith.index_cast %get3A_1658 : i32 to index
    %get3A_1660 = arith.constant 112 : index
    %get3A_1661 = tpu.vector_load %arg6[%get3A_1659, %get3A_1660] {strides = array<i32>} : memref<25x128xf32, #tpu.memory_space<vmem>>, vector<16xf32>,
    tpu.vector_store_idx %arg7[%get3A_1657], %get3A_1661 {add = true} : memref<1024xf32, #tpu.memory_space<vmem>>[vector<16xi32>], vector<16xf32>,
    %get3A_1662 = arith.constant 22 : i32
    %get3A_1663 = arith.index_cast %get3A_1662 : i32 to index
    %get3A_1664 = arith.constant 0 : index
    %get3A_1665 = tpu.vector_load %arg5[%get3A_1663, %get3A_1664] {strides = array<i32>} : memref<25x128xi32, #tpu.memory_space<vmem>>, vector<16xi32>,
    %get3A_1666 = arith.constant 22 : i32
    %get3A_1667 = arith.index_cast %get3A_1666 : i32 to index
    %get3A_1668 = arith.constant 0 : index
    %get3A_1669 = tpu.vector_load %arg6[%get3A_1667, %get3A_1668] {strides = array<i32>} : memref<25x128xf32, #tpu.memory_space<vmem>>, vector<16xf32>,
    tpu.vector_store_idx %arg7[%get3A_1665], %get3A_1669 {add = true} : memref<1024xf32, #tpu.memory_space<vmem>>[vector<16xi32>], vector<16xf32>,
    %get3A_1670 = arith.constant 22 : i32
    %get3A_1671 = arith.index_cast %get3A_1670 : i32 to index
    %get3A_1672 = arith.constant 16 : index
    %get3A_1673 = tpu.vector_load %arg5[%get3A_1671, %get3A_1672] {strides = array<i32>} : memref<25x128xi32, #tpu.memory_space<vmem>>, vector<16xi32>,
    %get3A_1674 = arith.constant 22 : i32
    %get3A_1675 = arith.index_cast %get3A_1674 : i32 to index
    %get3A_1676 = arith.constant 16 : index
    %get3A_1677 = tpu.vector_load %arg6[%get3A_1675, %get3A_1676] {strides = array<i32>} : memref<25x128xf32, #tpu.memory_space<vmem>>, vector<16xf32>,
    tpu.vector_store_idx %arg7[%get3A_1673], %get3A_1677 {add = true} : memref<1024xf32, #tpu.memory_space<vmem>>[vector<16xi32>], vector<16xf32>,
    %get3A_1678 = arith.constant 22 : i32
    %get3A_1679 = arith.index_cast %get3A_1678 : i32 to index
    %get3A_1680 = arith.constant 32 : index
    %get3A_1681 = tpu.vector_load %arg5[%get3A_1679, %get3A_1680] {strides = array<i32>} : memref<25x128xi32, #tpu.memory_space<vmem>>, vector<16xi32>,
    %get3A_1682 = arith.constant 22 : i32
    %get3A_1683 = arith.index_cast %get3A_1682 : i32 to index
    %get3A_1684 = arith.constant 32 : index
    %get3A_1685 = tpu.vector_load %arg6[%get3A_1683, %get3A_1684] {strides = array<i32>} : memref<25x128xf32, #tpu.memory_space<vmem>>, vector<16xf32>,
    tpu.vector_store_idx %arg7[%get3A_1681], %get3A_1685 {add = true} : memref<1024xf32, #tpu.memory_space<vmem>>[vector<16xi32>], vector<16xf32>,
    %get3A_1686 = arith.constant 22 : i32
    %get3A_1687 = arith.index_cast %get3A_1686 : i32 to index
    %get3A_1688 = arith.constant 48 : index
    %get3A_1689 = tpu.vector_load %arg5[%get3A_1687, %get3A_1688] {strides = array<i32>} : memref<25x128xi32, #tpu.memory_space<vmem>>, vector<16xi32>,
    %get3A_1690 = arith.constant 22 : i32
    %get3A_1691 = arith.index_cast %get3A_1690 : i32 to index
    %get3A_1692 = arith.constant 48 : index
    %get3A_1693 = tpu.vector_load %arg6[%get3A_1691, %get3A_1692] {strides = array<i32>} : memref<25x128xf32, #tpu.memory_space<vmem>>, vector<16xf32>,
    tpu.vector_store_idx %arg7[%get3A_1689], %get3A_1693 {add = true} : memref<1024xf32, #tpu.memory_space<vmem>>[vector<16xi32>], vector<16xf32>,
    %get3A_1694 = arith.constant 22 : i32
    %get3A_1695 = arith.index_cast %get3A_1694 : i32 to index
    %get3A_1696 = arith.constant 64 : index
    %get3A_1697 = tpu.vector_load %arg5[%get3A_1695, %get3A_1696] {strides = array<i32>} : memref<25x128xi32, #tpu.memory_space<vmem>>, vector<16xi32>,
    %get3A_1698 = arith.constant 22 : i32
    %get3A_1699 = arith.index_cast %get3A_1698 : i32 to index
    %get3A_1700 = arith.constant 64 : index
    %get3A_1701 = tpu.vector_load %arg6[%get3A_1699, %get3A_1700] {strides = array<i32>} : memref<25x128xf32, #tpu.memory_space<vmem>>, vector<16xf32>,
    tpu.vector_store_idx %arg7[%get3A_1697], %get3A_1701 {add = true} : memref<1024xf32, #tpu.memory_space<vmem>>[vector<16xi32>], vector<16xf32>,
    %get3A_1702 = arith.constant 22 : i32
    %get3A_1703 = arith.index_cast %get3A_1702 : i32 to index
    %get3A_1704 = arith.constant 80 : index
    %get3A_1705 = tpu.vector_load %arg5[%get3A_1703, %get3A_1704] {strides = array<i32>} : memref<25x128xi32, #tpu.memory_space<vmem>>, vector<16xi32>,
    %get3A_1706 = arith.constant 22 : i32
    %get3A_1707 = arith.index_cast %get3A_1706 : i32 to index
    %get3A_1708 = arith.constant 80 : index
    %get3A_1709 = tpu.vector_load %arg6[%get3A_1707, %get3A_1708] {strides = array<i32>} : memref<25x128xf32, #tpu.memory_space<vmem>>, vector<16xf32>,
    tpu.vector_store_idx %arg7[%get3A_1705], %get3A_1709 {add = true} : memref<1024xf32, #tpu.memory_space<vmem>>[vector<16xi32>], vector<16xf32>,
    %get3A_1710 = arith.constant 22 : i32
    %get3A_1711 = arith.index_cast %get3A_1710 : i32 to index
    %get3A_1712 = arith.constant 96 : index
    %get3A_1713 = tpu.vector_load %arg5[%get3A_1711, %get3A_1712] {strides = array<i32>} : memref<25x128xi32, #tpu.memory_space<vmem>>, vector<16xi32>,
    %get3A_1714 = arith.constant 22 : i32
    %get3A_1715 = arith.index_cast %get3A_1714 : i32 to index
    %get3A_1716 = arith.constant 96 : index
    %get3A_1717 = tpu.vector_load %arg6[%get3A_1715, %get3A_1716] {strides = array<i32>} : memref<25x128xf32, #tpu.memory_space<vmem>>, vector<16xf32>,
    tpu.vector_store_idx %arg7[%get3A_1713], %get3A_1717 {add = true} : memref<1024xf32, #tpu.memory_space<vmem>>[vector<16xi32>], vector<16xf32>,
    %get3A_1718 = arith.constant 22 : i32
    %get3A_1719 = arith.index_cast %get3A_1718 : i32 to index
    %get3A_1720 = arith.constant 112 : index
    %get3A_1721 = tpu.vector_load %arg5[%get3A_1719, %get3A_1720] {strides = array<i32>} : memref<25x128xi32, #tpu.memory_space<vmem>>, vector<16xi32>,
    %get3A_1722 = arith.constant 22 : i32
    %get3A_1723 = arith.index_cast %get3A_1722 : i32 to index
    %get3A_1724 = arith.constant 112 : index
    %get3A_1725 = tpu.vector_load %arg6[%get3A_1723, %get3A_1724] {strides = array<i32>} : memref<25x128xf32, #tpu.memory_space<vmem>>, vector<16xf32>,
    tpu.vector_store_idx %arg7[%get3A_1721], %get3A_1725 {add = true} : memref<1024xf32, #tpu.memory_space<vmem>>[vector<16xi32>], vector<16xf32>,
    %get3A_1726 = arith.constant 23 : i32
    %get3A_1727 = arith.index_cast %get3A_1726 : i32 to index
    %get3A_1728 = arith.constant 0 : index
    %get3A_1729 = tpu.vector_load %arg5[%get3A_1727, %get3A_1728] {strides = array<i32>} : memref<25x128xi32, #tpu.memory_space<vmem>>, vector<16xi32>,
    %get3A_1730 = arith.constant 23 : i32
    %get3A_1731 = arith.index_cast %get3A_1730 : i32 to index
    %get3A_1732 = arith.constant 0 : index
    %get3A_1733 = tpu.vector_load %arg6[%get3A_1731, %get3A_1732] {strides = array<i32>} : memref<25x128xf32, #tpu.memory_space<vmem>>, vector<16xf32>,
    tpu.vector_store_idx %arg7[%get3A_1729], %get3A_1733 {add = true} : memref<1024xf32, #tpu.memory_space<vmem>>[vector<16xi32>], vector<16xf32>,
    %get3A_1734 = arith.constant 23 : i32
    %get3A_1735 = arith.index_cast %get3A_1734 : i32 to index
    %get3A_1736 = arith.constant 16 : index
    %get3A_1737 = tpu.vector_load %arg5[%get3A_1735, %get3A_1736] {strides = array<i32>} : memref<25x128xi32, #tpu.memory_space<vmem>>, vector<16xi32>,
    %get3A_1738 = arith.constant 23 : i32
    %get3A_1739 = arith.index_cast %get3A_1738 : i32 to index
    %get3A_1740 = arith.constant 16 : index
    %get3A_1741 = tpu.vector_load %arg6[%get3A_1739, %get3A_1740] {strides = array<i32>} : memref<25x128xf32, #tpu.memory_space<vmem>>, vector<16xf32>,
    tpu.vector_store_idx %arg7[%get3A_1737], %get3A_1741 {add = true} : memref<1024xf32, #tpu.memory_space<vmem>>[vector<16xi32>], vector<16xf32>,
    %get3A_1742 = arith.constant 23 : i32
    %get3A_1743 = arith.index_cast %get3A_1742 : i32 to index
    %get3A_1744 = arith.constant 32 : index
    %get3A_1745 = tpu.vector_load %arg5[%get3A_1743, %get3A_1744] {strides = array<i32>} : memref<25x128xi32, #tpu.memory_space<vmem>>, vector<16xi32>,
    %get3A_1746 = arith.constant 23 : i32
    %get3A_1747 = arith.index_cast %get3A_1746 : i32 to index
    %get3A_1748 = arith.constant 32 : index
    %get3A_1749 = tpu.vector_load %arg6[%get3A_1747, %get3A_1748] {strides = array<i32>} : memref<25x128xf32, #tpu.memory_space<vmem>>, vector<16xf32>,
    tpu.vector_store_idx %arg7[%get3A_1745], %get3A_1749 {add = true} : memref<1024xf32, #tpu.memory_space<vmem>>[vector<16xi32>], vector<16xf32>,
    %get3A_1750 = arith.constant 23 : i32
    %get3A_1751 = arith.index_cast %get3A_1750 : i32 to index
    %get3A_1752 = arith.constant 48 : index
    %get3A_1753 = tpu.vector_load %arg5[%get3A_1751, %get3A_1752] {strides = array<i32>} : memref<25x128xi32, #tpu.memory_space<vmem>>, vector<16xi32>,
    %get3A_1754 = arith.constant 23 : i32
    %get3A_1755 = arith.index_cast %get3A_1754 : i32 to index
    %get3A_1756 = arith.constant 48 : index
    %get3A_1757 = tpu.vector_load %arg6[%get3A_1755, %get3A_1756] {strides = array<i32>} : memref<25x128xf32, #tpu.memory_space<vmem>>, vector<16xf32>,
    tpu.vector_store_idx %arg7[%get3A_1753], %get3A_1757 {add = true} : memref<1024xf32, #tpu.memory_space<vmem>>[vector<16xi32>], vector<16xf32>,
    %get3A_1758 = arith.constant 23 : i32
    %get3A_1759 = arith.index_cast %get3A_1758 : i32 to index
    %get3A_1760 = arith.constant 64 : index
    %get3A_1761 = tpu.vector_load %arg5[%get3A_1759, %get3A_1760] {strides = array<i32>} : memref<25x128xi32, #tpu.memory_space<vmem>>, vector<16xi32>,
    %get3A_1762 = arith.constant 23 : i32
    %get3A_1763 = arith.index_cast %get3A_1762 : i32 to index
    %get3A_1764 = arith.constant 64 : index
    %get3A_1765 = tpu.vector_load %arg6[%get3A_1763, %get3A_1764] {strides = array<i32>} : memref<25x128xf32, #tpu.memory_space<vmem>>, vector<16xf32>,
    tpu.vector_store_idx %arg7[%get3A_1761], %get3A_1765 {add = true} : memref<1024xf32, #tpu.memory_space<vmem>>[vector<16xi32>], vector<16xf32>,
    %get3A_1766 = arith.constant 23 : i32
    %get3A_1767 = arith.index_cast %get3A_1766 : i32 to index
    %get3A_1768 = arith.constant 80 : index
    %get3A_1769 = tpu.vector_load %arg5[%get3A_1767, %get3A_1768] {strides = array<i32>} : memref<25x128xi32, #tpu.memory_space<vmem>>, vector<16xi32>,
    %get3A_1770 = arith.constant 23 : i32
    %get3A_1771 = arith.index_cast %get3A_1770 : i32 to index
    %get3A_1772 = arith.constant 80 : index
    %get3A_1773 = tpu.vector_load %arg6[%get3A_1771, %get3A_1772] {strides = array<i32>} : memref<25x128xf32, #tpu.memory_space<vmem>>, vector<16xf32>,
    tpu.vector_store_idx %arg7[%get3A_1769], %get3A_1773 {add = true} : memref<1024xf32, #tpu.memory_space<vmem>>[vector<16xi32>], vector<16xf32>,
    %get3A_1774 = arith.constant 23 : i32
    %get3A_1775 = arith.index_cast %get3A_1774 : i32 to index
    %get3A_1776 = arith.constant 96 : index
    %get3A_1777 = tpu.vector_load %arg5[%get3A_1775, %get3A_1776] {strides = array<i32>} : memref<25x128xi32, #tpu.memory_space<vmem>>, vector<16xi32>,
    %get3A_1778 = arith.constant 23 : i32
    %get3A_1779 = arith.index_cast %get3A_1778 : i32 to index
    %get3A_1780 = arith.constant 96 : index
    %get3A_1781 = tpu.vector_load %arg6[%get3A_1779, %get3A_1780] {strides = array<i32>} : memref<25x128xf32, #tpu.memory_space<vmem>>, vector<16xf32>,
    tpu.vector_store_idx %arg7[%get3A_1777], %get3A_1781 {add = true} : memref<1024xf32, #tpu.memory_space<vmem>>[vector<16xi32>], vector<16xf32>,
    %get3A_1782 = arith.constant 23 : i32
    %get3A_1783 = arith.index_cast %get3A_1782 : i32 to index
    %get3A_1784 = arith.constant 112 : index
    %get3A_1785 = tpu.vector_load %arg5[%get3A_1783, %get3A_1784] {strides = array<i32>} : memref<25x128xi32, #tpu.memory_space<vmem>>, vector<16xi32>,
    %get3A_1786 = arith.constant 23 : i32
    %get3A_1787 = arith.index_cast %get3A_1786 : i32 to index
    %get3A_1788 = arith.constant 112 : index
    %get3A_1789 = tpu.vector_load %arg6[%get3A_1787, %get3A_1788] {strides = array<i32>} : memref<25x128xf32, #tpu.memory_space<vmem>>, vector<16xf32>,
    tpu.vector_store_idx %arg7[%get3A_1785], %get3A_1789 {add = true} : memref<1024xf32, #tpu.memory_space<vmem>>[vector<16xi32>], vector<16xf32>,
    %get3A_1790 = arith.constant 24 : i32
    %get3A_1791 = arith.index_cast %get3A_1790 : i32 to index
    %get3A_1792 = arith.constant 0 : index
    %get3A_1793 = tpu.vector_load %arg5[%get3A_1791, %get3A_1792] {strides = array<i32>} : memref<25x128xi32, #tpu.memory_space<vmem>>, vector<16xi32>,
    %get3A_1794 = arith.constant 24 : i32
    %get3A_1795 = arith.index_cast %get3A_1794 : i32 to index
    %get3A_1796 = arith.constant 0 : index
    %get3A_1797 = tpu.vector_load %arg6[%get3A_1795, %get3A_1796] {strides = array<i32>} : memref<25x128xf32, #tpu.memory_space<vmem>>, vector<16xf32>,
    tpu.vector_store_idx %arg7[%get3A_1793], %get3A_1797 {add = true} : memref<1024xf32, #tpu.memory_space<vmem>>[vector<16xi32>], vector<16xf32>,
    %get3A_1798 = arith.constant 24 : i32
    %get3A_1799 = arith.index_cast %get3A_1798 : i32 to index
    %get3A_1800 = arith.constant 16 : index
    %get3A_1801 = tpu.vector_load %arg5[%get3A_1799, %get3A_1800] {strides = array<i32>} : memref<25x128xi32, #tpu.memory_space<vmem>>, vector<16xi32>,
    %get3A_1802 = arith.constant 24 : i32
    %get3A_1803 = arith.index_cast %get3A_1802 : i32 to index
    %get3A_1804 = arith.constant 16 : index
    %get3A_1805 = tpu.vector_load %arg6[%get3A_1803, %get3A_1804] {strides = array<i32>} : memref<25x128xf32, #tpu.memory_space<vmem>>, vector<16xf32>,
    tpu.vector_store_idx %arg7[%get3A_1801], %get3A_1805 {add = true} : memref<1024xf32, #tpu.memory_space<vmem>>[vector<16xi32>], vector<16xf32>,
    %get3A_1806 = arith.constant 24 : i32
    %get3A_1807 = arith.index_cast %get3A_1806 : i32 to index
    %get3A_1808 = arith.constant 32 : index
    %get3A_1809 = tpu.vector_load %arg5[%get3A_1807, %get3A_1808] {strides = array<i32>} : memref<25x128xi32, #tpu.memory_space<vmem>>, vector<16xi32>,
    %get3A_1810 = arith.constant 24 : i32
    %get3A_1811 = arith.index_cast %get3A_1810 : i32 to index
    %get3A_1812 = arith.constant 32 : index
    %get3A_1813 = tpu.vector_load %arg6[%get3A_1811, %get3A_1812] {strides = array<i32>} : memref<25x128xf32, #tpu.memory_space<vmem>>, vector<16xf32>,
    tpu.vector_store_idx %arg7[%get3A_1809], %get3A_1813 {add = true} : memref<1024xf32, #tpu.memory_space<vmem>>[vector<16xi32>], vector<16xf32>,
    %get3A_1814 = arith.constant 24 : i32
    %get3A_1815 = arith.index_cast %get3A_1814 : i32 to index
    %get3A_1816 = arith.constant 48 : index
    %get3A_1817 = tpu.vector_load %arg5[%get3A_1815, %get3A_1816] {strides = array<i32>} : memref<25x128xi32, #tpu.memory_space<vmem>>, vector<16xi32>,
    %get3A_1818 = arith.constant 24 : i32
    %get3A_1819 = arith.index_cast %get3A_1818 : i32 to index
    %get3A_1820 = arith.constant 48 : index
    %get3A_1821 = tpu.vector_load %arg6[%get3A_1819, %get3A_1820] {strides = array<i32>} : memref<25x128xf32, #tpu.memory_space<vmem>>, vector<16xf32>,
    tpu.vector_store_idx %arg7[%get3A_1817], %get3A_1821 {add = true} : memref<1024xf32, #tpu.memory_space<vmem>>[vector<16xi32>], vector<16xf32>,
    %get3A_1822 = arith.constant 24 : i32
    %get3A_1823 = arith.index_cast %get3A_1822 : i32 to index
    %get3A_1824 = arith.constant 64 : index
    %get3A_1825 = tpu.vector_load %arg5[%get3A_1823, %get3A_1824] {strides = array<i32>} : memref<25x128xi32, #tpu.memory_space<vmem>>, vector<16xi32>,
    %get3A_1826 = arith.constant 24 : i32
    %get3A_1827 = arith.index_cast %get3A_1826 : i32 to index
    %get3A_1828 = arith.constant 64 : index
    %get3A_1829 = tpu.vector_load %arg6[%get3A_1827, %get3A_1828] {strides = array<i32>} : memref<25x128xf32, #tpu.memory_space<vmem>>, vector<16xf32>,
    tpu.vector_store_idx %arg7[%get3A_1825], %get3A_1829 {add = true} : memref<1024xf32, #tpu.memory_space<vmem>>[vector<16xi32>], vector<16xf32>,
    %get3A_1830 = arith.constant 24 : i32
    %get3A_1831 = arith.index_cast %get3A_1830 : i32 to index
    %get3A_1832 = arith.constant 80 : index
    %get3A_1833 = tpu.vector_load %arg5[%get3A_1831, %get3A_1832] {strides = array<i32>} : memref<25x128xi32, #tpu.memory_space<vmem>>, vector<16xi32>,
    %get3A_1834 = arith.constant 24 : i32
    %get3A_1835 = arith.index_cast %get3A_1834 : i32 to index
    %get3A_1836 = arith.constant 80 : index
    %get3A_1837 = tpu.vector_load %arg6[%get3A_1835, %get3A_1836] {strides = array<i32>} : memref<25x128xf32, #tpu.memory_space<vmem>>, vector<16xf32>,
    tpu.vector_store_idx %arg7[%get3A_1833], %get3A_1837 {add = true} : memref<1024xf32, #tpu.memory_space<vmem>>[vector<16xi32>], vector<16xf32>,
    %get3A_1838 = arith.constant 24 : i32
    %get3A_1839 = arith.index_cast %get3A_1838 : i32 to index
    %get3A_1840 = arith.constant 96 : index
    %get3A_1841 = tpu.vector_load %arg5[%get3A_1839, %get3A_1840] {strides = array<i32>} : memref<25x128xi32, #tpu.memory_space<vmem>>, vector<16xi32>,
    %get3A_1842 = arith.constant 24 : i32
    %get3A_1843 = arith.index_cast %get3A_1842 : i32 to index
    %get3A_1844 = arith.constant 96 : index
    %get3A_1845 = tpu.vector_load %arg6[%get3A_1843, %get3A_1844] {strides = array<i32>} : memref<25x128xf32, #tpu.memory_space<vmem>>, vector<16xf32>,
    tpu.vector_store_idx %arg7[%get3A_1841], %get3A_1845 {add = true} : memref<1024xf32, #tpu.memory_space<vmem>>[vector<16xi32>], vector<16xf32>,
    %get3A_1846 = arith.constant 24 : i32
    %get3A_1847 = arith.index_cast %get3A_1846 : i32 to index
    %get3A_1848 = arith.constant 112 : index
    %get3A_1849 = tpu.vector_load %arg5[%get3A_1847, %get3A_1848] {strides = array<i32>} : memref<25x128xi32, #tpu.memory_space<vmem>>, vector<16xi32>,
    %get3A_1850 = arith.constant 24 : i32
    %get3A_1851 = arith.index_cast %get3A_1850 : i32 to index
    %get3A_1852 = arith.constant 112 : index
    %get3A_1853 = tpu.vector_load %arg6[%get3A_1851, %get3A_1852] {strides = array<i32>} : memref<25x128xf32, #tpu.memory_space<vmem>>, vector<16xf32>,
    tpu.vector_store_idx %arg7[%get3A_1849], %get3A_1853 {add = true} : memref<1024xf32, #tpu.memory_space<vmem>>[vector<16xi32>], vector<16xf32>,
    %mul3A_1854 = arith.constant 1024 : i32
    %mul3A_1855 = arith.muli %arg1, %mul3A_1854 : i32
    "tpu.region"() ({
      %run_scoped3A = tpu.sem_alloc : memref<!tpu.dma_semaphore, #tpu.memory_space<semaphore_mem>>
      %dma_start3A = tpu.memref_slice %arg10[%mul3A_1855] : memref<16384xf32, #tpu.memory_space<vmem_shared>> -> memref<1024xf32, #tpu.memory_space<vmem_shared>>
      %dma_start3A_1858 = tpu.memref_slice %arg10[%mul3A_1855] : memref<16384xf32, #tpu.memory_space<vmem_shared>> -> memref<1024xf32, #tpu.memory_space<vmem_shared>>
      tpu.enqueue_dma source(%arg7 : memref<1024xf32, #tpu.memory_space<vmem>>) target(%dma_start3A_1858 : memref<1024xf32, #tpu.memory_space<vmem_shared>>) target_semaphore(%run_scoped3A : memref<!tpu.dma_semaphore, #tpu.memory_space<semaphore_mem>>)
      %dma_wait3A = tpu.memref_slice %arg10[%mul3A_1855] : memref<16384xf32, #tpu.memory_space<vmem_shared>> -> memref<1024xf32, #tpu.memory_space<vmem_shared>>
      %dma_wait3A_1859 = tpu.memref_slice %arg10[%mul3A_1855] : memref<16384xf32, #tpu.memory_space<vmem_shared>> -> memref<1024xf32, #tpu.memory_space<vmem_shared>>
      tpu.wait_dma2 semaphore(%run_scoped3A : memref<!tpu.dma_semaphore, #tpu.memory_space<semaphore_mem>>) src(%arg7 : memref<1024xf32, #tpu.memory_space<vmem>>) dst(%dma_wait3A_1859 : memref<1024xf32, #tpu.memory_space<vmem_shared>>)
      tpu.yield
    }) : () -> ()
    %barrier3A = arith.constant 0 : index
    tpu.barrier barrier_id(%barrier3A)
    %lt3A = arith.constant 8 : i32
    %lt3A_1856 = arith.cmpi slt, %arg1, %lt3A : i32
    %convert_element_type3A = arith.extui %lt3A_1856 : i1 to i32
    %cond3A = arith.constant 0 : i32
    %cond3A_1857 = arith.cmpi ne, %convert_element_type3A, %cond3A : i32
    scf.if %cond3A_1857 {
      %mul3A_1858 = arith.constant 128 : i32
      %mul3A_1859 = arith.muli %arg1, %mul3A_1858 : i32
      %add3A_1860 = arith.constant 0 : i32
      %add3A_1861 = arith.addi %add3A_1860, %mul3A_1859 : i32
      %run_scoped3A = arith.constant 0 : i32
      "tpu.region"() ({
        %run_scoped3A_2587 = tpu.sem_alloc : memref<!tpu.dma_semaphore, #tpu.memory_space<semaphore_mem>>
        %dma_start3A = arith.constant 0 : i32
        %dma_start3A_2588 = tpu.memref_slice %arg8[%run_scoped3A, %dma_start3A] : memref<16x128xf32, #tpu.memory_space<vmem>> -> memref<1x128xf32, #tpu.memory_space<vmem>>
        %dma_start3A_2589 = tpu.memref_squeeze %dma_start3A_2588 : memref<1x128xf32, #tpu.memory_space<vmem>> -> memref<128xf32, #tpu.memory_space<vmem>>
        %dma_start3A_2590 = tpu.memref_slice %arg10[%add3A_1861] : memref<16384xf32, #tpu.memory_space<vmem_shared>> -> memref<128xf32, #tpu.memory_space<vmem_shared>>
        %dma_start3A_2591 = arith.constant 0 : i32
        %dma_start3A_2592 = tpu.memref_slice %arg8[%run_scoped3A, %dma_start3A_2591] : memref<16x128xf32, #tpu.memory_space<vmem>> -> memref<1x128xf32, #tpu.memory_space<vmem>>
        %dma_start3A_2593 = tpu.memref_squeeze %dma_start3A_2592 : memref<1x128xf32, #tpu.memory_space<vmem>> -> memref<128xf32, #tpu.memory_space<vmem>>
        %dma_start3A_2594 = tpu.memref_slice %arg10[%add3A_1861] : memref<16384xf32, #tpu.memory_space<vmem_shared>> -> memref<128xf32, #tpu.memory_space<vmem_shared>>
        tpu.enqueue_dma source(%dma_start3A_2594 : memref<128xf32, #tpu.memory_space<vmem_shared>>) target(%dma_start3A_2593 : memref<128xf32, #tpu.memory_space<vmem>>) target_semaphore(%run_scoped3A_2587 : memref<!tpu.dma_semaphore, #tpu.memory_space<semaphore_mem>>)
        %dma_wait3A = arith.constant 0 : i32
        %dma_wait3A_2595 = tpu.memref_slice %arg8[%run_scoped3A, %dma_wait3A] : memref<16x128xf32, #tpu.memory_space<vmem>> -> memref<1x128xf32, #tpu.memory_space<vmem>>
        %dma_wait3A_2596 = tpu.memref_squeeze %dma_wait3A_2595 : memref<1x128xf32, #tpu.memory_space<vmem>> -> memref<128xf32, #tpu.memory_space<vmem>>
        %dma_wait3A_2597 = tpu.memref_slice %arg10[%add3A_1861] : memref<16384xf32, #tpu.memory_space<vmem_shared>> -> memref<128xf32, #tpu.memory_space<vmem_shared>>
        %dma_wait3A_2598 = arith.constant 0 : i32
        %dma_wait3A_2599 = tpu.memref_slice %arg8[%run_scoped3A, %dma_wait3A_2598] : memref<16x128xf32, #tpu.memory_space<vmem>> -> memref<1x128xf32, #tpu.memory_space<vmem>>
        %dma_wait3A_2600 = tpu.memref_squeeze %dma_wait3A_2599 : memref<1x128xf32, #tpu.memory_space<vmem>> -> memref<128xf32, #tpu.memory_space<vmem>>
        %dma_wait3A_2601 = tpu.memref_slice %arg10[%add3A_1861] : memref<16384xf32, #tpu.memory_space<vmem_shared>> -> memref<128xf32, #tpu.memory_space<vmem_shared>>
        tpu.wait_dma2 semaphore(%run_scoped3A_2587 : memref<!tpu.dma_semaphore, #tpu.memory_space<semaphore_mem>>) src(%dma_wait3A_2601 : memref<128xf32, #tpu.memory_space<vmem_shared>>) dst(%dma_wait3A_2600 : memref<128xf32, #tpu.memory_space<vmem>>)
        tpu.yield
      }) : () -> ()
      %mul3A_1862 = arith.constant 128 : i32
      %mul3A_1863 = arith.muli %arg1, %mul3A_1862 : i32
      %add3A_1864 = arith.constant 1024 : i32
      %add3A_1865 = arith.addi %add3A_1864, %mul3A_1863 : i32
      %run_scoped3A_1866 = arith.constant 1 : i32
      "tpu.region"() ({
        %run_scoped3A_2587 = tpu.sem_alloc : memref<!tpu.dma_semaphore, #tpu.memory_space<semaphore_mem>>
        %dma_start3A = arith.constant 0 : i32
        %dma_start3A_2588 = tpu.memref_slice %arg8[%run_scoped3A_1866, %dma_start3A] : memref<16x128xf32, #tpu.memory_space<vmem>> -> memref<1x128xf32, #tpu.memory_space<vmem>>
        %dma_start3A_2589 = tpu.memref_squeeze %dma_start3A_2588 : memref<1x128xf32, #tpu.memory_space<vmem>> -> memref<128xf32, #tpu.memory_space<vmem>>
        %dma_start3A_2590 = tpu.memref_slice %arg10[%add3A_1865] : memref<16384xf32, #tpu.memory_space<vmem_shared>> -> memref<128xf32, #tpu.memory_space<vmem_shared>>
        %dma_start3A_2591 = arith.constant 0 : i32
        %dma_start3A_2592 = tpu.memref_slice %arg8[%run_scoped3A_1866, %dma_start3A_2591] : memref<16x128xf32, #tpu.memory_space<vmem>> -> memref<1x128xf32, #tpu.memory_space<vmem>>
        %dma_start3A_2593 = tpu.memref_squeeze %dma_start3A_2592 : memref<1x128xf32, #tpu.memory_space<vmem>> -> memref<128xf32, #tpu.memory_space<vmem>>
        %dma_start3A_2594 = tpu.memref_slice %arg10[%add3A_1865] : memref<16384xf32, #tpu.memory_space<vmem_shared>> -> memref<128xf32, #tpu.memory_space<vmem_shared>>
        tpu.enqueue_dma source(%dma_start3A_2594 : memref<128xf32, #tpu.memory_space<vmem_shared>>) target(%dma_start3A_2593 : memref<128xf32, #tpu.memory_space<vmem>>) target_semaphore(%run_scoped3A_2587 : memref<!tpu.dma_semaphore, #tpu.memory_space<semaphore_mem>>)
        %dma_wait3A = arith.constant 0 : i32
        %dma_wait3A_2595 = tpu.memref_slice %arg8[%run_scoped3A_1866, %dma_wait3A] : memref<16x128xf32, #tpu.memory_space<vmem>> -> memref<1x128xf32, #tpu.memory_space<vmem>>
        %dma_wait3A_2596 = tpu.memref_squeeze %dma_wait3A_2595 : memref<1x128xf32, #tpu.memory_space<vmem>> -> memref<128xf32, #tpu.memory_space<vmem>>
        %dma_wait3A_2597 = tpu.memref_slice %arg10[%add3A_1865] : memref<16384xf32, #tpu.memory_space<vmem_shared>> -> memref<128xf32, #tpu.memory_space<vmem_shared>>
        %dma_wait3A_2598 = arith.constant 0 : i32
        %dma_wait3A_2599 = tpu.memref_slice %arg8[%run_scoped3A_1866, %dma_wait3A_2598] : memref<16x128xf32, #tpu.memory_space<vmem>> -> memref<1x128xf32, #tpu.memory_space<vmem>>
        %dma_wait3A_2600 = tpu.memref_squeeze %dma_wait3A_2599 : memref<1x128xf32, #tpu.memory_space<vmem>> -> memref<128xf32, #tpu.memory_space<vmem>>
        %dma_wait3A_2601 = tpu.memref_slice %arg10[%add3A_1865] : memref<16384xf32, #tpu.memory_space<vmem_shared>> -> memref<128xf32, #tpu.memory_space<vmem_shared>>
        tpu.wait_dma2 semaphore(%run_scoped3A_2587 : memref<!tpu.dma_semaphore, #tpu.memory_space<semaphore_mem>>) src(%dma_wait3A_2601 : memref<128xf32, #tpu.memory_space<vmem_shared>>) dst(%dma_wait3A_2600 : memref<128xf32, #tpu.memory_space<vmem>>)
        tpu.yield
      }) : () -> ()
      %mul3A_1867 = arith.constant 128 : i32
      %mul3A_1868 = arith.muli %arg1, %mul3A_1867 : i32
      %add3A_1869 = arith.constant 2048 : i32
      %add3A_1870 = arith.addi %add3A_1869, %mul3A_1868 : i32
      %run_scoped3A_1871 = arith.constant 2 : i32
      "tpu.region"() ({
        %run_scoped3A_2587 = tpu.sem_alloc : memref<!tpu.dma_semaphore, #tpu.memory_space<semaphore_mem>>
        %dma_start3A = arith.constant 0 : i32
        %dma_start3A_2588 = tpu.memref_slice %arg8[%run_scoped3A_1871, %dma_start3A] : memref<16x128xf32, #tpu.memory_space<vmem>> -> memref<1x128xf32, #tpu.memory_space<vmem>>
        %dma_start3A_2589 = tpu.memref_squeeze %dma_start3A_2588 : memref<1x128xf32, #tpu.memory_space<vmem>> -> memref<128xf32, #tpu.memory_space<vmem>>
        %dma_start3A_2590 = tpu.memref_slice %arg10[%add3A_1870] : memref<16384xf32, #tpu.memory_space<vmem_shared>> -> memref<128xf32, #tpu.memory_space<vmem_shared>>
        %dma_start3A_2591 = arith.constant 0 : i32
        %dma_start3A_2592 = tpu.memref_slice %arg8[%run_scoped3A_1871, %dma_start3A_2591] : memref<16x128xf32, #tpu.memory_space<vmem>> -> memref<1x128xf32, #tpu.memory_space<vmem>>
        %dma_start3A_2593 = tpu.memref_squeeze %dma_start3A_2592 : memref<1x128xf32, #tpu.memory_space<vmem>> -> memref<128xf32, #tpu.memory_space<vmem>>
        %dma_start3A_2594 = tpu.memref_slice %arg10[%add3A_1870] : memref<16384xf32, #tpu.memory_space<vmem_shared>> -> memref<128xf32, #tpu.memory_space<vmem_shared>>
        tpu.enqueue_dma source(%dma_start3A_2594 : memref<128xf32, #tpu.memory_space<vmem_shared>>) target(%dma_start3A_2593 : memref<128xf32, #tpu.memory_space<vmem>>) target_semaphore(%run_scoped3A_2587 : memref<!tpu.dma_semaphore, #tpu.memory_space<semaphore_mem>>)
        %dma_wait3A = arith.constant 0 : i32
        %dma_wait3A_2595 = tpu.memref_slice %arg8[%run_scoped3A_1871, %dma_wait3A] : memref<16x128xf32, #tpu.memory_space<vmem>> -> memref<1x128xf32, #tpu.memory_space<vmem>>
        %dma_wait3A_2596 = tpu.memref_squeeze %dma_wait3A_2595 : memref<1x128xf32, #tpu.memory_space<vmem>> -> memref<128xf32, #tpu.memory_space<vmem>>
        %dma_wait3A_2597 = tpu.memref_slice %arg10[%add3A_1870] : memref<16384xf32, #tpu.memory_space<vmem_shared>> -> memref<128xf32, #tpu.memory_space<vmem_shared>>
        %dma_wait3A_2598 = arith.constant 0 : i32
        %dma_wait3A_2599 = tpu.memref_slice %arg8[%run_scoped3A_1871, %dma_wait3A_2598] : memref<16x128xf32, #tpu.memory_space<vmem>> -> memref<1x128xf32, #tpu.memory_space<vmem>>
        %dma_wait3A_2600 = tpu.memref_squeeze %dma_wait3A_2599 : memref<1x128xf32, #tpu.memory_space<vmem>> -> memref<128xf32, #tpu.memory_space<vmem>>
        %dma_wait3A_2601 = tpu.memref_slice %arg10[%add3A_1870] : memref<16384xf32, #tpu.memory_space<vmem_shared>> -> memref<128xf32, #tpu.memory_space<vmem_shared>>
        tpu.wait_dma2 semaphore(%run_scoped3A_2587 : memref<!tpu.dma_semaphore, #tpu.memory_space<semaphore_mem>>) src(%dma_wait3A_2601 : memref<128xf32, #tpu.memory_space<vmem_shared>>) dst(%dma_wait3A_2600 : memref<128xf32, #tpu.memory_space<vmem>>)
        tpu.yield
      }) : () -> ()
      %mul3A_1872 = arith.constant 128 : i32
      %mul3A_1873 = arith.muli %arg1, %mul3A_1872 : i32
      %add3A_1874 = arith.constant 3072 : i32
      %add3A_1875 = arith.addi %add3A_1874, %mul3A_1873 : i32
      %run_scoped3A_1876 = arith.constant 3 : i32
      "tpu.region"() ({
        %run_scoped3A_2587 = tpu.sem_alloc : memref<!tpu.dma_semaphore, #tpu.memory_space<semaphore_mem>>
        %dma_start3A = arith.constant 0 : i32
        %dma_start3A_2588 = tpu.memref_slice %arg8[%run_scoped3A_1876, %dma_start3A] : memref<16x128xf32, #tpu.memory_space<vmem>> -> memref<1x128xf32, #tpu.memory_space<vmem>>
        %dma_start3A_2589 = tpu.memref_squeeze %dma_start3A_2588 : memref<1x128xf32, #tpu.memory_space<vmem>> -> memref<128xf32, #tpu.memory_space<vmem>>
        %dma_start3A_2590 = tpu.memref_slice %arg10[%add3A_1875] : memref<16384xf32, #tpu.memory_space<vmem_shared>> -> memref<128xf32, #tpu.memory_space<vmem_shared>>
        %dma_start3A_2591 = arith.constant 0 : i32
        %dma_start3A_2592 = tpu.memref_slice %arg8[%run_scoped3A_1876, %dma_start3A_2591] : memref<16x128xf32, #tpu.memory_space<vmem>> -> memref<1x128xf32, #tpu.memory_space<vmem>>
        %dma_start3A_2593 = tpu.memref_squeeze %dma_start3A_2592 : memref<1x128xf32, #tpu.memory_space<vmem>> -> memref<128xf32, #tpu.memory_space<vmem>>
        %dma_start3A_2594 = tpu.memref_slice %arg10[%add3A_1875] : memref<16384xf32, #tpu.memory_space<vmem_shared>> -> memref<128xf32, #tpu.memory_space<vmem_shared>>
        tpu.enqueue_dma source(%dma_start3A_2594 : memref<128xf32, #tpu.memory_space<vmem_shared>>) target(%dma_start3A_2593 : memref<128xf32, #tpu.memory_space<vmem>>) target_semaphore(%run_scoped3A_2587 : memref<!tpu.dma_semaphore, #tpu.memory_space<semaphore_mem>>)
        %dma_wait3A = arith.constant 0 : i32
        %dma_wait3A_2595 = tpu.memref_slice %arg8[%run_scoped3A_1876, %dma_wait3A] : memref<16x128xf32, #tpu.memory_space<vmem>> -> memref<1x128xf32, #tpu.memory_space<vmem>>
        %dma_wait3A_2596 = tpu.memref_squeeze %dma_wait3A_2595 : memref<1x128xf32, #tpu.memory_space<vmem>> -> memref<128xf32, #tpu.memory_space<vmem>>
        %dma_wait3A_2597 = tpu.memref_slice %arg10[%add3A_1875] : memref<16384xf32, #tpu.memory_space<vmem_shared>> -> memref<128xf32, #tpu.memory_space<vmem_shared>>
        %dma_wait3A_2598 = arith.constant 0 : i32
        %dma_wait3A_2599 = tpu.memref_slice %arg8[%run_scoped3A_1876, %dma_wait3A_2598] : memref<16x128xf32, #tpu.memory_space<vmem>> -> memref<1x128xf32, #tpu.memory_space<vmem>>
        %dma_wait3A_2600 = tpu.memref_squeeze %dma_wait3A_2599 : memref<1x128xf32, #tpu.memory_space<vmem>> -> memref<128xf32, #tpu.memory_space<vmem>>
        %dma_wait3A_2601 = tpu.memref_slice %arg10[%add3A_1875] : memref<16384xf32, #tpu.memory_space<vmem_shared>> -> memref<128xf32, #tpu.memory_space<vmem_shared>>
        tpu.wait_dma2 semaphore(%run_scoped3A_2587 : memref<!tpu.dma_semaphore, #tpu.memory_space<semaphore_mem>>) src(%dma_wait3A_2601 : memref<128xf32, #tpu.memory_space<vmem_shared>>) dst(%dma_wait3A_2600 : memref<128xf32, #tpu.memory_space<vmem>>)
        tpu.yield
      }) : () -> ()
      %mul3A_1877 = arith.constant 128 : i32
      %mul3A_1878 = arith.muli %arg1, %mul3A_1877 : i32
      %add3A_1879 = arith.constant 4096 : i32
      %add3A_1880 = arith.addi %add3A_1879, %mul3A_1878 : i32
      %run_scoped3A_1881 = arith.constant 4 : i32
      "tpu.region"() ({
        %run_scoped3A_2587 = tpu.sem_alloc : memref<!tpu.dma_semaphore, #tpu.memory_space<semaphore_mem>>
        %dma_start3A = arith.constant 0 : i32
        %dma_start3A_2588 = tpu.memref_slice %arg8[%run_scoped3A_1881, %dma_start3A] : memref<16x128xf32, #tpu.memory_space<vmem>> -> memref<1x128xf32, #tpu.memory_space<vmem>>
        %dma_start3A_2589 = tpu.memref_squeeze %dma_start3A_2588 : memref<1x128xf32, #tpu.memory_space<vmem>> -> memref<128xf32, #tpu.memory_space<vmem>>
        %dma_start3A_2590 = tpu.memref_slice %arg10[%add3A_1880] : memref<16384xf32, #tpu.memory_space<vmem_shared>> -> memref<128xf32, #tpu.memory_space<vmem_shared>>
        %dma_start3A_2591 = arith.constant 0 : i32
        %dma_start3A_2592 = tpu.memref_slice %arg8[%run_scoped3A_1881, %dma_start3A_2591] : memref<16x128xf32, #tpu.memory_space<vmem>> -> memref<1x128xf32, #tpu.memory_space<vmem>>
        %dma_start3A_2593 = tpu.memref_squeeze %dma_start3A_2592 : memref<1x128xf32, #tpu.memory_space<vmem>> -> memref<128xf32, #tpu.memory_space<vmem>>
        %dma_start3A_2594 = tpu.memref_slice %arg10[%add3A_1880] : memref<16384xf32, #tpu.memory_space<vmem_shared>> -> memref<128xf32, #tpu.memory_space<vmem_shared>>
        tpu.enqueue_dma source(%dma_start3A_2594 : memref<128xf32, #tpu.memory_space<vmem_shared>>) target(%dma_start3A_2593 : memref<128xf32, #tpu.memory_space<vmem>>) target_semaphore(%run_scoped3A_2587 : memref<!tpu.dma_semaphore, #tpu.memory_space<semaphore_mem>>)
        %dma_wait3A = arith.constant 0 : i32
        %dma_wait3A_2595 = tpu.memref_slice %arg8[%run_scoped3A_1881, %dma_wait3A] : memref<16x128xf32, #tpu.memory_space<vmem>> -> memref<1x128xf32, #tpu.memory_space<vmem>>
        %dma_wait3A_2596 = tpu.memref_squeeze %dma_wait3A_2595 : memref<1x128xf32, #tpu.memory_space<vmem>> -> memref<128xf32, #tpu.memory_space<vmem>>
        %dma_wait3A_2597 = tpu.memref_slice %arg10[%add3A_1880] : memref<16384xf32, #tpu.memory_space<vmem_shared>> -> memref<128xf32, #tpu.memory_space<vmem_shared>>
        %dma_wait3A_2598 = arith.constant 0 : i32
        %dma_wait3A_2599 = tpu.memref_slice %arg8[%run_scoped3A_1881, %dma_wait3A_2598] : memref<16x128xf32, #tpu.memory_space<vmem>> -> memref<1x128xf32, #tpu.memory_space<vmem>>
        %dma_wait3A_2600 = tpu.memref_squeeze %dma_wait3A_2599 : memref<1x128xf32, #tpu.memory_space<vmem>> -> memref<128xf32, #tpu.memory_space<vmem>>
        %dma_wait3A_2601 = tpu.memref_slice %arg10[%add3A_1880] : memref<16384xf32, #tpu.memory_space<vmem_shared>> -> memref<128xf32, #tpu.memory_space<vmem_shared>>
        tpu.wait_dma2 semaphore(%run_scoped3A_2587 : memref<!tpu.dma_semaphore, #tpu.memory_space<semaphore_mem>>) src(%dma_wait3A_2601 : memref<128xf32, #tpu.memory_space<vmem_shared>>) dst(%dma_wait3A_2600 : memref<128xf32, #tpu.memory_space<vmem>>)
        tpu.yield
      }) : () -> ()
      %mul3A_1882 = arith.constant 128 : i32
      %mul3A_1883 = arith.muli %arg1, %mul3A_1882 : i32
      %add3A_1884 = arith.constant 5120 : i32
      %add3A_1885 = arith.addi %add3A_1884, %mul3A_1883 : i32
      %run_scoped3A_1886 = arith.constant 5 : i32
      "tpu.region"() ({
        %run_scoped3A_2587 = tpu.sem_alloc : memref<!tpu.dma_semaphore, #tpu.memory_space<semaphore_mem>>
        %dma_start3A = arith.constant 0 : i32
        %dma_start3A_2588 = tpu.memref_slice %arg8[%run_scoped3A_1886, %dma_start3A] : memref<16x128xf32, #tpu.memory_space<vmem>> -> memref<1x128xf32, #tpu.memory_space<vmem>>
        %dma_start3A_2589 = tpu.memref_squeeze %dma_start3A_2588 : memref<1x128xf32, #tpu.memory_space<vmem>> -> memref<128xf32, #tpu.memory_space<vmem>>
        %dma_start3A_2590 = tpu.memref_slice %arg10[%add3A_1885] : memref<16384xf32, #tpu.memory_space<vmem_shared>> -> memref<128xf32, #tpu.memory_space<vmem_shared>>
        %dma_start3A_2591 = arith.constant 0 : i32
        %dma_start3A_2592 = tpu.memref_slice %arg8[%run_scoped3A_1886, %dma_start3A_2591] : memref<16x128xf32, #tpu.memory_space<vmem>> -> memref<1x128xf32, #tpu.memory_space<vmem>>
        %dma_start3A_2593 = tpu.memref_squeeze %dma_start3A_2592 : memref<1x128xf32, #tpu.memory_space<vmem>> -> memref<128xf32, #tpu.memory_space<vmem>>
        %dma_start3A_2594 = tpu.memref_slice %arg10[%add3A_1885] : memref<16384xf32, #tpu.memory_space<vmem_shared>> -> memref<128xf32, #tpu.memory_space<vmem_shared>>
        tpu.enqueue_dma source(%dma_start3A_2594 : memref<128xf32, #tpu.memory_space<vmem_shared>>) target(%dma_start3A_2593 : memref<128xf32, #tpu.memory_space<vmem>>) target_semaphore(%run_scoped3A_2587 : memref<!tpu.dma_semaphore, #tpu.memory_space<semaphore_mem>>)
        %dma_wait3A = arith.constant 0 : i32
        %dma_wait3A_2595 = tpu.memref_slice %arg8[%run_scoped3A_1886, %dma_wait3A] : memref<16x128xf32, #tpu.memory_space<vmem>> -> memref<1x128xf32, #tpu.memory_space<vmem>>
        %dma_wait3A_2596 = tpu.memref_squeeze %dma_wait3A_2595 : memref<1x128xf32, #tpu.memory_space<vmem>> -> memref<128xf32, #tpu.memory_space<vmem>>
        %dma_wait3A_2597 = tpu.memref_slice %arg10[%add3A_1885] : memref<16384xf32, #tpu.memory_space<vmem_shared>> -> memref<128xf32, #tpu.memory_space<vmem_shared>>
        %dma_wait3A_2598 = arith.constant 0 : i32
        %dma_wait3A_2599 = tpu.memref_slice %arg8[%run_scoped3A_1886, %dma_wait3A_2598] : memref<16x128xf32, #tpu.memory_space<vmem>> -> memref<1x128xf32, #tpu.memory_space<vmem>>
        %dma_wait3A_2600 = tpu.memref_squeeze %dma_wait3A_2599 : memref<1x128xf32, #tpu.memory_space<vmem>> -> memref<128xf32, #tpu.memory_space<vmem>>
        %dma_wait3A_2601 = tpu.memref_slice %arg10[%add3A_1885] : memref<16384xf32, #tpu.memory_space<vmem_shared>> -> memref<128xf32, #tpu.memory_space<vmem_shared>>
        tpu.wait_dma2 semaphore(%run_scoped3A_2587 : memref<!tpu.dma_semaphore, #tpu.memory_space<semaphore_mem>>) src(%dma_wait3A_2601 : memref<128xf32, #tpu.memory_space<vmem_shared>>) dst(%dma_wait3A_2600 : memref<128xf32, #tpu.memory_space<vmem>>)
        tpu.yield
      }) : () -> ()
      %mul3A_1887 = arith.constant 128 : i32
      %mul3A_1888 = arith.muli %arg1, %mul3A_1887 : i32
      %add3A_1889 = arith.constant 6144 : i32
      %add3A_1890 = arith.addi %add3A_1889, %mul3A_1888 : i32
      %run_scoped3A_1891 = arith.constant 6 : i32
      "tpu.region"() ({
        %run_scoped3A_2587 = tpu.sem_alloc : memref<!tpu.dma_semaphore, #tpu.memory_space<semaphore_mem>>
        %dma_start3A = arith.constant 0 : i32
        %dma_start3A_2588 = tpu.memref_slice %arg8[%run_scoped3A_1891, %dma_start3A] : memref<16x128xf32, #tpu.memory_space<vmem>> -> memref<1x128xf32, #tpu.memory_space<vmem>>
        %dma_start3A_2589 = tpu.memref_squeeze %dma_start3A_2588 : memref<1x128xf32, #tpu.memory_space<vmem>> -> memref<128xf32, #tpu.memory_space<vmem>>
        %dma_start3A_2590 = tpu.memref_slice %arg10[%add3A_1890] : memref<16384xf32, #tpu.memory_space<vmem_shared>> -> memref<128xf32, #tpu.memory_space<vmem_shared>>
        %dma_start3A_2591 = arith.constant 0 : i32
        %dma_start3A_2592 = tpu.memref_slice %arg8[%run_scoped3A_1891, %dma_start3A_2591] : memref<16x128xf32, #tpu.memory_space<vmem>> -> memref<1x128xf32, #tpu.memory_space<vmem>>
        %dma_start3A_2593 = tpu.memref_squeeze %dma_start3A_2592 : memref<1x128xf32, #tpu.memory_space<vmem>> -> memref<128xf32, #tpu.memory_space<vmem>>
        %dma_start3A_2594 = tpu.memref_slice %arg10[%add3A_1890] : memref<16384xf32, #tpu.memory_space<vmem_shared>> -> memref<128xf32, #tpu.memory_space<vmem_shared>>
        tpu.enqueue_dma source(%dma_start3A_2594 : memref<128xf32, #tpu.memory_space<vmem_shared>>) target(%dma_start3A_2593 : memref<128xf32, #tpu.memory_space<vmem>>) target_semaphore(%run_scoped3A_2587 : memref<!tpu.dma_semaphore, #tpu.memory_space<semaphore_mem>>)
        %dma_wait3A = arith.constant 0 : i32
        %dma_wait3A_2595 = tpu.memref_slice %arg8[%run_scoped3A_1891, %dma_wait3A] : memref<16x128xf32, #tpu.memory_space<vmem>> -> memref<1x128xf32, #tpu.memory_space<vmem>>
        %dma_wait3A_2596 = tpu.memref_squeeze %dma_wait3A_2595 : memref<1x128xf32, #tpu.memory_space<vmem>> -> memref<128xf32, #tpu.memory_space<vmem>>
        %dma_wait3A_2597 = tpu.memref_slice %arg10[%add3A_1890] : memref<16384xf32, #tpu.memory_space<vmem_shared>> -> memref<128xf32, #tpu.memory_space<vmem_shared>>
        %dma_wait3A_2598 = arith.constant 0 : i32
        %dma_wait3A_2599 = tpu.memref_slice %arg8[%run_scoped3A_1891, %dma_wait3A_2598] : memref<16x128xf32, #tpu.memory_space<vmem>> -> memref<1x128xf32, #tpu.memory_space<vmem>>
        %dma_wait3A_2600 = tpu.memref_squeeze %dma_wait3A_2599 : memref<1x128xf32, #tpu.memory_space<vmem>> -> memref<128xf32, #tpu.memory_space<vmem>>
        %dma_wait3A_2601 = tpu.memref_slice %arg10[%add3A_1890] : memref<16384xf32, #tpu.memory_space<vmem_shared>> -> memref<128xf32, #tpu.memory_space<vmem_shared>>
        tpu.wait_dma2 semaphore(%run_scoped3A_2587 : memref<!tpu.dma_semaphore, #tpu.memory_space<semaphore_mem>>) src(%dma_wait3A_2601 : memref<128xf32, #tpu.memory_space<vmem_shared>>) dst(%dma_wait3A_2600 : memref<128xf32, #tpu.memory_space<vmem>>)
        tpu.yield
      }) : () -> ()
      %mul3A_1892 = arith.constant 128 : i32
      %mul3A_1893 = arith.muli %arg1, %mul3A_1892 : i32
      %add3A_1894 = arith.constant 7168 : i32
      %add3A_1895 = arith.addi %add3A_1894, %mul3A_1893 : i32
      %run_scoped3A_1896 = arith.constant 7 : i32
      "tpu.region"() ({
        %run_scoped3A_2587 = tpu.sem_alloc : memref<!tpu.dma_semaphore, #tpu.memory_space<semaphore_mem>>
        %dma_start3A = arith.constant 0 : i32
        %dma_start3A_2588 = tpu.memref_slice %arg8[%run_scoped3A_1896, %dma_start3A] : memref<16x128xf32, #tpu.memory_space<vmem>> -> memref<1x128xf32, #tpu.memory_space<vmem>>
        %dma_start3A_2589 = tpu.memref_squeeze %dma_start3A_2588 : memref<1x128xf32, #tpu.memory_space<vmem>> -> memref<128xf32, #tpu.memory_space<vmem>>
        %dma_start3A_2590 = tpu.memref_slice %arg10[%add3A_1895] : memref<16384xf32, #tpu.memory_space<vmem_shared>> -> memref<128xf32, #tpu.memory_space<vmem_shared>>
        %dma_start3A_2591 = arith.constant 0 : i32
        %dma_start3A_2592 = tpu.memref_slice %arg8[%run_scoped3A_1896, %dma_start3A_2591] : memref<16x128xf32, #tpu.memory_space<vmem>> -> memref<1x128xf32, #tpu.memory_space<vmem>>
        %dma_start3A_2593 = tpu.memref_squeeze %dma_start3A_2592 : memref<1x128xf32, #tpu.memory_space<vmem>> -> memref<128xf32, #tpu.memory_space<vmem>>
        %dma_start3A_2594 = tpu.memref_slice %arg10[%add3A_1895] : memref<16384xf32, #tpu.memory_space<vmem_shared>> -> memref<128xf32, #tpu.memory_space<vmem_shared>>
        tpu.enqueue_dma source(%dma_start3A_2594 : memref<128xf32, #tpu.memory_space<vmem_shared>>) target(%dma_start3A_2593 : memref<128xf32, #tpu.memory_space<vmem>>) target_semaphore(%run_scoped3A_2587 : memref<!tpu.dma_semaphore, #tpu.memory_space<semaphore_mem>>)
        %dma_wait3A = arith.constant 0 : i32
        %dma_wait3A_2595 = tpu.memref_slice %arg8[%run_scoped3A_1896, %dma_wait3A] : memref<16x128xf32, #tpu.memory_space<vmem>> -> memref<1x128xf32, #tpu.memory_space<vmem>>
        %dma_wait3A_2596 = tpu.memref_squeeze %dma_wait3A_2595 : memref<1x128xf32, #tpu.memory_space<vmem>> -> memref<128xf32, #tpu.memory_space<vmem>>
        %dma_wait3A_2597 = tpu.memref_slice %arg10[%add3A_1895] : memref<16384xf32, #tpu.memory_space<vmem_shared>> -> memref<128xf32, #tpu.memory_space<vmem_shared>>
        %dma_wait3A_2598 = arith.constant 0 : i32
        %dma_wait3A_2599 = tpu.memref_slice %arg8[%run_scoped3A_1896, %dma_wait3A_2598] : memref<16x128xf32, #tpu.memory_space<vmem>> -> memref<1x128xf32, #tpu.memory_space<vmem>>
        %dma_wait3A_2600 = tpu.memref_squeeze %dma_wait3A_2599 : memref<1x128xf32, #tpu.memory_space<vmem>> -> memref<128xf32, #tpu.memory_space<vmem>>
        %dma_wait3A_2601 = tpu.memref_slice %arg10[%add3A_1895] : memref<16384xf32, #tpu.memory_space<vmem_shared>> -> memref<128xf32, #tpu.memory_space<vmem_shared>>
        tpu.wait_dma2 semaphore(%run_scoped3A_2587 : memref<!tpu.dma_semaphore, #tpu.memory_space<semaphore_mem>>) src(%dma_wait3A_2601 : memref<128xf32, #tpu.memory_space<vmem_shared>>) dst(%dma_wait3A_2600 : memref<128xf32, #tpu.memory_space<vmem>>)
        tpu.yield
      }) : () -> ()
      %mul3A_1897 = arith.constant 128 : i32
      %mul3A_1898 = arith.muli %arg1, %mul3A_1897 : i32
      %add3A_1899 = arith.constant 8192 : i32
      %add3A_1900 = arith.addi %add3A_1899, %mul3A_1898 : i32
      %run_scoped3A_1901 = arith.constant 8 : i32
      "tpu.region"() ({
        %run_scoped3A_2587 = tpu.sem_alloc : memref<!tpu.dma_semaphore, #tpu.memory_space<semaphore_mem>>
        %dma_start3A = arith.constant 0 : i32
        %dma_start3A_2588 = tpu.memref_slice %arg8[%run_scoped3A_1901, %dma_start3A] : memref<16x128xf32, #tpu.memory_space<vmem>> -> memref<1x128xf32, #tpu.memory_space<vmem>>
        %dma_start3A_2589 = tpu.memref_squeeze %dma_start3A_2588 : memref<1x128xf32, #tpu.memory_space<vmem>> -> memref<128xf32, #tpu.memory_space<vmem>>
        %dma_start3A_2590 = tpu.memref_slice %arg10[%add3A_1900] : memref<16384xf32, #tpu.memory_space<vmem_shared>> -> memref<128xf32, #tpu.memory_space<vmem_shared>>
        %dma_start3A_2591 = arith.constant 0 : i32
        %dma_start3A_2592 = tpu.memref_slice %arg8[%run_scoped3A_1901, %dma_start3A_2591] : memref<16x128xf32, #tpu.memory_space<vmem>> -> memref<1x128xf32, #tpu.memory_space<vmem>>
        %dma_start3A_2593 = tpu.memref_squeeze %dma_start3A_2592 : memref<1x128xf32, #tpu.memory_space<vmem>> -> memref<128xf32, #tpu.memory_space<vmem>>
        %dma_start3A_2594 = tpu.memref_slice %arg10[%add3A_1900] : memref<16384xf32, #tpu.memory_space<vmem_shared>> -> memref<128xf32, #tpu.memory_space<vmem_shared>>
        tpu.enqueue_dma source(%dma_start3A_2594 : memref<128xf32, #tpu.memory_space<vmem_shared>>) target(%dma_start3A_2593 : memref<128xf32, #tpu.memory_space<vmem>>) target_semaphore(%run_scoped3A_2587 : memref<!tpu.dma_semaphore, #tpu.memory_space<semaphore_mem>>)
        %dma_wait3A = arith.constant 0 : i32
        %dma_wait3A_2595 = tpu.memref_slice %arg8[%run_scoped3A_1901, %dma_wait3A] : memref<16x128xf32, #tpu.memory_space<vmem>> -> memref<1x128xf32, #tpu.memory_space<vmem>>
        %dma_wait3A_2596 = tpu.memref_squeeze %dma_wait3A_2595 : memref<1x128xf32, #tpu.memory_space<vmem>> -> memref<128xf32, #tpu.memory_space<vmem>>
        %dma_wait3A_2597 = tpu.memref_slice %arg10[%add3A_1900] : memref<16384xf32, #tpu.memory_space<vmem_shared>> -> memref<128xf32, #tpu.memory_space<vmem_shared>>
        %dma_wait3A_2598 = arith.constant 0 : i32
        %dma_wait3A_2599 = tpu.memref_slice %arg8[%run_scoped3A_1901, %dma_wait3A_2598] : memref<16x128xf32, #tpu.memory_space<vmem>> -> memref<1x128xf32, #tpu.memory_space<vmem>>
        %dma_wait3A_2600 = tpu.memref_squeeze %dma_wait3A_2599 : memref<1x128xf32, #tpu.memory_space<vmem>> -> memref<128xf32, #tpu.memory_space<vmem>>
        %dma_wait3A_2601 = tpu.memref_slice %arg10[%add3A_1900] : memref<16384xf32, #tpu.memory_space<vmem_shared>> -> memref<128xf32, #tpu.memory_space<vmem_shared>>
        tpu.wait_dma2 semaphore(%run_scoped3A_2587 : memref<!tpu.dma_semaphore, #tpu.memory_space<semaphore_mem>>) src(%dma_wait3A_2601 : memref<128xf32, #tpu.memory_space<vmem_shared>>) dst(%dma_wait3A_2600 : memref<128xf32, #tpu.memory_space<vmem>>)
        tpu.yield
      }) : () -> ()
      %mul3A_1902 = arith.constant 128 : i32
      %mul3A_1903 = arith.muli %arg1, %mul3A_1902 : i32
      %add3A_1904 = arith.constant 9216 : i32
      %add3A_1905 = arith.addi %add3A_1904, %mul3A_1903 : i32
      %run_scoped3A_1906 = arith.constant 9 : i32
      "tpu.region"() ({
        %run_scoped3A_2587 = tpu.sem_alloc : memref<!tpu.dma_semaphore, #tpu.memory_space<semaphore_mem>>
        %dma_start3A = arith.constant 0 : i32
        %dma_start3A_2588 = tpu.memref_slice %arg8[%run_scoped3A_1906, %dma_start3A] : memref<16x128xf32, #tpu.memory_space<vmem>> -> memref<1x128xf32, #tpu.memory_space<vmem>>
        %dma_start3A_2589 = tpu.memref_squeeze %dma_start3A_2588 : memref<1x128xf32, #tpu.memory_space<vmem>> -> memref<128xf32, #tpu.memory_space<vmem>>
        %dma_start3A_2590 = tpu.memref_slice %arg10[%add3A_1905] : memref<16384xf32, #tpu.memory_space<vmem_shared>> -> memref<128xf32, #tpu.memory_space<vmem_shared>>
        %dma_start3A_2591 = arith.constant 0 : i32
        %dma_start3A_2592 = tpu.memref_slice %arg8[%run_scoped3A_1906, %dma_start3A_2591] : memref<16x128xf32, #tpu.memory_space<vmem>> -> memref<1x128xf32, #tpu.memory_space<vmem>>
        %dma_start3A_2593 = tpu.memref_squeeze %dma_start3A_2592 : memref<1x128xf32, #tpu.memory_space<vmem>> -> memref<128xf32, #tpu.memory_space<vmem>>
        %dma_start3A_2594 = tpu.memref_slice %arg10[%add3A_1905] : memref<16384xf32, #tpu.memory_space<vmem_shared>> -> memref<128xf32, #tpu.memory_space<vmem_shared>>
        tpu.enqueue_dma source(%dma_start3A_2594 : memref<128xf32, #tpu.memory_space<vmem_shared>>) target(%dma_start3A_2593 : memref<128xf32, #tpu.memory_space<vmem>>) target_semaphore(%run_scoped3A_2587 : memref<!tpu.dma_semaphore, #tpu.memory_space<semaphore_mem>>)
        %dma_wait3A = arith.constant 0 : i32
        %dma_wait3A_2595 = tpu.memref_slice %arg8[%run_scoped3A_1906, %dma_wait3A] : memref<16x128xf32, #tpu.memory_space<vmem>> -> memref<1x128xf32, #tpu.memory_space<vmem>>
        %dma_wait3A_2596 = tpu.memref_squeeze %dma_wait3A_2595 : memref<1x128xf32, #tpu.memory_space<vmem>> -> memref<128xf32, #tpu.memory_space<vmem>>
        %dma_wait3A_2597 = tpu.memref_slice %arg10[%add3A_1905] : memref<16384xf32, #tpu.memory_space<vmem_shared>> -> memref<128xf32, #tpu.memory_space<vmem_shared>>
        %dma_wait3A_2598 = arith.constant 0 : i32
        %dma_wait3A_2599 = tpu.memref_slice %arg8[%run_scoped3A_1906, %dma_wait3A_2598] : memref<16x128xf32, #tpu.memory_space<vmem>> -> memref<1x128xf32, #tpu.memory_space<vmem>>
        %dma_wait3A_2600 = tpu.memref_squeeze %dma_wait3A_2599 : memref<1x128xf32, #tpu.memory_space<vmem>> -> memref<128xf32, #tpu.memory_space<vmem>>
        %dma_wait3A_2601 = tpu.memref_slice %arg10[%add3A_1905] : memref<16384xf32, #tpu.memory_space<vmem_shared>> -> memref<128xf32, #tpu.memory_space<vmem_shared>>
        tpu.wait_dma2 semaphore(%run_scoped3A_2587 : memref<!tpu.dma_semaphore, #tpu.memory_space<semaphore_mem>>) src(%dma_wait3A_2601 : memref<128xf32, #tpu.memory_space<vmem_shared>>) dst(%dma_wait3A_2600 : memref<128xf32, #tpu.memory_space<vmem>>)
        tpu.yield
      }) : () -> ()
      %mul3A_1907 = arith.constant 128 : i32
      %mul3A_1908 = arith.muli %arg1, %mul3A_1907 : i32
      %add3A_1909 = arith.constant 10240 : i32
      %add3A_1910 = arith.addi %add3A_1909, %mul3A_1908 : i32
      %run_scoped3A_1911 = arith.constant 10 : i32
      "tpu.region"() ({
        %run_scoped3A_2587 = tpu.sem_alloc : memref<!tpu.dma_semaphore, #tpu.memory_space<semaphore_mem>>
        %dma_start3A = arith.constant 0 : i32
        %dma_start3A_2588 = tpu.memref_slice %arg8[%run_scoped3A_1911, %dma_start3A] : memref<16x128xf32, #tpu.memory_space<vmem>> -> memref<1x128xf32, #tpu.memory_space<vmem>>
        %dma_start3A_2589 = tpu.memref_squeeze %dma_start3A_2588 : memref<1x128xf32, #tpu.memory_space<vmem>> -> memref<128xf32, #tpu.memory_space<vmem>>
        %dma_start3A_2590 = tpu.memref_slice %arg10[%add3A_1910] : memref<16384xf32, #tpu.memory_space<vmem_shared>> -> memref<128xf32, #tpu.memory_space<vmem_shared>>
        %dma_start3A_2591 = arith.constant 0 : i32
        %dma_start3A_2592 = tpu.memref_slice %arg8[%run_scoped3A_1911, %dma_start3A_2591] : memref<16x128xf32, #tpu.memory_space<vmem>> -> memref<1x128xf32, #tpu.memory_space<vmem>>
        %dma_start3A_2593 = tpu.memref_squeeze %dma_start3A_2592 : memref<1x128xf32, #tpu.memory_space<vmem>> -> memref<128xf32, #tpu.memory_space<vmem>>
        %dma_start3A_2594 = tpu.memref_slice %arg10[%add3A_1910] : memref<16384xf32, #tpu.memory_space<vmem_shared>> -> memref<128xf32, #tpu.memory_space<vmem_shared>>
        tpu.enqueue_dma source(%dma_start3A_2594 : memref<128xf32, #tpu.memory_space<vmem_shared>>) target(%dma_start3A_2593 : memref<128xf32, #tpu.memory_space<vmem>>) target_semaphore(%run_scoped3A_2587 : memref<!tpu.dma_semaphore, #tpu.memory_space<semaphore_mem>>)
        %dma_wait3A = arith.constant 0 : i32
        %dma_wait3A_2595 = tpu.memref_slice %arg8[%run_scoped3A_1911, %dma_wait3A] : memref<16x128xf32, #tpu.memory_space<vmem>> -> memref<1x128xf32, #tpu.memory_space<vmem>>
        %dma_wait3A_2596 = tpu.memref_squeeze %dma_wait3A_2595 : memref<1x128xf32, #tpu.memory_space<vmem>> -> memref<128xf32, #tpu.memory_space<vmem>>
        %dma_wait3A_2597 = tpu.memref_slice %arg10[%add3A_1910] : memref<16384xf32, #tpu.memory_space<vmem_shared>> -> memref<128xf32, #tpu.memory_space<vmem_shared>>
        %dma_wait3A_2598 = arith.constant 0 : i32
        %dma_wait3A_2599 = tpu.memref_slice %arg8[%run_scoped3A_1911, %dma_wait3A_2598] : memref<16x128xf32, #tpu.memory_space<vmem>> -> memref<1x128xf32, #tpu.memory_space<vmem>>
        %dma_wait3A_2600 = tpu.memref_squeeze %dma_wait3A_2599 : memref<1x128xf32, #tpu.memory_space<vmem>> -> memref<128xf32, #tpu.memory_space<vmem>>
        %dma_wait3A_2601 = tpu.memref_slice %arg10[%add3A_1910] : memref<16384xf32, #tpu.memory_space<vmem_shared>> -> memref<128xf32, #tpu.memory_space<vmem_shared>>
        tpu.wait_dma2 semaphore(%run_scoped3A_2587 : memref<!tpu.dma_semaphore, #tpu.memory_space<semaphore_mem>>) src(%dma_wait3A_2601 : memref<128xf32, #tpu.memory_space<vmem_shared>>) dst(%dma_wait3A_2600 : memref<128xf32, #tpu.memory_space<vmem>>)
        tpu.yield
      }) : () -> ()
      %mul3A_1912 = arith.constant 128 : i32
      %mul3A_1913 = arith.muli %arg1, %mul3A_1912 : i32
      %add3A_1914 = arith.constant 11264 : i32
      %add3A_1915 = arith.addi %add3A_1914, %mul3A_1913 : i32
      %run_scoped3A_1916 = arith.constant 11 : i32
      "tpu.region"() ({
        %run_scoped3A_2587 = tpu.sem_alloc : memref<!tpu.dma_semaphore, #tpu.memory_space<semaphore_mem>>
        %dma_start3A = arith.constant 0 : i32
        %dma_start3A_2588 = tpu.memref_slice %arg8[%run_scoped3A_1916, %dma_start3A] : memref<16x128xf32, #tpu.memory_space<vmem>> -> memref<1x128xf32, #tpu.memory_space<vmem>>
        %dma_start3A_2589 = tpu.memref_squeeze %dma_start3A_2588 : memref<1x128xf32, #tpu.memory_space<vmem>> -> memref<128xf32, #tpu.memory_space<vmem>>
        %dma_start3A_2590 = tpu.memref_slice %arg10[%add3A_1915] : memref<16384xf32, #tpu.memory_space<vmem_shared>> -> memref<128xf32, #tpu.memory_space<vmem_shared>>
        %dma_start3A_2591 = arith.constant 0 : i32
        %dma_start3A_2592 = tpu.memref_slice %arg8[%run_scoped3A_1916, %dma_start3A_2591] : memref<16x128xf32, #tpu.memory_space<vmem>> -> memref<1x128xf32, #tpu.memory_space<vmem>>
        %dma_start3A_2593 = tpu.memref_squeeze %dma_start3A_2592 : memref<1x128xf32, #tpu.memory_space<vmem>> -> memref<128xf32, #tpu.memory_space<vmem>>
        %dma_start3A_2594 = tpu.memref_slice %arg10[%add3A_1915] : memref<16384xf32, #tpu.memory_space<vmem_shared>> -> memref<128xf32, #tpu.memory_space<vmem_shared>>
        tpu.enqueue_dma source(%dma_start3A_2594 : memref<128xf32, #tpu.memory_space<vmem_shared>>) target(%dma_start3A_2593 : memref<128xf32, #tpu.memory_space<vmem>>) target_semaphore(%run_scoped3A_2587 : memref<!tpu.dma_semaphore, #tpu.memory_space<semaphore_mem>>)
        %dma_wait3A = arith.constant 0 : i32
        %dma_wait3A_2595 = tpu.memref_slice %arg8[%run_scoped3A_1916, %dma_wait3A] : memref<16x128xf32, #tpu.memory_space<vmem>> -> memref<1x128xf32, #tpu.memory_space<vmem>>
        %dma_wait3A_2596 = tpu.memref_squeeze %dma_wait3A_2595 : memref<1x128xf32, #tpu.memory_space<vmem>> -> memref<128xf32, #tpu.memory_space<vmem>>
        %dma_wait3A_2597 = tpu.memref_slice %arg10[%add3A_1915] : memref<16384xf32, #tpu.memory_space<vmem_shared>> -> memref<128xf32, #tpu.memory_space<vmem_shared>>
        %dma_wait3A_2598 = arith.constant 0 : i32
        %dma_wait3A_2599 = tpu.memref_slice %arg8[%run_scoped3A_1916, %dma_wait3A_2598] : memref<16x128xf32, #tpu.memory_space<vmem>> -> memref<1x128xf32, #tpu.memory_space<vmem>>
        %dma_wait3A_2600 = tpu.memref_squeeze %dma_wait3A_2599 : memref<1x128xf32, #tpu.memory_space<vmem>> -> memref<128xf32, #tpu.memory_space<vmem>>
        %dma_wait3A_2601 = tpu.memref_slice %arg10[%add3A_1915] : memref<16384xf32, #tpu.memory_space<vmem_shared>> -> memref<128xf32, #tpu.memory_space<vmem_shared>>
        tpu.wait_dma2 semaphore(%run_scoped3A_2587 : memref<!tpu.dma_semaphore, #tpu.memory_space<semaphore_mem>>) src(%dma_wait3A_2601 : memref<128xf32, #tpu.memory_space<vmem_shared>>) dst(%dma_wait3A_2600 : memref<128xf32, #tpu.memory_space<vmem>>)
        tpu.yield
      }) : () -> ()
      %mul3A_1917 = arith.constant 128 : i32
      %mul3A_1918 = arith.muli %arg1, %mul3A_1917 : i32
      %add3A_1919 = arith.constant 12288 : i32
      %add3A_1920 = arith.addi %add3A_1919, %mul3A_1918 : i32
      %run_scoped3A_1921 = arith.constant 12 : i32
      "tpu.region"() ({
        %run_scoped3A_2587 = tpu.sem_alloc : memref<!tpu.dma_semaphore, #tpu.memory_space<semaphore_mem>>
        %dma_start3A = arith.constant 0 : i32
        %dma_start3A_2588 = tpu.memref_slice %arg8[%run_scoped3A_1921, %dma_start3A] : memref<16x128xf32, #tpu.memory_space<vmem>> -> memref<1x128xf32, #tpu.memory_space<vmem>>
        %dma_start3A_2589 = tpu.memref_squeeze %dma_start3A_2588 : memref<1x128xf32, #tpu.memory_space<vmem>> -> memref<128xf32, #tpu.memory_space<vmem>>
        %dma_start3A_2590 = tpu.memref_slice %arg10[%add3A_1920] : memref<16384xf32, #tpu.memory_space<vmem_shared>> -> memref<128xf32, #tpu.memory_space<vmem_shared>>
        %dma_start3A_2591 = arith.constant 0 : i32
        %dma_start3A_2592 = tpu.memref_slice %arg8[%run_scoped3A_1921, %dma_start3A_2591] : memref<16x128xf32, #tpu.memory_space<vmem>> -> memref<1x128xf32, #tpu.memory_space<vmem>>
        %dma_start3A_2593 = tpu.memref_squeeze %dma_start3A_2592 : memref<1x128xf32, #tpu.memory_space<vmem>> -> memref<128xf32, #tpu.memory_space<vmem>>
        %dma_start3A_2594 = tpu.memref_slice %arg10[%add3A_1920] : memref<16384xf32, #tpu.memory_space<vmem_shared>> -> memref<128xf32, #tpu.memory_space<vmem_shared>>
        tpu.enqueue_dma source(%dma_start3A_2594 : memref<128xf32, #tpu.memory_space<vmem_shared>>) target(%dma_start3A_2593 : memref<128xf32, #tpu.memory_space<vmem>>) target_semaphore(%run_scoped3A_2587 : memref<!tpu.dma_semaphore, #tpu.memory_space<semaphore_mem>>)
        %dma_wait3A = arith.constant 0 : i32
        %dma_wait3A_2595 = tpu.memref_slice %arg8[%run_scoped3A_1921, %dma_wait3A] : memref<16x128xf32, #tpu.memory_space<vmem>> -> memref<1x128xf32, #tpu.memory_space<vmem>>
        %dma_wait3A_2596 = tpu.memref_squeeze %dma_wait3A_2595 : memref<1x128xf32, #tpu.memory_space<vmem>> -> memref<128xf32, #tpu.memory_space<vmem>>
        %dma_wait3A_2597 = tpu.memref_slice %arg10[%add3A_1920] : memref<16384xf32, #tpu.memory_space<vmem_shared>> -> memref<128xf32, #tpu.memory_space<vmem_shared>>
        %dma_wait3A_2598 = arith.constant 0 : i32
        %dma_wait3A_2599 = tpu.memref_slice %arg8[%run_scoped3A_1921, %dma_wait3A_2598] : memref<16x128xf32, #tpu.memory_space<vmem>> -> memref<1x128xf32, #tpu.memory_space<vmem>>
        %dma_wait3A_2600 = tpu.memref_squeeze %dma_wait3A_2599 : memref<1x128xf32, #tpu.memory_space<vmem>> -> memref<128xf32, #tpu.memory_space<vmem>>
        %dma_wait3A_2601 = tpu.memref_slice %arg10[%add3A_1920] : memref<16384xf32, #tpu.memory_space<vmem_shared>> -> memref<128xf32, #tpu.memory_space<vmem_shared>>
        tpu.wait_dma2 semaphore(%run_scoped3A_2587 : memref<!tpu.dma_semaphore, #tpu.memory_space<semaphore_mem>>) src(%dma_wait3A_2601 : memref<128xf32, #tpu.memory_space<vmem_shared>>) dst(%dma_wait3A_2600 : memref<128xf32, #tpu.memory_space<vmem>>)
        tpu.yield
      }) : () -> ()
      %mul3A_1922 = arith.constant 128 : i32
      %mul3A_1923 = arith.muli %arg1, %mul3A_1922 : i32
      %add3A_1924 = arith.constant 13312 : i32
      %add3A_1925 = arith.addi %add3A_1924, %mul3A_1923 : i32
      %run_scoped3A_1926 = arith.constant 13 : i32
      "tpu.region"() ({
        %run_scoped3A_2587 = tpu.sem_alloc : memref<!tpu.dma_semaphore, #tpu.memory_space<semaphore_mem>>
        %dma_start3A = arith.constant 0 : i32
        %dma_start3A_2588 = tpu.memref_slice %arg8[%run_scoped3A_1926, %dma_start3A] : memref<16x128xf32, #tpu.memory_space<vmem>> -> memref<1x128xf32, #tpu.memory_space<vmem>>
        %dma_start3A_2589 = tpu.memref_squeeze %dma_start3A_2588 : memref<1x128xf32, #tpu.memory_space<vmem>> -> memref<128xf32, #tpu.memory_space<vmem>>
        %dma_start3A_2590 = tpu.memref_slice %arg10[%add3A_1925] : memref<16384xf32, #tpu.memory_space<vmem_shared>> -> memref<128xf32, #tpu.memory_space<vmem_shared>>
        %dma_start3A_2591 = arith.constant 0 : i32
        %dma_start3A_2592 = tpu.memref_slice %arg8[%run_scoped3A_1926, %dma_start3A_2591] : memref<16x128xf32, #tpu.memory_space<vmem>> -> memref<1x128xf32, #tpu.memory_space<vmem>>
        %dma_start3A_2593 = tpu.memref_squeeze %dma_start3A_2592 : memref<1x128xf32, #tpu.memory_space<vmem>> -> memref<128xf32, #tpu.memory_space<vmem>>
        %dma_start3A_2594 = tpu.memref_slice %arg10[%add3A_1925] : memref<16384xf32, #tpu.memory_space<vmem_shared>> -> memref<128xf32, #tpu.memory_space<vmem_shared>>
        tpu.enqueue_dma source(%dma_start3A_2594 : memref<128xf32, #tpu.memory_space<vmem_shared>>) target(%dma_start3A_2593 : memref<128xf32, #tpu.memory_space<vmem>>) target_semaphore(%run_scoped3A_2587 : memref<!tpu.dma_semaphore, #tpu.memory_space<semaphore_mem>>)
        %dma_wait3A = arith.constant 0 : i32
        %dma_wait3A_2595 = tpu.memref_slice %arg8[%run_scoped3A_1926, %dma_wait3A] : memref<16x128xf32, #tpu.memory_space<vmem>> -> memref<1x128xf32, #tpu.memory_space<vmem>>
        %dma_wait3A_2596 = tpu.memref_squeeze %dma_wait3A_2595 : memref<1x128xf32, #tpu.memory_space<vmem>> -> memref<128xf32, #tpu.memory_space<vmem>>
        %dma_wait3A_2597 = tpu.memref_slice %arg10[%add3A_1925] : memref<16384xf32, #tpu.memory_space<vmem_shared>> -> memref<128xf32, #tpu.memory_space<vmem_shared>>
        %dma_wait3A_2598 = arith.constant 0 : i32
        %dma_wait3A_2599 = tpu.memref_slice %arg8[%run_scoped3A_1926, %dma_wait3A_2598] : memref<16x128xf32, #tpu.memory_space<vmem>> -> memref<1x128xf32, #tpu.memory_space<vmem>>
        %dma_wait3A_2600 = tpu.memref_squeeze %dma_wait3A_2599 : memref<1x128xf32, #tpu.memory_space<vmem>> -> memref<128xf32, #tpu.memory_space<vmem>>
        %dma_wait3A_2601 = tpu.memref_slice %arg10[%add3A_1925] : memref<16384xf32, #tpu.memory_space<vmem_shared>> -> memref<128xf32, #tpu.memory_space<vmem_shared>>
        tpu.wait_dma2 semaphore(%run_scoped3A_2587 : memref<!tpu.dma_semaphore, #tpu.memory_space<semaphore_mem>>) src(%dma_wait3A_2601 : memref<128xf32, #tpu.memory_space<vmem_shared>>) dst(%dma_wait3A_2600 : memref<128xf32, #tpu.memory_space<vmem>>)
        tpu.yield
      }) : () -> ()
      %mul3A_1927 = arith.constant 128 : i32
      %mul3A_1928 = arith.muli %arg1, %mul3A_1927 : i32
      %add3A_1929 = arith.constant 14336 : i32
      %add3A_1930 = arith.addi %add3A_1929, %mul3A_1928 : i32
      %run_scoped3A_1931 = arith.constant 14 : i32
      "tpu.region"() ({
        %run_scoped3A_2587 = tpu.sem_alloc : memref<!tpu.dma_semaphore, #tpu.memory_space<semaphore_mem>>
        %dma_start3A = arith.constant 0 : i32
        %dma_start3A_2588 = tpu.memref_slice %arg8[%run_scoped3A_1931, %dma_start3A] : memref<16x128xf32, #tpu.memory_space<vmem>> -> memref<1x128xf32, #tpu.memory_space<vmem>>
        %dma_start3A_2589 = tpu.memref_squeeze %dma_start3A_2588 : memref<1x128xf32, #tpu.memory_space<vmem>> -> memref<128xf32, #tpu.memory_space<vmem>>
        %dma_start3A_2590 = tpu.memref_slice %arg10[%add3A_1930] : memref<16384xf32, #tpu.memory_space<vmem_shared>> -> memref<128xf32, #tpu.memory_space<vmem_shared>>
        %dma_start3A_2591 = arith.constant 0 : i32
        %dma_start3A_2592 = tpu.memref_slice %arg8[%run_scoped3A_1931, %dma_start3A_2591] : memref<16x128xf32, #tpu.memory_space<vmem>> -> memref<1x128xf32, #tpu.memory_space<vmem>>
        %dma_start3A_2593 = tpu.memref_squeeze %dma_start3A_2592 : memref<1x128xf32, #tpu.memory_space<vmem>> -> memref<128xf32, #tpu.memory_space<vmem>>
        %dma_start3A_2594 = tpu.memref_slice %arg10[%add3A_1930] : memref<16384xf32, #tpu.memory_space<vmem_shared>> -> memref<128xf32, #tpu.memory_space<vmem_shared>>
        tpu.enqueue_dma source(%dma_start3A_2594 : memref<128xf32, #tpu.memory_space<vmem_shared>>) target(%dma_start3A_2593 : memref<128xf32, #tpu.memory_space<vmem>>) target_semaphore(%run_scoped3A_2587 : memref<!tpu.dma_semaphore, #tpu.memory_space<semaphore_mem>>)
        %dma_wait3A = arith.constant 0 : i32
        %dma_wait3A_2595 = tpu.memref_slice %arg8[%run_scoped3A_1931, %dma_wait3A] : memref<16x128xf32, #tpu.memory_space<vmem>> -> memref<1x128xf32, #tpu.memory_space<vmem>>
        %dma_wait3A_2596 = tpu.memref_squeeze %dma_wait3A_2595 : memref<1x128xf32, #tpu.memory_space<vmem>> -> memref<128xf32, #tpu.memory_space<vmem>>
        %dma_wait3A_2597 = tpu.memref_slice %arg10[%add3A_1930] : memref<16384xf32, #tpu.memory_space<vmem_shared>> -> memref<128xf32, #tpu.memory_space<vmem_shared>>
        %dma_wait3A_2598 = arith.constant 0 : i32
        %dma_wait3A_2599 = tpu.memref_slice %arg8[%run_scoped3A_1931, %dma_wait3A_2598] : memref<16x128xf32, #tpu.memory_space<vmem>> -> memref<1x128xf32, #tpu.memory_space<vmem>>
        %dma_wait3A_2600 = tpu.memref_squeeze %dma_wait3A_2599 : memref<1x128xf32, #tpu.memory_space<vmem>> -> memref<128xf32, #tpu.memory_space<vmem>>
        %dma_wait3A_2601 = tpu.memref_slice %arg10[%add3A_1930] : memref<16384xf32, #tpu.memory_space<vmem_shared>> -> memref<128xf32, #tpu.memory_space<vmem_shared>>
        tpu.wait_dma2 semaphore(%run_scoped3A_2587 : memref<!tpu.dma_semaphore, #tpu.memory_space<semaphore_mem>>) src(%dma_wait3A_2601 : memref<128xf32, #tpu.memory_space<vmem_shared>>) dst(%dma_wait3A_2600 : memref<128xf32, #tpu.memory_space<vmem>>)
        tpu.yield
      }) : () -> ()
      %mul3A_1932 = arith.constant 128 : i32
      %mul3A_1933 = arith.muli %arg1, %mul3A_1932 : i32
      %add3A_1934 = arith.constant 15360 : i32
      %add3A_1935 = arith.addi %add3A_1934, %mul3A_1933 : i32
      %run_scoped3A_1936 = arith.constant 15 : i32
      "tpu.region"() ({
        %run_scoped3A_2587 = tpu.sem_alloc : memref<!tpu.dma_semaphore, #tpu.memory_space<semaphore_mem>>
        %dma_start3A = arith.constant 0 : i32
        %dma_start3A_2588 = tpu.memref_slice %arg8[%run_scoped3A_1936, %dma_start3A] : memref<16x128xf32, #tpu.memory_space<vmem>> -> memref<1x128xf32, #tpu.memory_space<vmem>>
        %dma_start3A_2589 = tpu.memref_squeeze %dma_start3A_2588 : memref<1x128xf32, #tpu.memory_space<vmem>> -> memref<128xf32, #tpu.memory_space<vmem>>
        %dma_start3A_2590 = tpu.memref_slice %arg10[%add3A_1935] : memref<16384xf32, #tpu.memory_space<vmem_shared>> -> memref<128xf32, #tpu.memory_space<vmem_shared>>
        %dma_start3A_2591 = arith.constant 0 : i32
        %dma_start3A_2592 = tpu.memref_slice %arg8[%run_scoped3A_1936, %dma_start3A_2591] : memref<16x128xf32, #tpu.memory_space<vmem>> -> memref<1x128xf32, #tpu.memory_space<vmem>>
        %dma_start3A_2593 = tpu.memref_squeeze %dma_start3A_2592 : memref<1x128xf32, #tpu.memory_space<vmem>> -> memref<128xf32, #tpu.memory_space<vmem>>
        %dma_start3A_2594 = tpu.memref_slice %arg10[%add3A_1935] : memref<16384xf32, #tpu.memory_space<vmem_shared>> -> memref<128xf32, #tpu.memory_space<vmem_shared>>
        tpu.enqueue_dma source(%dma_start3A_2594 : memref<128xf32, #tpu.memory_space<vmem_shared>>) target(%dma_start3A_2593 : memref<128xf32, #tpu.memory_space<vmem>>) target_semaphore(%run_scoped3A_2587 : memref<!tpu.dma_semaphore, #tpu.memory_space<semaphore_mem>>)
        %dma_wait3A = arith.constant 0 : i32
        %dma_wait3A_2595 = tpu.memref_slice %arg8[%run_scoped3A_1936, %dma_wait3A] : memref<16x128xf32, #tpu.memory_space<vmem>> -> memref<1x128xf32, #tpu.memory_space<vmem>>
        %dma_wait3A_2596 = tpu.memref_squeeze %dma_wait3A_2595 : memref<1x128xf32, #tpu.memory_space<vmem>> -> memref<128xf32, #tpu.memory_space<vmem>>
        %dma_wait3A_2597 = tpu.memref_slice %arg10[%add3A_1935] : memref<16384xf32, #tpu.memory_space<vmem_shared>> -> memref<128xf32, #tpu.memory_space<vmem_shared>>
        %dma_wait3A_2598 = arith.constant 0 : i32
        %dma_wait3A_2599 = tpu.memref_slice %arg8[%run_scoped3A_1936, %dma_wait3A_2598] : memref<16x128xf32, #tpu.memory_space<vmem>> -> memref<1x128xf32, #tpu.memory_space<vmem>>
        %dma_wait3A_2600 = tpu.memref_squeeze %dma_wait3A_2599 : memref<1x128xf32, #tpu.memory_space<vmem>> -> memref<128xf32, #tpu.memory_space<vmem>>
        %dma_wait3A_2601 = tpu.memref_slice %arg10[%add3A_1935] : memref<16384xf32, #tpu.memory_space<vmem_shared>> -> memref<128xf32, #tpu.memory_space<vmem_shared>>
        tpu.wait_dma2 semaphore(%run_scoped3A_2587 : memref<!tpu.dma_semaphore, #tpu.memory_space<semaphore_mem>>) src(%dma_wait3A_2601 : memref<128xf32, #tpu.memory_space<vmem_shared>>) dst(%dma_wait3A_2600 : memref<128xf32, #tpu.memory_space<vmem>>)
        tpu.yield
      }) : () -> ()
      %get3A_1937 = arith.constant 0 : i32
      %get3A_1938 = arith.index_cast %get3A_1937 : i32 to index
      %get3A_1939 = arith.constant 0 : index
      %get3A_1940 = tpu.vector_load %arg8[%get3A_1938, %get3A_1939] {strides = array<i32>} : memref<16x128xf32, #tpu.memory_space<vmem>>, vector<16xf32>,
      %get3A_1941 = arith.constant 1 : i32
      %get3A_1942 = arith.index_cast %get3A_1941 : i32 to index
      %get3A_1943 = arith.constant 0 : index
      %get3A_1944 = tpu.vector_load %arg8[%get3A_1942, %get3A_1943] {strides = array<i32>} : memref<16x128xf32, #tpu.memory_space<vmem>>, vector<16xf32>,
      %add3A_1945 = arith.addf %get3A_1940, %get3A_1944 : vector<16xf32>
      %get3A_1946 = arith.constant 2 : i32
      %get3A_1947 = arith.index_cast %get3A_1946 : i32 to index
      %get3A_1948 = arith.constant 0 : index
      %get3A_1949 = tpu.vector_load %arg8[%get3A_1947, %get3A_1948] {strides = array<i32>} : memref<16x128xf32, #tpu.memory_space<vmem>>, vector<16xf32>,
      %add3A_1950 = arith.addf %add3A_1945, %get3A_1949 : vector<16xf32>
      %get3A_1951 = arith.constant 3 : i32
      %get3A_1952 = arith.index_cast %get3A_1951 : i32 to index
      %get3A_1953 = arith.constant 0 : index
      %get3A_1954 = tpu.vector_load %arg8[%get3A_1952, %get3A_1953] {strides = array<i32>} : memref<16x128xf32, #tpu.memory_space<vmem>>, vector<16xf32>,
      %add3A_1955 = arith.addf %add3A_1950, %get3A_1954 : vector<16xf32>
      %get3A_1956 = arith.constant 4 : i32
      %get3A_1957 = arith.index_cast %get3A_1956 : i32 to index
      %get3A_1958 = arith.constant 0 : index
      %get3A_1959 = tpu.vector_load %arg8[%get3A_1957, %get3A_1958] {strides = array<i32>} : memref<16x128xf32, #tpu.memory_space<vmem>>, vector<16xf32>,
      %add3A_1960 = arith.addf %add3A_1955, %get3A_1959 : vector<16xf32>
      %get3A_1961 = arith.constant 5 : i32
      %get3A_1962 = arith.index_cast %get3A_1961 : i32 to index
      %get3A_1963 = arith.constant 0 : index
      %get3A_1964 = tpu.vector_load %arg8[%get3A_1962, %get3A_1963] {strides = array<i32>} : memref<16x128xf32, #tpu.memory_space<vmem>>, vector<16xf32>,
      %add3A_1965 = arith.addf %add3A_1960, %get3A_1964 : vector<16xf32>
      %get3A_1966 = arith.constant 6 : i32
      %get3A_1967 = arith.index_cast %get3A_1966 : i32 to index
      %get3A_1968 = arith.constant 0 : index
      %get3A_1969 = tpu.vector_load %arg8[%get3A_1967, %get3A_1968] {strides = array<i32>} : memref<16x128xf32, #tpu.memory_space<vmem>>, vector<16xf32>,
      %add3A_1970 = arith.addf %add3A_1965, %get3A_1969 : vector<16xf32>
      %get3A_1971 = arith.constant 7 : i32
      %get3A_1972 = arith.index_cast %get3A_1971 : i32 to index
      %get3A_1973 = arith.constant 0 : index
      %get3A_1974 = tpu.vector_load %arg8[%get3A_1972, %get3A_1973] {strides = array<i32>} : memref<16x128xf32, #tpu.memory_space<vmem>>, vector<16xf32>,
      %add3A_1975 = arith.addf %add3A_1970, %get3A_1974 : vector<16xf32>
      %get3A_1976 = arith.constant 8 : i32
      %get3A_1977 = arith.index_cast %get3A_1976 : i32 to index
      %get3A_1978 = arith.constant 0 : index
      %get3A_1979 = tpu.vector_load %arg8[%get3A_1977, %get3A_1978] {strides = array<i32>} : memref<16x128xf32, #tpu.memory_space<vmem>>, vector<16xf32>,
      %add3A_1980 = arith.addf %add3A_1975, %get3A_1979 : vector<16xf32>
      %get3A_1981 = arith.constant 9 : i32
      %get3A_1982 = arith.index_cast %get3A_1981 : i32 to index
      %get3A_1983 = arith.constant 0 : index
      %get3A_1984 = tpu.vector_load %arg8[%get3A_1982, %get3A_1983] {strides = array<i32>} : memref<16x128xf32, #tpu.memory_space<vmem>>, vector<16xf32>,
      %add3A_1985 = arith.addf %add3A_1980, %get3A_1984 : vector<16xf32>
      %get3A_1986 = arith.constant 10 : i32
      %get3A_1987 = arith.index_cast %get3A_1986 : i32 to index
      %get3A_1988 = arith.constant 0 : index
      %get3A_1989 = tpu.vector_load %arg8[%get3A_1987, %get3A_1988] {strides = array<i32>} : memref<16x128xf32, #tpu.memory_space<vmem>>, vector<16xf32>,
      %add3A_1990 = arith.addf %add3A_1985, %get3A_1989 : vector<16xf32>
      %get3A_1991 = arith.constant 11 : i32
      %get3A_1992 = arith.index_cast %get3A_1991 : i32 to index
      %get3A_1993 = arith.constant 0 : index
      %get3A_1994 = tpu.vector_load %arg8[%get3A_1992, %get3A_1993] {strides = array<i32>} : memref<16x128xf32, #tpu.memory_space<vmem>>, vector<16xf32>,
      %add3A_1995 = arith.addf %add3A_1990, %get3A_1994 : vector<16xf32>
      %get3A_1996 = arith.constant 12 : i32
      %get3A_1997 = arith.index_cast %get3A_1996 : i32 to index
      %get3A_1998 = arith.constant 0 : index
      %get3A_1999 = tpu.vector_load %arg8[%get3A_1997, %get3A_1998] {strides = array<i32>} : memref<16x128xf32, #tpu.memory_space<vmem>>, vector<16xf32>,
      %add3A_2000 = arith.addf %add3A_1995, %get3A_1999 : vector<16xf32>
      %get3A_2001 = arith.constant 13 : i32
      %get3A_2002 = arith.index_cast %get3A_2001 : i32 to index
      %get3A_2003 = arith.constant 0 : index
      %get3A_2004 = tpu.vector_load %arg8[%get3A_2002, %get3A_2003] {strides = array<i32>} : memref<16x128xf32, #tpu.memory_space<vmem>>, vector<16xf32>,
      %add3A_2005 = arith.addf %add3A_2000, %get3A_2004 : vector<16xf32>
      %get3A_2006 = arith.constant 14 : i32
      %get3A_2007 = arith.index_cast %get3A_2006 : i32 to index
      %get3A_2008 = arith.constant 0 : index
      %get3A_2009 = tpu.vector_load %arg8[%get3A_2007, %get3A_2008] {strides = array<i32>} : memref<16x128xf32, #tpu.memory_space<vmem>>, vector<16xf32>,
      %add3A_2010 = arith.addf %add3A_2005, %get3A_2009 : vector<16xf32>
      %get3A_2011 = arith.constant 15 : i32
      %get3A_2012 = arith.index_cast %get3A_2011 : i32 to index
      %get3A_2013 = arith.constant 0 : index
      %get3A_2014 = tpu.vector_load %arg8[%get3A_2012, %get3A_2013] {strides = array<i32>} : memref<16x128xf32, #tpu.memory_space<vmem>>, vector<16xf32>,
      %add3A_2015 = arith.addf %add3A_2010, %get3A_2014 : vector<16xf32>
      %swap3A_2016 = arith.constant 0 : index
      %swap3A_2017 = tpu.vector_load %arg9[%swap3A_2016] {strides = array<i32>} : memref<128xf32, #tpu.memory_space<vmem>>, vector<16xf32>,
      tpu.vector_store %arg9[%swap3A_2016], %add3A_2015 {strides = array<i32>} : memref<128xf32, #tpu.memory_space<vmem>>, vector<16xf32>,
      %get3A_2018 = arith.constant 0 : i32
      %get3A_2019 = arith.index_cast %get3A_2018 : i32 to index
      %get3A_2020 = arith.constant 16 : index
      %get3A_2021 = tpu.vector_load %arg8[%get3A_2019, %get3A_2020] {strides = array<i32>} : memref<16x128xf32, #tpu.memory_space<vmem>>, vector<16xf32>,
      %get3A_2022 = arith.constant 1 : i32
      %get3A_2023 = arith.index_cast %get3A_2022 : i32 to index
      %get3A_2024 = arith.constant 16 : index
      %get3A_2025 = tpu.vector_load %arg8[%get3A_2023, %get3A_2024] {strides = array<i32>} : memref<16x128xf32, #tpu.memory_space<vmem>>, vector<16xf32>,
      %add3A_2026 = arith.addf %get3A_2021, %get3A_2025 : vector<16xf32>
      %get3A_2027 = arith.constant 2 : i32
      %get3A_2028 = arith.index_cast %get3A_2027 : i32 to index
      %get3A_2029 = arith.constant 16 : index
      %get3A_2030 = tpu.vector_load %arg8[%get3A_2028, %get3A_2029] {strides = array<i32>} : memref<16x128xf32, #tpu.memory_space<vmem>>, vector<16xf32>,
      %add3A_2031 = arith.addf %add3A_2026, %get3A_2030 : vector<16xf32>
      %get3A_2032 = arith.constant 3 : i32
      %get3A_2033 = arith.index_cast %get3A_2032 : i32 to index
      %get3A_2034 = arith.constant 16 : index
      %get3A_2035 = tpu.vector_load %arg8[%get3A_2033, %get3A_2034] {strides = array<i32>} : memref<16x128xf32, #tpu.memory_space<vmem>>, vector<16xf32>,
      %add3A_2036 = arith.addf %add3A_2031, %get3A_2035 : vector<16xf32>
      %get3A_2037 = arith.constant 4 : i32
      %get3A_2038 = arith.index_cast %get3A_2037 : i32 to index
      %get3A_2039 = arith.constant 16 : index
      %get3A_2040 = tpu.vector_load %arg8[%get3A_2038, %get3A_2039] {strides = array<i32>} : memref<16x128xf32, #tpu.memory_space<vmem>>, vector<16xf32>,
      %add3A_2041 = arith.addf %add3A_2036, %get3A_2040 : vector<16xf32>
      %get3A_2042 = arith.constant 5 : i32
      %get3A_2043 = arith.index_cast %get3A_2042 : i32 to index
      %get3A_2044 = arith.constant 16 : index
      %get3A_2045 = tpu.vector_load %arg8[%get3A_2043, %get3A_2044] {strides = array<i32>} : memref<16x128xf32, #tpu.memory_space<vmem>>, vector<16xf32>,
      %add3A_2046 = arith.addf %add3A_2041, %get3A_2045 : vector<16xf32>
      %get3A_2047 = arith.constant 6 : i32
      %get3A_2048 = arith.index_cast %get3A_2047 : i32 to index
      %get3A_2049 = arith.constant 16 : index
      %get3A_2050 = tpu.vector_load %arg8[%get3A_2048, %get3A_2049] {strides = array<i32>} : memref<16x128xf32, #tpu.memory_space<vmem>>, vector<16xf32>,
      %add3A_2051 = arith.addf %add3A_2046, %get3A_2050 : vector<16xf32>
      %get3A_2052 = arith.constant 7 : i32
      %get3A_2053 = arith.index_cast %get3A_2052 : i32 to index
      %get3A_2054 = arith.constant 16 : index
      %get3A_2055 = tpu.vector_load %arg8[%get3A_2053, %get3A_2054] {strides = array<i32>} : memref<16x128xf32, #tpu.memory_space<vmem>>, vector<16xf32>,
      %add3A_2056 = arith.addf %add3A_2051, %get3A_2055 : vector<16xf32>
      %get3A_2057 = arith.constant 8 : i32
      %get3A_2058 = arith.index_cast %get3A_2057 : i32 to index
      %get3A_2059 = arith.constant 16 : index
      %get3A_2060 = tpu.vector_load %arg8[%get3A_2058, %get3A_2059] {strides = array<i32>} : memref<16x128xf32, #tpu.memory_space<vmem>>, vector<16xf32>,
      %add3A_2061 = arith.addf %add3A_2056, %get3A_2060 : vector<16xf32>
      %get3A_2062 = arith.constant 9 : i32
      %get3A_2063 = arith.index_cast %get3A_2062 : i32 to index
      %get3A_2064 = arith.constant 16 : index
      %get3A_2065 = tpu.vector_load %arg8[%get3A_2063, %get3A_2064] {strides = array<i32>} : memref<16x128xf32, #tpu.memory_space<vmem>>, vector<16xf32>,
      %add3A_2066 = arith.addf %add3A_2061, %get3A_2065 : vector<16xf32>
      %get3A_2067 = arith.constant 10 : i32
      %get3A_2068 = arith.index_cast %get3A_2067 : i32 to index
      %get3A_2069 = arith.constant 16 : index
      %get3A_2070 = tpu.vector_load %arg8[%get3A_2068, %get3A_2069] {strides = array<i32>} : memref<16x128xf32, #tpu.memory_space<vmem>>, vector<16xf32>,
      %add3A_2071 = arith.addf %add3A_2066, %get3A_2070 : vector<16xf32>
      %get3A_2072 = arith.constant 11 : i32
      %get3A_2073 = arith.index_cast %get3A_2072 : i32 to index
      %get3A_2074 = arith.constant 16 : index
      %get3A_2075 = tpu.vector_load %arg8[%get3A_2073, %get3A_2074] {strides = array<i32>} : memref<16x128xf32, #tpu.memory_space<vmem>>, vector<16xf32>,
      %add3A_2076 = arith.addf %add3A_2071, %get3A_2075 : vector<16xf32>
      %get3A_2077 = arith.constant 12 : i32
      %get3A_2078 = arith.index_cast %get3A_2077 : i32 to index
      %get3A_2079 = arith.constant 16 : index
      %get3A_2080 = tpu.vector_load %arg8[%get3A_2078, %get3A_2079] {strides = array<i32>} : memref<16x128xf32, #tpu.memory_space<vmem>>, vector<16xf32>,
      %add3A_2081 = arith.addf %add3A_2076, %get3A_2080 : vector<16xf32>
      %get3A_2082 = arith.constant 13 : i32
      %get3A_2083 = arith.index_cast %get3A_2082 : i32 to index
      %get3A_2084 = arith.constant 16 : index
      %get3A_2085 = tpu.vector_load %arg8[%get3A_2083, %get3A_2084] {strides = array<i32>} : memref<16x128xf32, #tpu.memory_space<vmem>>, vector<16xf32>,
      %add3A_2086 = arith.addf %add3A_2081, %get3A_2085 : vector<16xf32>
      %get3A_2087 = arith.constant 14 : i32
      %get3A_2088 = arith.index_cast %get3A_2087 : i32 to index
      %get3A_2089 = arith.constant 16 : index
      %get3A_2090 = tpu.vector_load %arg8[%get3A_2088, %get3A_2089] {strides = array<i32>} : memref<16x128xf32, #tpu.memory_space<vmem>>, vector<16xf32>,
      %add3A_2091 = arith.addf %add3A_2086, %get3A_2090 : vector<16xf32>
      %get3A_2092 = arith.constant 15 : i32
      %get3A_2093 = arith.index_cast %get3A_2092 : i32 to index
      %get3A_2094 = arith.constant 16 : index
      %get3A_2095 = tpu.vector_load %arg8[%get3A_2093, %get3A_2094] {strides = array<i32>} : memref<16x128xf32, #tpu.memory_space<vmem>>, vector<16xf32>,
      %add3A_2096 = arith.addf %add3A_2091, %get3A_2095 : vector<16xf32>
      %swap3A_2097 = arith.constant 16 : index
      %swap3A_2098 = tpu.vector_load %arg9[%swap3A_2097] {strides = array<i32>} : memref<128xf32, #tpu.memory_space<vmem>>, vector<16xf32>,
      tpu.vector_store %arg9[%swap3A_2097], %add3A_2096 {strides = array<i32>} : memref<128xf32, #tpu.memory_space<vmem>>, vector<16xf32>,
      %get3A_2099 = arith.constant 0 : i32
      %get3A_2100 = arith.index_cast %get3A_2099 : i32 to index
      %get3A_2101 = arith.constant 32 : index
      %get3A_2102 = tpu.vector_load %arg8[%get3A_2100, %get3A_2101] {strides = array<i32>} : memref<16x128xf32, #tpu.memory_space<vmem>>, vector<16xf32>,
      %get3A_2103 = arith.constant 1 : i32
      %get3A_2104 = arith.index_cast %get3A_2103 : i32 to index
      %get3A_2105 = arith.constant 32 : index
      %get3A_2106 = tpu.vector_load %arg8[%get3A_2104, %get3A_2105] {strides = array<i32>} : memref<16x128xf32, #tpu.memory_space<vmem>>, vector<16xf32>,
      %add3A_2107 = arith.addf %get3A_2102, %get3A_2106 : vector<16xf32>
      %get3A_2108 = arith.constant 2 : i32
      %get3A_2109 = arith.index_cast %get3A_2108 : i32 to index
      %get3A_2110 = arith.constant 32 : index
      %get3A_2111 = tpu.vector_load %arg8[%get3A_2109, %get3A_2110] {strides = array<i32>} : memref<16x128xf32, #tpu.memory_space<vmem>>, vector<16xf32>,
      %add3A_2112 = arith.addf %add3A_2107, %get3A_2111 : vector<16xf32>
      %get3A_2113 = arith.constant 3 : i32
      %get3A_2114 = arith.index_cast %get3A_2113 : i32 to index
      %get3A_2115 = arith.constant 32 : index
      %get3A_2116 = tpu.vector_load %arg8[%get3A_2114, %get3A_2115] {strides = array<i32>} : memref<16x128xf32, #tpu.memory_space<vmem>>, vector<16xf32>,
      %add3A_2117 = arith.addf %add3A_2112, %get3A_2116 : vector<16xf32>
      %get3A_2118 = arith.constant 4 : i32
      %get3A_2119 = arith.index_cast %get3A_2118 : i32 to index
      %get3A_2120 = arith.constant 32 : index
      %get3A_2121 = tpu.vector_load %arg8[%get3A_2119, %get3A_2120] {strides = array<i32>} : memref<16x128xf32, #tpu.memory_space<vmem>>, vector<16xf32>,
      %add3A_2122 = arith.addf %add3A_2117, %get3A_2121 : vector<16xf32>
      %get3A_2123 = arith.constant 5 : i32
      %get3A_2124 = arith.index_cast %get3A_2123 : i32 to index
      %get3A_2125 = arith.constant 32 : index
      %get3A_2126 = tpu.vector_load %arg8[%get3A_2124, %get3A_2125] {strides = array<i32>} : memref<16x128xf32, #tpu.memory_space<vmem>>, vector<16xf32>,
      %add3A_2127 = arith.addf %add3A_2122, %get3A_2126 : vector<16xf32>
      %get3A_2128 = arith.constant 6 : i32
      %get3A_2129 = arith.index_cast %get3A_2128 : i32 to index
      %get3A_2130 = arith.constant 32 : index
      %get3A_2131 = tpu.vector_load %arg8[%get3A_2129, %get3A_2130] {strides = array<i32>} : memref<16x128xf32, #tpu.memory_space<vmem>>, vector<16xf32>,
      %add3A_2132 = arith.addf %add3A_2127, %get3A_2131 : vector<16xf32>
      %get3A_2133 = arith.constant 7 : i32
      %get3A_2134 = arith.index_cast %get3A_2133 : i32 to index
      %get3A_2135 = arith.constant 32 : index
      %get3A_2136 = tpu.vector_load %arg8[%get3A_2134, %get3A_2135] {strides = array<i32>} : memref<16x128xf32, #tpu.memory_space<vmem>>, vector<16xf32>,
      %add3A_2137 = arith.addf %add3A_2132, %get3A_2136 : vector<16xf32>
      %get3A_2138 = arith.constant 8 : i32
      %get3A_2139 = arith.index_cast %get3A_2138 : i32 to index
      %get3A_2140 = arith.constant 32 : index
      %get3A_2141 = tpu.vector_load %arg8[%get3A_2139, %get3A_2140] {strides = array<i32>} : memref<16x128xf32, #tpu.memory_space<vmem>>, vector<16xf32>,
      %add3A_2142 = arith.addf %add3A_2137, %get3A_2141 : vector<16xf32>
      %get3A_2143 = arith.constant 9 : i32
      %get3A_2144 = arith.index_cast %get3A_2143 : i32 to index
      %get3A_2145 = arith.constant 32 : index
      %get3A_2146 = tpu.vector_load %arg8[%get3A_2144, %get3A_2145] {strides = array<i32>} : memref<16x128xf32, #tpu.memory_space<vmem>>, vector<16xf32>,
      %add3A_2147 = arith.addf %add3A_2142, %get3A_2146 : vector<16xf32>
      %get3A_2148 = arith.constant 10 : i32
      %get3A_2149 = arith.index_cast %get3A_2148 : i32 to index
      %get3A_2150 = arith.constant 32 : index
      %get3A_2151 = tpu.vector_load %arg8[%get3A_2149, %get3A_2150] {strides = array<i32>} : memref<16x128xf32, #tpu.memory_space<vmem>>, vector<16xf32>,
      %add3A_2152 = arith.addf %add3A_2147, %get3A_2151 : vector<16xf32>
      %get3A_2153 = arith.constant 11 : i32
      %get3A_2154 = arith.index_cast %get3A_2153 : i32 to index
      %get3A_2155 = arith.constant 32 : index
      %get3A_2156 = tpu.vector_load %arg8[%get3A_2154, %get3A_2155] {strides = array<i32>} : memref<16x128xf32, #tpu.memory_space<vmem>>, vector<16xf32>,
      %add3A_2157 = arith.addf %add3A_2152, %get3A_2156 : vector<16xf32>
      %get3A_2158 = arith.constant 12 : i32
      %get3A_2159 = arith.index_cast %get3A_2158 : i32 to index
      %get3A_2160 = arith.constant 32 : index
      %get3A_2161 = tpu.vector_load %arg8[%get3A_2159, %get3A_2160] {strides = array<i32>} : memref<16x128xf32, #tpu.memory_space<vmem>>, vector<16xf32>,
      %add3A_2162 = arith.addf %add3A_2157, %get3A_2161 : vector<16xf32>
      %get3A_2163 = arith.constant 13 : i32
      %get3A_2164 = arith.index_cast %get3A_2163 : i32 to index
      %get3A_2165 = arith.constant 32 : index
      %get3A_2166 = tpu.vector_load %arg8[%get3A_2164, %get3A_2165] {strides = array<i32>} : memref<16x128xf32, #tpu.memory_space<vmem>>, vector<16xf32>,
      %add3A_2167 = arith.addf %add3A_2162, %get3A_2166 : vector<16xf32>
      %get3A_2168 = arith.constant 14 : i32
      %get3A_2169 = arith.index_cast %get3A_2168 : i32 to index
      %get3A_2170 = arith.constant 32 : index
      %get3A_2171 = tpu.vector_load %arg8[%get3A_2169, %get3A_2170] {strides = array<i32>} : memref<16x128xf32, #tpu.memory_space<vmem>>, vector<16xf32>,
      %add3A_2172 = arith.addf %add3A_2167, %get3A_2171 : vector<16xf32>
      %get3A_2173 = arith.constant 15 : i32
      %get3A_2174 = arith.index_cast %get3A_2173 : i32 to index
      %get3A_2175 = arith.constant 32 : index
      %get3A_2176 = tpu.vector_load %arg8[%get3A_2174, %get3A_2175] {strides = array<i32>} : memref<16x128xf32, #tpu.memory_space<vmem>>, vector<16xf32>,
      %add3A_2177 = arith.addf %add3A_2172, %get3A_2176 : vector<16xf32>
      %swap3A_2178 = arith.constant 32 : index
      %swap3A_2179 = tpu.vector_load %arg9[%swap3A_2178] {strides = array<i32>} : memref<128xf32, #tpu.memory_space<vmem>>, vector<16xf32>,
      tpu.vector_store %arg9[%swap3A_2178], %add3A_2177 {strides = array<i32>} : memref<128xf32, #tpu.memory_space<vmem>>, vector<16xf32>,
      %get3A_2180 = arith.constant 0 : i32
      %get3A_2181 = arith.index_cast %get3A_2180 : i32 to index
      %get3A_2182 = arith.constant 48 : index
      %get3A_2183 = tpu.vector_load %arg8[%get3A_2181, %get3A_2182] {strides = array<i32>} : memref<16x128xf32, #tpu.memory_space<vmem>>, vector<16xf32>,
      %get3A_2184 = arith.constant 1 : i32
      %get3A_2185 = arith.index_cast %get3A_2184 : i32 to index
      %get3A_2186 = arith.constant 48 : index
      %get3A_2187 = tpu.vector_load %arg8[%get3A_2185, %get3A_2186] {strides = array<i32>} : memref<16x128xf32, #tpu.memory_space<vmem>>, vector<16xf32>,
      %add3A_2188 = arith.addf %get3A_2183, %get3A_2187 : vector<16xf32>
      %get3A_2189 = arith.constant 2 : i32
      %get3A_2190 = arith.index_cast %get3A_2189 : i32 to index
      %get3A_2191 = arith.constant 48 : index
      %get3A_2192 = tpu.vector_load %arg8[%get3A_2190, %get3A_2191] {strides = array<i32>} : memref<16x128xf32, #tpu.memory_space<vmem>>, vector<16xf32>,
      %add3A_2193 = arith.addf %add3A_2188, %get3A_2192 : vector<16xf32>
      %get3A_2194 = arith.constant 3 : i32
      %get3A_2195 = arith.index_cast %get3A_2194 : i32 to index
      %get3A_2196 = arith.constant 48 : index
      %get3A_2197 = tpu.vector_load %arg8[%get3A_2195, %get3A_2196] {strides = array<i32>} : memref<16x128xf32, #tpu.memory_space<vmem>>, vector<16xf32>,
      %add3A_2198 = arith.addf %add3A_2193, %get3A_2197 : vector<16xf32>
      %get3A_2199 = arith.constant 4 : i32
      %get3A_2200 = arith.index_cast %get3A_2199 : i32 to index
      %get3A_2201 = arith.constant 48 : index
      %get3A_2202 = tpu.vector_load %arg8[%get3A_2200, %get3A_2201] {strides = array<i32>} : memref<16x128xf32, #tpu.memory_space<vmem>>, vector<16xf32>,
      %add3A_2203 = arith.addf %add3A_2198, %get3A_2202 : vector<16xf32>
      %get3A_2204 = arith.constant 5 : i32
      %get3A_2205 = arith.index_cast %get3A_2204 : i32 to index
      %get3A_2206 = arith.constant 48 : index
      %get3A_2207 = tpu.vector_load %arg8[%get3A_2205, %get3A_2206] {strides = array<i32>} : memref<16x128xf32, #tpu.memory_space<vmem>>, vector<16xf32>,
      %add3A_2208 = arith.addf %add3A_2203, %get3A_2207 : vector<16xf32>
      %get3A_2209 = arith.constant 6 : i32
      %get3A_2210 = arith.index_cast %get3A_2209 : i32 to index
      %get3A_2211 = arith.constant 48 : index
      %get3A_2212 = tpu.vector_load %arg8[%get3A_2210, %get3A_2211] {strides = array<i32>} : memref<16x128xf32, #tpu.memory_space<vmem>>, vector<16xf32>,
      %add3A_2213 = arith.addf %add3A_2208, %get3A_2212 : vector<16xf32>
      %get3A_2214 = arith.constant 7 : i32
      %get3A_2215 = arith.index_cast %get3A_2214 : i32 to index
      %get3A_2216 = arith.constant 48 : index
      %get3A_2217 = tpu.vector_load %arg8[%get3A_2215, %get3A_2216] {strides = array<i32>} : memref<16x128xf32, #tpu.memory_space<vmem>>, vector<16xf32>,
      %add3A_2218 = arith.addf %add3A_2213, %get3A_2217 : vector<16xf32>
      %get3A_2219 = arith.constant 8 : i32
      %get3A_2220 = arith.index_cast %get3A_2219 : i32 to index
      %get3A_2221 = arith.constant 48 : index
      %get3A_2222 = tpu.vector_load %arg8[%get3A_2220, %get3A_2221] {strides = array<i32>} : memref<16x128xf32, #tpu.memory_space<vmem>>, vector<16xf32>,
      %add3A_2223 = arith.addf %add3A_2218, %get3A_2222 : vector<16xf32>
      %get3A_2224 = arith.constant 9 : i32
      %get3A_2225 = arith.index_cast %get3A_2224 : i32 to index
      %get3A_2226 = arith.constant 48 : index
      %get3A_2227 = tpu.vector_load %arg8[%get3A_2225, %get3A_2226] {strides = array<i32>} : memref<16x128xf32, #tpu.memory_space<vmem>>, vector<16xf32>,
      %add3A_2228 = arith.addf %add3A_2223, %get3A_2227 : vector<16xf32>
      %get3A_2229 = arith.constant 10 : i32
      %get3A_2230 = arith.index_cast %get3A_2229 : i32 to index
      %get3A_2231 = arith.constant 48 : index
      %get3A_2232 = tpu.vector_load %arg8[%get3A_2230, %get3A_2231] {strides = array<i32>} : memref<16x128xf32, #tpu.memory_space<vmem>>, vector<16xf32>,
      %add3A_2233 = arith.addf %add3A_2228, %get3A_2232 : vector<16xf32>
      %get3A_2234 = arith.constant 11 : i32
      %get3A_2235 = arith.index_cast %get3A_2234 : i32 to index
      %get3A_2236 = arith.constant 48 : index
      %get3A_2237 = tpu.vector_load %arg8[%get3A_2235, %get3A_2236] {strides = array<i32>} : memref<16x128xf32, #tpu.memory_space<vmem>>, vector<16xf32>,
      %add3A_2238 = arith.addf %add3A_2233, %get3A_2237 : vector<16xf32>
      %get3A_2239 = arith.constant 12 : i32
      %get3A_2240 = arith.index_cast %get3A_2239 : i32 to index
      %get3A_2241 = arith.constant 48 : index
      %get3A_2242 = tpu.vector_load %arg8[%get3A_2240, %get3A_2241] {strides = array<i32>} : memref<16x128xf32, #tpu.memory_space<vmem>>, vector<16xf32>,
      %add3A_2243 = arith.addf %add3A_2238, %get3A_2242 : vector<16xf32>
      %get3A_2244 = arith.constant 13 : i32
      %get3A_2245 = arith.index_cast %get3A_2244 : i32 to index
      %get3A_2246 = arith.constant 48 : index
      %get3A_2247 = tpu.vector_load %arg8[%get3A_2245, %get3A_2246] {strides = array<i32>} : memref<16x128xf32, #tpu.memory_space<vmem>>, vector<16xf32>,
      %add3A_2248 = arith.addf %add3A_2243, %get3A_2247 : vector<16xf32>
      %get3A_2249 = arith.constant 14 : i32
      %get3A_2250 = arith.index_cast %get3A_2249 : i32 to index
      %get3A_2251 = arith.constant 48 : index
      %get3A_2252 = tpu.vector_load %arg8[%get3A_2250, %get3A_2251] {strides = array<i32>} : memref<16x128xf32, #tpu.memory_space<vmem>>, vector<16xf32>,
      %add3A_2253 = arith.addf %add3A_2248, %get3A_2252 : vector<16xf32>
      %get3A_2254 = arith.constant 15 : i32
      %get3A_2255 = arith.index_cast %get3A_2254 : i32 to index
      %get3A_2256 = arith.constant 48 : index
      %get3A_2257 = tpu.vector_load %arg8[%get3A_2255, %get3A_2256] {strides = array<i32>} : memref<16x128xf32, #tpu.memory_space<vmem>>, vector<16xf32>,
      %add3A_2258 = arith.addf %add3A_2253, %get3A_2257 : vector<16xf32>
      %swap3A_2259 = arith.constant 48 : index
      %swap3A_2260 = tpu.vector_load %arg9[%swap3A_2259] {strides = array<i32>} : memref<128xf32, #tpu.memory_space<vmem>>, vector<16xf32>,
      tpu.vector_store %arg9[%swap3A_2259], %add3A_2258 {strides = array<i32>} : memref<128xf32, #tpu.memory_space<vmem>>, vector<16xf32>,
      %get3A_2261 = arith.constant 0 : i32
      %get3A_2262 = arith.index_cast %get3A_2261 : i32 to index
      %get3A_2263 = arith.constant 64 : index
      %get3A_2264 = tpu.vector_load %arg8[%get3A_2262, %get3A_2263] {strides = array<i32>} : memref<16x128xf32, #tpu.memory_space<vmem>>, vector<16xf32>,
      %get3A_2265 = arith.constant 1 : i32
      %get3A_2266 = arith.index_cast %get3A_2265 : i32 to index
      %get3A_2267 = arith.constant 64 : index
      %get3A_2268 = tpu.vector_load %arg8[%get3A_2266, %get3A_2267] {strides = array<i32>} : memref<16x128xf32, #tpu.memory_space<vmem>>, vector<16xf32>,
      %add3A_2269 = arith.addf %get3A_2264, %get3A_2268 : vector<16xf32>
      %get3A_2270 = arith.constant 2 : i32
      %get3A_2271 = arith.index_cast %get3A_2270 : i32 to index
      %get3A_2272 = arith.constant 64 : index
      %get3A_2273 = tpu.vector_load %arg8[%get3A_2271, %get3A_2272] {strides = array<i32>} : memref<16x128xf32, #tpu.memory_space<vmem>>, vector<16xf32>,
      %add3A_2274 = arith.addf %add3A_2269, %get3A_2273 : vector<16xf32>
      %get3A_2275 = arith.constant 3 : i32
      %get3A_2276 = arith.index_cast %get3A_2275 : i32 to index
      %get3A_2277 = arith.constant 64 : index
      %get3A_2278 = tpu.vector_load %arg8[%get3A_2276, %get3A_2277] {strides = array<i32>} : memref<16x128xf32, #tpu.memory_space<vmem>>, vector<16xf32>,
      %add3A_2279 = arith.addf %add3A_2274, %get3A_2278 : vector<16xf32>
      %get3A_2280 = arith.constant 4 : i32
      %get3A_2281 = arith.index_cast %get3A_2280 : i32 to index
      %get3A_2282 = arith.constant 64 : index
      %get3A_2283 = tpu.vector_load %arg8[%get3A_2281, %get3A_2282] {strides = array<i32>} : memref<16x128xf32, #tpu.memory_space<vmem>>, vector<16xf32>,
      %add3A_2284 = arith.addf %add3A_2279, %get3A_2283 : vector<16xf32>
      %get3A_2285 = arith.constant 5 : i32
      %get3A_2286 = arith.index_cast %get3A_2285 : i32 to index
      %get3A_2287 = arith.constant 64 : index
      %get3A_2288 = tpu.vector_load %arg8[%get3A_2286, %get3A_2287] {strides = array<i32>} : memref<16x128xf32, #tpu.memory_space<vmem>>, vector<16xf32>,
      %add3A_2289 = arith.addf %add3A_2284, %get3A_2288 : vector<16xf32>
      %get3A_2290 = arith.constant 6 : i32
      %get3A_2291 = arith.index_cast %get3A_2290 : i32 to index
      %get3A_2292 = arith.constant 64 : index
      %get3A_2293 = tpu.vector_load %arg8[%get3A_2291, %get3A_2292] {strides = array<i32>} : memref<16x128xf32, #tpu.memory_space<vmem>>, vector<16xf32>,
      %add3A_2294 = arith.addf %add3A_2289, %get3A_2293 : vector<16xf32>
      %get3A_2295 = arith.constant 7 : i32
      %get3A_2296 = arith.index_cast %get3A_2295 : i32 to index
      %get3A_2297 = arith.constant 64 : index
      %get3A_2298 = tpu.vector_load %arg8[%get3A_2296, %get3A_2297] {strides = array<i32>} : memref<16x128xf32, #tpu.memory_space<vmem>>, vector<16xf32>,
      %add3A_2299 = arith.addf %add3A_2294, %get3A_2298 : vector<16xf32>
      %get3A_2300 = arith.constant 8 : i32
      %get3A_2301 = arith.index_cast %get3A_2300 : i32 to index
      %get3A_2302 = arith.constant 64 : index
      %get3A_2303 = tpu.vector_load %arg8[%get3A_2301, %get3A_2302] {strides = array<i32>} : memref<16x128xf32, #tpu.memory_space<vmem>>, vector<16xf32>,
      %add3A_2304 = arith.addf %add3A_2299, %get3A_2303 : vector<16xf32>
      %get3A_2305 = arith.constant 9 : i32
      %get3A_2306 = arith.index_cast %get3A_2305 : i32 to index
      %get3A_2307 = arith.constant 64 : index
      %get3A_2308 = tpu.vector_load %arg8[%get3A_2306, %get3A_2307] {strides = array<i32>} : memref<16x128xf32, #tpu.memory_space<vmem>>, vector<16xf32>,
      %add3A_2309 = arith.addf %add3A_2304, %get3A_2308 : vector<16xf32>
      %get3A_2310 = arith.constant 10 : i32
      %get3A_2311 = arith.index_cast %get3A_2310 : i32 to index
      %get3A_2312 = arith.constant 64 : index
      %get3A_2313 = tpu.vector_load %arg8[%get3A_2311, %get3A_2312] {strides = array<i32>} : memref<16x128xf32, #tpu.memory_space<vmem>>, vector<16xf32>,
      %add3A_2314 = arith.addf %add3A_2309, %get3A_2313 : vector<16xf32>
      %get3A_2315 = arith.constant 11 : i32
      %get3A_2316 = arith.index_cast %get3A_2315 : i32 to index
      %get3A_2317 = arith.constant 64 : index
      %get3A_2318 = tpu.vector_load %arg8[%get3A_2316, %get3A_2317] {strides = array<i32>} : memref<16x128xf32, #tpu.memory_space<vmem>>, vector<16xf32>,
      %add3A_2319 = arith.addf %add3A_2314, %get3A_2318 : vector<16xf32>
      %get3A_2320 = arith.constant 12 : i32
      %get3A_2321 = arith.index_cast %get3A_2320 : i32 to index
      %get3A_2322 = arith.constant 64 : index
      %get3A_2323 = tpu.vector_load %arg8[%get3A_2321, %get3A_2322] {strides = array<i32>} : memref<16x128xf32, #tpu.memory_space<vmem>>, vector<16xf32>,
      %add3A_2324 = arith.addf %add3A_2319, %get3A_2323 : vector<16xf32>
      %get3A_2325 = arith.constant 13 : i32
      %get3A_2326 = arith.index_cast %get3A_2325 : i32 to index
      %get3A_2327 = arith.constant 64 : index
      %get3A_2328 = tpu.vector_load %arg8[%get3A_2326, %get3A_2327] {strides = array<i32>} : memref<16x128xf32, #tpu.memory_space<vmem>>, vector<16xf32>,
      %add3A_2329 = arith.addf %add3A_2324, %get3A_2328 : vector<16xf32>
      %get3A_2330 = arith.constant 14 : i32
      %get3A_2331 = arith.index_cast %get3A_2330 : i32 to index
      %get3A_2332 = arith.constant 64 : index
      %get3A_2333 = tpu.vector_load %arg8[%get3A_2331, %get3A_2332] {strides = array<i32>} : memref<16x128xf32, #tpu.memory_space<vmem>>, vector<16xf32>,
      %add3A_2334 = arith.addf %add3A_2329, %get3A_2333 : vector<16xf32>
      %get3A_2335 = arith.constant 15 : i32
      %get3A_2336 = arith.index_cast %get3A_2335 : i32 to index
      %get3A_2337 = arith.constant 64 : index
      %get3A_2338 = tpu.vector_load %arg8[%get3A_2336, %get3A_2337] {strides = array<i32>} : memref<16x128xf32, #tpu.memory_space<vmem>>, vector<16xf32>,
      %add3A_2339 = arith.addf %add3A_2334, %get3A_2338 : vector<16xf32>
      %swap3A_2340 = arith.constant 64 : index
      %swap3A_2341 = tpu.vector_load %arg9[%swap3A_2340] {strides = array<i32>} : memref<128xf32, #tpu.memory_space<vmem>>, vector<16xf32>,
      tpu.vector_store %arg9[%swap3A_2340], %add3A_2339 {strides = array<i32>} : memref<128xf32, #tpu.memory_space<vmem>>, vector<16xf32>,
      %get3A_2342 = arith.constant 0 : i32
      %get3A_2343 = arith.index_cast %get3A_2342 : i32 to index
      %get3A_2344 = arith.constant 80 : index
      %get3A_2345 = tpu.vector_load %arg8[%get3A_2343, %get3A_2344] {strides = array<i32>} : memref<16x128xf32, #tpu.memory_space<vmem>>, vector<16xf32>,
      %get3A_2346 = arith.constant 1 : i32
      %get3A_2347 = arith.index_cast %get3A_2346 : i32 to index
      %get3A_2348 = arith.constant 80 : index
      %get3A_2349 = tpu.vector_load %arg8[%get3A_2347, %get3A_2348] {strides = array<i32>} : memref<16x128xf32, #tpu.memory_space<vmem>>, vector<16xf32>,
      %add3A_2350 = arith.addf %get3A_2345, %get3A_2349 : vector<16xf32>
      %get3A_2351 = arith.constant 2 : i32
      %get3A_2352 = arith.index_cast %get3A_2351 : i32 to index
      %get3A_2353 = arith.constant 80 : index
      %get3A_2354 = tpu.vector_load %arg8[%get3A_2352, %get3A_2353] {strides = array<i32>} : memref<16x128xf32, #tpu.memory_space<vmem>>, vector<16xf32>,
      %add3A_2355 = arith.addf %add3A_2350, %get3A_2354 : vector<16xf32>
      %get3A_2356 = arith.constant 3 : i32
      %get3A_2357 = arith.index_cast %get3A_2356 : i32 to index
      %get3A_2358 = arith.constant 80 : index
      %get3A_2359 = tpu.vector_load %arg8[%get3A_2357, %get3A_2358] {strides = array<i32>} : memref<16x128xf32, #tpu.memory_space<vmem>>, vector<16xf32>,
      %add3A_2360 = arith.addf %add3A_2355, %get3A_2359 : vector<16xf32>
      %get3A_2361 = arith.constant 4 : i32
      %get3A_2362 = arith.index_cast %get3A_2361 : i32 to index
      %get3A_2363 = arith.constant 80 : index
      %get3A_2364 = tpu.vector_load %arg8[%get3A_2362, %get3A_2363] {strides = array<i32>} : memref<16x128xf32, #tpu.memory_space<vmem>>, vector<16xf32>,
      %add3A_2365 = arith.addf %add3A_2360, %get3A_2364 : vector<16xf32>
      %get3A_2366 = arith.constant 5 : i32
      %get3A_2367 = arith.index_cast %get3A_2366 : i32 to index
      %get3A_2368 = arith.constant 80 : index
      %get3A_2369 = tpu.vector_load %arg8[%get3A_2367, %get3A_2368] {strides = array<i32>} : memref<16x128xf32, #tpu.memory_space<vmem>>, vector<16xf32>,
      %add3A_2370 = arith.addf %add3A_2365, %get3A_2369 : vector<16xf32>
      %get3A_2371 = arith.constant 6 : i32
      %get3A_2372 = arith.index_cast %get3A_2371 : i32 to index
      %get3A_2373 = arith.constant 80 : index
      %get3A_2374 = tpu.vector_load %arg8[%get3A_2372, %get3A_2373] {strides = array<i32>} : memref<16x128xf32, #tpu.memory_space<vmem>>, vector<16xf32>,
      %add3A_2375 = arith.addf %add3A_2370, %get3A_2374 : vector<16xf32>
      %get3A_2376 = arith.constant 7 : i32
      %get3A_2377 = arith.index_cast %get3A_2376 : i32 to index
      %get3A_2378 = arith.constant 80 : index
      %get3A_2379 = tpu.vector_load %arg8[%get3A_2377, %get3A_2378] {strides = array<i32>} : memref<16x128xf32, #tpu.memory_space<vmem>>, vector<16xf32>,
      %add3A_2380 = arith.addf %add3A_2375, %get3A_2379 : vector<16xf32>
      %get3A_2381 = arith.constant 8 : i32
      %get3A_2382 = arith.index_cast %get3A_2381 : i32 to index
      %get3A_2383 = arith.constant 80 : index
      %get3A_2384 = tpu.vector_load %arg8[%get3A_2382, %get3A_2383] {strides = array<i32>} : memref<16x128xf32, #tpu.memory_space<vmem>>, vector<16xf32>,
      %add3A_2385 = arith.addf %add3A_2380, %get3A_2384 : vector<16xf32>
      %get3A_2386 = arith.constant 9 : i32
      %get3A_2387 = arith.index_cast %get3A_2386 : i32 to index
      %get3A_2388 = arith.constant 80 : index
      %get3A_2389 = tpu.vector_load %arg8[%get3A_2387, %get3A_2388] {strides = array<i32>} : memref<16x128xf32, #tpu.memory_space<vmem>>, vector<16xf32>,
      %add3A_2390 = arith.addf %add3A_2385, %get3A_2389 : vector<16xf32>
      %get3A_2391 = arith.constant 10 : i32
      %get3A_2392 = arith.index_cast %get3A_2391 : i32 to index
      %get3A_2393 = arith.constant 80 : index
      %get3A_2394 = tpu.vector_load %arg8[%get3A_2392, %get3A_2393] {strides = array<i32>} : memref<16x128xf32, #tpu.memory_space<vmem>>, vector<16xf32>,
      %add3A_2395 = arith.addf %add3A_2390, %get3A_2394 : vector<16xf32>
      %get3A_2396 = arith.constant 11 : i32
      %get3A_2397 = arith.index_cast %get3A_2396 : i32 to index
      %get3A_2398 = arith.constant 80 : index
      %get3A_2399 = tpu.vector_load %arg8[%get3A_2397, %get3A_2398] {strides = array<i32>} : memref<16x128xf32, #tpu.memory_space<vmem>>, vector<16xf32>,
      %add3A_2400 = arith.addf %add3A_2395, %get3A_2399 : vector<16xf32>
      %get3A_2401 = arith.constant 12 : i32
      %get3A_2402 = arith.index_cast %get3A_2401 : i32 to index
      %get3A_2403 = arith.constant 80 : index
      %get3A_2404 = tpu.vector_load %arg8[%get3A_2402, %get3A_2403] {strides = array<i32>} : memref<16x128xf32, #tpu.memory_space<vmem>>, vector<16xf32>,
      %add3A_2405 = arith.addf %add3A_2400, %get3A_2404 : vector<16xf32>
      %get3A_2406 = arith.constant 13 : i32
      %get3A_2407 = arith.index_cast %get3A_2406 : i32 to index
      %get3A_2408 = arith.constant 80 : index
      %get3A_2409 = tpu.vector_load %arg8[%get3A_2407, %get3A_2408] {strides = array<i32>} : memref<16x128xf32, #tpu.memory_space<vmem>>, vector<16xf32>,
      %add3A_2410 = arith.addf %add3A_2405, %get3A_2409 : vector<16xf32>
      %get3A_2411 = arith.constant 14 : i32
      %get3A_2412 = arith.index_cast %get3A_2411 : i32 to index
      %get3A_2413 = arith.constant 80 : index
      %get3A_2414 = tpu.vector_load %arg8[%get3A_2412, %get3A_2413] {strides = array<i32>} : memref<16x128xf32, #tpu.memory_space<vmem>>, vector<16xf32>,
      %add3A_2415 = arith.addf %add3A_2410, %get3A_2414 : vector<16xf32>
      %get3A_2416 = arith.constant 15 : i32
      %get3A_2417 = arith.index_cast %get3A_2416 : i32 to index
      %get3A_2418 = arith.constant 80 : index
      %get3A_2419 = tpu.vector_load %arg8[%get3A_2417, %get3A_2418] {strides = array<i32>} : memref<16x128xf32, #tpu.memory_space<vmem>>, vector<16xf32>,
      %add3A_2420 = arith.addf %add3A_2415, %get3A_2419 : vector<16xf32>
      %swap3A_2421 = arith.constant 80 : index
      %swap3A_2422 = tpu.vector_load %arg9[%swap3A_2421] {strides = array<i32>} : memref<128xf32, #tpu.memory_space<vmem>>, vector<16xf32>,
      tpu.vector_store %arg9[%swap3A_2421], %add3A_2420 {strides = array<i32>} : memref<128xf32, #tpu.memory_space<vmem>>, vector<16xf32>,
      %get3A_2423 = arith.constant 0 : i32
      %get3A_2424 = arith.index_cast %get3A_2423 : i32 to index
      %get3A_2425 = arith.constant 96 : index
      %get3A_2426 = tpu.vector_load %arg8[%get3A_2424, %get3A_2425] {strides = array<i32>} : memref<16x128xf32, #tpu.memory_space<vmem>>, vector<16xf32>,
      %get3A_2427 = arith.constant 1 : i32
      %get3A_2428 = arith.index_cast %get3A_2427 : i32 to index
      %get3A_2429 = arith.constant 96 : index
      %get3A_2430 = tpu.vector_load %arg8[%get3A_2428, %get3A_2429] {strides = array<i32>} : memref<16x128xf32, #tpu.memory_space<vmem>>, vector<16xf32>,
      %add3A_2431 = arith.addf %get3A_2426, %get3A_2430 : vector<16xf32>
      %get3A_2432 = arith.constant 2 : i32
      %get3A_2433 = arith.index_cast %get3A_2432 : i32 to index
      %get3A_2434 = arith.constant 96 : index
      %get3A_2435 = tpu.vector_load %arg8[%get3A_2433, %get3A_2434] {strides = array<i32>} : memref<16x128xf32, #tpu.memory_space<vmem>>, vector<16xf32>,
      %add3A_2436 = arith.addf %add3A_2431, %get3A_2435 : vector<16xf32>
      %get3A_2437 = arith.constant 3 : i32
      %get3A_2438 = arith.index_cast %get3A_2437 : i32 to index
      %get3A_2439 = arith.constant 96 : index
      %get3A_2440 = tpu.vector_load %arg8[%get3A_2438, %get3A_2439] {strides = array<i32>} : memref<16x128xf32, #tpu.memory_space<vmem>>, vector<16xf32>,
      %add3A_2441 = arith.addf %add3A_2436, %get3A_2440 : vector<16xf32>
      %get3A_2442 = arith.constant 4 : i32
      %get3A_2443 = arith.index_cast %get3A_2442 : i32 to index
      %get3A_2444 = arith.constant 96 : index
      %get3A_2445 = tpu.vector_load %arg8[%get3A_2443, %get3A_2444] {strides = array<i32>} : memref<16x128xf32, #tpu.memory_space<vmem>>, vector<16xf32>,
      %add3A_2446 = arith.addf %add3A_2441, %get3A_2445 : vector<16xf32>
      %get3A_2447 = arith.constant 5 : i32
      %get3A_2448 = arith.index_cast %get3A_2447 : i32 to index
      %get3A_2449 = arith.constant 96 : index
      %get3A_2450 = tpu.vector_load %arg8[%get3A_2448, %get3A_2449] {strides = array<i32>} : memref<16x128xf32, #tpu.memory_space<vmem>>, vector<16xf32>,
      %add3A_2451 = arith.addf %add3A_2446, %get3A_2450 : vector<16xf32>
      %get3A_2452 = arith.constant 6 : i32
      %get3A_2453 = arith.index_cast %get3A_2452 : i32 to index
      %get3A_2454 = arith.constant 96 : index
      %get3A_2455 = tpu.vector_load %arg8[%get3A_2453, %get3A_2454] {strides = array<i32>} : memref<16x128xf32, #tpu.memory_space<vmem>>, vector<16xf32>,
      %add3A_2456 = arith.addf %add3A_2451, %get3A_2455 : vector<16xf32>
      %get3A_2457 = arith.constant 7 : i32
      %get3A_2458 = arith.index_cast %get3A_2457 : i32 to index
      %get3A_2459 = arith.constant 96 : index
      %get3A_2460 = tpu.vector_load %arg8[%get3A_2458, %get3A_2459] {strides = array<i32>} : memref<16x128xf32, #tpu.memory_space<vmem>>, vector<16xf32>,
      %add3A_2461 = arith.addf %add3A_2456, %get3A_2460 : vector<16xf32>
      %get3A_2462 = arith.constant 8 : i32
      %get3A_2463 = arith.index_cast %get3A_2462 : i32 to index
      %get3A_2464 = arith.constant 96 : index
      %get3A_2465 = tpu.vector_load %arg8[%get3A_2463, %get3A_2464] {strides = array<i32>} : memref<16x128xf32, #tpu.memory_space<vmem>>, vector<16xf32>,
      %add3A_2466 = arith.addf %add3A_2461, %get3A_2465 : vector<16xf32>
      %get3A_2467 = arith.constant 9 : i32
      %get3A_2468 = arith.index_cast %get3A_2467 : i32 to index
      %get3A_2469 = arith.constant 96 : index
      %get3A_2470 = tpu.vector_load %arg8[%get3A_2468, %get3A_2469] {strides = array<i32>} : memref<16x128xf32, #tpu.memory_space<vmem>>, vector<16xf32>,
      %add3A_2471 = arith.addf %add3A_2466, %get3A_2470 : vector<16xf32>
      %get3A_2472 = arith.constant 10 : i32
      %get3A_2473 = arith.index_cast %get3A_2472 : i32 to index
      %get3A_2474 = arith.constant 96 : index
      %get3A_2475 = tpu.vector_load %arg8[%get3A_2473, %get3A_2474] {strides = array<i32>} : memref<16x128xf32, #tpu.memory_space<vmem>>, vector<16xf32>,
      %add3A_2476 = arith.addf %add3A_2471, %get3A_2475 : vector<16xf32>
      %get3A_2477 = arith.constant 11 : i32
      %get3A_2478 = arith.index_cast %get3A_2477 : i32 to index
      %get3A_2479 = arith.constant 96 : index
      %get3A_2480 = tpu.vector_load %arg8[%get3A_2478, %get3A_2479] {strides = array<i32>} : memref<16x128xf32, #tpu.memory_space<vmem>>, vector<16xf32>,
      %add3A_2481 = arith.addf %add3A_2476, %get3A_2480 : vector<16xf32>
      %get3A_2482 = arith.constant 12 : i32
      %get3A_2483 = arith.index_cast %get3A_2482 : i32 to index
      %get3A_2484 = arith.constant 96 : index
      %get3A_2485 = tpu.vector_load %arg8[%get3A_2483, %get3A_2484] {strides = array<i32>} : memref<16x128xf32, #tpu.memory_space<vmem>>, vector<16xf32>,
      %add3A_2486 = arith.addf %add3A_2481, %get3A_2485 : vector<16xf32>
      %get3A_2487 = arith.constant 13 : i32
      %get3A_2488 = arith.index_cast %get3A_2487 : i32 to index
      %get3A_2489 = arith.constant 96 : index
      %get3A_2490 = tpu.vector_load %arg8[%get3A_2488, %get3A_2489] {strides = array<i32>} : memref<16x128xf32, #tpu.memory_space<vmem>>, vector<16xf32>,
      %add3A_2491 = arith.addf %add3A_2486, %get3A_2490 : vector<16xf32>
      %get3A_2492 = arith.constant 14 : i32
      %get3A_2493 = arith.index_cast %get3A_2492 : i32 to index
      %get3A_2494 = arith.constant 96 : index
      %get3A_2495 = tpu.vector_load %arg8[%get3A_2493, %get3A_2494] {strides = array<i32>} : memref<16x128xf32, #tpu.memory_space<vmem>>, vector<16xf32>,
      %add3A_2496 = arith.addf %add3A_2491, %get3A_2495 : vector<16xf32>
      %get3A_2497 = arith.constant 15 : i32
      %get3A_2498 = arith.index_cast %get3A_2497 : i32 to index
      %get3A_2499 = arith.constant 96 : index
      %get3A_2500 = tpu.vector_load %arg8[%get3A_2498, %get3A_2499] {strides = array<i32>} : memref<16x128xf32, #tpu.memory_space<vmem>>, vector<16xf32>,
      %add3A_2501 = arith.addf %add3A_2496, %get3A_2500 : vector<16xf32>
      %swap3A_2502 = arith.constant 96 : index
      %swap3A_2503 = tpu.vector_load %arg9[%swap3A_2502] {strides = array<i32>} : memref<128xf32, #tpu.memory_space<vmem>>, vector<16xf32>,
      tpu.vector_store %arg9[%swap3A_2502], %add3A_2501 {strides = array<i32>} : memref<128xf32, #tpu.memory_space<vmem>>, vector<16xf32>,
      %get3A_2504 = arith.constant 0 : i32
      %get3A_2505 = arith.index_cast %get3A_2504 : i32 to index
      %get3A_2506 = arith.constant 112 : index
      %get3A_2507 = tpu.vector_load %arg8[%get3A_2505, %get3A_2506] {strides = array<i32>} : memref<16x128xf32, #tpu.memory_space<vmem>>, vector<16xf32>,
      %get3A_2508 = arith.constant 1 : i32
      %get3A_2509 = arith.index_cast %get3A_2508 : i32 to index
      %get3A_2510 = arith.constant 112 : index
      %get3A_2511 = tpu.vector_load %arg8[%get3A_2509, %get3A_2510] {strides = array<i32>} : memref<16x128xf32, #tpu.memory_space<vmem>>, vector<16xf32>,
      %add3A_2512 = arith.addf %get3A_2507, %get3A_2511 : vector<16xf32>
      %get3A_2513 = arith.constant 2 : i32
      %get3A_2514 = arith.index_cast %get3A_2513 : i32 to index
      %get3A_2515 = arith.constant 112 : index
      %get3A_2516 = tpu.vector_load %arg8[%get3A_2514, %get3A_2515] {strides = array<i32>} : memref<16x128xf32, #tpu.memory_space<vmem>>, vector<16xf32>,
      %add3A_2517 = arith.addf %add3A_2512, %get3A_2516 : vector<16xf32>
      %get3A_2518 = arith.constant 3 : i32
      %get3A_2519 = arith.index_cast %get3A_2518 : i32 to index
      %get3A_2520 = arith.constant 112 : index
      %get3A_2521 = tpu.vector_load %arg8[%get3A_2519, %get3A_2520] {strides = array<i32>} : memref<16x128xf32, #tpu.memory_space<vmem>>, vector<16xf32>,
      %add3A_2522 = arith.addf %add3A_2517, %get3A_2521 : vector<16xf32>
      %get3A_2523 = arith.constant 4 : i32
      %get3A_2524 = arith.index_cast %get3A_2523 : i32 to index
      %get3A_2525 = arith.constant 112 : index
      %get3A_2526 = tpu.vector_load %arg8[%get3A_2524, %get3A_2525] {strides = array<i32>} : memref<16x128xf32, #tpu.memory_space<vmem>>, vector<16xf32>,
      %add3A_2527 = arith.addf %add3A_2522, %get3A_2526 : vector<16xf32>
      %get3A_2528 = arith.constant 5 : i32
      %get3A_2529 = arith.index_cast %get3A_2528 : i32 to index
      %get3A_2530 = arith.constant 112 : index
      %get3A_2531 = tpu.vector_load %arg8[%get3A_2529, %get3A_2530] {strides = array<i32>} : memref<16x128xf32, #tpu.memory_space<vmem>>, vector<16xf32>,
      %add3A_2532 = arith.addf %add3A_2527, %get3A_2531 : vector<16xf32>
      %get3A_2533 = arith.constant 6 : i32
      %get3A_2534 = arith.index_cast %get3A_2533 : i32 to index
      %get3A_2535 = arith.constant 112 : index
      %get3A_2536 = tpu.vector_load %arg8[%get3A_2534, %get3A_2535] {strides = array<i32>} : memref<16x128xf32, #tpu.memory_space<vmem>>, vector<16xf32>,
      %add3A_2537 = arith.addf %add3A_2532, %get3A_2536 : vector<16xf32>
      %get3A_2538 = arith.constant 7 : i32
      %get3A_2539 = arith.index_cast %get3A_2538 : i32 to index
      %get3A_2540 = arith.constant 112 : index
      %get3A_2541 = tpu.vector_load %arg8[%get3A_2539, %get3A_2540] {strides = array<i32>} : memref<16x128xf32, #tpu.memory_space<vmem>>, vector<16xf32>,
      %add3A_2542 = arith.addf %add3A_2537, %get3A_2541 : vector<16xf32>
      %get3A_2543 = arith.constant 8 : i32
      %get3A_2544 = arith.index_cast %get3A_2543 : i32 to index
      %get3A_2545 = arith.constant 112 : index
      %get3A_2546 = tpu.vector_load %arg8[%get3A_2544, %get3A_2545] {strides = array<i32>} : memref<16x128xf32, #tpu.memory_space<vmem>>, vector<16xf32>,
      %add3A_2547 = arith.addf %add3A_2542, %get3A_2546 : vector<16xf32>
      %get3A_2548 = arith.constant 9 : i32
      %get3A_2549 = arith.index_cast %get3A_2548 : i32 to index
      %get3A_2550 = arith.constant 112 : index
      %get3A_2551 = tpu.vector_load %arg8[%get3A_2549, %get3A_2550] {strides = array<i32>} : memref<16x128xf32, #tpu.memory_space<vmem>>, vector<16xf32>,
      %add3A_2552 = arith.addf %add3A_2547, %get3A_2551 : vector<16xf32>
      %get3A_2553 = arith.constant 10 : i32
      %get3A_2554 = arith.index_cast %get3A_2553 : i32 to index
      %get3A_2555 = arith.constant 112 : index
      %get3A_2556 = tpu.vector_load %arg8[%get3A_2554, %get3A_2555] {strides = array<i32>} : memref<16x128xf32, #tpu.memory_space<vmem>>, vector<16xf32>,
      %add3A_2557 = arith.addf %add3A_2552, %get3A_2556 : vector<16xf32>
      %get3A_2558 = arith.constant 11 : i32
      %get3A_2559 = arith.index_cast %get3A_2558 : i32 to index
      %get3A_2560 = arith.constant 112 : index
      %get3A_2561 = tpu.vector_load %arg8[%get3A_2559, %get3A_2560] {strides = array<i32>} : memref<16x128xf32, #tpu.memory_space<vmem>>, vector<16xf32>,
      %add3A_2562 = arith.addf %add3A_2557, %get3A_2561 : vector<16xf32>
      %get3A_2563 = arith.constant 12 : i32
      %get3A_2564 = arith.index_cast %get3A_2563 : i32 to index
      %get3A_2565 = arith.constant 112 : index
      %get3A_2566 = tpu.vector_load %arg8[%get3A_2564, %get3A_2565] {strides = array<i32>} : memref<16x128xf32, #tpu.memory_space<vmem>>, vector<16xf32>,
      %add3A_2567 = arith.addf %add3A_2562, %get3A_2566 : vector<16xf32>
      %get3A_2568 = arith.constant 13 : i32
      %get3A_2569 = arith.index_cast %get3A_2568 : i32 to index
      %get3A_2570 = arith.constant 112 : index
      %get3A_2571 = tpu.vector_load %arg8[%get3A_2569, %get3A_2570] {strides = array<i32>} : memref<16x128xf32, #tpu.memory_space<vmem>>, vector<16xf32>,
      %add3A_2572 = arith.addf %add3A_2567, %get3A_2571 : vector<16xf32>
      %get3A_2573 = arith.constant 14 : i32
      %get3A_2574 = arith.index_cast %get3A_2573 : i32 to index
      %get3A_2575 = arith.constant 112 : index
      %get3A_2576 = tpu.vector_load %arg8[%get3A_2574, %get3A_2575] {strides = array<i32>} : memref<16x128xf32, #tpu.memory_space<vmem>>, vector<16xf32>,
      %add3A_2577 = arith.addf %add3A_2572, %get3A_2576 : vector<16xf32>
      %get3A_2578 = arith.constant 15 : i32
      %get3A_2579 = arith.index_cast %get3A_2578 : i32 to index
      %get3A_2580 = arith.constant 112 : index
      %get3A_2581 = tpu.vector_load %arg8[%get3A_2579, %get3A_2580] {strides = array<i32>} : memref<16x128xf32, #tpu.memory_space<vmem>>, vector<16xf32>,
      %add3A_2582 = arith.addf %add3A_2577, %get3A_2581 : vector<16xf32>
      %swap3A_2583 = arith.constant 112 : index
      %swap3A_2584 = tpu.vector_load %arg9[%swap3A_2583] {strides = array<i32>} : memref<128xf32, #tpu.memory_space<vmem>>, vector<16xf32>,
      tpu.vector_store %arg9[%swap3A_2583], %add3A_2582 {strides = array<i32>} : memref<128xf32, #tpu.memory_space<vmem>>, vector<16xf32>,
      %mul3A_2585 = arith.constant 128 : i32
      %mul3A_2586 = arith.muli %arg1, %mul3A_2585 : i32
      "tpu.region"() ({
        %run_scoped3A_2587 = tpu.sem_alloc : memref<!tpu.dma_semaphore, #tpu.memory_space<semaphore_mem>>
        %dma_start3A = tpu.memref_slice %arg4[%arg0, %mul3A_2586] : memref<2x1024xf32, #tpu.memory_space<hbm>> -> memref<1x128xf32, #tpu.memory_space<hbm>>
        %dma_start3A_2588 = tpu.memref_squeeze %dma_start3A : memref<1x128xf32, #tpu.memory_space<hbm>> -> memref<128xf32, #tpu.memory_space<hbm>>
        %dma_start3A_2589 = tpu.memref_slice %arg4[%arg0, %mul3A_2586] : memref<2x1024xf32, #tpu.memory_space<hbm>> -> memref<1x128xf32, #tpu.memory_space<hbm>>
        %dma_start3A_2590 = tpu.memref_squeeze %dma_start3A_2589 : memref<1x128xf32, #tpu.memory_space<hbm>> -> memref<128xf32, #tpu.memory_space<hbm>>
        tpu.enqueue_dma source(%arg9 : memref<128xf32, #tpu.memory_space<vmem>>) target(%dma_start3A_2590 : memref<128xf32, #tpu.memory_space<hbm>>) target_semaphore(%run_scoped3A_2587 : memref<!tpu.dma_semaphore, #tpu.memory_space<semaphore_mem>>)
        %dma_wait3A = tpu.memref_slice %arg4[%arg0, %mul3A_2586] : memref<2x1024xf32, #tpu.memory_space<hbm>> -> memref<1x128xf32, #tpu.memory_space<hbm>>
        %dma_wait3A_2591 = tpu.memref_squeeze %dma_wait3A : memref<1x128xf32, #tpu.memory_space<hbm>> -> memref<128xf32, #tpu.memory_space<hbm>>
        %dma_wait3A_2592 = tpu.memref_slice %arg4[%arg0, %mul3A_2586] : memref<2x1024xf32, #tpu.memory_space<hbm>> -> memref<1x128xf32, #tpu.memory_space<hbm>>
        %dma_wait3A_2593 = tpu.memref_squeeze %dma_wait3A_2592 : memref<1x128xf32, #tpu.memory_space<hbm>> -> memref<128xf32, #tpu.memory_space<hbm>>
        tpu.wait_dma2 semaphore(%run_scoped3A_2587 : memref<!tpu.dma_semaphore, #tpu.memory_space<semaphore_mem>>) src(%arg9 : memref<128xf32, #tpu.memory_space<vmem>>) dst(%dma_wait3A_2593 : memref<128xf32, #tpu.memory_space<hbm>>)
        tpu.yield
      }) : () -> ()
    } else {
    }
    return
  }
}

module attributes {stable_mosaic.version = 14 : i64} {
  func.func @_tc_body(%arg0: i32, %arg1: memref<10240x256xf32, #tpu.memory_space<vmem>>, %arg2: memref<80x128xf32, #tpu.memory_space<vmem>>, %arg3: memref<128x256xf32, #tpu.memory_space<vmem>>, %arg4: memref<128x1xf32, #tpu.memory_space<vmem>>, %arg5: memref<16x1xf32, #tpu.memory_space<vmem>>, %arg6: memref<16x1xf32, #tpu.memory_space<vmem>>, %arg7: memref<32x16xf32, #tpu.memory_space<vmem>>, %arg8: memref<32x1xf32, #tpu.memory_space<vmem>>, %arg9: memref<1x128xf32, #tpu.memory_space<vmem>>, %arg10: memref<1x32xf32, #tpu.memory_space<vmem>>, %arg11: memref<1x80x128xf32, #tpu.memory_space<vmem>>) attributes {dimension_semantics = [#tpu.dimension_semantics<arbitrary>], iteration_bounds = array<i64: 10>, scalar_prefetch = 0 : i64, scratch_operands = 0 : i64, tpu.core_type = #tpu.core_type<tc>, window_params = [{transform_indices = @transform_0, window_bounds = array<i64: 10240, 256>}, {transform_indices = @transform_1, window_bounds = array<i64: 80, 128>}, {pipeline_mode = #tpu.pipeline_mode<synchronous>, transform_indices = @transform_2, window_bounds = array<i64: 128, 256>}, {pipeline_mode = #tpu.pipeline_mode<synchronous>, transform_indices = @transform_3, window_bounds = array<i64: 128, 1>}, {pipeline_mode = #tpu.pipeline_mode<synchronous>, transform_indices = @transform_4, window_bounds = array<i64: 16, 1>}, {pipeline_mode = #tpu.pipeline_mode<synchronous>, transform_indices = @transform_5, window_bounds = array<i64: 16, 1>}, {pipeline_mode = #tpu.pipeline_mode<synchronous>, transform_indices = @transform_6, window_bounds = array<i64: 32, 16>}, {pipeline_mode = #tpu.pipeline_mode<synchronous>, transform_indices = @transform_7, window_bounds = array<i64: 32, 1>}, {pipeline_mode = #tpu.pipeline_mode<synchronous>, transform_indices = @transform_8, window_bounds = array<i64: 1, 128>}, {pipeline_mode = #tpu.pipeline_mode<synchronous>, transform_indices = @transform_9, window_bounds = array<i64: 1, 32>}, {transform_indices = @transform_10, window_bounds = array<i64: 1, 80, 128>}]} {
    %get3A = arith.constant 0 : index
    %get3A_0 = arith.constant 0 : index
    %get3A_1 = vector.load %arg1[%get3A, %get3A_0] : memref<10240x256xf32, #tpu.memory_space<vmem>>, vector<10240x256xf32>
    %get3A_2 = arith.constant 0 : index
    %get3A_3 = arith.constant 0 : index
    %get3A_4 = vector.load %arg3[%get3A_2, %get3A_3] : memref<128x256xf32, #tpu.memory_space<vmem>>, vector<128x256xf32>
    %dot_general3A = arith.constant dense<0.000000e+00> : vector<128x10240xf32>
    %dot_general3A_5 = tpu.matmul %get3A_4, %get3A_1, %dot_general3A {dimension_numbers = #tpu.dot_dimension_numbers<[1], [1], [0], [0], [0, 0, 1, 0], [], []>, transpose_lhs_hint = false} : vector<128x256xf32>, vector<10240x256xf32>, vector<128x10240xf32> -> vector<128x10240xf32>
    %get3A_6 = arith.constant 0 : index
    %get3A_7 = arith.constant 0 : index
    %get3A_8 = vector.load %arg4[%get3A_6, %get3A_7] : memref<128x1xf32, #tpu.memory_space<vmem>>, vector<128x1xf32>
    %add3A = vector.broadcast %get3A_8 : vector<128x1xf32> to vector<128x10240xf32>
    %add3A_9 = arith.addf %dot_general3A_5, %add3A : vector<128x10240xf32>
    %logistic3A = arith.negf %add3A_9 : vector<128x10240xf32>
    %logistic3A_10 = math.exp %logistic3A : vector<128x10240xf32>
    %logistic3A_11 = arith.constant 1.000000e+00 : f32
    %logistic3A_12 = vector.broadcast %logistic3A_11 : f32 to vector<128x10240xf32>
    %logistic3A_13 = arith.addf %logistic3A_12, %logistic3A_10 : vector<128x10240xf32>
    %logistic3A_14 = arith.divf %logistic3A_12, %logistic3A_13 : vector<128x10240xf32>
    %mul3A = arith.mulf %add3A_9, %logistic3A_14 : vector<128x10240xf32>
    %get3A_15 = arith.constant 0 : index
    %get3A_16 = arith.constant 0 : index
    %get3A_17 = vector.load %arg9[%get3A_15, %get3A_16] : memref<1x128xf32, #tpu.memory_space<vmem>>, vector<1x128xf32>
    %dot_general3A_18 = arith.constant dense<0.000000e+00> : vector<1x10240xf32>
    %dot_general3A_19 = tpu.matmul %get3A_17, %mul3A, %dot_general3A_18 {dimension_numbers = #tpu.dot_dimension_numbers<[1], [0], [0], [1], [0, 0, 1, 1], [], []>, transpose_lhs_hint = false} : vector<1x128xf32>, vector<128x10240xf32>, vector<1x10240xf32> -> vector<1x10240xf32>
    %get3A_20 = arith.constant 0 : index
    %get3A_21 = arith.constant 0 : index
    %get3A_22 = vector.load %arg2[%get3A_20, %get3A_21] : memref<80x128xf32, #tpu.memory_space<vmem>>, vector<80x128xf32>
    %reshape3A = vector.shape_cast %get3A_22 : vector<80x128xf32> to vector<1x10240xf32>
    %get3A_23 = arith.constant 0 : index
    %get3A_24 = arith.constant 0 : index
    %get3A_25 = vector.load %arg5[%get3A_23, %get3A_24] : memref<16x1xf32, #tpu.memory_space<vmem>>, vector<16x1xf32>
    %dot_general3A_26 = arith.constant dense<0.000000e+00> : vector<16x10240xf32>
    %dot_general3A_27 = tpu.matmul %get3A_25, %reshape3A, %dot_general3A_26 {dimension_numbers = #tpu.dot_dimension_numbers<[1], [0], [0], [1], [0, 0, 1, 1], [], []>, transpose_lhs_hint = false} : vector<16x1xf32>, vector<1x10240xf32>, vector<16x10240xf32> -> vector<16x10240xf32>
    %get3A_28 = arith.constant 0 : index
    %get3A_29 = arith.constant 0 : index
    %get3A_30 = vector.load %arg6[%get3A_28, %get3A_29] : memref<16x1xf32, #tpu.memory_space<vmem>>, vector<16x1xf32>
    %add3A_31 = vector.broadcast %get3A_30 : vector<16x1xf32> to vector<16x10240xf32>
    %add3A_32 = arith.addf %dot_general3A_27, %add3A_31 : vector<16x10240xf32>
    %logistic3A_33 = arith.negf %add3A_32 : vector<16x10240xf32>
    %logistic3A_34 = math.exp %logistic3A_33 : vector<16x10240xf32>
    %logistic3A_35 = arith.constant 1.000000e+00 : f32
    %logistic3A_36 = vector.broadcast %logistic3A_35 : f32 to vector<16x10240xf32>
    %logistic3A_37 = arith.addf %logistic3A_36, %logistic3A_34 : vector<16x10240xf32>
    %logistic3A_38 = arith.divf %logistic3A_36, %logistic3A_37 : vector<16x10240xf32>
    %mul3A_39 = arith.mulf %add3A_32, %logistic3A_38 : vector<16x10240xf32>
    %get3A_40 = arith.constant 0 : index
    %get3A_41 = arith.constant 0 : index
    %get3A_42 = vector.load %arg7[%get3A_40, %get3A_41] : memref<32x16xf32, #tpu.memory_space<vmem>>, vector<32x16xf32>
    %dot_general3A_43 = arith.constant dense<0.000000e+00> : vector<32x10240xf32>
    %dot_general3A_44 = tpu.matmul %get3A_42, %mul3A_39, %dot_general3A_43 {dimension_numbers = #tpu.dot_dimension_numbers<[1], [0], [0], [1], [0, 0, 1, 1], [], []>, transpose_lhs_hint = false} : vector<32x16xf32>, vector<16x10240xf32>, vector<32x10240xf32> -> vector<32x10240xf32>
    %get3A_45 = arith.constant 0 : index
    %get3A_46 = arith.constant 0 : index
    %get3A_47 = vector.load %arg8[%get3A_45, %get3A_46] : memref<32x1xf32, #tpu.memory_space<vmem>>, vector<32x1xf32>
    %add3A_48 = vector.broadcast %get3A_47 : vector<32x1xf32> to vector<32x10240xf32>
    %add3A_49 = arith.addf %dot_general3A_44, %add3A_48 : vector<32x10240xf32>
    %logistic3A_50 = arith.negf %add3A_49 : vector<32x10240xf32>
    %logistic3A_51 = math.exp %logistic3A_50 : vector<32x10240xf32>
    %logistic3A_52 = arith.constant 1.000000e+00 : f32
    %logistic3A_53 = vector.broadcast %logistic3A_52 : f32 to vector<32x10240xf32>
    %logistic3A_54 = arith.addf %logistic3A_53, %logistic3A_51 : vector<32x10240xf32>
    %logistic3A_55 = arith.divf %logistic3A_53, %logistic3A_54 : vector<32x10240xf32>
    %mul3A_56 = arith.mulf %add3A_49, %logistic3A_55 : vector<32x10240xf32>
    %get3A_57 = arith.constant 0 : index
    %get3A_58 = arith.constant 0 : index
    %get3A_59 = vector.load %arg10[%get3A_57, %get3A_58] : memref<1x32xf32, #tpu.memory_space<vmem>>, vector<1x32xf32>
    %dot_general3A_60 = arith.constant dense<0.000000e+00> : vector<1x10240xf32>
    %dot_general3A_61 = tpu.matmul %get3A_59, %mul3A_56, %dot_general3A_60 {dimension_numbers = #tpu.dot_dimension_numbers<[1], [0], [0], [1], [0, 0, 1, 1], [], []>, transpose_lhs_hint = false} : vector<1x32xf32>, vector<32x10240xf32>, vector<1x10240xf32> -> vector<1x10240xf32>
    %add3A_62 = arith.addf %dot_general3A_19, %dot_general3A_61 : vector<1x10240xf32>
    %reshape3A_63 = vector.shape_cast %add3A_62 : vector<1x10240xf32> to vector<1x80x128xf32>
    %swap3A = arith.constant 0 : index
    %swap3A_64 = arith.constant 0 : index
    %swap3A_65 = arith.constant 0 : index
    %swap3A_66 = vector.load %arg11[%swap3A, %swap3A_64, %swap3A_65] : memref<1x80x128xf32, #tpu.memory_space<vmem>>, vector<1x80x128xf32>
    tpu.vector_store %arg11[%swap3A, %swap3A_64, %swap3A_65], %reshape3A_63 {strides = array<i32>} : memref<1x80x128xf32, #tpu.memory_space<vmem>>, vector<1x80x128xf32>,
    return
  }
  func.func @transform_0(%arg0: i32) -> (i32, i32) {
    %c0_i32 = arith.constant 0 : i32
    %c0_i32_0 = arith.constant 0 : i32
    return %arg0, %c0_i32 : i32, i32
  }
  func.func @transform_1(%arg0: i32) -> (i32, i32) {
    %c0_i32 = arith.constant 0 : i32
    %c0_i32_0 = arith.constant 0 : i32
    return %arg0, %c0_i32 : i32, i32
  }
  func.func @transform_2(%arg0: i32) -> (i32, i32) {
    %c0_i32 = arith.constant 0 : i32
    %c0_i32_0 = arith.constant 0 : i32
    %c0_i32_1 = arith.constant 0 : i32
    return %c0_i32, %c0_i32_0 : i32, i32
  }
  func.func @transform_3(%arg0: i32) -> (i32, i32) {
    %c0_i32 = arith.constant 0 : i32
    %c0_i32_0 = arith.constant 0 : i32
    %c0_i32_1 = arith.constant 0 : i32
    return %c0_i32, %c0_i32_0 : i32, i32
  }
  func.func @transform_4(%arg0: i32) -> (i32, i32) {
    %c0_i32 = arith.constant 0 : i32
    %c0_i32_0 = arith.constant 0 : i32
    %c0_i32_1 = arith.constant 0 : i32
    return %c0_i32, %c0_i32_0 : i32, i32
  }
  func.func @transform_5(%arg0: i32) -> (i32, i32) {
    %c0_i32 = arith.constant 0 : i32
    %c0_i32_0 = arith.constant 0 : i32
    %c0_i32_1 = arith.constant 0 : i32
    return %c0_i32, %c0_i32_0 : i32, i32
  }
  func.func @transform_6(%arg0: i32) -> (i32, i32) {
    %c0_i32 = arith.constant 0 : i32
    %c0_i32_0 = arith.constant 0 : i32
    %c0_i32_1 = arith.constant 0 : i32
    return %c0_i32, %c0_i32_0 : i32, i32
  }
  func.func @transform_7(%arg0: i32) -> (i32, i32) {
    %c0_i32 = arith.constant 0 : i32
    %c0_i32_0 = arith.constant 0 : i32
    %c0_i32_1 = arith.constant 0 : i32
    return %c0_i32, %c0_i32_0 : i32, i32
  }
  func.func @transform_8(%arg0: i32) -> (i32, i32) {
    %c0_i32 = arith.constant 0 : i32
    %c0_i32_0 = arith.constant 0 : i32
    %c0_i32_1 = arith.constant 0 : i32
    return %c0_i32, %c0_i32_0 : i32, i32
  }
  func.func @transform_9(%arg0: i32) -> (i32, i32) {
    %c0_i32 = arith.constant 0 : i32
    %c0_i32_0 = arith.constant 0 : i32
    %c0_i32_1 = arith.constant 0 : i32
    return %c0_i32, %c0_i32_0 : i32, i32
  }
  func.func @transform_10(%arg0: i32) -> (i32, i32, i32) {
    %c0_i32 = arith.constant 0 : i32
    %c0_i32_0 = arith.constant 0 : i32
    %c0_i32_1 = arith.constant 0 : i32
    return %arg0, %c0_i32, %c0_i32_0 : i32, i32, i32
  }
}

</mosaic_0001>

<sc_bundles>
// kernel: kernel.4.cloned.1.call-start
scs
__scs_entry_jumppad:
0x0: {  	(pc) =	sbr.rel $0x88, $3  }
0x1: {  	(tag) =	ssettag $0x0;
	lr =	simm.s32 $0x1  }
0x2: {  	[smem:$0x3F96] =	sst lr;
	_ =	strace $0xD0000000  }
0x3: {  	_ = 	snop  }
0x4: {  	_ = 	snop  }
0x5: {  	_ = 	snop  }
0x6: {  	_ = 	snop  }
0x7: {  	_ = 	snop  }
__scs_overlays_trampoline_lowered:
0x8: {  	[smem:$0x3FA5] =	sst s0  }
0x9: {  	[smem:$0x3FA6] =	sst s1  }
0xa: {  	[smem:$0x3FA7] =	sst s2  }
0xb: {  	[smem:$0x3FA8] =	sst s3  }
0xc: {  	[smem:$0x3FA9] =	sst s4  }
0xd: {  	[smem:$0x3FAA] =	sst s5  }
0xe: {  	[smem:$0x3FAB] =	sst s6  }
0xf: {  	[smem:$0x3FAC] =	sst s7  }
0x10: {  	[smem:$0x3FAD] =	sst s8  }
0x11: {  	[smem:$0x3FAE] =	sst s9;
	s0 =	simm.s32 @!p0 $0x0  }
0x12: {  	s1 =	sld [smem:$0x3F94];
	s0 =	simm.s32 @p0 $0x1  }
0x13: {  	[smem:$0x3FAF] =	sst s0;
	s0 =	simm.s32 @!p1 $0x0  }
0x14: {  	s2 =	sld [smem:$0x3F93];
	s0 =	simm.s32 @p1 $0x1  }
0x15: {  	[smem:$0x3FB0] =	sst s0;
	s0 =	simm.s32 @!p2 $0x0  }
0x16: {  	s3 =	sld [smem:$0x3FDB];
	s0 =	simm.s32 @p2 $0x1  }
0x17: {  	s4 =	simm.s32 $0x1BF5;
	[smem:$0x3FB2] =	sst s0  }
0x18: {  	s0 =	sld [smem:$0x3F95];
	_ =	swait.ge [sflag:s4], $0x0  }
0x19: {  	s7 =	sld [smem:$0x3F96]  }
0x1a: {  	s8 =	sadd.s32 $0xFFFFE003, lr  }
0x1b: {  	s9 =	sadd.s32 $0xFFFFFEF7, lr;
	s5 =	simm.s32 $0xFFFFFFFF;
	p2 =	slt.u32 s8, $0xFFFFF086  }
0x1c: {  	p1 =	slt.u32 s9, $0xF7A;
	s5 =	simm.s32 @!p2 $0x0  }
0x1d: {  	s5 =	simm.s32 @p1 $0x1;
	p0 =	seq.s32 s7, s2  }
0x1e: {  	s7 =	smul.u32 @!p0 $0xF7A, s2;
	p2 =	seq.s32 @!p0 s5, $0x0  }
0x1f: {  	s9 =	smul.u32 $0xF7A, s1;
	s8 =	simm.s32 @!p0 $0x1BF5;
	p2 =	por !p2, p0  }
0x20: {  	[sflag:s8] =	ssyncset.s32 @!p0 $0xFFFFF086;
	s6 =	sadd.s32 @!p0 s3, s7;
	s7 =	simm.s32 @!p0 $0x108  }
0x21: {  	s3 =	sadd.s32 s3, s9;
	s6 =	sadd.s32 @!p0 $0x88, s6;
	s7 =	simm.s32 @p2 $0x1082  }
0x22: {  	[simem:s7], [sflag:s8] =	dma.local @!p0 [hbm:s6], $0xF7A  }
0x23: {  	s9 =	sor.u32 $0xD0000000, s2;
	s6 =	simm.s32 $0x108;
	_ =	swait.ge @!p0 [sflag:s8], $0x0  }
0x24: {  	s3 =	sadd.s32 $0x88, s3;
	s6 =	simm.s32 @!p1 $0x1082;
	[sflag:s4] =	ssyncset.s32 $0xFFFFF086  }
0x25: {  	[simem:s6], [sflag:s4] =	dma.local [hbm:s3], $0xF7A  }
0x26: {  	[smem:$0x3F96] =	sst s1;
	(tag) =	ssettag s2;
	_ =	strace s9  }
0x27: {  	s1 =	sld [smem:$0x3FA6]  }
0x28: {  	s2 =	sld [smem:$0x3FA7]  }
0x29: {  	s4 =	sld [smem:$0x3FA9]  }
0x2a: {  	p0 =	seq.s32 s5, $0x0;
	s5 =	sld [smem:$0x3FAA]  }
0x2b: {  	s6 =	sld [smem:$0x3FAB]  }
0x2c: {  	s7 =	sld [smem:$0x3FAC]  }
0x2d: {  	s3 =	simm.s32 $0x108;
	s8 =	sld [smem:$0x3FAD]  }
0x2e: {  	s3 =	simm.s32 @!p0 $0x1082;
	s9 =	sld [smem:$0x3FAE]  }
0x2f: {  	lr =	sadd.s32 s0, s3;
	s0 =	sld [smem:$0x3FA5]  }
0x30: {  	s3 =	sld [smem:$0x3FA8]  }
0x31: {  	[smem:$0x3FB1] =	sst s10  }
0x32: {  	s10 =	sld [smem:$0x3FAF];
	_ =	sdelay $0x3  }
0x33: {  	p0 =	seq.s32 s10, $0x1;
	s10 =	sld [smem:$0x3FB1];
	_ =	sdelay $0x3  }
0x34: {  	[smem:$0x3FB1] =	sst s10  }
0x35: {  	s10 =	sld [smem:$0x3FB0];
	_ =	sdelay $0x3  }
0x36: {  	p1 =	seq.s32 s10, $0x1;
	s10 =	sld [smem:$0x3FB1];
	_ =	sdelay $0x3  }
0x37: {  	[smem:$0x3FB1] =	sst s10  }
0x38: {  	s10 =	sld [smem:$0x3FB2]  }
0x39: {  	_ = 	snop;
	(pc) =	sbr.ind lr, $3  }
0x3a: {  	_ = 	snop  }
0x3b: {  	_ = 	snop  }
0x3c: {  	p2 =	seq.s32 s10, $0x1;
	s10 =	sld [smem:$0x3FB1]  }
0x3d: {  	_ =	shalt  }
0x3e: {  	_ =	shalt  }
0x3f: {  	_ =	shalt  }
0x40: {  	_ =	shalt  }
0x41: {  	_ =	shalt  }
0x42: {  	_ =	shalt  }
0x43: {  	_ =	shalt  }
0x44: {  	_ =	shalt  }
0x45: {  	_ =	shalt  }
0x46: {  	_ =	shalt  }
0x47: {  	_ =	shalt  }
0x48: {  	_ =	shalt  }
0x49: {  	_ =	shalt  }
0x4a: {  	_ =	shalt  }
0x4b: {  	_ =	shalt  }
0x4c: {  	_ =	shalt  }
0x4d: {  	_ =	shalt  }
0x4e: {  	_ =	shalt  }
0x4f: {  	_ =	shalt  }
0x50: {  	_ =	shalt  }
0x51: {  	_ =	shalt  }
0x52: {  	_ =	shalt  }
0x53: {  	_ =	shalt  }
0x54: {  	_ =	shalt  }
0x55: {  	_ =	shalt  }
0x56: {  	_ =	shalt  }
0x57: {  	_ =	shalt  }
0x58: {  	_ =	shalt  }
0x59: {  	_ =	shalt  }
0x5a: {  	_ =	shalt  }
0x5b: {  	_ =	shalt  }
0x5c: {  	_ =	shalt  }
0x5d: {  	_ =	shalt  }
0x5e: {  	_ =	shalt  }
0x5f: {  	_ =	shalt  }
0x60: {  	_ =	shalt  }
0x61: {  	_ =	shalt  }
0x62: {  	_ =	shalt  }
0x63: {  	_ =	shalt  }
0x64: {  	_ =	shalt  }
0x65: {  	_ =	shalt  }
0x66: {  	_ =	shalt  }
0x67: {  	_ =	shalt  }
0x68: {  	_ =	shalt  }
0x69: {  	_ =	shalt  }
0x6a: {  	_ =	shalt  }
0x6b: {  	_ =	shalt  }
0x6c: {  	_ =	shalt  }
0x6d: {  	_ =	shalt  }
0x6e: {  	_ =	shalt  }
0x6f: {  	_ =	shalt  }
0x70: {  	_ =	shalt  }
0x71: {  	_ =	shalt  }
0x72: {  	_ =	shalt  }
0x73: {  	_ =	shalt  }
0x74: {  	_ =	shalt  }
0x75: {  	_ =	shalt  }
0x76: {  	_ =	shalt  }
0x77: {  	_ =	shalt  }
0x78: {  	_ =	shalt  }
0x79: {  	_ =	shalt  }
0x7a: {  	_ =	shalt  }
0x7b: {  	_ =	shalt  }
0x7c: {  	_ =	shalt  }
0x7d: {  	_ =	shalt  }
0x7e: {  	_ =	shalt  }
0x7f: {  	_ =	shalt  }
0x80: {  	_ =	shalt  }
0x81: {  	_ =	shalt  }
0x82: {  	_ =	shalt  }
0x83: {  	_ =	shalt  }
0x84: {  	_ =	shalt  }
0x85: {  	_ =	shalt  }
0x86: {  	_ =	shalt  }
0x87: {  	_ =	shalt  }
.Lfunc_end0:
.L_simem_size_0:
called_computation_lowered:
.L_overlay_start_0:
0x88: {  	s2 =	sld [smem:$0x3FD9]  }
0x89: {  	s3 =	sld [smem:$0x3FFE];
	_ =	sdelay $0x1  }
0x8a: {  	s1 =	srdreg.scid  }
0x8b: {  	s0 =	sand.u32 $0x1, s1  }
0x8c: {  	s16 =	sshll.u32 s0, $0xA;
	s2 =	sadd.s32 s3, s2  }
0x8d: {  	s2 =	sadd.s32 s2, s16  }
0x8e: {  	[smem:$0x3FBD] =	sst s2  }
0x8f: {  	_ = 	snop  }
0x90: {  	(tm) =	ssettm $0x1  }
0x91: {  	s17 =	sld [smem:$0x3FFB];
	_ =	sdelay $0x3  }
0x92: {  	_ =	strace s17  }
0x93: {  	s2 =	sld [smem:$0x3FFC];
	_ =	sdelay $0x3  }
0x94: {  	_ =	strace s2  }
0x95: {  	s2 =	sld [smem:$0x3FFD];
	_ =	sdelay $0x3  }
0x96: {  	_ =	strace s2  }
0x97: {  	_ =	strace $0x8FFFFFFF  }
0x98: {  	s18 =	sld [smem:$0x3FDB];
	_ =	sdelay $0x1  }
0x99: {  	s19 =	simm.s32 $_scs_section_size  }
0x9a: {  	s4 =	simm.s32 $_size__tile_overlayer_lowered;
	s5 =	simm.s32 $_tile_overlayer_lowered  }
0x9b: {  	s22 =	simm.s32 $0x1BFF;
	s21 =	sshll.u32 s5, $0x1;
	s2 =	sadd.s32 s19, s18  }
0x9c: {  	s6 =	simm.s32 $0x0;
	s20 =	sshll.u32 s4, $0x1;
	s4 =	sadd.s32 s21, s2  }
0x9d: {  	[timem:s6], [sflag:s22] =	dma.local [hbm:s4], s20  }
0x9e: {  	_ =	swait.ge [sflag:s22], s20  }
0x9f: {  	s3 =	ssub.s32 $0x0, s20;
	[sflag:s22] =	ssyncset.done $0x0  }
0xa0: {  	[sflag:s22] =	ssyncadd.s32 s3;
	_ =	sdelay $0x1  }
0xa1: {  	s23 =	simm.s32 $0x1B8B  }
0xa2: {  	_ =	swait.ge [sflag:s23], $0x1  }
0xa3: {  	[sflag:s23] =	ssyncset.done $0x0  }
0xa4: {  	s25 =	simm.s32 $0x1B8E;
	s24 =	sld [smem:$0x3FFE];
	[sflag:s23] =	ssyncadd.s32 $0xFFFFFFFF  }
0xa5: {  	s26 =	simm.s32 $execute0_lowered;
	[smem:$0x3FD2] =	sst s25  }
0xa6: {  	s4 =	sshll.u32 s26, $0x1;
	_ =	strace $0x80000046;
	[dreg:$0x1] =	wrdreg $0xFFFFFFFF  }
0xa7: {  	s28 =	simm.s32 $_size_execute0_lowered;
	s2 =	sadd.s32 s2, s4;
	[dreg:$0x0] =	wrdreg $0x0  }
0xa8: {  	s4 =	sshll.u32 s28, $0x1;
	[dreg:$0x2] =	wrdreg s2  }
0xa9: {  	[dreg:$0x3] =	wrdreg s4  }
0xaa: {  	[dreg:$0x4] =	wrdreg $0xC0  }
0xab: {  	_ =	task [dreg:s6], $0x5FFFF  }
0xac: {  	[dreg:$0x1] =	wrdreg $0xFFFFFFFF  }
0xad: {  	[dreg:$0x0] =	wrdreg $0x60  }
0xae: {  	[dreg:$0x2] =	wrdreg s24  }
0xaf: {  	[dreg:$0x3] =	wrdreg $0x2C800  }
0xb0: {  	[dreg:$0x4] =	wrdreg $0x9  }
0xb1: {  	_ =	task.clear_ibuf [dreg:s6], $0x5FFFF;
	_ =	strace $0x90000046  }
0xb2: {  	s29 =	simm.s32 $0x9;
	_ =	strace $0x80000048  }
0xb3: {  	_ =	swait.ge [sflag:s29], $0x1  }
0xb4: {  	[sflag:s29] =	ssyncadd.s32 $0xFFFFFFFF  }
0xb5: {  	_ =	strace $0x90000048  }
0xb6: {  	_ =	sfence  }
0xb7: {  	s30 =	sld [smem:$0x0];
	_ =	sdelay $0x2  }
0xb8: {  	s31 =	sshll.u32 s1, $0xD;
	s1 =	sshrl.u32 s1, $0x2  }
0xb9: {  	s3 =	sand.u32 $0x4000, s31;
	s1 =	sadd.s32 s1, s30  }
0xba: {  	s0 =	sor.u32 s3, s0;
	s1 =	sshll.u32 s1, $0x11  }
0xbb: {  	s0 =	sor.u32 s1, s0  }
0xbc: {  	s0 =	sadd.s32 $0x8F2B, s0  }
0xbd: {  	[sflag:s0] =	ssyncadd.remote.s32 $0x1  }
0xbe: {  	_ =	sfence.sel $0xFFFF  }
0xbf: {  	[dreg:$0x0] =	wrdreg $0xFFFFFFFF;
	(pc) =	sbr.abs _section_cstart, $3  }
0xc0: {  	[dreg:$0x1] =	wrdreg $0xFFFFFFFF  }
0xc1: {  	_ =	task.clear_ibuf [dreg:s6], $0x2FFFF;
	_ =	strace $0x9FFFFFFF  }
0xc2: {  	(tm) =	ssettm $0x7FFFFFFF  }
0xc3: {  	_ =	shalt  }
tec
execute0_lowered:
.L_overlay_start_1:
0x0: {  	(tag) =	ssettag $0x1  }
0x1: {  	s0 =	rddreg [dreg:$0x0]  }
0x2: {  	s1 =	rddreg [dreg:$0x1];
	s3 =	srdreg.scid  }
0x3: {  	s2 =	simm.s32 $0x0;
	s24 =	stileid.u32;
	s28 =	simm.s32 $0x2A00  }
0x4: {  	s29 =	simm.s32 $0x2A80;
	s30 =	simm.s32 $0x2B00;
	s31 =	simm.s32 $0x2B80  }
0x5: {  	s3 =	sand.u32 $0x1, s3;
	[smem:$0x7FF] =	sst s2;
	s6 =	sshll.u32 s24, $0xA  }
0x6: {  	s7 =	sshll.u32 s24, $0x7;
	s26 =	sshll.u32 s24, $0x5;
	p0 =	sgt.u32 s24, $0x7  }
0x7: {  	s24 =	simm.s32 $0x1;
	s4 =	sshll.u32 s3, $0x9;
	_ =	strace $0x80000047  }
0x8: {  	s23 =	sshll.u32 s3, $0x4;
	s3 =	ssub.s32 $0x2, s3;
	s4 =	sor.u32 s4, s6  }
0x9: {  	s25 =	sshrl.u32 s3, $0x1;
	s6 =	sadd.s32 s6, s1;
	s5 =	sadd.s32 s4, s0  }
0xa: {  	s0 =	sadd.s32 s23, s0;
	s23 =	ssub.s32 s3, s25;
	s4 =	sadd.s32 s7, s1  }
0xb: {  	s25 =	simm.s32 $0x1000;
	s3 =	sadd.s32 $0x4400, s5;
	s5 =	sadd.s32 $0x400, s5  }
0xc: {  	s7 =	sadd.s32 $0x400, s4;
	s8 =	sadd.s32 $0x800, s4;
	s9 =	sadd.s32 $0xC00, s4  }
0xd: {  	s10 =	sadd.s32 $0x1000, s4;
	s11 =	sadd.s32 $0x1400, s4;
	s12 =	sadd.s32 $0x1800, s4  }
.Ltmp0:
0xe: {  	s13 =	sadd.s32 $0x1C00, s4;
	s14 =	sadd.s32 $0x2000, s4;
	(pc) =	sbr.rel .LBB2_1-.Ltmp0, $4  }
0xf: {  	s15 =	sadd.s32 $0x2400, s4;
	s16 =	sadd.s32 $0x2800, s4;
	s17 =	sadd.s32 $0x2C00, s4  }
0x10: {  	s18 =	sadd.s32 $0x3000, s4;
	s19 =	sadd.s32 $0x3400, s4;
	s20 =	sadd.s32 $0x3800, s4  }
0x11: {  	s0 =	sadd.s32 s26, s0;
	s21 =	sadd.s32 $0x3C00, s4;
	s23 =	smax.u32 s23, $0x1  }
0x12: {  	v0 =	vimm.f32 $0.0e+00;
	s26 =	simm.s32 $0x2000;
	s22 =	sadd.s32 $0x8400, s0;
	s0 =	simm.s32 $0x2C00  }
.LBB2_3:
0x13: {  	s23 =	sadd.s32 $0xFFFFFFFF, s23  }
0x14: {  	p1 =	sne.s32 s23, $0x0  }
.Ltmp1:
0x15: {  	_ = 	snop;
	(pc) =	sbr.rel @!p1 .LBB2_4-.Ltmp1, $1  }
0x16: {  	_ =	sdelay $0x3  }
.LBB2_1:
0x17: {  	[tilespmem:$0x2000] =	vst v0  }
0x18: {  	[tilespmem:$0x2010] =	vst v0  }
0x19: {  	[tilespmem:$0x2020] =	vst v0  }
0x1a: {  	[tilespmem:$0x2030] =	vst v0  }
0x1b: {  	[tilespmem:$0x2040] =	vst v0  }
0x1c: {  	[tilespmem:$0x2050] =	vst v0  }
0x1d: {  	[tilespmem:$0x2060] =	vst v0  }
0x1e: {  	[tilespmem:$0x2070] =	vst v0  }
0x1f: {  	[tilespmem:$0x2080] =	vst v0  }
0x20: {  	[tilespmem:$0x2090] =	vst v0  }
0x21: {  	[tilespmem:$0x20A0] =	vst v0  }
0x22: {  	[tilespmem:$0x20B0] =	vst v0  }
0x23: {  	[tilespmem:$0x20C0] =	vst v0  }
0x24: {  	[tilespmem:$0x20D0] =	vst v0  }
0x25: {  	[tilespmem:$0x20E0] =	vst v0  }
0x26: {  	[tilespmem:$0x20F0] =	vst v0  }
0x27: {  	[tilespmem:$0x2100] =	vst v0  }
0x28: {  	[tilespmem:$0x2110] =	vst v0  }
0x29: {  	[tilespmem:$0x2120] =	vst v0  }
0x2a: {  	[tilespmem:$0x2130] =	vst v0  }
0x2b: {  	[tilespmem:$0x2140] =	vst v0  }
0x2c: {  	[tilespmem:$0x2150] =	vst v0  }
0x2d: {  	[tilespmem:$0x2160] =	vst v0  }
0x2e: {  	[tilespmem:$0x2170] =	vst v0  }
0x2f: {  	[tilespmem:$0x2180] =	vst v0  }
0x30: {  	[tilespmem:$0x2190] =	vst v0  }
0x31: {  	[tilespmem:$0x21A0] =	vst v0  }
0x32: {  	[tilespmem:$0x21B0] =	vst v0  }
0x33: {  	[tilespmem:$0x21C0] =	vst v0  }
0x34: {  	[tilespmem:$0x21D0] =	vst v0  }
0x35: {  	[tilespmem:$0x21E0] =	vst v0  }
0x36: {  	[tilespmem:$0x21F0] =	vst v0  }
0x37: {  	[tilespmem:$0x2200] =	vst v0  }
0x38: {  	[tilespmem:$0x2210] =	vst v0  }
0x39: {  	[tilespmem:$0x2220] =	vst v0  }
0x3a: {  	[tilespmem:$0x2230] =	vst v0  }
0x3b: {  	[tilespmem:$0x2240] =	vst v0  }
0x3c: {  	[tilespmem:$0x2250] =	vst v0  }
0x3d: {  	[tilespmem:$0x2260] =	vst v0  }
0x3e: {  	[tilespmem:$0x2270] =	vst v0  }
0x3f: {  	[tilespmem:$0x2280] =	vst v0  }
0x40: {  	[tilespmem:$0x2290] =	vst v0  }
0x41: {  	[tilespmem:$0x22A0] =	vst v0  }
0x42: {  	[tilespmem:$0x22B0] =	vst v0  }
0x43: {  	[tilespmem:$0x22C0] =	vst v0  }
0x44: {  	[tilespmem:$0x22D0] =	vst v0  }
0x45: {  	[tilespmem:$0x22E0] =	vst v0  }
0x46: {  	[tilespmem:$0x22F0] =	vst v0  }
0x47: {  	[tilespmem:$0x2300] =	vst v0  }
0x48: {  	[tilespmem:$0x2310] =	vst v0  }
0x49: {  	[tilespmem:$0x2320] =	vst v0  }
0x4a: {  	[tilespmem:$0x2330] =	vst v0  }
0x4b: {  	[tilespmem:$0x2340] =	vst v0  }
0x4c: {  	[tilespmem:$0x2350] =	vst v0  }
0x4d: {  	[tilespmem:$0x2360] =	vst v0  }
0x4e: {  	[tilespmem:$0x2370] =	vst v0  }
0x4f: {  	[tilespmem:$0x2380] =	vst v0  }
0x50: {  	[tilespmem:$0x2390] =	vst v0  }
0x51: {  	[tilespmem:$0x23A0] =	vst v0  }
0x52: {  	[tilespmem:$0x23B0] =	vst v0  }
0x53: {  	[tilespmem:$0x23C0] =	vst v0  }
0x54: {  	[tilespmem:$0x23D0] =	vst v0  }
0x55: {  	[tilespmem:$0x23E0] =	vst v0  }
0x56: {  	[tilespmem:$0x23F0] =	vst v0  }
0x57: {  	[tilespmem:s2], [sflag:$0x1] =	stream.linear.gather [hbm4b:s3+s2], $0xC80, $0x38;
	[tilespmem:$0x3080] =	vst v63  }
0x58: {  	_ =	swait.ge [sflag:s24], $0xC80  }
0x59: {  	[sflag:s24] =	ssyncset.done $0x0  }
0x5a: {  	[sflag:s24] =	ssyncadd.s32 $0xFFFFF380  }
0x5b: {  	[tilespmem:s25], [sflag:$0x1] =	stream.linear.gather [hbm4b:s5+s2], $0xC80, $0x38;
	[tilespmem:$0x3080] =	vst v63  }
0x5c: {  	_ =	swait.ge [sflag:s24], $0xC80  }
0x5d: {  	[sflag:s24] =	ssyncset.done $0x0  }
0x5e: {  	[sflag:s24] =	ssyncadd.s32 $0xFFFFF380  }
0x5f: {  	v1 =	vld [tilespmem:$0x0];
	_ =	sdelay $0x2  }
0x60: {  	v2 =	vld [tilespmem:$0x1000];
	_ =	sdelay $0x4  }
0x61: {  	[tilespmem:v1+s26+$0x0] =	vst.idx.add.f32.msk $0xffff, v2  }
0x62: {  	v1 =	vld [tilespmem:$0x10];
	_ =	sdelay $0x2  }
0x63: {  	v2 =	vld [tilespmem:$0x1010];
	_ =	sdelay $0x4  }
0x64: {  	[tilespmem:v1+s26+$0x0] =	vst.idx.add.f32.msk $0xffff, v2  }
0x65: {  	v1 =	vld [tilespmem:$0x20];
	_ =	sdelay $0x2  }
0x66: {  	v2 =	vld [tilespmem:$0x1020];
	_ =	sdelay $0x4  }
0x67: {  	[tilespmem:v1+s26+$0x0] =	vst.idx.add.f32.msk $0xffff, v2  }
0x68: {  	v1 =	vld [tilespmem:$0x30];
	_ =	sdelay $0x2  }
0x69: {  	v2 =	vld [tilespmem:$0x1030];
	_ =	sdelay $0x4  }
0x6a: {  	[tilespmem:v1+s26+$0x0] =	vst.idx.add.f32.msk $0xffff, v2  }
0x6b: {  	v1 =	vld [tilespmem:$0x40];
	_ =	sdelay $0x2  }
0x6c: {  	v2 =	vld [tilespmem:$0x1040];
	_ =	sdelay $0x4  }
0x6d: {  	[tilespmem:v1+s26+$0x0] =	vst.idx.add.f32.msk $0xffff, v2  }
0x6e: {  	v1 =	vld [tilespmem:$0x50];
	_ =	sdelay $0x2  }
0x6f: {  	v2 =	vld [tilespmem:$0x1050];
	_ =	sdelay $0x4  }
0x70: {  	[tilespmem:v1+s26+$0x0] =	vst.idx.add.f32.msk $0xffff, v2  }
0x71: {  	v1 =	vld [tilespmem:$0x60];
	_ =	sdelay $0x2  }
0x72: {  	v2 =	vld [tilespmem:$0x1060];
	_ =	sdelay $0x4  }
0x73: {  	[tilespmem:v1+s26+$0x0] =	vst.idx.add.f32.msk $0xffff, v2  }
0x74: {  	v1 =	vld [tilespmem:$0x70];
	_ =	sdelay $0x2  }
0x75: {  	v2 =	vld [tilespmem:$0x1070];
	_ =	sdelay $0x4  }
0x76: {  	[tilespmem:v1+s26+$0x0] =	vst.idx.add.f32.msk $0xffff, v2  }
0x77: {  	v1 =	vld [tilespmem:$0x80];
	_ =	sdelay $0x2  }
0x78: {  	v2 =	vld [tilespmem:$0x1080];
	_ =	sdelay $0x4  }
0x79: {  	[tilespmem:v1+s26+$0x0] =	vst.idx.add.f32.msk $0xffff, v2  }
0x7a: {  	v1 =	vld [tilespmem:$0x90];
	_ =	sdelay $0x2  }
0x7b: {  	v2 =	vld [tilespmem:$0x1090];
	_ =	sdelay $0x4  }
0x7c: {  	[tilespmem:v1+s26+$0x0] =	vst.idx.add.f32.msk $0xffff, v2  }
0x7d: {  	v1 =	vld [tilespmem:$0xA0];
	_ =	sdelay $0x2  }
0x7e: {  	v2 =	vld [tilespmem:$0x10A0];
	_ =	sdelay $0x4  }
0x7f: {  	[tilespmem:v1+s26+$0x0] =	vst.idx.add.f32.msk $0xffff, v2  }
0x80: {  	v1 =	vld [tilespmem:$0xB0];
	_ =	sdelay $0x2  }
0x81: {  	v2 =	vld [tilespmem:$0x10B0];
	_ =	sdelay $0x4  }
0x82: {  	[tilespmem:v1+s26+$0x0] =	vst.idx.add.f32.msk $0xffff, v2  }
0x83: {  	v1 =	vld [tilespmem:$0xC0];
	_ =	sdelay $0x2  }
0x84: {  	v2 =	vld [tilespmem:$0x10C0];
	_ =	sdelay $0x4  }
0x85: {  	[tilespmem:v1+s26+$0x0] =	vst.idx.add.f32.msk $0xffff, v2  }
0x86: {  	v1 =	vld [tilespmem:$0xD0];
	_ =	sdelay $0x2  }
0x87: {  	v2 =	vld [tilespmem:$0x10D0];
	_ =	sdelay $0x4  }
0x88: {  	[tilespmem:v1+s26+$0x0] =	vst.idx.add.f32.msk $0xffff, v2  }
0x89: {  	v1 =	vld [tilespmem:$0xE0];
	_ =	sdelay $0x2  }
0x8a: {  	v2 =	vld [tilespmem:$0x10E0];
	_ =	sdelay $0x4  }
0x8b: {  	[tilespmem:v1+s26+$0x0] =	vst.idx.add.f32.msk $0xffff, v2  }
0x8c: {  	v1 =	vld [tilespmem:$0xF0];
	_ =	sdelay $0x2  }
0x8d: {  	v2 =	vld [tilespmem:$0x10F0];
	_ =	sdelay $0x4  }
0x8e: {  	[tilespmem:v1+s26+$0x0] =	vst.idx.add.f32.msk $0xffff, v2  }
0x8f: {  	v1 =	vld [tilespmem:$0x100];
	_ =	sdelay $0x2  }
0x90: {  	v2 =	vld [tilespmem:$0x1100];
	_ =	sdelay $0x4  }
0x91: {  	[tilespmem:v1+s26+$0x0] =	vst.idx.add.f32.msk $0xffff, v2  }
0x92: {  	v1 =	vld [tilespmem:$0x110];
	_ =	sdelay $0x2  }
0x93: {  	v2 =	vld [tilespmem:$0x1110];
	_ =	sdelay $0x4  }
0x94: {  	[tilespmem:v1+s26+$0x0] =	vst.idx.add.f32.msk $0xffff, v2  }
0x95: {  	v1 =	vld [tilespmem:$0x120];
	_ =	sdelay $0x2  }
0x96: {  	v2 =	vld [tilespmem:$0x1120];
	_ =	sdelay $0x4  }
0x97: {  	[tilespmem:v1+s26+$0x0] =	vst.idx.add.f32.msk $0xffff, v2  }
0x98: {  	v1 =	vld [tilespmem:$0x130];
	_ =	sdelay $0x2  }
0x99: {  	v2 =	vld [tilespmem:$0x1130];
	_ =	sdelay $0x4  }
0x9a: {  	[tilespmem:v1+s26+$0x0] =	vst.idx.add.f32.msk $0xffff, v2  }
0x9b: {  	v1 =	vld [tilespmem:$0x140];
	_ =	sdelay $0x2  }
0x9c: {  	v2 =	vld [tilespmem:$0x1140];
	_ =	sdelay $0x4  }
0x9d: {  	[tilespmem:v1+s26+$0x0] =	vst.idx.add.f32.msk $0xffff, v2  }
0x9e: {  	v1 =	vld [tilespmem:$0x150];
	_ =	sdelay $0x2  }
0x9f: {  	v2 =	vld [tilespmem:$0x1150];
	_ =	sdelay $0x4  }
0xa0: {  	[tilespmem:v1+s26+$0x0] =	vst.idx.add.f32.msk $0xffff, v2  }
0xa1: {  	v1 =	vld [tilespmem:$0x160];
	_ =	sdelay $0x2  }
0xa2: {  	v2 =	vld [tilespmem:$0x1160];
	_ =	sdelay $0x4  }
0xa3: {  	[tilespmem:v1+s26+$0x0] =	vst.idx.add.f32.msk $0xffff, v2  }
0xa4: {  	v1 =	vld [tilespmem:$0x170];
	_ =	sdelay $0x2  }
0xa5: {  	v2 =	vld [tilespmem:$0x1170];
	_ =	sdelay $0x4  }
0xa6: {  	[tilespmem:v1+s26+$0x0] =	vst.idx.add.f32.msk $0xffff, v2  }
0xa7: {  	v1 =	vld [tilespmem:$0x180];
	_ =	sdelay $0x2  }
0xa8: {  	v2 =	vld [tilespmem:$0x1180];
	_ =	sdelay $0x4  }
0xa9: {  	[tilespmem:v1+s26+$0x0] =	vst.idx.add.f32.msk $0xffff, v2  }
0xaa: {  	v1 =	vld [tilespmem:$0x190];
	_ =	sdelay $0x2  }
0xab: {  	v2 =	vld [tilespmem:$0x1190];
	_ =	sdelay $0x4  }
0xac: {  	[tilespmem:v1+s26+$0x0] =	vst.idx.add.f32.msk $0xffff, v2  }
0xad: {  	v1 =	vld [tilespmem:$0x1A0];
	_ =	sdelay $0x2  }
0xae: {  	v2 =	vld [tilespmem:$0x11A0];
	_ =	sdelay $0x4  }
0xaf: {  	[tilespmem:v1+s26+$0x0] =	vst.idx.add.f32.msk $0xffff, v2  }
0xb0: {  	v1 =	vld [tilespmem:$0x1B0];
	_ =	sdelay $0x2  }
0xb1: {  	v2 =	vld [tilespmem:$0x11B0];
	_ =	sdelay $0x4  }
0xb2: {  	[tilespmem:v1+s26+$0x0] =	vst.idx.add.f32.msk $0xffff, v2  }
0xb3: {  	v1 =	vld [tilespmem:$0x1C0];
	_ =	sdelay $0x2  }
0xb4: {  	v2 =	vld [tilespmem:$0x11C0];
	_ =	sdelay $0x4  }
0xb5: {  	[tilespmem:v1+s26+$0x0] =	vst.idx.add.f32.msk $0xffff, v2  }
0xb6: {  	v1 =	vld [tilespmem:$0x1D0];
	_ =	sdelay $0x2  }
0xb7: {  	v2 =	vld [tilespmem:$0x11D0];
	_ =	sdelay $0x4  }
0xb8: {  	[tilespmem:v1+s26+$0x0] =	vst.idx.add.f32.msk $0xffff, v2  }
0xb9: {  	v1 =	vld [tilespmem:$0x1E0];
	_ =	sdelay $0x2  }
0xba: {  	v2 =	vld [tilespmem:$0x11E0];
	_ =	sdelay $0x4  }
0xbb: {  	[tilespmem:v1+s26+$0x0] =	vst.idx.add.f32.msk $0xffff, v2  }
0xbc: {  	v1 =	vld [tilespmem:$0x1F0];
	_ =	sdelay $0x2  }
0xbd: {  	v2 =	vld [tilespmem:$0x11F0];
	_ =	sdelay $0x4  }
0xbe: {  	[tilespmem:v1+s26+$0x0] =	vst.idx.add.f32.msk $0xffff, v2  }
0xbf: {  	v1 =	vld [tilespmem:$0x200];
	_ =	sdelay $0x2  }
0xc0: {  	v2 =	vld [tilespmem:$0x1200];
	_ =	sdelay $0x4  }
0xc1: {  	[tilespmem:v1+s26+$0x0] =	vst.idx.add.f32.msk $0xffff, v2  }
0xc2: {  	v1 =	vld [tilespmem:$0x210];
	_ =	sdelay $0x2  }
0xc3: {  	v2 =	vld [tilespmem:$0x1210];
	_ =	sdelay $0x4  }
0xc4: {  	[tilespmem:v1+s26+$0x0] =	vst.idx.add.f32.msk $0xffff, v2  }
0xc5: {  	v1 =	vld [tilespmem:$0x220];
	_ =	sdelay $0x2  }
0xc6: {  	v2 =	vld [tilespmem:$0x1220];
	_ =	sdelay $0x4  }
0xc7: {  	[tilespmem:v1+s26+$0x0] =	vst.idx.add.f32.msk $0xffff, v2  }
0xc8: {  	v1 =	vld [tilespmem:$0x230];
	_ =	sdelay $0x2  }
0xc9: {  	v2 =	vld [tilespmem:$0x1230];
	_ =	sdelay $0x4  }
0xca: {  	[tilespmem:v1+s26+$0x0] =	vst.idx.add.f32.msk $0xffff, v2  }
0xcb: {  	v1 =	vld [tilespmem:$0x240];
	_ =	sdelay $0x2  }
0xcc: {  	v2 =	vld [tilespmem:$0x1240];
	_ =	sdelay $0x4  }
0xcd: {  	[tilespmem:v1+s26+$0x0] =	vst.idx.add.f32.msk $0xffff, v2  }
0xce: {  	v1 =	vld [tilespmem:$0x250];
	_ =	sdelay $0x2  }
0xcf: {  	v2 =	vld [tilespmem:$0x1250];
	_ =	sdelay $0x4  }
0xd0: {  	[tilespmem:v1+s26+$0x0] =	vst.idx.add.f32.msk $0xffff, v2  }
0xd1: {  	v1 =	vld [tilespmem:$0x260];
	_ =	sdelay $0x2  }
0xd2: {  	v2 =	vld [tilespmem:$0x1260];
	_ =	sdelay $0x4  }
0xd3: {  	[tilespmem:v1+s26+$0x0] =	vst.idx.add.f32.msk $0xffff, v2  }
0xd4: {  	v1 =	vld [tilespmem:$0x270];
	_ =	sdelay $0x2  }
0xd5: {  	v2 =	vld [tilespmem:$0x1270];
	_ =	sdelay $0x4  }
0xd6: {  	[tilespmem:v1+s26+$0x0] =	vst.idx.add.f32.msk $0xffff, v2  }
0xd7: {  	v1 =	vld [tilespmem:$0x280];
	_ =	sdelay $0x2  }
0xd8: {  	v2 =	vld [tilespmem:$0x1280];
	_ =	sdelay $0x4  }
0xd9: {  	[tilespmem:v1+s26+$0x0] =	vst.idx.add.f32.msk $0xffff, v2  }
0xda: {  	v1 =	vld [tilespmem:$0x290];
	_ =	sdelay $0x2  }
0xdb: {  	v2 =	vld [tilespmem:$0x1290];
	_ =	sdelay $0x4  }
0xdc: {  	[tilespmem:v1+s26+$0x0] =	vst.idx.add.f32.msk $0xffff, v2  }
0xdd: {  	v1 =	vld [tilespmem:$0x2A0];
	_ =	sdelay $0x2  }
0xde: {  	v2 =	vld [tilespmem:$0x12A0];
	_ =	sdelay $0x4  }
0xdf: {  	[tilespmem:v1+s26+$0x0] =	vst.idx.add.f32.msk $0xffff, v2  }
0xe0: {  	v1 =	vld [tilespmem:$0x2B0];
	_ =	sdelay $0x2  }
0xe1: {  	v2 =	vld [tilespmem:$0x12B0];
	_ =	sdelay $0x4  }
0xe2: {  	[tilespmem:v1+s26+$0x0] =	vst.idx.add.f32.msk $0xffff, v2  }
0xe3: {  	v1 =	vld [tilespmem:$0x2C0];
	_ =	sdelay $0x2  }
0xe4: {  	v2 =	vld [tilespmem:$0x12C0];
	_ =	sdelay $0x4  }
0xe5: {  	[tilespmem:v1+s26+$0x0] =	vst.idx.add.f32.msk $0xffff, v2  }
0xe6: {  	v1 =	vld [tilespmem:$0x2D0];
	_ =	sdelay $0x2  }
0xe7: {  	v2 =	vld [tilespmem:$0x12D0];
	_ =	sdelay $0x4  }
0xe8: {  	[tilespmem:v1+s26+$0x0] =	vst.idx.add.f32.msk $0xffff, v2  }
0xe9: {  	v1 =	vld [tilespmem:$0x2E0];
	_ =	sdelay $0x2  }
0xea: {  	v2 =	vld [tilespmem:$0x12E0];
	_ =	sdelay $0x4  }
0xeb: {  	[tilespmem:v1+s26+$0x0] =	vst.idx.add.f32.msk $0xffff, v2  }
0xec: {  	v1 =	vld [tilespmem:$0x2F0];
	_ =	sdelay $0x2  }
0xed: {  	v2 =	vld [tilespmem:$0x12F0];
	_ =	sdelay $0x4  }
0xee: {  	[tilespmem:v1+s26+$0x0] =	vst.idx.add.f32.msk $0xffff, v2  }
0xef: {  	v1 =	vld [tilespmem:$0x300];
	_ =	sdelay $0x2  }
0xf0: {  	v2 =	vld [tilespmem:$0x1300];
	_ =	sdelay $0x4  }
0xf1: {  	[tilespmem:v1+s26+$0x0] =	vst.idx.add.f32.msk $0xffff, v2  }
0xf2: {  	v1 =	vld [tilespmem:$0x310];
	_ =	sdelay $0x2  }
0xf3: {  	v2 =	vld [tilespmem:$0x1310];
	_ =	sdelay $0x4  }
0xf4: {  	[tilespmem:v1+s26+$0x0] =	vst.idx.add.f32.msk $0xffff, v2  }
0xf5: {  	v1 =	vld [tilespmem:$0x320];
	_ =	sdelay $0x2  }
0xf6: {  	v2 =	vld [tilespmem:$0x1320];
	_ =	sdelay $0x4  }
0xf7: {  	[tilespmem:v1+s26+$0x0] =	vst.idx.add.f32.msk $0xffff, v2  }
0xf8: {  	v1 =	vld [tilespmem:$0x330];
	_ =	sdelay $0x2  }
0xf9: {  	v2 =	vld [tilespmem:$0x1330];
	_ =	sdelay $0x4  }
0xfa: {  	[tilespmem:v1+s26+$0x0] =	vst.idx.add.f32.msk $0xffff, v2  }
0xfb: {  	v1 =	vld [tilespmem:$0x340];
	_ =	sdelay $0x2  }
0xfc: {  	v2 =	vld [tilespmem:$0x1340];
	_ =	sdelay $0x4  }
0xfd: {  	[tilespmem:v1+s26+$0x0] =	vst.idx.add.f32.msk $0xffff, v2  }
0xfe: {  	v1 =	vld [tilespmem:$0x350];
	_ =	sdelay $0x2  }
0xff: {  	v2 =	vld [tilespmem:$0x1350];
	_ =	sdelay $0x4  }
0x100: {  	[tilespmem:v1+s26+$0x0] =	vst.idx.add.f32.msk $0xffff, v2  }
0x101: {  	v1 =	vld [tilespmem:$0x360];
	_ =	sdelay $0x2  }
0x102: {  	v2 =	vld [tilespmem:$0x1360];
	_ =	sdelay $0x4  }
0x103: {  	[tilespmem:v1+s26+$0x0] =	vst.idx.add.f32.msk $0xffff, v2  }
0x104: {  	v1 =	vld [tilespmem:$0x370];
	_ =	sdelay $0x2  }
0x105: {  	v2 =	vld [tilespmem:$0x1370];
	_ =	sdelay $0x4  }
0x106: {  	[tilespmem:v1+s26+$0x0] =	vst.idx.add.f32.msk $0xffff, v2  }
0x107: {  	v1 =	vld [tilespmem:$0x380];
	_ =	sdelay $0x2  }
0x108: {  	v2 =	vld [tilespmem:$0x1380];
	_ =	sdelay $0x4  }
0x109: {  	[tilespmem:v1+s26+$0x0] =	vst.idx.add.f32.msk $0xffff, v2  }
0x10a: {  	v1 =	vld [tilespmem:$0x390];
	_ =	sdelay $0x2  }
0x10b: {  	v2 =	vld [tilespmem:$0x1390];
	_ =	sdelay $0x4  }
0x10c: {  	[tilespmem:v1+s26+$0x0] =	vst.idx.add.f32.msk $0xffff, v2  }
0x10d: {  	v1 =	vld [tilespmem:$0x3A0];
	_ =	sdelay $0x2  }
0x10e: {  	v2 =	vld [tilespmem:$0x13A0];
	_ =	sdelay $0x4  }
0x10f: {  	[tilespmem:v1+s26+$0x0] =	vst.idx.add.f32.msk $0xffff, v2  }
0x110: {  	v1 =	vld [tilespmem:$0x3B0];
	_ =	sdelay $0x2  }
0x111: {  	v2 =	vld [tilespmem:$0x13B0];
	_ =	sdelay $0x4  }
0x112: {  	[tilespmem:v1+s26+$0x0] =	vst.idx.add.f32.msk $0xffff, v2  }
0x113: {  	v1 =	vld [tilespmem:$0x3C0];
	_ =	sdelay $0x2  }
0x114: {  	v2 =	vld [tilespmem:$0x13C0];
	_ =	sdelay $0x4  }
0x115: {  	[tilespmem:v1+s26+$0x0] =	vst.idx.add.f32.msk $0xffff, v2  }
0x116: {  	v1 =	vld [tilespmem:$0x3D0];
	_ =	sdelay $0x2  }
0x117: {  	v2 =	vld [tilespmem:$0x13D0];
	_ =	sdelay $0x4  }
0x118: {  	[tilespmem:v1+s26+$0x0] =	vst.idx.add.f32.msk $0xffff, v2  }
0x119: {  	v1 =	vld [tilespmem:$0x3E0];
	_ =	sdelay $0x2  }
0x11a: {  	v2 =	vld [tilespmem:$0x13E0];
	_ =	sdelay $0x4  }
0x11b: {  	[tilespmem:v1+s26+$0x0] =	vst.idx.add.f32.msk $0xffff, v2  }
0x11c: {  	v1 =	vld [tilespmem:$0x3F0];
	_ =	sdelay $0x2  }
0x11d: {  	v2 =	vld [tilespmem:$0x13F0];
	_ =	sdelay $0x4  }
0x11e: {  	[tilespmem:v1+s26+$0x0] =	vst.idx.add.f32.msk $0xffff, v2  }
0x11f: {  	v1 =	vld [tilespmem:$0x400];
	_ =	sdelay $0x2  }
0x120: {  	v2 =	vld [tilespmem:$0x1400];
	_ =	sdelay $0x4  }
0x121: {  	[tilespmem:v1+s26+$0x0] =	vst.idx.add.f32.msk $0xffff, v2  }
0x122: {  	v1 =	vld [tilespmem:$0x410];
	_ =	sdelay $0x2  }
0x123: {  	v2 =	vld [tilespmem:$0x1410];
	_ =	sdelay $0x4  }
0x124: {  	[tilespmem:v1+s26+$0x0] =	vst.idx.add.f32.msk $0xffff, v2  }
0x125: {  	v1 =	vld [tilespmem:$0x420];
	_ =	sdelay $0x2  }
0x126: {  	v2 =	vld [tilespmem:$0x1420];
	_ =	sdelay $0x4  }
0x127: {  	[tilespmem:v1+s26+$0x0] =	vst.idx.add.f32.msk $0xffff, v2  }
0x128: {  	v1 =	vld [tilespmem:$0x430];
	_ =	sdelay $0x2  }
0x129: {  	v2 =	vld [tilespmem:$0x1430];
	_ =	sdelay $0x4  }
0x12a: {  	[tilespmem:v1+s26+$0x0] =	vst.idx.add.f32.msk $0xffff, v2  }
0x12b: {  	v1 =	vld [tilespmem:$0x440];
	_ =	sdelay $0x2  }
0x12c: {  	v2 =	vld [tilespmem:$0x1440];
	_ =	sdelay $0x4  }
0x12d: {  	[tilespmem:v1+s26+$0x0] =	vst.idx.add.f32.msk $0xffff, v2  }
0x12e: {  	v1 =	vld [tilespmem:$0x450];
	_ =	sdelay $0x2  }
0x12f: {  	v2 =	vld [tilespmem:$0x1450];
	_ =	sdelay $0x4  }
0x130: {  	[tilespmem:v1+s26+$0x0] =	vst.idx.add.f32.msk $0xffff, v2  }
0x131: {  	v1 =	vld [tilespmem:$0x460];
	_ =	sdelay $0x2  }
0x132: {  	v2 =	vld [tilespmem:$0x1460];
	_ =	sdelay $0x4  }
0x133: {  	[tilespmem:v1+s26+$0x0] =	vst.idx.add.f32.msk $0xffff, v2  }
0x134: {  	v1 =	vld [tilespmem:$0x470];
	_ =	sdelay $0x2  }
0x135: {  	v2 =	vld [tilespmem:$0x1470];
	_ =	sdelay $0x4  }
0x136: {  	[tilespmem:v1+s26+$0x0] =	vst.idx.add.f32.msk $0xffff, v2  }
0x137: {  	v1 =	vld [tilespmem:$0x480];
	_ =	sdelay $0x2  }
0x138: {  	v2 =	vld [tilespmem:$0x1480];
	_ =	sdelay $0x4  }
0x139: {  	[tilespmem:v1+s26+$0x0] =	vst.idx.add.f32.msk $0xffff, v2  }
0x13a: {  	v1 =	vld [tilespmem:$0x490];
	_ =	sdelay $0x2  }
0x13b: {  	v2 =	vld [tilespmem:$0x1490];
	_ =	sdelay $0x4  }
0x13c: {  	[tilespmem:v1+s26+$0x0] =	vst.idx.add.f32.msk $0xffff, v2  }
0x13d: {  	v1 =	vld [tilespmem:$0x4A0];
	_ =	sdelay $0x2  }
0x13e: {  	v2 =	vld [tilespmem:$0x14A0];
	_ =	sdelay $0x4  }
0x13f: {  	[tilespmem:v1+s26+$0x0] =	vst.idx.add.f32.msk $0xffff, v2  }
0x140: {  	v1 =	vld [tilespmem:$0x4B0];
	_ =	sdelay $0x2  }
0x141: {  	v2 =	vld [tilespmem:$0x14B0];
	_ =	sdelay $0x4  }
0x142: {  	[tilespmem:v1+s26+$0x0] =	vst.idx.add.f32.msk $0xffff, v2  }
0x143: {  	v1 =	vld [tilespmem:$0x4C0];
	_ =	sdelay $0x2  }
0x144: {  	v2 =	vld [tilespmem:$0x14C0];
	_ =	sdelay $0x4  }
0x145: {  	[tilespmem:v1+s26+$0x0] =	vst.idx.add.f32.msk $0xffff, v2  }
0x146: {  	v1 =	vld [tilespmem:$0x4D0];
	_ =	sdelay $0x2  }
0x147: {  	v2 =	vld [tilespmem:$0x14D0];
	_ =	sdelay $0x4  }
0x148: {  	[tilespmem:v1+s26+$0x0] =	vst.idx.add.f32.msk $0xffff, v2  }
0x149: {  	v1 =	vld [tilespmem:$0x4E0];
	_ =	sdelay $0x2  }
0x14a: {  	v2 =	vld [tilespmem:$0x14E0];
	_ =	sdelay $0x4  }
0x14b: {  	[tilespmem:v1+s26+$0x0] =	vst.idx.add.f32.msk $0xffff, v2  }
0x14c: {  	v1 =	vld [tilespmem:$0x4F0];
	_ =	sdelay $0x2  }
0x14d: {  	v2 =	vld [tilespmem:$0x14F0];
	_ =	sdelay $0x4  }
0x14e: {  	[tilespmem:v1+s26+$0x0] =	vst.idx.add.f32.msk $0xffff, v2  }
0x14f: {  	v1 =	vld [tilespmem:$0x500];
	_ =	sdelay $0x2  }
0x150: {  	v2 =	vld [tilespmem:$0x1500];
	_ =	sdelay $0x4  }
0x151: {  	[tilespmem:v1+s26+$0x0] =	vst.idx.add.f32.msk $0xffff, v2  }
0x152: {  	v1 =	vld [tilespmem:$0x510];
	_ =	sdelay $0x2  }
0x153: {  	v2 =	vld [tilespmem:$0x1510];
	_ =	sdelay $0x4  }
0x154: {  	[tilespmem:v1+s26+$0x0] =	vst.idx.add.f32.msk $0xffff, v2  }
0x155: {  	v1 =	vld [tilespmem:$0x520];
	_ =	sdelay $0x2  }
0x156: {  	v2 =	vld [tilespmem:$0x1520];
	_ =	sdelay $0x4  }
0x157: {  	[tilespmem:v1+s26+$0x0] =	vst.idx.add.f32.msk $0xffff, v2  }
0x158: {  	v1 =	vld [tilespmem:$0x530];
	_ =	sdelay $0x2  }
0x159: {  	v2 =	vld [tilespmem:$0x1530];
	_ =	sdelay $0x4  }
0x15a: {  	[tilespmem:v1+s26+$0x0] =	vst.idx.add.f32.msk $0xffff, v2  }
0x15b: {  	v1 =	vld [tilespmem:$0x540];
	_ =	sdelay $0x2  }
0x15c: {  	v2 =	vld [tilespmem:$0x1540];
	_ =	sdelay $0x4  }
0x15d: {  	[tilespmem:v1+s26+$0x0] =	vst.idx.add.f32.msk $0xffff, v2  }
0x15e: {  	v1 =	vld [tilespmem:$0x550];
	_ =	sdelay $0x2  }
0x15f: {  	v2 =	vld [tilespmem:$0x1550];
	_ =	sdelay $0x4  }
0x160: {  	[tilespmem:v1+s26+$0x0] =	vst.idx.add.f32.msk $0xffff, v2  }
0x161: {  	v1 =	vld [tilespmem:$0x560];
	_ =	sdelay $0x2  }
0x162: {  	v2 =	vld [tilespmem:$0x1560];
	_ =	sdelay $0x4  }
0x163: {  	[tilespmem:v1+s26+$0x0] =	vst.idx.add.f32.msk $0xffff, v2  }
0x164: {  	v1 =	vld [tilespmem:$0x570];
	_ =	sdelay $0x2  }
0x165: {  	v2 =	vld [tilespmem:$0x1570];
	_ =	sdelay $0x4  }
0x166: {  	[tilespmem:v1+s26+$0x0] =	vst.idx.add.f32.msk $0xffff, v2  }
0x167: {  	v1 =	vld [tilespmem:$0x580];
	_ =	sdelay $0x2  }
0x168: {  	v2 =	vld [tilespmem:$0x1580];
	_ =	sdelay $0x4  }
0x169: {  	[tilespmem:v1+s26+$0x0] =	vst.idx.add.f32.msk $0xffff, v2  }
0x16a: {  	v1 =	vld [tilespmem:$0x590];
	_ =	sdelay $0x2  }
0x16b: {  	v2 =	vld [tilespmem:$0x1590];
	_ =	sdelay $0x4  }
0x16c: {  	[tilespmem:v1+s26+$0x0] =	vst.idx.add.f32.msk $0xffff, v2  }
0x16d: {  	v1 =	vld [tilespmem:$0x5A0];
	_ =	sdelay $0x2  }
0x16e: {  	v2 =	vld [tilespmem:$0x15A0];
	_ =	sdelay $0x4  }
0x16f: {  	[tilespmem:v1+s26+$0x0] =	vst.idx.add.f32.msk $0xffff, v2  }
0x170: {  	v1 =	vld [tilespmem:$0x5B0];
	_ =	sdelay $0x2  }
0x171: {  	v2 =	vld [tilespmem:$0x15B0];
	_ =	sdelay $0x4  }
0x172: {  	[tilespmem:v1+s26+$0x0] =	vst.idx.add.f32.msk $0xffff, v2  }
0x173: {  	v1 =	vld [tilespmem:$0x5C0];
	_ =	sdelay $0x2  }
0x174: {  	v2 =	vld [tilespmem:$0x15C0];
	_ =	sdelay $0x4  }
0x175: {  	[tilespmem:v1+s26+$0x0] =	vst.idx.add.f32.msk $0xffff, v2  }
0x176: {  	v1 =	vld [tilespmem:$0x5D0];
	_ =	sdelay $0x2  }
0x177: {  	v2 =	vld [tilespmem:$0x15D0];
	_ =	sdelay $0x4  }
0x178: {  	[tilespmem:v1+s26+$0x0] =	vst.idx.add.f32.msk $0xffff, v2  }
0x179: {  	v1 =	vld [tilespmem:$0x5E0];
	_ =	sdelay $0x2  }
0x17a: {  	v2 =	vld [tilespmem:$0x15E0];
	_ =	sdelay $0x4  }
0x17b: {  	[tilespmem:v1+s26+$0x0] =	vst.idx.add.f32.msk $0xffff, v2  }
0x17c: {  	v1 =	vld [tilespmem:$0x5F0];
	_ =	sdelay $0x2  }
0x17d: {  	v2 =	vld [tilespmem:$0x15F0];
	_ =	sdelay $0x4  }
0x17e: {  	[tilespmem:v1+s26+$0x0] =	vst.idx.add.f32.msk $0xffff, v2  }
0x17f: {  	v1 =	vld [tilespmem:$0x600];
	_ =	sdelay $0x2  }
0x180: {  	v2 =	vld [tilespmem:$0x1600];
	_ =	sdelay $0x4  }
0x181: {  	[tilespmem:v1+s26+$0x0] =	vst.idx.add.f32.msk $0xffff, v2  }
0x182: {  	v1 =	vld [tilespmem:$0x610];
	_ =	sdelay $0x2  }
0x183: {  	v2 =	vld [tilespmem:$0x1610];
	_ =	sdelay $0x4  }
0x184: {  	[tilespmem:v1+s26+$0x0] =	vst.idx.add.f32.msk $0xffff, v2  }
0x185: {  	v1 =	vld [tilespmem:$0x620];
	_ =	sdelay $0x2  }
0x186: {  	v2 =	vld [tilespmem:$0x1620];
	_ =	sdelay $0x4  }
0x187: {  	[tilespmem:v1+s26+$0x0] =	vst.idx.add.f32.msk $0xffff, v2  }
0x188: {  	v1 =	vld [tilespmem:$0x630];
	_ =	sdelay $0x2  }
0x189: {  	v2 =	vld [tilespmem:$0x1630];
	_ =	sdelay $0x4  }
0x18a: {  	[tilespmem:v1+s26+$0x0] =	vst.idx.add.f32.msk $0xffff, v2  }
0x18b: {  	v1 =	vld [tilespmem:$0x640];
	_ =	sdelay $0x2  }
0x18c: {  	v2 =	vld [tilespmem:$0x1640];
	_ =	sdelay $0x4  }
0x18d: {  	[tilespmem:v1+s26+$0x0] =	vst.idx.add.f32.msk $0xffff, v2  }
0x18e: {  	v1 =	vld [tilespmem:$0x650];
	_ =	sdelay $0x2  }
0x18f: {  	v2 =	vld [tilespmem:$0x1650];
	_ =	sdelay $0x4  }
0x190: {  	[tilespmem:v1+s26+$0x0] =	vst.idx.add.f32.msk $0xffff, v2  }
0x191: {  	v1 =	vld [tilespmem:$0x660];
	_ =	sdelay $0x2  }
0x192: {  	v2 =	vld [tilespmem:$0x1660];
	_ =	sdelay $0x4  }
0x193: {  	[tilespmem:v1+s26+$0x0] =	vst.idx.add.f32.msk $0xffff, v2  }
0x194: {  	v1 =	vld [tilespmem:$0x670];
	_ =	sdelay $0x2  }
0x195: {  	v2 =	vld [tilespmem:$0x1670];
	_ =	sdelay $0x4  }
0x196: {  	[tilespmem:v1+s26+$0x0] =	vst.idx.add.f32.msk $0xffff, v2  }
0x197: {  	v1 =	vld [tilespmem:$0x680];
	_ =	sdelay $0x2  }
0x198: {  	v2 =	vld [tilespmem:$0x1680];
	_ =	sdelay $0x4  }
0x199: {  	[tilespmem:v1+s26+$0x0] =	vst.idx.add.f32.msk $0xffff, v2  }
0x19a: {  	v1 =	vld [tilespmem:$0x690];
	_ =	sdelay $0x2  }
0x19b: {  	v2 =	vld [tilespmem:$0x1690];
	_ =	sdelay $0x4  }
0x19c: {  	[tilespmem:v1+s26+$0x0] =	vst.idx.add.f32.msk $0xffff, v2  }
0x19d: {  	v1 =	vld [tilespmem:$0x6A0];
	_ =	sdelay $0x2  }
0x19e: {  	v2 =	vld [tilespmem:$0x16A0];
	_ =	sdelay $0x4  }
0x19f: {  	[tilespmem:v1+s26+$0x0] =	vst.idx.add.f32.msk $0xffff, v2  }
0x1a0: {  	v1 =	vld [tilespmem:$0x6B0];
	_ =	sdelay $0x2  }
0x1a1: {  	v2 =	vld [tilespmem:$0x16B0];
	_ =	sdelay $0x4  }
0x1a2: {  	[tilespmem:v1+s26+$0x0] =	vst.idx.add.f32.msk $0xffff, v2  }
0x1a3: {  	v1 =	vld [tilespmem:$0x6C0];
	_ =	sdelay $0x2  }
0x1a4: {  	v2 =	vld [tilespmem:$0x16C0];
	_ =	sdelay $0x4  }
0x1a5: {  	[tilespmem:v1+s26+$0x0] =	vst.idx.add.f32.msk $0xffff, v2  }
0x1a6: {  	v1 =	vld [tilespmem:$0x6D0];
	_ =	sdelay $0x2  }
0x1a7: {  	v2 =	vld [tilespmem:$0x16D0];
	_ =	sdelay $0x4  }
0x1a8: {  	[tilespmem:v1+s26+$0x0] =	vst.idx.add.f32.msk $0xffff, v2  }
0x1a9: {  	v1 =	vld [tilespmem:$0x6E0];
	_ =	sdelay $0x2  }
0x1aa: {  	v2 =	vld [tilespmem:$0x16E0];
	_ =	sdelay $0x4  }
0x1ab: {  	[tilespmem:v1+s26+$0x0] =	vst.idx.add.f32.msk $0xffff, v2  }
0x1ac: {  	v1 =	vld [tilespmem:$0x6F0];
	_ =	sdelay $0x2  }
0x1ad: {  	v2 =	vld [tilespmem:$0x16F0];
	_ =	sdelay $0x4  }
0x1ae: {  	[tilespmem:v1+s26+$0x0] =	vst.idx.add.f32.msk $0xffff, v2  }
0x1af: {  	v1 =	vld [tilespmem:$0x700];
	_ =	sdelay $0x2  }
0x1b0: {  	v2 =	vld [tilespmem:$0x1700];
	_ =	sdelay $0x4  }
0x1b1: {  	[tilespmem:v1+s26+$0x0] =	vst.idx.add.f32.msk $0xffff, v2  }
0x1b2: {  	v1 =	vld [tilespmem:$0x710];
	_ =	sdelay $0x2  }
0x1b3: {  	v2 =	vld [tilespmem:$0x1710];
	_ =	sdelay $0x4  }
0x1b4: {  	[tilespmem:v1+s26+$0x0] =	vst.idx.add.f32.msk $0xffff, v2  }
0x1b5: {  	v1 =	vld [tilespmem:$0x720];
	_ =	sdelay $0x2  }
0x1b6: {  	v2 =	vld [tilespmem:$0x1720];
	_ =	sdelay $0x4  }
0x1b7: {  	[tilespmem:v1+s26+$0x0] =	vst.idx.add.f32.msk $0xffff, v2  }
0x1b8: {  	v1 =	vld [tilespmem:$0x730];
	_ =	sdelay $0x2  }
0x1b9: {  	v2 =	vld [tilespmem:$0x1730];
	_ =	sdelay $0x4  }
0x1ba: {  	[tilespmem:v1+s26+$0x0] =	vst.idx.add.f32.msk $0xffff, v2  }
0x1bb: {  	v1 =	vld [tilespmem:$0x740];
	_ =	sdelay $0x2  }
0x1bc: {  	v2 =	vld [tilespmem:$0x1740];
	_ =	sdelay $0x4  }
0x1bd: {  	[tilespmem:v1+s26+$0x0] =	vst.idx.add.f32.msk $0xffff, v2  }
0x1be: {  	v1 =	vld [tilespmem:$0x750];
	_ =	sdelay $0x2  }
0x1bf: {  	v2 =	vld [tilespmem:$0x1750];
	_ =	sdelay $0x4  }
0x1c0: {  	[tilespmem:v1+s26+$0x0] =	vst.idx.add.f32.msk $0xffff, v2  }
0x1c1: {  	v1 =	vld [tilespmem:$0x760];
	_ =	sdelay $0x2  }
0x1c2: {  	v2 =	vld [tilespmem:$0x1760];
	_ =	sdelay $0x4  }
0x1c3: {  	[tilespmem:v1+s26+$0x0] =	vst.idx.add.f32.msk $0xffff, v2  }
0x1c4: {  	v1 =	vld [tilespmem:$0x770];
	_ =	sdelay $0x2  }
0x1c5: {  	v2 =	vld [tilespmem:$0x1770];
	_ =	sdelay $0x4  }
0x1c6: {  	[tilespmem:v1+s26+$0x0] =	vst.idx.add.f32.msk $0xffff, v2  }
0x1c7: {  	v1 =	vld [tilespmem:$0x780];
	_ =	sdelay $0x2  }
0x1c8: {  	v2 =	vld [tilespmem:$0x1780];
	_ =	sdelay $0x4  }
0x1c9: {  	[tilespmem:v1+s26+$0x0] =	vst.idx.add.f32.msk $0xffff, v2  }
0x1ca: {  	v1 =	vld [tilespmem:$0x790];
	_ =	sdelay $0x2  }
0x1cb: {  	v2 =	vld [tilespmem:$0x1790];
	_ =	sdelay $0x4  }
0x1cc: {  	[tilespmem:v1+s26+$0x0] =	vst.idx.add.f32.msk $0xffff, v2  }
0x1cd: {  	v1 =	vld [tilespmem:$0x7A0];
	_ =	sdelay $0x2  }
0x1ce: {  	v2 =	vld [tilespmem:$0x17A0];
	_ =	sdelay $0x4  }
0x1cf: {  	[tilespmem:v1+s26+$0x0] =	vst.idx.add.f32.msk $0xffff, v2  }
0x1d0: {  	v1 =	vld [tilespmem:$0x7B0];
	_ =	sdelay $0x2  }
0x1d1: {  	v2 =	vld [tilespmem:$0x17B0];
	_ =	sdelay $0x4  }
0x1d2: {  	[tilespmem:v1+s26+$0x0] =	vst.idx.add.f32.msk $0xffff, v2  }
0x1d3: {  	v1 =	vld [tilespmem:$0x7C0];
	_ =	sdelay $0x2  }
0x1d4: {  	v2 =	vld [tilespmem:$0x17C0];
	_ =	sdelay $0x4  }
0x1d5: {  	[tilespmem:v1+s26+$0x0] =	vst.idx.add.f32.msk $0xffff, v2  }
0x1d6: {  	v1 =	vld [tilespmem:$0x7D0];
	_ =	sdelay $0x2  }
0x1d7: {  	v2 =	vld [tilespmem:$0x17D0];
	_ =	sdelay $0x4  }
0x1d8: {  	[tilespmem:v1+s26+$0x0] =	vst.idx.add.f32.msk $0xffff, v2  }
0x1d9: {  	v1 =	vld [tilespmem:$0x7E0];
	_ =	sdelay $0x2  }
0x1da: {  	v2 =	vld [tilespmem:$0x17E0];
	_ =	sdelay $0x4  }
0x1db: {  	[tilespmem:v1+s26+$0x0] =	vst.idx.add.f32.msk $0xffff, v2  }
0x1dc: {  	v1 =	vld [tilespmem:$0x7F0];
	_ =	sdelay $0x2  }
0x1dd: {  	v2 =	vld [tilespmem:$0x17F0];
	_ =	sdelay $0x4  }
0x1de: {  	[tilespmem:v1+s26+$0x0] =	vst.idx.add.f32.msk $0xffff, v2  }
0x1df: {  	v1 =	vld [tilespmem:$0x800];
	_ =	sdelay $0x2  }
0x1e0: {  	v2 =	vld [tilespmem:$0x1800];
	_ =	sdelay $0x4  }
0x1e1: {  	[tilespmem:v1+s26+$0x0] =	vst.idx.add.f32.msk $0xffff, v2  }
0x1e2: {  	v1 =	vld [tilespmem:$0x810];
	_ =	sdelay $0x2  }
0x1e3: {  	v2 =	vld [tilespmem:$0x1810];
	_ =	sdelay $0x4  }
0x1e4: {  	[tilespmem:v1+s26+$0x0] =	vst.idx.add.f32.msk $0xffff, v2  }
0x1e5: {  	v1 =	vld [tilespmem:$0x820];
	_ =	sdelay $0x2  }
0x1e6: {  	v2 =	vld [tilespmem:$0x1820];
	_ =	sdelay $0x4  }
0x1e7: {  	[tilespmem:v1+s26+$0x0] =	vst.idx.add.f32.msk $0xffff, v2  }
0x1e8: {  	v1 =	vld [tilespmem:$0x830];
	_ =	sdelay $0x2  }
0x1e9: {  	v2 =	vld [tilespmem:$0x1830];
	_ =	sdelay $0x4  }
0x1ea: {  	[tilespmem:v1+s26+$0x0] =	vst.idx.add.f32.msk $0xffff, v2  }
0x1eb: {  	v1 =	vld [tilespmem:$0x840];
	_ =	sdelay $0x2  }
0x1ec: {  	v2 =	vld [tilespmem:$0x1840];
	_ =	sdelay $0x4  }
0x1ed: {  	[tilespmem:v1+s26+$0x0] =	vst.idx.add.f32.msk $0xffff, v2  }
0x1ee: {  	v1 =	vld [tilespmem:$0x850];
	_ =	sdelay $0x2  }
0x1ef: {  	v2 =	vld [tilespmem:$0x1850];
	_ =	sdelay $0x4  }
0x1f0: {  	[tilespmem:v1+s26+$0x0] =	vst.idx.add.f32.msk $0xffff, v2  }
0x1f1: {  	v1 =	vld [tilespmem:$0x860];
	_ =	sdelay $0x2  }
0x1f2: {  	v2 =	vld [tilespmem:$0x1860];
	_ =	sdelay $0x4  }
0x1f3: {  	[tilespmem:v1+s26+$0x0] =	vst.idx.add.f32.msk $0xffff, v2  }
0x1f4: {  	v1 =	vld [tilespmem:$0x870];
	_ =	sdelay $0x2  }
0x1f5: {  	v2 =	vld [tilespmem:$0x1870];
	_ =	sdelay $0x4  }
0x1f6: {  	[tilespmem:v1+s26+$0x0] =	vst.idx.add.f32.msk $0xffff, v2  }
0x1f7: {  	v1 =	vld [tilespmem:$0x880];
	_ =	sdelay $0x2  }
0x1f8: {  	v2 =	vld [tilespmem:$0x1880];
	_ =	sdelay $0x4  }
0x1f9: {  	[tilespmem:v1+s26+$0x0] =	vst.idx.add.f32.msk $0xffff, v2  }
0x1fa: {  	v1 =	vld [tilespmem:$0x890];
	_ =	sdelay $0x2  }
0x1fb: {  	v2 =	vld [tilespmem:$0x1890];
	_ =	sdelay $0x4  }
0x1fc: {  	[tilespmem:v1+s26+$0x0] =	vst.idx.add.f32.msk $0xffff, v2  }
0x1fd: {  	v1 =	vld [tilespmem:$0x8A0];
	_ =	sdelay $0x2  }
0x1fe: {  	v2 =	vld [tilespmem:$0x18A0];
	_ =	sdelay $0x4  }
0x1ff: {  	[tilespmem:v1+s26+$0x0] =	vst.idx.add.f32.msk $0xffff, v2  }
0x200: {  	v1 =	vld [tilespmem:$0x8B0];
	_ =	sdelay $0x2  }
0x201: {  	v2 =	vld [tilespmem:$0x18B0];
	_ =	sdelay $0x4  }
0x202: {  	[tilespmem:v1+s26+$0x0] =	vst.idx.add.f32.msk $0xffff, v2  }
0x203: {  	v1 =	vld [tilespmem:$0x8C0];
	_ =	sdelay $0x2  }
0x204: {  	v2 =	vld [tilespmem:$0x18C0];
	_ =	sdelay $0x4  }
0x205: {  	[tilespmem:v1+s26+$0x0] =	vst.idx.add.f32.msk $0xffff, v2  }
0x206: {  	v1 =	vld [tilespmem:$0x8D0];
	_ =	sdelay $0x2  }
0x207: {  	v2 =	vld [tilespmem:$0x18D0];
	_ =	sdelay $0x4  }
0x208: {  	[tilespmem:v1+s26+$0x0] =	vst.idx.add.f32.msk $0xffff, v2  }
0x209: {  	v1 =	vld [tilespmem:$0x8E0];
	_ =	sdelay $0x2  }
0x20a: {  	v2 =	vld [tilespmem:$0x18E0];
	_ =	sdelay $0x4  }
0x20b: {  	[tilespmem:v1+s26+$0x0] =	vst.idx.add.f32.msk $0xffff, v2  }
0x20c: {  	v1 =	vld [tilespmem:$0x8F0];
	_ =	sdelay $0x2  }
0x20d: {  	v2 =	vld [tilespmem:$0x18F0];
	_ =	sdelay $0x4  }
0x20e: {  	[tilespmem:v1+s26+$0x0] =	vst.idx.add.f32.msk $0xffff, v2  }
0x20f: {  	v1 =	vld [tilespmem:$0x900];
	_ =	sdelay $0x2  }
0x210: {  	v2 =	vld [tilespmem:$0x1900];
	_ =	sdelay $0x4  }
0x211: {  	[tilespmem:v1+s26+$0x0] =	vst.idx.add.f32.msk $0xffff, v2  }
0x212: {  	v1 =	vld [tilespmem:$0x910];
	_ =	sdelay $0x2  }
0x213: {  	v2 =	vld [tilespmem:$0x1910];
	_ =	sdelay $0x4  }
0x214: {  	[tilespmem:v1+s26+$0x0] =	vst.idx.add.f32.msk $0xffff, v2  }
0x215: {  	v1 =	vld [tilespmem:$0x920];
	_ =	sdelay $0x2  }
0x216: {  	v2 =	vld [tilespmem:$0x1920];
	_ =	sdelay $0x4  }
0x217: {  	[tilespmem:v1+s26+$0x0] =	vst.idx.add.f32.msk $0xffff, v2  }
0x218: {  	v1 =	vld [tilespmem:$0x930];
	_ =	sdelay $0x2  }
0x219: {  	v2 =	vld [tilespmem:$0x1930];
	_ =	sdelay $0x4  }
0x21a: {  	[tilespmem:v1+s26+$0x0] =	vst.idx.add.f32.msk $0xffff, v2  }
0x21b: {  	v1 =	vld [tilespmem:$0x940];
	_ =	sdelay $0x2  }
0x21c: {  	v2 =	vld [tilespmem:$0x1940];
	_ =	sdelay $0x4  }
0x21d: {  	[tilespmem:v1+s26+$0x0] =	vst.idx.add.f32.msk $0xffff, v2  }
0x21e: {  	v1 =	vld [tilespmem:$0x950];
	_ =	sdelay $0x2  }
0x21f: {  	v2 =	vld [tilespmem:$0x1950];
	_ =	sdelay $0x4  }
0x220: {  	[tilespmem:v1+s26+$0x0] =	vst.idx.add.f32.msk $0xffff, v2  }
0x221: {  	v1 =	vld [tilespmem:$0x960];
	_ =	sdelay $0x2  }
0x222: {  	v2 =	vld [tilespmem:$0x1960];
	_ =	sdelay $0x4  }
0x223: {  	[tilespmem:v1+s26+$0x0] =	vst.idx.add.f32.msk $0xffff, v2  }
0x224: {  	v1 =	vld [tilespmem:$0x970];
	_ =	sdelay $0x2  }
0x225: {  	v2 =	vld [tilespmem:$0x1970];
	_ =	sdelay $0x4  }
0x226: {  	[tilespmem:v1+s26+$0x0] =	vst.idx.add.f32.msk $0xffff, v2  }
0x227: {  	v1 =	vld [tilespmem:$0x980];
	_ =	sdelay $0x2  }
0x228: {  	v2 =	vld [tilespmem:$0x1980];
	_ =	sdelay $0x4  }
0x229: {  	[tilespmem:v1+s26+$0x0] =	vst.idx.add.f32.msk $0xffff, v2  }
0x22a: {  	v1 =	vld [tilespmem:$0x990];
	_ =	sdelay $0x2  }
0x22b: {  	v2 =	vld [tilespmem:$0x1990];
	_ =	sdelay $0x4  }
0x22c: {  	[tilespmem:v1+s26+$0x0] =	vst.idx.add.f32.msk $0xffff, v2  }
0x22d: {  	v1 =	vld [tilespmem:$0x9A0];
	_ =	sdelay $0x2  }
0x22e: {  	v2 =	vld [tilespmem:$0x19A0];
	_ =	sdelay $0x4  }
0x22f: {  	[tilespmem:v1+s26+$0x0] =	vst.idx.add.f32.msk $0xffff, v2  }
0x230: {  	v1 =	vld [tilespmem:$0x9B0];
	_ =	sdelay $0x2  }
0x231: {  	v2 =	vld [tilespmem:$0x19B0];
	_ =	sdelay $0x4  }
0x232: {  	[tilespmem:v1+s26+$0x0] =	vst.idx.add.f32.msk $0xffff, v2  }
0x233: {  	v1 =	vld [tilespmem:$0x9C0];
	_ =	sdelay $0x2  }
0x234: {  	v2 =	vld [tilespmem:$0x19C0];
	_ =	sdelay $0x4  }
0x235: {  	[tilespmem:v1+s26+$0x0] =	vst.idx.add.f32.msk $0xffff, v2  }
0x236: {  	v1 =	vld [tilespmem:$0x9D0];
	_ =	sdelay $0x2  }
0x237: {  	v2 =	vld [tilespmem:$0x19D0];
	_ =	sdelay $0x4  }
0x238: {  	[tilespmem:v1+s26+$0x0] =	vst.idx.add.f32.msk $0xffff, v2  }
0x239: {  	v1 =	vld [tilespmem:$0x9E0];
	_ =	sdelay $0x2  }
0x23a: {  	v2 =	vld [tilespmem:$0x19E0];
	_ =	sdelay $0x4  }
0x23b: {  	[tilespmem:v1+s26+$0x0] =	vst.idx.add.f32.msk $0xffff, v2  }
0x23c: {  	v1 =	vld [tilespmem:$0x9F0];
	_ =	sdelay $0x2  }
0x23d: {  	v2 =	vld [tilespmem:$0x19F0];
	_ =	sdelay $0x4  }
0x23e: {  	[tilespmem:v1+s26+$0x0] =	vst.idx.add.f32.msk $0xffff, v2  }
0x23f: {  	v1 =	vld [tilespmem:$0xA00];
	_ =	sdelay $0x2  }
0x240: {  	v2 =	vld [tilespmem:$0x1A00];
	_ =	sdelay $0x4  }
0x241: {  	[tilespmem:v1+s26+$0x0] =	vst.idx.add.f32.msk $0xffff, v2  }
0x242: {  	v1 =	vld [tilespmem:$0xA10];
	_ =	sdelay $0x2  }
0x243: {  	v2 =	vld [tilespmem:$0x1A10];
	_ =	sdelay $0x4  }
0x244: {  	[tilespmem:v1+s26+$0x0] =	vst.idx.add.f32.msk $0xffff, v2  }
0x245: {  	v1 =	vld [tilespmem:$0xA20];
	_ =	sdelay $0x2  }
0x246: {  	v2 =	vld [tilespmem:$0x1A20];
	_ =	sdelay $0x4  }
0x247: {  	[tilespmem:v1+s26+$0x0] =	vst.idx.add.f32.msk $0xffff, v2  }
0x248: {  	v1 =	vld [tilespmem:$0xA30];
	_ =	sdelay $0x2  }
0x249: {  	v2 =	vld [tilespmem:$0x1A30];
	_ =	sdelay $0x4  }
0x24a: {  	[tilespmem:v1+s26+$0x0] =	vst.idx.add.f32.msk $0xffff, v2  }
0x24b: {  	v1 =	vld [tilespmem:$0xA40];
	_ =	sdelay $0x2  }
0x24c: {  	v2 =	vld [tilespmem:$0x1A40];
	_ =	sdelay $0x4  }
0x24d: {  	[tilespmem:v1+s26+$0x0] =	vst.idx.add.f32.msk $0xffff, v2  }
0x24e: {  	v1 =	vld [tilespmem:$0xA50];
	_ =	sdelay $0x2  }
0x24f: {  	v2 =	vld [tilespmem:$0x1A50];
	_ =	sdelay $0x4  }
0x250: {  	[tilespmem:v1+s26+$0x0] =	vst.idx.add.f32.msk $0xffff, v2  }
0x251: {  	v1 =	vld [tilespmem:$0xA60];
	_ =	sdelay $0x2  }
0x252: {  	v2 =	vld [tilespmem:$0x1A60];
	_ =	sdelay $0x4  }
0x253: {  	[tilespmem:v1+s26+$0x0] =	vst.idx.add.f32.msk $0xffff, v2  }
0x254: {  	v1 =	vld [tilespmem:$0xA70];
	_ =	sdelay $0x2  }
0x255: {  	v2 =	vld [tilespmem:$0x1A70];
	_ =	sdelay $0x4  }
0x256: {  	[tilespmem:v1+s26+$0x0] =	vst.idx.add.f32.msk $0xffff, v2  }
0x257: {  	v1 =	vld [tilespmem:$0xA80];
	_ =	sdelay $0x2  }
0x258: {  	v2 =	vld [tilespmem:$0x1A80];
	_ =	sdelay $0x4  }
0x259: {  	[tilespmem:v1+s26+$0x0] =	vst.idx.add.f32.msk $0xffff, v2  }
0x25a: {  	v1 =	vld [tilespmem:$0xA90];
	_ =	sdelay $0x2  }
0x25b: {  	v2 =	vld [tilespmem:$0x1A90];
	_ =	sdelay $0x4  }
0x25c: {  	[tilespmem:v1+s26+$0x0] =	vst.idx.add.f32.msk $0xffff, v2  }
0x25d: {  	v1 =	vld [tilespmem:$0xAA0];
	_ =	sdelay $0x2  }
0x25e: {  	v2 =	vld [tilespmem:$0x1AA0];
	_ =	sdelay $0x4  }
0x25f: {  	[tilespmem:v1+s26+$0x0] =	vst.idx.add.f32.msk $0xffff, v2  }
0x260: {  	v1 =	vld [tilespmem:$0xAB0];
	_ =	sdelay $0x2  }
0x261: {  	v2 =	vld [tilespmem:$0x1AB0];
	_ =	sdelay $0x4  }
0x262: {  	[tilespmem:v1+s26+$0x0] =	vst.idx.add.f32.msk $0xffff, v2  }
0x263: {  	v1 =	vld [tilespmem:$0xAC0];
	_ =	sdelay $0x2  }
0x264: {  	v2 =	vld [tilespmem:$0x1AC0];
	_ =	sdelay $0x4  }
0x265: {  	[tilespmem:v1+s26+$0x0] =	vst.idx.add.f32.msk $0xffff, v2  }
0x266: {  	v1 =	vld [tilespmem:$0xAD0];
	_ =	sdelay $0x2  }
0x267: {  	v2 =	vld [tilespmem:$0x1AD0];
	_ =	sdelay $0x4  }
0x268: {  	[tilespmem:v1+s26+$0x0] =	vst.idx.add.f32.msk $0xffff, v2  }
0x269: {  	v1 =	vld [tilespmem:$0xAE0];
	_ =	sdelay $0x2  }
0x26a: {  	v2 =	vld [tilespmem:$0x1AE0];
	_ =	sdelay $0x4  }
0x26b: {  	[tilespmem:v1+s26+$0x0] =	vst.idx.add.f32.msk $0xffff, v2  }
0x26c: {  	v1 =	vld [tilespmem:$0xAF0];
	_ =	sdelay $0x2  }
0x26d: {  	v2 =	vld [tilespmem:$0x1AF0];
	_ =	sdelay $0x4  }
0x26e: {  	[tilespmem:v1+s26+$0x0] =	vst.idx.add.f32.msk $0xffff, v2  }
0x26f: {  	v1 =	vld [tilespmem:$0xB00];
	_ =	sdelay $0x2  }
0x270: {  	v2 =	vld [tilespmem:$0x1B00];
	_ =	sdelay $0x4  }
0x271: {  	[tilespmem:v1+s26+$0x0] =	vst.idx.add.f32.msk $0xffff, v2  }
0x272: {  	v1 =	vld [tilespmem:$0xB10];
	_ =	sdelay $0x2  }
0x273: {  	v2 =	vld [tilespmem:$0x1B10];
	_ =	sdelay $0x4  }
0x274: {  	[tilespmem:v1+s26+$0x0] =	vst.idx.add.f32.msk $0xffff, v2  }
0x275: {  	v1 =	vld [tilespmem:$0xB20];
	_ =	sdelay $0x2  }
0x276: {  	v2 =	vld [tilespmem:$0x1B20];
	_ =	sdelay $0x4  }
0x277: {  	[tilespmem:v1+s26+$0x0] =	vst.idx.add.f32.msk $0xffff, v2  }
0x278: {  	v1 =	vld [tilespmem:$0xB30];
	_ =	sdelay $0x2  }
0x279: {  	v2 =	vld [tilespmem:$0x1B30];
	_ =	sdelay $0x4  }
0x27a: {  	[tilespmem:v1+s26+$0x0] =	vst.idx.add.f32.msk $0xffff, v2  }
0x27b: {  	v1 =	vld [tilespmem:$0xB40];
	_ =	sdelay $0x2  }
0x27c: {  	v2 =	vld [tilespmem:$0x1B40];
	_ =	sdelay $0x4  }
0x27d: {  	[tilespmem:v1+s26+$0x0] =	vst.idx.add.f32.msk $0xffff, v2  }
0x27e: {  	v1 =	vld [tilespmem:$0xB50];
	_ =	sdelay $0x2  }
0x27f: {  	v2 =	vld [tilespmem:$0x1B50];
	_ =	sdelay $0x4  }
0x280: {  	[tilespmem:v1+s26+$0x0] =	vst.idx.add.f32.msk $0xffff, v2  }
0x281: {  	v1 =	vld [tilespmem:$0xB60];
	_ =	sdelay $0x2  }
0x282: {  	v2 =	vld [tilespmem:$0x1B60];
	_ =	sdelay $0x4  }
0x283: {  	[tilespmem:v1+s26+$0x0] =	vst.idx.add.f32.msk $0xffff, v2  }
0x284: {  	v1 =	vld [tilespmem:$0xB70];
	_ =	sdelay $0x2  }
0x285: {  	v2 =	vld [tilespmem:$0x1B70];
	_ =	sdelay $0x4  }
0x286: {  	[tilespmem:v1+s26+$0x0] =	vst.idx.add.f32.msk $0xffff, v2  }
0x287: {  	v1 =	vld [tilespmem:$0xB80];
	_ =	sdelay $0x2  }
0x288: {  	v2 =	vld [tilespmem:$0x1B80];
	_ =	sdelay $0x4  }
0x289: {  	[tilespmem:v1+s26+$0x0] =	vst.idx.add.f32.msk $0xffff, v2  }
0x28a: {  	v1 =	vld [tilespmem:$0xB90];
	_ =	sdelay $0x2  }
0x28b: {  	v2 =	vld [tilespmem:$0x1B90];
	_ =	sdelay $0x4  }
0x28c: {  	[tilespmem:v1+s26+$0x0] =	vst.idx.add.f32.msk $0xffff, v2  }
0x28d: {  	v1 =	vld [tilespmem:$0xBA0];
	_ =	sdelay $0x2  }
0x28e: {  	v2 =	vld [tilespmem:$0x1BA0];
	_ =	sdelay $0x4  }
0x28f: {  	[tilespmem:v1+s26+$0x0] =	vst.idx.add.f32.msk $0xffff, v2  }
0x290: {  	v1 =	vld [tilespmem:$0xBB0];
	_ =	sdelay $0x2  }
0x291: {  	v2 =	vld [tilespmem:$0x1BB0];
	_ =	sdelay $0x4  }
0x292: {  	[tilespmem:v1+s26+$0x0] =	vst.idx.add.f32.msk $0xffff, v2  }
0x293: {  	v1 =	vld [tilespmem:$0xBC0];
	_ =	sdelay $0x2  }
0x294: {  	v2 =	vld [tilespmem:$0x1BC0];
	_ =	sdelay $0x4  }
0x295: {  	[tilespmem:v1+s26+$0x0] =	vst.idx.add.f32.msk $0xffff, v2  }
0x296: {  	v1 =	vld [tilespmem:$0xBD0];
	_ =	sdelay $0x2  }
0x297: {  	v2 =	vld [tilespmem:$0x1BD0];
	_ =	sdelay $0x4  }
0x298: {  	[tilespmem:v1+s26+$0x0] =	vst.idx.add.f32.msk $0xffff, v2  }
0x299: {  	v1 =	vld [tilespmem:$0xBE0];
	_ =	sdelay $0x2  }
0x29a: {  	v2 =	vld [tilespmem:$0x1BE0];
	_ =	sdelay $0x4  }
0x29b: {  	[tilespmem:v1+s26+$0x0] =	vst.idx.add.f32.msk $0xffff, v2  }
0x29c: {  	v1 =	vld [tilespmem:$0xBF0];
	_ =	sdelay $0x2  }
0x29d: {  	v2 =	vld [tilespmem:$0x1BF0];
	_ =	sdelay $0x4  }
0x29e: {  	[tilespmem:v1+s26+$0x0] =	vst.idx.add.f32.msk $0xffff, v2  }
0x29f: {  	v1 =	vld [tilespmem:$0xC00];
	_ =	sdelay $0x2  }
0x2a0: {  	v2 =	vld [tilespmem:$0x1C00];
	_ =	sdelay $0x4  }
0x2a1: {  	[tilespmem:v1+s26+$0x0] =	vst.idx.add.f32.msk $0xffff, v2  }
0x2a2: {  	v1 =	vld [tilespmem:$0xC10];
	_ =	sdelay $0x2  }
0x2a3: {  	v2 =	vld [tilespmem:$0x1C10];
	_ =	sdelay $0x4  }
0x2a4: {  	[tilespmem:v1+s26+$0x0] =	vst.idx.add.f32.msk $0xffff, v2  }
0x2a5: {  	v1 =	vld [tilespmem:$0xC20];
	_ =	sdelay $0x2  }
0x2a6: {  	v2 =	vld [tilespmem:$0x1C20];
	_ =	sdelay $0x4  }
0x2a7: {  	[tilespmem:v1+s26+$0x0] =	vst.idx.add.f32.msk $0xffff, v2  }
0x2a8: {  	v1 =	vld [tilespmem:$0xC30];
	_ =	sdelay $0x2  }
0x2a9: {  	v2 =	vld [tilespmem:$0x1C30];
	_ =	sdelay $0x4  }
0x2aa: {  	[tilespmem:v1+s26+$0x0] =	vst.idx.add.f32.msk $0xffff, v2  }
0x2ab: {  	v1 =	vld [tilespmem:$0xC40];
	_ =	sdelay $0x2  }
0x2ac: {  	v2 =	vld [tilespmem:$0x1C40];
	_ =	sdelay $0x4  }
0x2ad: {  	[tilespmem:v1+s26+$0x0] =	vst.idx.add.f32.msk $0xffff, v2  }
0x2ae: {  	v1 =	vld [tilespmem:$0xC50];
	_ =	sdelay $0x2  }
0x2af: {  	v2 =	vld [tilespmem:$0x1C50];
	_ =	sdelay $0x4  }
0x2b0: {  	[tilespmem:v1+s26+$0x0] =	vst.idx.add.f32.msk $0xffff, v2  }
0x2b1: {  	v1 =	vld [tilespmem:$0xC60];
	_ =	sdelay $0x2  }
0x2b2: {  	v2 =	vld [tilespmem:$0x1C60];
	_ =	sdelay $0x4  }
0x2b3: {  	[tilespmem:v1+s26+$0x0] =	vst.idx.add.f32.msk $0xffff, v2  }
0x2b4: {  	v1 =	vld [tilespmem:$0xC70];
	_ =	sdelay $0x2  }
0x2b5: {  	v2 =	vld [tilespmem:$0x1C70];
	_ =	sdelay $0x4  }
0x2b6: {  	[tilespmem:v1+s26+$0x0] =	vst.idx.add.f32.msk $0xffff, v2  }
0x2b7: {  	[spmem:s6] =	stream.linear.scatter [tilespmem:s26], [sflag:$0x1], $0x400, $0x38;
	[tilespmem:$0x3080] =	vst v63  }
.Ltmp2:
0x2b8: {  	_ =	swait.ge [sflag:s24], $0x400;
	(pc) =	sbr.rel @p0 .LBB2_3-.Ltmp2, $3  }
0x2b9: {  	[sflag:s24] =	ssyncset.done $0x0  }
0x2ba: {  	[sflag:s24] =	ssyncadd.s32 $0xFFFFFC00  }
0x2bb: {  	[bflag:$0x0] =	sbarrier.arrive $0xFFFF;
	_ =	sdelay $0x1  }
0x2bc: {  	s1 =	simm.s32 $0x2400  }
0x2bd: {  	[tilespmem:s1], [sflag:$0x1] =	stream.linear.gather [spmem:s4], $0x80, $0x38;
	[tilespmem:$0x3080] =	vst v63  }
0x2be: {  	_ =	swait.ge [sflag:s24], $0x80  }
0x2bf: {  	[sflag:s24] =	ssyncset.done $0x0  }
0x2c0: {  	s1 =	simm.s32 $0x2480;
	[sflag:s24] =	ssyncadd.s32 $0xFFFFFF80  }
0x2c1: {  	[tilespmem:s1], [sflag:$0x1] =	stream.linear.gather [spmem:s7], $0x80, $0x38;
	[tilespmem:$0x3080] =	vst v63  }
0x2c2: {  	_ =	swait.ge [sflag:s24], $0x80  }
0x2c3: {  	[sflag:s24] =	ssyncset.done $0x0  }
0x2c4: {  	s1 =	simm.s32 $0x2500;
	[sflag:s24] =	ssyncadd.s32 $0xFFFFFF80  }
0x2c5: {  	[tilespmem:s1], [sflag:$0x1] =	stream.linear.gather [spmem:s8], $0x80, $0x38;
	[tilespmem:$0x3080] =	vst v63  }
0x2c6: {  	_ =	swait.ge [sflag:s24], $0x80  }
0x2c7: {  	[sflag:s24] =	ssyncset.done $0x0  }
0x2c8: {  	s1 =	simm.s32 $0x2580;
	[sflag:s24] =	ssyncadd.s32 $0xFFFFFF80  }
0x2c9: {  	[tilespmem:s1], [sflag:$0x1] =	stream.linear.gather [spmem:s9], $0x80, $0x38;
	[tilespmem:$0x3080] =	vst v63  }
0x2ca: {  	_ =	swait.ge [sflag:s24], $0x80  }
0x2cb: {  	[sflag:s24] =	ssyncset.done $0x0  }
0x2cc: {  	s1 =	simm.s32 $0x2600;
	[sflag:s24] =	ssyncadd.s32 $0xFFFFFF80  }
0x2cd: {  	[tilespmem:s1], [sflag:$0x1] =	stream.linear.gather [spmem:s10], $0x80, $0x38;
	[tilespmem:$0x3080] =	vst v63  }
0x2ce: {  	_ =	swait.ge [sflag:s24], $0x80  }
0x2cf: {  	[sflag:s24] =	ssyncset.done $0x0  }
0x2d0: {  	s1 =	simm.s32 $0x2680;
	[sflag:s24] =	ssyncadd.s32 $0xFFFFFF80  }
0x2d1: {  	[tilespmem:s1], [sflag:$0x1] =	stream.linear.gather [spmem:s11], $0x80, $0x38;
	[tilespmem:$0x3080] =	vst v63  }
0x2d2: {  	_ =	swait.ge [sflag:s24], $0x80  }
0x2d3: {  	[sflag:s24] =	ssyncset.done $0x0  }
0x2d4: {  	s1 =	simm.s32 $0x2700;
	[sflag:s24] =	ssyncadd.s32 $0xFFFFFF80  }
0x2d5: {  	[tilespmem:s1], [sflag:$0x1] =	stream.linear.gather [spmem:s12], $0x80, $0x38;
	[tilespmem:$0x3080] =	vst v63  }
0x2d6: {  	_ =	swait.ge [sflag:s24], $0x80  }
0x2d7: {  	[sflag:s24] =	ssyncset.done $0x0  }
0x2d8: {  	s1 =	simm.s32 $0x2780;
	[sflag:s24] =	ssyncadd.s32 $0xFFFFFF80  }
0x2d9: {  	[tilespmem:s1], [sflag:$0x1] =	stream.linear.gather [spmem:s13], $0x80, $0x38;
	[tilespmem:$0x3080] =	vst v63  }
0x2da: {  	_ =	swait.ge [sflag:s24], $0x80  }
0x2db: {  	[sflag:s24] =	ssyncset.done $0x0  }
0x2dc: {  	s1 =	simm.s32 $0x2800;
	[sflag:s24] =	ssyncadd.s32 $0xFFFFFF80  }
0x2dd: {  	[tilespmem:s1], [sflag:$0x1] =	stream.linear.gather [spmem:s14], $0x80, $0x38;
	[tilespmem:$0x3080] =	vst v63  }
0x2de: {  	_ =	swait.ge [sflag:s24], $0x80  }
0x2df: {  	[sflag:s24] =	ssyncset.done $0x0  }
0x2e0: {  	s1 =	simm.s32 $0x2880;
	[sflag:s24] =	ssyncadd.s32 $0xFFFFFF80  }
0x2e1: {  	[tilespmem:s1], [sflag:$0x1] =	stream.linear.gather [spmem:s15], $0x80, $0x38;
	[tilespmem:$0x3080] =	vst v63  }
0x2e2: {  	_ =	swait.ge [sflag:s24], $0x80  }
0x2e3: {  	[sflag:s24] =	ssyncset.done $0x0  }
0x2e4: {  	s1 =	simm.s32 $0x2900;
	[sflag:s24] =	ssyncadd.s32 $0xFFFFFF80  }
0x2e5: {  	[tilespmem:s1], [sflag:$0x1] =	stream.linear.gather [spmem:s16], $0x80, $0x38;
	[tilespmem:$0x3080] =	vst v63  }
0x2e6: {  	_ =	swait.ge [sflag:s24], $0x80  }
0x2e7: {  	[sflag:s24] =	ssyncset.done $0x0  }
0x2e8: {  	s1 =	simm.s32 $0x2980;
	[sflag:s24] =	ssyncadd.s32 $0xFFFFFF80  }
0x2e9: {  	[tilespmem:s1], [sflag:$0x1] =	stream.linear.gather [spmem:s17], $0x80, $0x38;
	[tilespmem:$0x3080] =	vst v63  }
0x2ea: {  	_ =	swait.ge [sflag:s24], $0x80  }
0x2eb: {  	[sflag:s24] =	ssyncset.done $0x0  }
0x2ec: {  	[sflag:s24] =	ssyncadd.s32 $0xFFFFFF80  }
0x2ed: {  	[tilespmem:s28], [sflag:$0x1] =	stream.linear.gather [spmem:s18], $0x80, $0x38;
	[tilespmem:$0x3080] =	vst v63  }
0x2ee: {  	_ =	swait.ge [sflag:s24], $0x80  }
0x2ef: {  	[sflag:s24] =	ssyncset.done $0x0  }
0x2f0: {  	[sflag:s24] =	ssyncadd.s32 $0xFFFFFF80  }
0x2f1: {  	[tilespmem:s29], [sflag:$0x1] =	stream.linear.gather [spmem:s19], $0x80, $0x38;
	[tilespmem:$0x3080] =	vst v63  }
0x2f2: {  	_ =	swait.ge [sflag:s24], $0x80  }
0x2f3: {  	[sflag:s24] =	ssyncset.done $0x0  }
0x2f4: {  	[sflag:s24] =	ssyncadd.s32 $0xFFFFFF80  }
0x2f5: {  	[tilespmem:s30], [sflag:$0x1] =	stream.linear.gather [spmem:s20], $0x80, $0x38;
	[tilespmem:$0x3080] =	vst v63  }
0x2f6: {  	_ =	swait.ge [sflag:s24], $0x80  }
0x2f7: {  	[sflag:s24] =	ssyncset.done $0x0  }
0x2f8: {  	[sflag:s24] =	ssyncadd.s32 $0xFFFFFF80  }
0x2f9: {  	[tilespmem:s31], [sflag:$0x1] =	stream.linear.gather [spmem:s21], $0x80, $0x38;
	[tilespmem:$0x3080] =	vst v63  }
0x2fa: {  	_ =	swait.ge [sflag:s24], $0x80  }
0x2fb: {  	[sflag:s24] =	ssyncset.done $0x0  }
0x2fc: {  	[sflag:s24] =	ssyncadd.s32 $0xFFFFFF80  }
0x2fd: {  	v1 =	vld [tilespmem:$0x2400]  }
0x2fe: {  	v2 =	vld [tilespmem:$0x2480]  }
0x2ff: {  	v3 =	vld [tilespmem:$0x2500]  }
0x300: {  	v4 =	vld [tilespmem:$0x2580]  }
0x301: {  	v10 =	vld [tilespmem:$0x2600]  }
0x302: {  	v11 =	vld [tilespmem:$0x2680]  }
0x303: {  	v12 =	vld [tilespmem:$0x2700]  }
0x304: {  	v13 =	vld [tilespmem:$0x2780]  }
0x305: {  	v16 =	vld [tilespmem:$0x2800]  }
0x306: {  	v18 =	vld [tilespmem:$0x2880]  }
0x307: {  	v31 =	vld [tilespmem:$0x2900]  }
0x308: {  	v5 =	vld [tilespmem:$0x2980]  }
0x309: {  	v44 =	vld [tilespmem:$0x2A00]  }
0x30a: {  	v45 =	vld [tilespmem:$0x2A80]  }
0x30b: {  	v46 =	vld [tilespmem:$0x2B00]  }
0x30c: {  	v47 =	vld [tilespmem:$0x2B80]  }
0x30d: {  	v6 =	vld [tilespmem:$0x2410]  }
0x30e: {  	v8 =	vld [tilespmem:$0x2490]  }
0x30f: {  	v20 =	vld [tilespmem:$0x2510]  }
0x310: {  	v21 =	vld [tilespmem:$0x2590]  }
0x311: {  	v22 =	vld [tilespmem:$0x2610]  }
0x312: {  	v23 =	vld [tilespmem:$0x2690]  }
0x313: {  	v24 =	vld [tilespmem:$0x2710]  }
0x314: {  	v25 =	vld [tilespmem:$0x2790]  }
0x315: {  	v26 =	vld [tilespmem:$0x2810]  }
0x316: {  	v27 =	vld [tilespmem:$0x2890]  }
0x317: {  	v28 =	vld [tilespmem:$0x2910]  }
0x318: {  	v29 =	vld [tilespmem:$0x2990]  }
0x319: {  	v30 =	vld [tilespmem:$0x2A10]  }
0x31a: {  	v48 =	vld [tilespmem:$0x2A90]  }
0x31b: {  	v49 =	vld [tilespmem:$0x2B10]  }
0x31c: {  	v50 =	vld [tilespmem:$0x2B90]  }
0x31d: {  	v9 =	vld [tilespmem:$0x2420]  }
0x31e: {  	v34 =	vld [tilespmem:$0x24A0]  }
0x31f: {  	v35 =	vld [tilespmem:$0x2520]  }
0x320: {  	v36 =	vld [tilespmem:$0x25A0]  }
0x321: {  	v37 =	vld [tilespmem:$0x2620]  }
0x322: {  	v38 =	vld [tilespmem:$0x26A0]  }
0x323: {  	v39 =	vld [tilespmem:$0x2720]  }
0x324: {  	v40 =	vld [tilespmem:$0x27A0]  }
0x325: {  	v41 =	vld [tilespmem:$0x2820]  }
0x326: {  	v42 =	vld [tilespmem:$0x28A0]  }
0x327: {  	v43 =	vld [tilespmem:$0x2920]  }
0x328: {  	v51 =	vld [tilespmem:$0x2530]  }
0x329: {  	v52 =	vld [tilespmem:$0x25B0]  }
0x32a: {  	v53 =	vld [tilespmem:$0x2630]  }
0x32b: {  	v54 =	vld [tilespmem:$0x26B0]  }
0x32c: {  	v55 =	vld [tilespmem:$0x2730]  }
0x32d: {  	v56 =	vld [tilespmem:$0x27B0]  }
0x32e: {  	v57 =	vld [tilespmem:$0x2830]  }
0x32f: {  	v58 =	vld [tilespmem:$0x28B0]  }
0x330: {  	v59 =	vld [tilespmem:$0x2930]  }
0x331: {  	v60 =	vld [tilespmem:$0x29B0]  }
0x332: {  	v61 =	vld [tilespmem:$0x2A30]  }
0x333: {  	v62 =	vld [tilespmem:$0x2AB0]  }
0x334: {  	v63 =	vld [tilespmem:$0x2B30]  }
0x335: {  	v14 =	vld [tilespmem:$0x2BB0]  }
0x336: {  	v7 =	vld [tilespmem:$0x2440]  }
0x337: {  	v15 =	vld [tilespmem:$0x2540]  }
0x338: {  	v17 =	vld [tilespmem:$0x25C0]  }
0x339: {  	v19 =	vld [tilespmem:$0x2640]  }
0x33a: {  	v32 =	vld [tilespmem:$0x26C0]  }
0x33b: {  	v33 =	vld [tilespmem:$0x2740]  }
0x33c: {  	[tilespmem:$0x1FF80] =	vst v44;
	v44 =	vld [tilespmem:$0x29A0]  }
0x33d: {  	[tilespmem:$0x1FF90] =	vst v45;
	v45 =	vld [tilespmem:$0x2A20]  }
0x33e: {  	[tilespmem:$0x1FFB0] =	vst v46;
	v46 =	vld [tilespmem:$0x2AA0]  }
0x33f: {  	[tilespmem:$0x1FFD0] =	vst v47;
	v47 =	vld [tilespmem:$0x2B20]  }
0x340: {  	[tilespmem:$0x1FFA0] =	vst v48;
	v48 =	vld [tilespmem:$0x2BA0]  }
0x341: {  	[tilespmem:$0x1FFC0] =	vst v49;
	v49 =	vld [tilespmem:$0x2430]  }
0x342: {  	[tilespmem:$0x1FFE0] =	vst v50;
	v50 =	vld [tilespmem:$0x24B0]  }
0x343: {  	[tilespmem:$0x1FF70] =	vst v5;
	v5 =	vld [tilespmem:$0x24C0]  }
0x344: {  	v1 =	vadd.f32 v2, v1;
	v2 =	vld [tilespmem:$0x27C0]  }
0x345: {  	v6 =	vadd.f32 v8, v6;
	v8 =	vld [tilespmem:$0x2840]  }
0x346: {  	v1 =	vadd.f32 v3, v1;
	v3 =	vadd.f32 v34, v9;
	v9 =	vld [tilespmem:$0x28C0]  }
0x347: {  	v34 =	vadd.f32 v20, v6;
	v20 =	vld [tilespmem:$0x2940]  }
0x348: {  	v6 =	vld [tilespmem:$0x29C0]  }
0x349: {  	v1 =	vadd.f32 v4, v1;
	v4 =	vld [tilespmem:$0x2A40]  }
0x34a: {  	v3 =	vadd.f32 v35, v3;
	v21 =	vadd.f32 v21, v34;
	v34 =	vld [tilespmem:$0x24D0]  }
0x34b: {  	v49 =	vadd.f32 v50, v49;
	v50 =	vld [tilespmem:$0x1FFC0]  }
0x34c: {  	v35 =	vadd.f32 v36, v3;
	v3 =	vld [tilespmem:$0x2AC0]  }
0x34d: {  	v1 =	vadd.f32 v10, v1;
	v10 =	vld [tilespmem:$0x2B40]  }
0x34e: {  	v21 =	vadd.f32 v22, v21;
	v51 =	vadd.f32 v51, v49;
	v49 =	vld [tilespmem:$0x24E0]  }
0x34f: {  	v11 =	vadd.f32 v11, v1;
	v1 =	vld [tilespmem:$0x2BC0]  }
0x350: {  	v21 =	vadd.f32 v23, v21;
	v23 =	vld [tilespmem:$0x2450]  }
0x351: {  	v37 =	vadd.f32 v37, v35;
	v35 =	vld [tilespmem:$0x29D0]  }
0x352: {  	v36 =	vadd.f32 v52, v51;
	v51 =	vld [tilespmem:$0x2470]  }
0x353: {  	v52 =	vld [tilespmem:$0x1FFD0]  }
0x354: {  	v5 =	vadd.f32 v5, v7;
	v21 =	vadd.f32 v24, v21;
	v24 =	vld [tilespmem:$0x2550]  }
0x355: {  	v11 =	vadd.f32 v12, v11;
	v22 =	vadd.f32 v53, v36;
	v36 =	vld [tilespmem:$0x2AD0]  }
0x356: {  	v5 =	vadd.f32 v15, v5;
	v53 =	vld [tilespmem:$0x24F0]  }
0x357: {  	v38 =	vadd.f32 v38, v37;
	v11 =	vadd.f32 v13, v11;
	v13 =	vld [tilespmem:$0x25D0]  }
0x358: {  	v21 =	vadd.f32 v25, v21;
	v25 =	vld [tilespmem:$0x2650]  }
0x359: {  	v5 =	vadd.f32 v17, v5;
	v12 =	vadd.f32 v39, v38;
	v38 =	vld [tilespmem:$0x26E0]  }
0x35a: {  	v39 =	vld [tilespmem:$0x26F0]  }
0x35b: {  	v5 =	vadd.f32 v19, v5;
	v22 =	vadd.f32 v54, v22;
	v54 =	vld [tilespmem:$0x1FFE0]  }
0x35c: {  	v11 =	vadd.f32 v16, v11;
	v12 =	vadd.f32 v40, v12;
	v16 =	vld [tilespmem:$0x26D0]  }
0x35d: {  	v21 =	vadd.f32 v26, v21;
	v26 =	vld [tilespmem:$0x2750];
	v22 =	vadd.f32 v55, v22  }
0x35e: {  	v5 =	vadd.f32 v32, v5;
	v40 =	vld [tilespmem:$0x1FF70];
	v11 =	vadd.f32 v18, v11  }
0x35f: {  	v55 =	vld [tilespmem:$0x2560];
	v12 =	vadd.f32 v41, v12;
	v22 =	vadd.f32 v56, v22  }
0x360: {  	v18 =	vld [tilespmem:$0x27D0];
	v21 =	vadd.f32 v27, v21;
	v11 =	vadd.f32 v31, v11  }
0x361: {  	v41 =	vld [tilespmem:$0x1FF80];
	v12 =	vadd.f32 v42, v12;
	v22 =	vadd.f32 v57, v22  }
0x362: {  	v21 =	vadd.f32 v28, v21;
	v42 =	vld [tilespmem:$0x1FF90];
	v57 =	vadd.f32 v34, v23  }
0x363: {  	v12 =	vadd.f32 v43, v12;
	v43 =	vld [tilespmem:$0x1FFA0];
	v22 =	vadd.f32 v58, v22  }
0x364: {  	v27 =	vld [tilespmem:$0x2850];
	v11 =	vadd.f32 v40, v11;
	v21 =	vadd.f32 v29, v21  }
0x365: {  	v12 =	vadd.f32 v44, v12;
	v44 =	vld [tilespmem:$0x2460];
	v22 =	vadd.f32 v59, v22  }
0x366: {  	v56 =	vld [tilespmem:$0x2570];
	v11 =	vadd.f32 v41, v11;
	v21 =	vadd.f32 v30, v21  }
0x367: {  	v12 =	vadd.f32 v45, v12;
	v45 =	vld [tilespmem:$0x1FFB0];
	v22 =	vadd.f32 v60, v22  }
0x368: {  	v31 =	vld [tilespmem:$0x28D0];
	v11 =	vadd.f32 v42, v11;
	v21 =	vadd.f32 v43, v21  }
0x369: {  	v28 =	vld [tilespmem:$0x2950];
	v12 =	vadd.f32 v46, v12;
	v22 =	vadd.f32 v61, v22  }
0x36a: {  	v58 =	vld [tilespmem:$0x25E0];
	v21 =	vadd.f32 v50, v21;
	v59 =	vadd.f32 v49, v44  }
0x36b: {  	[tilespmem:$0x1FFF0] =	vst v33;
	v60 =	vld [tilespmem:$0x25F0];
	v61 =	vadd.f32 v53, v51;
	v12 =	vadd.f32 v47, v12  }
0x36c: {  	v43 =	vld [tilespmem:$0x1FFF0];
	v11 =	vadd.f32 v45, v11;
	v22 =	vadd.f32 v62, v22  }
0x36d: {  	v21 =	vadd.f32 v54, v21;
	v62 =	vld [tilespmem:$0x2660];
	v15 =	vadd.f32 v55, v59  }
0x36e: {  	v7 =	vadd.f32 v56, v61;
	v22 =	vadd.f32 v63, v22;
	v63 =	vld [tilespmem:$0x2670]  }
0x36f: {  	v29 =	vld [tilespmem:$0x2A50];
	v12 =	vadd.f32 v48, v12;
	v15 =	vadd.f32 v58, v15  }
0x370: {  	v40 =	vld [tilespmem:$0x2760];
	v14 =	vadd.f32 v14, v22;
	v22 =	vadd.f32 v24, v57  }
0x371: {  	v30 =	vld [tilespmem:$0x2B50];
	v5 =	vadd.f32 v43, v5;
	v7 =	vadd.f32 v60, v7  }
0x372: {  	v41 =	vld [tilespmem:$0x2770];
	v15 =	vadd.f32 v62, v15;
	v13 =	vadd.f32 v13, v22  }
0x373: {  	v42 =	vld [tilespmem:$0x27E0];
	v11 =	vadd.f32 v52, v11;
	v7 =	vadd.f32 v63, v7  }
0x374: {  	v44 =	vld [tilespmem:$0x27F0];
	v15 =	vadd.f32 v38, v15;
	v13 =	vadd.f32 v25, v13  }
0x375: {  	v45 =	vld [tilespmem:$0x2860];
	v2 =	vadd.f32 v2, v5;
	v7 =	vadd.f32 v39, v7  }
0x376: {  	v47 =	vld [tilespmem:$0x2870];
	v46 =	vadd.f32 v40, v15;
	v13 =	vadd.f32 v16, v13  }
0x377: {  	v48 =	vld [tilespmem:$0x28E0];
	v2 =	vadd.f32 v8, v2;
	v7 =	vadd.f32 v41, v7  }
0x378: {  	v49 =	vld [tilespmem:$0x28F0];
	v5 =	vadd.f32 v42, v46;
	v13 =	vadd.f32 v26, v13  }
0x379: {  	v50 =	vld [tilespmem:$0x2960];
	v2 =	vadd.f32 v9, v2;
	v7 =	vadd.f32 v44, v7  }
0x37a: {  	v51 =	vld [tilespmem:$0x2970];
	v5 =	vadd.f32 v45, v5;
	v13 =	vadd.f32 v18, v13  }
0x37b: {  	v52 =	vld [tilespmem:$0x29E0];
	v2 =	vadd.f32 v20, v2;
	v7 =	vadd.f32 v47, v7  }
0x37c: {  	v53 =	vld [tilespmem:$0x29F0];
	v5 =	vadd.f32 v48, v5;
	v13 =	vadd.f32 v27, v13  }
0x37d: {  	v54 =	vld [tilespmem:$0x2A60];
	v2 =	vadd.f32 v6, v2;
	v7 =	vadd.f32 v49, v7  }
0x37e: {  	v55 =	vld [tilespmem:$0x2A70];
	v5 =	vadd.f32 v50, v5;
	v13 =	vadd.f32 v31, v13  }
0x37f: {  	v56 =	vld [tilespmem:$0x2AE0];
	v2 =	vadd.f32 v4, v2;
	v7 =	vadd.f32 v51, v7  }
0x380: {  	v58 =	vld [tilespmem:$0x2AF0];
	v57 =	vadd.f32 v52, v5;
	v13 =	vadd.f32 v28, v13  }
0x381: {  	v59 =	vld [tilespmem:$0x2B60];
	v2 =	vadd.f32 v3, v2;
	v7 =	vadd.f32 v53, v7  }
0x382: {  	v60 =	vld [tilespmem:$0x2B70];
	v3 =	vadd.f32 v54, v57;
	v13 =	vadd.f32 v35, v13  }
0x383: {  	v62 =	vld [tilespmem:$0x2BE0];
	v2 =	vadd.f32 v10, v2;
	v6 =	vadd.f32 v55, v7  }
0x384: {  	v63 =	vld [tilespmem:$0x2BF0];
	v3 =	vadd.f32 v56, v3;
	v13 =	vadd.f32 v29, v13  }
0x385: {  	v37 =	vld [tilespmem:$0x2BD0];
	[tilespmem:$0x2C10] =	vst v21;
	v1 =	vadd.f32 v1, v2;
	v5 =	vadd.f32 v58, v6  }
0x386: {  	[tilespmem:$0x2C20] =	vst v12;
	v2 =	vadd.f32 v59, v3;
	v61 =	vadd.f32 v36, v13  }
0x387: {  	[tilespmem:$0x2C00] =	vst v11;
	v4 =	vadd.f32 v60, v5  }
0x388: {  	[tilespmem:$0x2C40] =	vst v1;
	v1 =	vadd.f32 v62, v2;
	v8 =	vadd.f32 v30, v61  }
0x389: {  	[tilespmem:$0x2C30] =	vst v14;
	v2 =	vadd.f32 v63, v4  }
0x38a: {  	[tilespmem:$0x2C60] =	vst v1;
	v3 =	vadd.f32 v37, v8  }
0x38b: {  	[tilespmem:$0x2C70] =	vst v2  }
.Ltmp3:
0x38c: {  	[tilespmem:$0x2C50] =	vst v3;
	(pc) =	sbr.rel .LBB2_3-.Ltmp3, $4  }
0x38d: {  	[hbm4b:s22+s2] =	stream.linear.scatter [tilespmem:s0], [sflag:$0x1], $0x80, $0x38;
	[tilespmem:$0x3080] =	vst v63  }
0x38e: {  	_ =	swait.ge [sflag:s24], $0x80  }
0x38f: {  	[sflag:s24] =	ssyncset.done $0x0  }
0x390: {  	[sflag:s24] =	ssyncadd.s32 $0xFFFFFF80  }
.LBB2_4:
0x391: {  	_ =	sfence.sel $0x180000  }
0x392: {  	[bflag:$0x0] =	sbarrier.arrive $0xFFFF  }
0x393: {  	_ =	strace $0x90000047  }
0x394: {  	s0 =	stileid.u32;
	[bflag:$0x2] =	sbarrier.arrive $0xFFFF  }
0x395: {  	p0 =	sne.s32 s0, $0x0;
	s0 =	rddreg [dreg:$0x2]  }
0x396: {  	s0 =	sadd.s32 @!p0 $0x100000, s0  }
0x397: {  	[sflag:s0] =	ssyncadd.tile.s32 @!p0 $0x1;
	_ =	shalt  }
.Lfunc_end2:
_tile_overlayer_lowered:
.L_overlay_start_2:
0x398: {  	(tag) =	ssettag $0x2  }
0x399: {  	s0 =	rddreg [dreg:$0x0];
	s2 =	stileid.u32  }
0x39a: {  	s1 =	rddreg [dreg:$0x1];
	p0 =	sne.s32 s2, $0x0  }
0x39b: {  	s3 =	rddreg [dreg:$0x2];
	[bflag:$0x3] =	sbarrier.arrive $0xFFFF;
	s2 =	simm.s32 @!p0 $0x1C01  }
0x39c: {  	[timem:s3], [sflag:s2] =	dma.local @!p0 [hbm:s0], s1  }
0x39d: {  	s0 =	simm.s32 @!p0 $0x1  }
0x39e: {  	_ =	swait.ge @!p0 [sflag:s0], s1  }
0x39f: {  	s1 =	ssub.s32 @!p0 $0x0, s1;
	[sflag:s0] =	ssyncset.done @!p0 $0x0  }
0x3a0: {  	[sflag:s0] =	ssyncadd.s32 @!p0 s1  }
0x3a1: {  	[bflag:$0x3] =	sbarrier.arrive $0xFFFF  }
0x3a2: {  	_ =	shalt  }

</sc_bundles>
